<compile_context>
chip_gen: v7x
topology: tpu7x:2x2x1
jax: 0.10.2.dev20260603
libtpu: 0.0.44.dev20260713+nightly
codegen_flags: <defaults>
</compile_context>

<pallas_src>
import jax
import jax.numpy as jnp
from jax.experimental import pallas as pl

B, C, H, W = 2, 96, 224, 224
HW = H * W
LIMIT = 20
EPS = 1e-5
TH = 32
HT = H // TH


def _shift(a, axis, d):
    if d == 0:
        return a
    n = a.shape[axis]
    zshape = list(a.shape)
    zshape[axis] = abs(d)
    zeros = jnp.zeros(zshape, a.dtype)
    if d > 0:
        sl = jax.lax.slice_in_dim(a, 0, n - d, axis=axis)
        return jnp.concatenate([zeros, sl], axis=axis)
    sl = jax.lax.slice_in_dim(a, -d, n, axis=axis)
    return jnp.concatenate([sl, zeros], axis=axis)


def _conv_kernel(x0_ref, x1_ref, x2_ref, w_ref, b_ref, attn_ref, mask_ref):
    acc = jnp.zeros((3, TH, W), jnp.float32)
    for dy, xref in enumerate((x0_ref, x1_ref, x2_ref)):
        xdy = xref[0]
        for kx in range(3):
            tap = xdy[:, :, kx:kx + W]
            wk = w_ref[:, :, dy, kx]
            acc = acc + jax.lax.dot_general(
                wk, tap, (((1,), (0,)), ((), ())),
                preferred_element_type=jnp.float32)
    acc = acc + b_ref[:][:, :, None]
    mx = jnp.max(acc, axis=0, keepdims=True)
    e = jnp.exp(acc - mx)
    attn_ref[0] = e / jnp.sum(e, axis=0, keepdims=True)
    o0, o1, o2 = acc[0], acc[1], acc[2]
    am1 = (o1 > o0) & (o1 >= o2)
    am2 = (o2 > o0) & (o2 > o1)
    mask_ref[0, 0] = am1.astype(jnp.int32)
    mask_ref[0, 1] = am2.astype(jnp.int32)


def _cc_kernel(mask_ref, inv_ref, meta_ref):
    mi = mask_ref[:]
    m = mi != 0
    ih = jax.lax.broadcasted_iota(jnp.int32, (4, H, W), 1)
    iw = jax.lax.broadcasted_iota(jnp.int32, (4, H, W), 2)
    iota = ih * W + iw + 1
    lab0 = jnp.where(m, iota, 0)

    def sweep(lab):
        okf = mi * _shift(mi, 2, 1)
        okb = mi * _shift(mi, 2, -1)
        d = 1
        while d < W:
            lab = jnp.maximum(lab, jnp.where(okf != 0, _shift(lab, 2, d), 0))
            lab = jnp.maximum(lab, jnp.where(okb != 0, _shift(lab, 2, -d), 0))
            okf = okf * _shift(okf, 2, d)
            okb = okb * _shift(okb, 2, -d)
            d *= 2
        okf = mi * _shift(mi, 1, 1)
        okb = mi * _shift(mi, 1, -1)
        d = 1
        while d < H:
            lab = jnp.maximum(lab, jnp.where(okf != 0, _shift(lab, 1, d), 0))
            lab = jnp.maximum(lab, jnp.where(okb != 0, _shift(lab, 1, -d), 0))
            okf = okf * _shift(okf, 1, d)
            okb = okb * _shift(okb, 1, -d)
            d *= 2
        return lab

    def fixpoint(lab):
        state = (lab, sweep(lab))
        state = jax.lax.while_loop(
            lambda s: jnp.any(s[0] != s[1]),
            lambda s: (s[1], sweep(s[1])),
            state)
        return state[1]

    lab = fixpoint(lab0)

    is_head = m & (lab == iota)
    heads = is_head.astype(jnp.int32)
    cs = heads
    d = 1
    while d < W:
        cs = cs + _shift(cs, 2, d)
        d *= 2
    row_tot = cs[:, :, W - 1:W]
    rc = row_tot
    d = 1
    while d < H:
        rc = rc + _shift(rc, 1, d)
        d *= 2
    excl_rows = rc - row_tot
    incl = cs + excl_rows
    excl = incl - heads
    has_bg = jnp.any(jnp.any(~m, axis=2), axis=1)
    bg_i = has_bg.astype(jnp.int32)
    rank_at_head = excl + bg_i[:, None, None]
    seed = jnp.where(is_head, rank_at_head, 0)
    inv_ref[:] = fixpoint(seed)

    n_vec = incl[:, H - 1, W - 1] + bg_i
    col = jnp.concatenate([n_vec, bg_i], axis=0).reshape(8, 1)
    meta_ref[:] = jnp.concatenate(
        [col, jnp.zeros((8, 127), jnp.int32)], axis=1)


def _segsum_kernel(x_ref, inv_ref, sums_ref):
    @pl.when(pl.program_id(1) == 0)
    def _():
        sums_ref[...] = jnp.zeros_like(sums_ref)

    x = x_ref[0].reshape(C, TH * W)
    rseg = jax.lax.broadcasted_iota(jnp.int32, (LIMIT, TH * W), 0)
    for s in range(2):
        inv = inv_ref[0, s].reshape(1, TH * W)
        oh = (inv == rseg).astype(jnp.float32)
        part = jax.lax.dot_general(oh, x, (((1,), (1,)), ((), ())),
                                   preferred_element_type=jnp.float32)
        cnt = jnp.sum(oh, axis=1, keepdims=True)
        sums_ref[0, s] += jnp.concatenate([part, cnt], axis=1)


def _factors_kernel(sums_ref, n_ref, bg_ref, mv_ref):
    s1 = sums_ref[0, 0]
    s2 = sums_ref[0, 1]
    means1 = s1[:, :C] / jnp.maximum(s1[:, C:C + 1], 1.0)
    means2 = s2[:, :C] / jnp.maximum(s2[:, C:C + 1], 1.0)
    mm = jax.lax.dot_general(means1[1:], means2[1:], (((1,), (1,)), ((), ())),
                             preferred_element_type=jnp.float32)
    n1 = n_ref[0, 0, 0]
    n2 = n_ref[0, 0, 1]
    k1 = jnp.minimum(LIMIT, n1)
    k2 = jnp.minimum(LIMIT, n2)
    ri = jax.lax.broadcasted_iota(jnp.int32, (LIMIT - 1, LIMIT - 1), 0)
    rj = jax.lax.broadcasted_iota(jnp.int32, (LIMIT - 1, LIMIT - 1), 1)
    valid = (ri < k1 - 1) & (rj < k2 - 1)
    sub = 1.0 + jnp.where(valid, mm, 0.0)
    m1 = jnp.ones((LIMIT - 1, 1), jnp.float32)
    m2 = jnp.ones((1, LIMIT - 1), jnp.float32)
    for j in range(LIMIT - 1):
        m1 = m1 * sub[:, j:j + 1]
        m2 = m2 * sub[j:j + 1, :]
    rr = jax.lax.broadcasted_iota(jnp.int32, (1, LIMIT), 1)
    one = jnp.ones((1, 1), jnp.float32)
    m1p = jnp.concatenate([one, m1.reshape(1, LIMIT - 1)], axis=1)
    m2p = jnp.concatenate([one, m2], axis=1)
    apply = (n1 > 1) & (n2 > 1) & (bg_ref[0, 0, 0] > 0) & (bg_ref[0, 0, 1] > 0)
    mvec1 = jnp.where(apply & (rr >= 1) & (rr < k1), m1p, 1.0)
    mvec2 = jnp.where(apply & (rr >= 1) & (rr < k2), m2p, 1.0)
    mv_ref[0, 0] = mvec1[0]
    mv_ref[0, 1] = mvec2[0]


def _mult_kernel(x_ref, inv_ref, mv_ref, mult_ref, stats_ref):
    @pl.when(pl.program_id(1) == 0)
    def _():
        stats_ref[...] = jnp.zeros_like(stats_ref)

    x = x_ref[0].reshape(C, TH * W)
    rseg = jax.lax.broadcasted_iota(jnp.int32, (LIMIT, TH * W), 0)
    mult = None
    for s in range(2):
        inv = inv_ref[0, s].reshape(1, TH * W)
        oh = (inv == rseg).astype(jnp.float32)
        g = jax.lax.dot_general(mv_ref[0, s].reshape(1, LIMIT), oh,
                                (((1,), (0,)), ((), ())),
                                preferred_element_type=jnp.float32)
        ms = jnp.where(inv < LIMIT, g, 1.0)
        mult = ms if mult is None else mult * ms
    mult_ref[0] = mult.reshape(TH, W)
    xu = x * mult
    stats_ref[0, 0] += jnp.sum(xu, axis=1)
    stats_ref[0, 1] += jnp.sum(xu * xu, axis=1)


def _norm_kernel(x_ref, mult_ref, scale_ref, shift_ref, out_ref):
    xm = x_ref[0] * mult_ref[0][None, :, :]
    out_ref[0] = xm * scale_ref[:][:, :, None] + shift_ref[:][:, :, None]


def kernel(x, conv_w, conv_b, gamma, beta):
    xp = jnp.pad(x, ((0, 0), (0, 0), (1, 1), (1, 1)))
    xsh = jnp.stack([xp[:, :, dy:dy + H, :] for dy in range(3)], axis=1)
    xsh = xsh.reshape(B * 3, C, H, W + 2)

    attn, masks = pl.pallas_call(
        _conv_kernel,
        grid=(B, HT),
        in_specs=[
            pl.BlockSpec((1, C, TH, W + 2), lambda b, h: (3 * b + 0, 0, h, 0)),
            pl.BlockSpec((1, C, TH, W + 2), lambda b, h: (3 * b + 1, 0, h, 0)),
            pl.BlockSpec((1, C, TH, W + 2), lambda b, h: (3 * b + 2, 0, h, 0)),
            pl.BlockSpec((3, C, 3, 3), lambda b, h: (0, 0, 0, 0)),
            pl.BlockSpec((3, 1), lambda b, h: (0, 0)),
        ],
        out_specs=[
            pl.BlockSpec((1, 3, TH, W), lambda b, h: (b, 0, h, 0)),
            pl.BlockSpec((1, 2, TH, W), lambda b, h: (b, 0, h, 0)),
        ],
        out_shape=[
            jax.ShapeDtypeStruct((B, 3, H, W), jnp.float32),
            jax.ShapeDtypeStruct((B, 2, H, W), jnp.int32),
        ],
    )(xsh, xsh, xsh, conv_w, conv_b.reshape(3, 1))

    inv, meta = pl.pallas_call(
        _cc_kernel,
        out_shape=[
            jax.ShapeDtypeStruct((2 * B, H, W), jnp.int32),
            jax.ShapeDtypeStruct((8, 128), jnp.int32),
        ],
    )(masks.reshape(2 * B, H, W))
    inv = inv.reshape(B, 2, H, W)
    n_arr = meta[0:4, 0].reshape(B, 1, 2)
    bg_arr = meta[4:8, 0].reshape(B, 1, 2)

    sums = pl.pallas_call(
        _segsum_kernel,
        grid=(B, HT),
        in_specs=[
            pl.BlockSpec((1, C, TH, W), lambda b, h: (b, 0, h, 0)),
            pl.BlockSpec((1, 2, TH, W), lambda b, h: (b, 0, h, 0)),
        ],
        out_specs=pl.BlockSpec((1, 2, LIMIT, C + 1), lambda b, h: (b, 0, 0, 0)),
        out_shape=jax.ShapeDtypeStruct((B, 2, LIMIT, C + 1), jnp.float32),
    )(x, inv)

    mv = pl.pallas_call(
        _factors_kernel,
        grid=(B,),
        in_specs=[
            pl.BlockSpec((1, 2, LIMIT, C + 1), lambda b: (b, 0, 0, 0)),
            pl.BlockSpec((1, 1, 2), lambda b: (b, 0, 0)),
            pl.BlockSpec((1, 1, 2), lambda b: (b, 0, 0)),
        ],
        out_specs=pl.BlockSpec((1, 2, LIMIT), lambda b: (b, 0, 0)),
        out_shape=jax.ShapeDtypeStruct((B, 2, LIMIT), jnp.float32),
    )(sums, n_arr, bg_arr)

    mult, stats = pl.pallas_call(
        _mult_kernel,
        grid=(B, HT),
        in_specs=[
            pl.BlockSpec((1, C, TH, W), lambda b, h: (b, 0, h, 0)),
            pl.BlockSpec((1, 2, TH, W), lambda b, h: (b, 0, h, 0)),
            pl.BlockSpec((1, 2, LIMIT), lambda b, h: (b, 0, 0)),
        ],
        out_specs=[
            pl.BlockSpec((1, TH, W), lambda b, h: (b, h, 0)),
            pl.BlockSpec((1, 2, C), lambda b, h: (b, 0, 0)),
        ],
        out_shape=[
            jax.ShapeDtypeStruct((B, H, W), jnp.float32),
            jax.ShapeDtypeStruct((B, 2, C), jnp.float32),
        ],
    )(x, inv, mv)

    total = jnp.sum(stats, axis=0)
    n_el = jnp.float32(B * HW)
    mean = total[0] / n_el
    var = total[1] / n_el - mean * mean
    scale = gamma / jnp.sqrt(var + EPS)
    shift = beta - mean * scale

    xn = pl.pallas_call(
        _norm_kernel,
        grid=(B, HT),
        in_specs=[
            pl.BlockSpec((1, C, TH, W), lambda b, h: (b, 0, h, 0)),
            pl.BlockSpec((1, TH, W), lambda b, h: (b, h, 0)),
            pl.BlockSpec((C, 1), lambda b, h: (0, 0)),
            pl.BlockSpec((C, 1), lambda b, h: (0, 0)),
        ],
        out_specs=pl.BlockSpec((1, C, TH, W), lambda b, h: (b, 0, h, 0)),
        out_shape=jax.ShapeDtypeStruct((B, C, H, W), jnp.float32),
    )(x, mult, scale.reshape(C, 1), shift.reshape(C, 1))

    return (xn, attn)

# --- scband reference (transcript-rebuilt; emitter-appended) ---
"""Pipeline reference for scband-conn-comp-attention-83760452206644 (READ-ONLY COPY).

The authoritative reference and input builder live on the scoring server;
editing this copy changes nothing except your own understanding.
"""

import jax, jax.numpy as jnp
import numpy as np

B, C, H, W = 2, 96, 224, 224
LIMIT = 20
EPS = 1e-5

def _connected_components(mask):
    h, w = mask.shape
    lab0 = jnp.where(mask, jnp.arange(1, h * w + 1, dtype=jnp.int32).reshape(h, w), 0)
    def step(lab):
        up = jnp.pad(lab[1:], ((0, 1), (0, 0)))
        down = jnp.pad(lab[:-1], ((1, 0), (0, 0)))
        left = jnp.pad(lab[:, 1:], ((0, 0), (0, 1)))
        right = jnp.pad(lab[:, :-1], ((0, 0), (1, 0)))
        nb = jnp.maximum(jnp.maximum(up, down), jnp.maximum(left, right))
        return jnp.where(mask, jnp.maximum(lab, nb), 0)
    state = (lab0, step(lab0))
    state = jax.lax.while_loop(
        lambda s: jnp.any(s[0] != s[1]),
        lambda s: (s[1], step(s[1])),
        state,
    )
    return state[1]

def _comp_structs(lab_flat):
    order = jnp.argsort(lab_flat)
    s = lab_flat[order]
    is_new = jnp.concatenate([jnp.array([True]), s[1:] != s[:-1]])
    rank_sorted = (jnp.cumsum(is_new) - 1).astype(jnp.int32)
    inv = jnp.zeros_like(rank_sorted).at[order].set(rank_sorted)
    n = rank_sorted[-1] + 1
    counts = jax.ops.segment_sum(jnp.ones_like(inv, dtype=jnp.float32), inv, num_segments=LIMIT)
    has_bg = jnp.any(lab_flat == 0)
    return inv, n, counts, has_bg

def _batch_update(xb, inv1, n1, cnt1, inv2, n2, cnt2):
    means1 = jax.ops.segment_sum(xb.T, inv1, num_segments=LIMIT) / cnt1[:, None]
    means2 = jax.ops.segment_sum(xb.T, inv2, num_segments=LIMIT) / cnt2[:, None]
    mm = means1[1:] @ means2[1:].T
    k1 = jnp.minimum(LIMIT, n1)
    k2 = jnp.minimum(LIMIT, n2)
    r = jnp.arange(LIMIT - 1)
    valid = (r[:, None] < k1 - 1) & (r[None, :] < k2 - 1)
    sub = jnp.where(valid, mm, 0.0)
    m1 = jnp.prod(1.0 + sub, axis=1)
    m2 = jnp.prod(1.0 + sub, axis=0)
    mult1 = jnp.where((inv1 >= 1) & (inv1 < k1), m1[jnp.clip(inv1 - 1, 0, LIMIT - 2)], jnp.ones((), xb.dtype))
    mult2 = jnp.where((inv2 >= 1) & (inv2 < k2), m2[jnp.clip(inv2 - 1, 0, LIMIT - 2)], jnp.ones((), xb.dtype))
    mult = mult1 * mult2
    return xb * mult[None, :]

def setup_inputs(seed: int = 0):
    key = jax.random.key(seed)
    k0, k1, k2 = jax.random.split(key, 3)
    x = jax.random.normal(k0, (B, C, H, W), dtype=jnp.float32)
    conv_w = jax.random.normal(k1, (3, C, 3, 3), dtype=jnp.float32) * 0.05
    conv_b = jax.random.normal(k2, (3,), dtype=jnp.float32) * 0.01
    gamma = jnp.ones((C,), dtype=jnp.float32)
    beta = jnp.zeros((C,), dtype=jnp.float32)
    return {"x": x, "conv_w": conv_w, "conv_b": conv_b, "gamma": gamma, "beta": beta}

def reference(x, conv_w, conv_b, gamma, beta):
    out = jax.lax.conv_general_dilated(x, conv_w, (1, 1), 'SAME', dimension_numbers=('NCHW', 'OIHW', 'NCHW')) + conv_b[None, :, None, None]
    out_attn = jax.nn.softmax(out, axis=1)
    am = jnp.argmax(out_attn, axis=1)
    xs = []
    for b in range(B):
        lab1 = _connected_components(am[b] == 1).reshape(-1)
        lab2 = _connected_components(am[b] == 2).reshape(-1)
        inv1, n1, cnt1, bg1 = _comp_structs(lab1)
        inv2, n2, cnt2, bg2 = _comp_structs(lab2)
        xb = x[b].reshape(C, H * W)
        apply = (n1 > 1) & (n2 > 1) & bg1 & bg2
        xb_upd = _batch_update(xb, inv1, n1, cnt1, inv2, n2, cnt2)
        xb = jnp.where(apply, xb_upd, xb)
        xs.append(xb.reshape(C, H, W))
    xu = jnp.stack(xs, axis=0)
    mean = jnp.mean(xu, axis=(0, 2, 3), keepdims=True)
    var = jnp.var(xu, axis=(0, 2, 3), keepdims=True)
    xn = (xu - mean) / jnp.sqrt(var + EPS) * gamma[None, :, None, None] + beta[None, :, None, None]
    return (xn, out_attn)

if __name__ == "__main__":
    import jax
    _d = setup_inputs()
    print(jax.jit(kernel)(*tuple(_d.values())))

</pallas_src>

<mosaic_0001>
module attributes {stable_mosaic.version = 14 : i64} {
  func.func @_conv_kernel(%arg0: i32, %arg1: i32, %arg2: memref<1x96x32x226xf32, #tpu.memory_space<vmem>>, %arg3: memref<1x96x32x226xf32, #tpu.memory_space<vmem>>, %arg4: memref<1x96x32x226xf32, #tpu.memory_space<vmem>>, %arg5: memref<3x96x3x3xf32, #tpu.memory_space<vmem>>, %arg6: memref<3x1xf32, #tpu.memory_space<vmem>>, %arg7: memref<1x3x32x224xf32, #tpu.memory_space<vmem>>, %arg8: memref<1x2x32x224xi32, #tpu.memory_space<vmem>>) attributes {dimension_semantics = [#tpu.dimension_semantics<arbitrary>, #tpu.dimension_semantics<arbitrary>], iteration_bounds = array<i64: 2, 7>, scalar_prefetch = 0 : i64, scratch_operands = 0 : i64, tpu.core_type = #tpu.core_type<tc>, window_params = [{transform_indices = @transform_0, window_bounds = array<i64: 1, 96, 32, 226>}, {transform_indices = @transform_1, window_bounds = array<i64: 1, 96, 32, 226>}, {transform_indices = @transform_2, window_bounds = array<i64: 1, 96, 32, 226>}, {pipeline_mode = #tpu.pipeline_mode<synchronous>, transform_indices = @transform_3, window_bounds = array<i64: 3, 96, 3, 3>}, {pipeline_mode = #tpu.pipeline_mode<synchronous>, transform_indices = @transform_4, window_bounds = array<i64: 3, 1>}, {transform_indices = @transform_5, window_bounds = array<i64: 1, 3, 32, 224>}, {transform_indices = @transform_6, window_bounds = array<i64: 1, 2, 32, 224>}]} {
    %broadcast_in_dim3A = arith.constant 0.000000e+00 : f32
    %broadcast_in_dim3A_0 = vector.broadcast %broadcast_in_dim3A : f32 to vector<3x32x224xf32>
    %get3A = arith.constant 0 : index
    %get3A_1 = arith.constant 0 : index
    %get3A_2 = arith.constant 0 : index
    %get3A_3 = arith.constant 0 : index
    %get3A_4 = vector.load %arg2[%get3A, %get3A_1, %get3A_2, %get3A_3] : memref<1x96x32x226xf32, #tpu.memory_space<vmem>>, vector<1x96x32x226xf32>
    %get3A_5 = vector.shape_cast %get3A_4 : vector<1x96x32x226xf32> to vector<96x32x226xf32>
    %slice3A = vector.extract_strided_slice %get3A_5 {offsets = [0, 0, 0], sizes = [96, 32, 224], strides = [1, 1, 1]} : vector<96x32x226xf32> to vector<96x32x224xf32>
    %get3A_6 = arith.constant 0 : index
    %get3A_7 = arith.constant 0 : index
    %get3A_8 = arith.constant 0 : index
    %get3A_9 = arith.constant 0 : index
    %get3A_10 = vector.load %arg5[%get3A_6, %get3A_7, %get3A_8, %get3A_9] : memref<3x96x3x3xf32, #tpu.memory_space<vmem>>, vector<3x96x1x1xf32>
    %get3A_11 = vector.shape_cast %get3A_10 : vector<3x96x1x1xf32> to vector<3x96xf32>
    %dot_general3A = arith.constant dense<0.000000e+00> : vector<3x32x224xf32>
    %dot_general3A_12 = tpu.matmul %get3A_11, %slice3A, %dot_general3A {dimension_numbers = #tpu.dot_dimension_numbers<[1], [0], [0], [1, 2], [0, 0, 1, 1, 1, 2], [], []>, transpose_lhs_hint = false} : vector<3x96xf32>, vector<96x32x224xf32>, vector<3x32x224xf32> -> vector<3x32x224xf32>
    %add3A = arith.addf %broadcast_in_dim3A_0, %dot_general3A_12 : vector<3x32x224xf32>
    %slice3A_13 = vector.extract_strided_slice %get3A_5 {offsets = [0, 0, 1], sizes = [96, 32, 224], strides = [1, 1, 1]} : vector<96x32x226xf32> to vector<96x32x224xf32>
    %get3A_14 = arith.constant 0 : index
    %get3A_15 = arith.constant 0 : index
    %get3A_16 = arith.constant 0 : index
    %get3A_17 = arith.constant 1 : index
    %get3A_18 = vector.load %arg5[%get3A_14, %get3A_15, %get3A_16, %get3A_17] : memref<3x96x3x3xf32, #tpu.memory_space<vmem>>, vector<3x96x1x1xf32>
    %get3A_19 = vector.shape_cast %get3A_18 : vector<3x96x1x1xf32> to vector<3x96xf32>
    %dot_general3A_20 = arith.constant dense<0.000000e+00> : vector<3x32x224xf32>
    %dot_general3A_21 = tpu.matmul %get3A_19, %slice3A_13, %dot_general3A_20 {dimension_numbers = #tpu.dot_dimension_numbers<[1], [0], [0], [1, 2], [0, 0, 1, 1, 1, 2], [], []>, transpose_lhs_hint = false} : vector<3x96xf32>, vector<96x32x224xf32>, vector<3x32x224xf32> -> vector<3x32x224xf32>
    %add3A_22 = arith.addf %add3A, %dot_general3A_21 : vector<3x32x224xf32>
    %slice3A_23 = vector.extract_strided_slice %get3A_5 {offsets = [0, 0, 2], sizes = [96, 32, 224], strides = [1, 1, 1]} : vector<96x32x226xf32> to vector<96x32x224xf32>
    %get3A_24 = arith.constant 0 : index
    %get3A_25 = arith.constant 0 : index
    %get3A_26 = arith.constant 0 : index
    %get3A_27 = arith.constant 2 : index
    %get3A_28 = vector.load %arg5[%get3A_24, %get3A_25, %get3A_26, %get3A_27] : memref<3x96x3x3xf32, #tpu.memory_space<vmem>>, vector<3x96x1x1xf32>
    %get3A_29 = vector.shape_cast %get3A_28 : vector<3x96x1x1xf32> to vector<3x96xf32>
    %dot_general3A_30 = arith.constant dense<0.000000e+00> : vector<3x32x224xf32>
    %dot_general3A_31 = tpu.matmul %get3A_29, %slice3A_23, %dot_general3A_30 {dimension_numbers = #tpu.dot_dimension_numbers<[1], [0], [0], [1, 2], [0, 0, 1, 1, 1, 2], [], []>, transpose_lhs_hint = false} : vector<3x96xf32>, vector<96x32x224xf32>, vector<3x32x224xf32> -> vector<3x32x224xf32>
    %add3A_32 = arith.addf %add3A_22, %dot_general3A_31 : vector<3x32x224xf32>
    %get3A_33 = arith.constant 0 : index
    %get3A_34 = arith.constant 0 : index
    %get3A_35 = arith.constant 0 : index
    %get3A_36 = arith.constant 0 : index
    %get3A_37 = vector.load %arg3[%get3A_33, %get3A_34, %get3A_35, %get3A_36] : memref<1x96x32x226xf32, #tpu.memory_space<vmem>>, vector<1x96x32x226xf32>
    %get3A_38 = vector.shape_cast %get3A_37 : vector<1x96x32x226xf32> to vector<96x32x226xf32>
    %slice3A_39 = vector.extract_strided_slice %get3A_38 {offsets = [0, 0, 0], sizes = [96, 32, 224], strides = [1, 1, 1]} : vector<96x32x226xf32> to vector<96x32x224xf32>
    %get3A_40 = arith.constant 0 : index
    %get3A_41 = arith.constant 0 : index
    %get3A_42 = arith.constant 1 : index
    %get3A_43 = arith.constant 0 : index
    %get3A_44 = vector.load %arg5[%get3A_40, %get3A_41, %get3A_42, %get3A_43] : memref<3x96x3x3xf32, #tpu.memory_space<vmem>>, vector<3x96x1x1xf32>
    %get3A_45 = vector.shape_cast %get3A_44 : vector<3x96x1x1xf32> to vector<3x96xf32>
    %dot_general3A_46 = arith.constant dense<0.000000e+00> : vector<3x32x224xf32>
    %dot_general3A_47 = tpu.matmul %get3A_45, %slice3A_39, %dot_general3A_46 {dimension_numbers = #tpu.dot_dimension_numbers<[1], [0], [0], [1, 2], [0, 0, 1, 1, 1, 2], [], []>, transpose_lhs_hint = false} : vector<3x96xf32>, vector<96x32x224xf32>, vector<3x32x224xf32> -> vector<3x32x224xf32>
    %add3A_48 = arith.addf %add3A_32, %dot_general3A_47 : vector<3x32x224xf32>
    %slice3A_49 = vector.extract_strided_slice %get3A_38 {offsets = [0, 0, 1], sizes = [96, 32, 224], strides = [1, 1, 1]} : vector<96x32x226xf32> to vector<96x32x224xf32>
    %get3A_50 = arith.constant 0 : index
    %get3A_51 = arith.constant 0 : index
    %get3A_52 = arith.constant 1 : index
    %get3A_53 = arith.constant 1 : index
    %get3A_54 = vector.load %arg5[%get3A_50, %get3A_51, %get3A_52, %get3A_53] : memref<3x96x3x3xf32, #tpu.memory_space<vmem>>, vector<3x96x1x1xf32>
    %get3A_55 = vector.shape_cast %get3A_54 : vector<3x96x1x1xf32> to vector<3x96xf32>
    %dot_general3A_56 = arith.constant dense<0.000000e+00> : vector<3x32x224xf32>
    %dot_general3A_57 = tpu.matmul %get3A_55, %slice3A_49, %dot_general3A_56 {dimension_numbers = #tpu.dot_dimension_numbers<[1], [0], [0], [1, 2], [0, 0, 1, 1, 1, 2], [], []>, transpose_lhs_hint = false} : vector<3x96xf32>, vector<96x32x224xf32>, vector<3x32x224xf32> -> vector<3x32x224xf32>
    %add3A_58 = arith.addf %add3A_48, %dot_general3A_57 : vector<3x32x224xf32>
    %slice3A_59 = vector.extract_strided_slice %get3A_38 {offsets = [0, 0, 2], sizes = [96, 32, 224], strides = [1, 1, 1]} : vector<96x32x226xf32> to vector<96x32x224xf32>
    %get3A_60 = arith.constant 0 : index
    %get3A_61 = arith.constant 0 : index
    %get3A_62 = arith.constant 1 : index
    %get3A_63 = arith.constant 2 : index
    %get3A_64 = vector.load %arg5[%get3A_60, %get3A_61, %get3A_62, %get3A_63] : memref<3x96x3x3xf32, #tpu.memory_space<vmem>>, vector<3x96x1x1xf32>
    %get3A_65 = vector.shape_cast %get3A_64 : vector<3x96x1x1xf32> to vector<3x96xf32>
    %dot_general3A_66 = arith.constant dense<0.000000e+00> : vector<3x32x224xf32>
    %dot_general3A_67 = tpu.matmul %get3A_65, %slice3A_59, %dot_general3A_66 {dimension_numbers = #tpu.dot_dimension_numbers<[1], [0], [0], [1, 2], [0, 0, 1, 1, 1, 2], [], []>, transpose_lhs_hint = false} : vector<3x96xf32>, vector<96x32x224xf32>, vector<3x32x224xf32> -> vector<3x32x224xf32>
    %add3A_68 = arith.addf %add3A_58, %dot_general3A_67 : vector<3x32x224xf32>
    %get3A_69 = arith.constant 0 : index
    %get3A_70 = arith.constant 0 : index
    %get3A_71 = arith.constant 0 : index
    %get3A_72 = arith.constant 0 : index
    %get3A_73 = vector.load %arg4[%get3A_69, %get3A_70, %get3A_71, %get3A_72] : memref<1x96x32x226xf32, #tpu.memory_space<vmem>>, vector<1x96x32x226xf32>
    %get3A_74 = vector.shape_cast %get3A_73 : vector<1x96x32x226xf32> to vector<96x32x226xf32>
    %slice3A_75 = vector.extract_strided_slice %get3A_74 {offsets = [0, 0, 0], sizes = [96, 32, 224], strides = [1, 1, 1]} : vector<96x32x226xf32> to vector<96x32x224xf32>
    %get3A_76 = arith.constant 0 : index
    %get3A_77 = arith.constant 0 : index
    %get3A_78 = arith.constant 2 : index
    %get3A_79 = arith.constant 0 : index
    %get3A_80 = vector.load %arg5[%get3A_76, %get3A_77, %get3A_78, %get3A_79] : memref<3x96x3x3xf32, #tpu.memory_space<vmem>>, vector<3x96x1x1xf32>
    %get3A_81 = vector.shape_cast %get3A_80 : vector<3x96x1x1xf32> to vector<3x96xf32>
    %dot_general3A_82 = arith.constant dense<0.000000e+00> : vector<3x32x224xf32>
    %dot_general3A_83 = tpu.matmul %get3A_81, %slice3A_75, %dot_general3A_82 {dimension_numbers = #tpu.dot_dimension_numbers<[1], [0], [0], [1, 2], [0, 0, 1, 1, 1, 2], [], []>, transpose_lhs_hint = false} : vector<3x96xf32>, vector<96x32x224xf32>, vector<3x32x224xf32> -> vector<3x32x224xf32>
    %add3A_84 = arith.addf %add3A_68, %dot_general3A_83 : vector<3x32x224xf32>
    %slice3A_85 = vector.extract_strided_slice %get3A_74 {offsets = [0, 0, 1], sizes = [96, 32, 224], strides = [1, 1, 1]} : vector<96x32x226xf32> to vector<96x32x224xf32>
    %get3A_86 = arith.constant 0 : index
    %get3A_87 = arith.constant 0 : index
    %get3A_88 = arith.constant 2 : index
    %get3A_89 = arith.constant 1 : index
    %get3A_90 = vector.load %arg5[%get3A_86, %get3A_87, %get3A_88, %get3A_89] : memref<3x96x3x3xf32, #tpu.memory_space<vmem>>, vector<3x96x1x1xf32>
    %get3A_91 = vector.shape_cast %get3A_90 : vector<3x96x1x1xf32> to vector<3x96xf32>
    %dot_general3A_92 = arith.constant dense<0.000000e+00> : vector<3x32x224xf32>
    %dot_general3A_93 = tpu.matmul %get3A_91, %slice3A_85, %dot_general3A_92 {dimension_numbers = #tpu.dot_dimension_numbers<[1], [0], [0], [1, 2], [0, 0, 1, 1, 1, 2], [], []>, transpose_lhs_hint = false} : vector<3x96xf32>, vector<96x32x224xf32>, vector<3x32x224xf32> -> vector<3x32x224xf32>
    %add3A_94 = arith.addf %add3A_84, %dot_general3A_93 : vector<3x32x224xf32>
    %slice3A_95 = vector.extract_strided_slice %get3A_74 {offsets = [0, 0, 2], sizes = [96, 32, 224], strides = [1, 1, 1]} : vector<96x32x226xf32> to vector<96x32x224xf32>
    %get3A_96 = arith.constant 0 : index
    %get3A_97 = arith.constant 0 : index
    %get3A_98 = arith.constant 2 : index
    %get3A_99 = arith.constant 2 : index
    %get3A_100 = vector.load %arg5[%get3A_96, %get3A_97, %get3A_98, %get3A_99] : memref<3x96x3x3xf32, #tpu.memory_space<vmem>>, vector<3x96x1x1xf32>
    %get3A_101 = vector.shape_cast %get3A_100 : vector<3x96x1x1xf32> to vector<3x96xf32>
    %dot_general3A_102 = arith.constant dense<0.000000e+00> : vector<3x32x224xf32>
    %dot_general3A_103 = tpu.matmul %get3A_101, %slice3A_95, %dot_general3A_102 {dimension_numbers = #tpu.dot_dimension_numbers<[1], [0], [0], [1, 2], [0, 0, 1, 1, 1, 2], [], []>, transpose_lhs_hint = false} : vector<3x96xf32>, vector<96x32x224xf32>, vector<3x32x224xf32> -> vector<3x32x224xf32>
    %add3A_104 = arith.addf %add3A_94, %dot_general3A_103 : vector<3x32x224xf32>
    %get3A_105 = arith.constant 0 : index
    %get3A_106 = arith.constant 0 : index
    %get3A_107 = vector.load %arg6[%get3A_105, %get3A_106] : memref<3x1xf32, #tpu.memory_space<vmem>>, vector<3x1xf32>
    %broadcast_in_dim3A_108 = vector.shape_cast %get3A_107 : vector<3x1xf32> to vector<3x1x1xf32>
    %add3A_109 = vector.broadcast %broadcast_in_dim3A_108 : vector<3x1x1xf32> to vector<3x32x224xf32>
    %add3A_110 = arith.addf %add3A_104, %add3A_109 : vector<3x32x224xf32>
    %reduce_max3A = arith.constant dense<0xFF800000> : vector<32x224xf32>
    %reduce_max3A_111 = vector.multi_reduction <maximumf>, %add3A_110, %reduce_max3A [0] : vector<3x32x224xf32> to vector<32x224xf32>
    %broadcast_in_dim3A_112 = vector.shape_cast %reduce_max3A_111 : vector<32x224xf32> to vector<1x32x224xf32>
    %sub3A = vector.broadcast %broadcast_in_dim3A_112 : vector<1x32x224xf32> to vector<3x32x224xf32>
    %sub3A_113 = arith.subf %add3A_110, %sub3A : vector<3x32x224xf32>
    %exp3A = math.exp %sub3A_113 : vector<3x32x224xf32>
    %reduce_sum3A = arith.constant dense<0.000000e+00> : vector<32x224xf32>
    %reduce_sum3A_114 = vector.multi_reduction <add>, %exp3A, %reduce_sum3A [0] : vector<3x32x224xf32> to vector<32x224xf32>
    %broadcast_in_dim3A_115 = vector.shape_cast %reduce_sum3A_114 : vector<32x224xf32> to vector<1x32x224xf32>
    %div3A = vector.broadcast %broadcast_in_dim3A_115 : vector<1x32x224xf32> to vector<3x32x224xf32>
    %div3A_116 = arith.divf %exp3A, %div3A : vector<3x32x224xf32>
    %swap3A = arith.constant 0 : index
    %swap3A_117 = arith.constant 0 : index
    %swap3A_118 = arith.constant 0 : index
    %swap3A_119 = arith.constant 0 : index
    %swap3A_120 = vector.load %arg7[%swap3A, %swap3A_117, %swap3A_118, %swap3A_119] : memref<1x3x32x224xf32, #tpu.memory_space<vmem>>, vector<1x3x32x224xf32>
    %swap3A_121 = vector.shape_cast %swap3A_120 : vector<1x3x32x224xf32> to vector<3x32x224xf32>
    %swap3A_122 = vector.shape_cast %div3A_116 : vector<3x32x224xf32> to vector<1x3x32x224xf32>
    tpu.vector_store %arg7[%swap3A, %swap3A_117, %swap3A_118, %swap3A_119], %swap3A_122 {strides = array<i32>} : memref<1x3x32x224xf32, #tpu.memory_space<vmem>>, vector<1x3x32x224xf32>,
    %slice3A_123 = vector.extract_strided_slice %add3A_110 {offsets = [0, 0, 0], sizes = [1, 32, 224], strides = [1, 1, 1]} : vector<3x32x224xf32> to vector<1x32x224xf32>
    %squeeze3A = vector.shape_cast %slice3A_123 : vector<1x32x224xf32> to vector<32x224xf32>
    %slice3A_124 = vector.extract_strided_slice %add3A_110 {offsets = [1, 0, 0], sizes = [1, 32, 224], strides = [1, 1, 1]} : vector<3x32x224xf32> to vector<1x32x224xf32>
    %squeeze3A_125 = vector.shape_cast %slice3A_124 : vector<1x32x224xf32> to vector<32x224xf32>
    %slice3A_126 = vector.extract_strided_slice %add3A_110 {offsets = [2, 0, 0], sizes = [1, 32, 224], strides = [1, 1, 1]} : vector<3x32x224xf32> to vector<1x32x224xf32>
    %squeeze3A_127 = vector.shape_cast %slice3A_126 : vector<1x32x224xf32> to vector<32x224xf32>
    %gt3A = arith.cmpf ogt, %squeeze3A_125, %squeeze3A : vector<32x224xf32>
    %ge3A = arith.cmpf oge, %squeeze3A_125, %squeeze3A_127 : vector<32x224xf32>
    %and3A = arith.andi %gt3A, %ge3A : vector<32x224xi1>
    %gt3A_128 = arith.cmpf ogt, %squeeze3A_127, %squeeze3A : vector<32x224xf32>
    %gt3A_129 = arith.cmpf ogt, %squeeze3A_127, %squeeze3A_125 : vector<32x224xf32>
    %and3A_130 = arith.andi %gt3A_128, %gt3A_129 : vector<32x224xi1>
    %convert_element_type3A = arith.extui %and3A : vector<32x224xi1> to vector<32x224xi32>
    %swap3A_131 = arith.constant 0 : index
    %swap3A_132 = arith.constant 0 : index
    %swap3A_133 = arith.constant 0 : index
    %swap3A_134 = arith.constant 0 : index
    %swap3A_135 = vector.load %arg8[%swap3A_131, %swap3A_132, %swap3A_133, %swap3A_134] : memref<1x2x32x224xi32, #tpu.memory_space<vmem>>, vector<1x1x32x224xi32>
    %swap3A_136 = vector.shape_cast %swap3A_135 : vector<1x1x32x224xi32> to vector<32x224xi32>
    %swap3A_137 = vector.shape_cast %convert_element_type3A : vector<32x224xi32> to vector<1x1x32x224xi32>
    tpu.vector_store %arg8[%swap3A_131, %swap3A_132, %swap3A_133, %swap3A_134], %swap3A_137 {strides = array<i32>} : memref<1x2x32x224xi32, #tpu.memory_space<vmem>>, vector<1x1x32x224xi32>,
    %convert_element_type3A_138 = arith.extui %and3A_130 : vector<32x224xi1> to vector<32x224xi32>
    %swap3A_139 = arith.constant 0 : index
    %swap3A_140 = arith.constant 1 : index
    %swap3A_141 = arith.constant 0 : index
    %swap3A_142 = arith.constant 0 : index
    %swap3A_143 = vector.load %arg8[%swap3A_139, %swap3A_140, %swap3A_141, %swap3A_142] : memref<1x2x32x224xi32, #tpu.memory_space<vmem>>, vector<1x1x32x224xi32>
    %swap3A_144 = vector.shape_cast %swap3A_143 : vector<1x1x32x224xi32> to vector<32x224xi32>
    %swap3A_145 = vector.shape_cast %convert_element_type3A_138 : vector<32x224xi32> to vector<1x1x32x224xi32>
    tpu.vector_store %arg8[%swap3A_139, %swap3A_140, %swap3A_141, %swap3A_142], %swap3A_145 {strides = array<i32>} : memref<1x2x32x224xi32, #tpu.memory_space<vmem>>, vector<1x1x32x224xi32>,
    return
  }
  func.func @transform_0(%arg0: i32, %arg1: i32) -> (i32, i32, i32, i32) {
    %mul3A = arith.constant 3 : i32
    %mul3A_0 = arith.muli %mul3A, %arg0 : i32
    %add3A = arith.constant 0 : i32
    %add3A_1 = arith.addi %mul3A_0, %add3A : i32
    %c0_i32 = arith.constant 0 : i32
    %c0_i32_2 = arith.constant 0 : i32
    %c0_i32_3 = arith.constant 0 : i32
    return %add3A_1, %c0_i32, %arg1, %c0_i32_2 : i32, i32, i32, i32
  }
  func.func @transform_1(%arg0: i32, %arg1: i32) -> (i32, i32, i32, i32) {
    %mul3A = arith.constant 3 : i32
    %mul3A_0 = arith.muli %mul3A, %arg0 : i32
    %add3A = arith.constant 1 : i32
    %add3A_1 = arith.addi %mul3A_0, %add3A : i32
    %c0_i32 = arith.constant 0 : i32
    %c0_i32_2 = arith.constant 0 : i32
    %c0_i32_3 = arith.constant 0 : i32
    return %add3A_1, %c0_i32, %arg1, %c0_i32_2 : i32, i32, i32, i32
  }
  func.func @transform_2(%arg0: i32, %arg1: i32) -> (i32, i32, i32, i32) {
    %mul3A = arith.constant 3 : i32
    %mul3A_0 = arith.muli %mul3A, %arg0 : i32
    %add3A = arith.constant 2 : i32
    %add3A_1 = arith.addi %mul3A_0, %add3A : i32
    %c0_i32 = arith.constant 0 : i32
    %c0_i32_2 = arith.constant 0 : i32
    %c0_i32_3 = arith.constant 0 : i32
    return %add3A_1, %c0_i32, %arg1, %c0_i32_2 : i32, i32, i32, i32
  }
  func.func @transform_3(%arg0: i32, %arg1: i32) -> (i32, i32, i32, i32) {
    %c0_i32 = arith.constant 0 : i32
    %c0_i32_0 = arith.constant 0 : i32
    %c0_i32_1 = arith.constant 0 : i32
    %c0_i32_2 = arith.constant 0 : i32
    %c0_i32_3 = arith.constant 0 : i32
    return %c0_i32, %c0_i32_0, %c0_i32_1, %c0_i32_2 : i32, i32, i32, i32
  }
  func.func @transform_4(%arg0: i32, %arg1: i32) -> (i32, i32) {
    %c0_i32 = arith.constant 0 : i32
    %c0_i32_0 = arith.constant 0 : i32
    %c0_i32_1 = arith.constant 0 : i32
    return %c0_i32, %c0_i32_0 : i32, i32
  }
  func.func @transform_5(%arg0: i32, %arg1: i32) -> (i32, i32, i32, i32) {
    %c0_i32 = arith.constant 0 : i32
    %c0_i32_0 = arith.constant 0 : i32
    %c0_i32_1 = arith.constant 0 : i32
    return %arg0, %c0_i32, %arg1, %c0_i32_0 : i32, i32, i32, i32
  }
  func.func @transform_6(%arg0: i32, %arg1: i32) -> (i32, i32, i32, i32) {
    %c0_i32 = arith.constant 0 : i32
    %c0_i32_0 = arith.constant 0 : i32
    %c0_i32_1 = arith.constant 0 : i32
    return %arg0, %c0_i32, %arg1, %c0_i32_0 : i32, i32, i32, i32
  }
}

module attributes {stable_mosaic.version = 14 : i64} {
  func.func @_cc_kernel(%arg0: memref<4x224x224xi32, #tpu.memory_space<vmem>>, %arg1: memref<4x224x224xi32, #tpu.memory_space<vmem>>, %arg2: memref<8x128xi32, #tpu.memory_space<vmem>>) attributes {dimension_semantics = [], scalar_prefetch = 0 : i64, scratch_operands = 0 : i64, tpu.core_type = #tpu.core_type<tc>} {
    %get3A = arith.constant 0 : index
    %get3A_0 = arith.constant 0 : index
    %get3A_1 = arith.constant 0 : index
    %get3A_2 = vector.load %arg0[%get3A, %get3A_0, %get3A_1] : memref<4x224x224xi32, #tpu.memory_space<vmem>>, vector<4x224x224xi32>
    %ne3A = arith.constant 0 : i32
    %ne3A_3 = vector.broadcast %ne3A : i32 to vector<4x224x224xi32>
    %ne3A_4 = arith.cmpi ne, %get3A_2, %ne3A_3 : vector<4x224x224xi32>
    %iota3A = tpu.iota {dimensions = array<i32: 1>} : vector<4x224x224xi32>
    %iota3A_5 = tpu.iota {dimensions = array<i32: 2>} : vector<4x224x224xi32>
    %mul3A = arith.constant 224 : i32
    %mul3A_6 = vector.broadcast %mul3A : i32 to vector<4x224x224xi32>
    %mul3A_7 = arith.muli %iota3A, %mul3A_6 : vector<4x224x224xi32>
    %add3A = arith.addi %mul3A_7, %iota3A_5 : vector<4x224x224xi32>
    %add3A_8 = arith.constant 1 : i32
    %add3A_9 = vector.broadcast %add3A_8 : i32 to vector<4x224x224xi32>
    %add3A_10 = arith.addi %add3A, %add3A_9 : vector<4x224x224xi32>
    %jit3A = arith.constant 0 : i32
    %broadcast_in_dim3A = vector.broadcast %jit3A : i32 to vector<4x224x224xi32>
    %select_n3A = arith.select %ne3A_4, %add3A_10, %broadcast_in_dim3A : vector<4x224x224xi1>, vector<4x224x224xi32>
    %broadcast_in_dim3A_11 = arith.constant 0 : i32
    %broadcast_in_dim3A_12 = vector.broadcast %broadcast_in_dim3A_11 : i32 to vector<4x224x1xi32>
    %slice3A = vector.extract_strided_slice %get3A_2 {offsets = [0, 0, 0], sizes = [4, 224, 223], strides = [1, 1, 1]} : vector<4x224x224xi32> to vector<4x224x223xi32>
    %concatenate3A = tpu.concatenate %broadcast_in_dim3A_12, %slice3A in 2 : vector<4x224x1xi32>, vector<4x224x223xi32> -> vector<4x224x224xi32>
    %mul3A_13 = arith.muli %get3A_2, %concatenate3A : vector<4x224x224xi32>
    %broadcast_in_dim3A_14 = arith.constant 0 : i32
    %broadcast_in_dim3A_15 = vector.broadcast %broadcast_in_dim3A_14 : i32 to vector<4x224x1xi32>
    %slice3A_16 = vector.extract_strided_slice %get3A_2 {offsets = [0, 0, 1], sizes = [4, 224, 223], strides = [1, 1, 1]} : vector<4x224x224xi32> to vector<4x224x223xi32>
    %concatenate3A_17 = tpu.concatenate %slice3A_16, %broadcast_in_dim3A_15 in 2 : vector<4x224x223xi32>, vector<4x224x1xi32> -> vector<4x224x224xi32>
    %mul3A_18 = arith.muli %get3A_2, %concatenate3A_17 : vector<4x224x224xi32>
    %ne3A_19 = arith.constant 0 : i32
    %ne3A_20 = vector.broadcast %ne3A_19 : i32 to vector<4x224x224xi32>
    %ne3A_21 = arith.cmpi ne, %mul3A_13, %ne3A_20 : vector<4x224x224xi32>
    %broadcast_in_dim3A_22 = arith.constant 0 : i32
    %broadcast_in_dim3A_23 = vector.broadcast %broadcast_in_dim3A_22 : i32 to vector<4x224x1xi32>
    %slice3A_24 = vector.extract_strided_slice %select_n3A {offsets = [0, 0, 0], sizes = [4, 224, 223], strides = [1, 1, 1]} : vector<4x224x224xi32> to vector<4x224x223xi32>
    %concatenate3A_25 = tpu.concatenate %broadcast_in_dim3A_23, %slice3A_24 in 2 : vector<4x224x1xi32>, vector<4x224x223xi32> -> vector<4x224x224xi32>
    %jit3A_26 = arith.constant 0 : i32
    %broadcast_in_dim3A_27 = vector.broadcast %jit3A_26 : i32 to vector<4x224x224xi32>
    %select_n3A_28 = arith.select %ne3A_21, %concatenate3A_25, %broadcast_in_dim3A_27 : vector<4x224x224xi1>, vector<4x224x224xi32>
    %max3A = arith.maxsi %select_n3A, %select_n3A_28 : vector<4x224x224xi32>
    %ne3A_29 = arith.constant 0 : i32
    %ne3A_30 = vector.broadcast %ne3A_29 : i32 to vector<4x224x224xi32>
    %ne3A_31 = arith.cmpi ne, %mul3A_18, %ne3A_30 : vector<4x224x224xi32>
    %broadcast_in_dim3A_32 = arith.constant 0 : i32
    %broadcast_in_dim3A_33 = vector.broadcast %broadcast_in_dim3A_32 : i32 to vector<4x224x1xi32>
    %slice3A_34 = vector.extract_strided_slice %max3A {offsets = [0, 0, 1], sizes = [4, 224, 223], strides = [1, 1, 1]} : vector<4x224x224xi32> to vector<4x224x223xi32>
    %concatenate3A_35 = tpu.concatenate %slice3A_34, %broadcast_in_dim3A_33 in 2 : vector<4x224x223xi32>, vector<4x224x1xi32> -> vector<4x224x224xi32>
    %jit3A_36 = arith.constant 0 : i32
    %broadcast_in_dim3A_37 = vector.broadcast %jit3A_36 : i32 to vector<4x224x224xi32>
    %select_n3A_38 = arith.select %ne3A_31, %concatenate3A_35, %broadcast_in_dim3A_37 : vector<4x224x224xi1>, vector<4x224x224xi32>
    %max3A_39 = arith.maxsi %max3A, %select_n3A_38 : vector<4x224x224xi32>
    %broadcast_in_dim3A_40 = arith.constant 0 : i32
    %broadcast_in_dim3A_41 = vector.broadcast %broadcast_in_dim3A_40 : i32 to vector<4x224x1xi32>
    %slice3A_42 = vector.extract_strided_slice %mul3A_13 {offsets = [0, 0, 0], sizes = [4, 224, 223], strides = [1, 1, 1]} : vector<4x224x224xi32> to vector<4x224x223xi32>
    %concatenate3A_43 = tpu.concatenate %broadcast_in_dim3A_41, %slice3A_42 in 2 : vector<4x224x1xi32>, vector<4x224x223xi32> -> vector<4x224x224xi32>
    %mul3A_44 = arith.muli %mul3A_13, %concatenate3A_43 : vector<4x224x224xi32>
    %broadcast_in_dim3A_45 = arith.constant 0 : i32
    %broadcast_in_dim3A_46 = vector.broadcast %broadcast_in_dim3A_45 : i32 to vector<4x224x1xi32>
    %slice3A_47 = vector.extract_strided_slice %mul3A_18 {offsets = [0, 0, 1], sizes = [4, 224, 223], strides = [1, 1, 1]} : vector<4x224x224xi32> to vector<4x224x223xi32>
    %concatenate3A_48 = tpu.concatenate %slice3A_47, %broadcast_in_dim3A_46 in 2 : vector<4x224x223xi32>, vector<4x224x1xi32> -> vector<4x224x224xi32>
    %mul3A_49 = arith.muli %mul3A_18, %concatenate3A_48 : vector<4x224x224xi32>
    %ne3A_50 = arith.constant 0 : i32
    %ne3A_51 = vector.broadcast %ne3A_50 : i32 to vector<4x224x224xi32>
    %ne3A_52 = arith.cmpi ne, %mul3A_44, %ne3A_51 : vector<4x224x224xi32>
    %broadcast_in_dim3A_53 = arith.constant 0 : i32
    %broadcast_in_dim3A_54 = vector.broadcast %broadcast_in_dim3A_53 : i32 to vector<4x224x2xi32>
    %slice3A_55 = vector.extract_strided_slice %max3A_39 {offsets = [0, 0, 0], sizes = [4, 224, 222], strides = [1, 1, 1]} : vector<4x224x224xi32> to vector<4x224x222xi32>
    %concatenate3A_56 = tpu.concatenate %broadcast_in_dim3A_54, %slice3A_55 in 2 : vector<4x224x2xi32>, vector<4x224x222xi32> -> vector<4x224x224xi32>
    %jit3A_57 = arith.constant 0 : i32
    %broadcast_in_dim3A_58 = vector.broadcast %jit3A_57 : i32 to vector<4x224x224xi32>
    %select_n3A_59 = arith.select %ne3A_52, %concatenate3A_56, %broadcast_in_dim3A_58 : vector<4x224x224xi1>, vector<4x224x224xi32>
    %max3A_60 = arith.maxsi %max3A_39, %select_n3A_59 : vector<4x224x224xi32>
    %ne3A_61 = arith.constant 0 : i32
    %ne3A_62 = vector.broadcast %ne3A_61 : i32 to vector<4x224x224xi32>
    %ne3A_63 = arith.cmpi ne, %mul3A_49, %ne3A_62 : vector<4x224x224xi32>
    %broadcast_in_dim3A_64 = arith.constant 0 : i32
    %broadcast_in_dim3A_65 = vector.broadcast %broadcast_in_dim3A_64 : i32 to vector<4x224x2xi32>
    %slice3A_66 = vector.extract_strided_slice %max3A_60 {offsets = [0, 0, 2], sizes = [4, 224, 222], strides = [1, 1, 1]} : vector<4x224x224xi32> to vector<4x224x222xi32>
    %concatenate3A_67 = tpu.concatenate %slice3A_66, %broadcast_in_dim3A_65 in 2 : vector<4x224x222xi32>, vector<4x224x2xi32> -> vector<4x224x224xi32>
    %jit3A_68 = arith.constant 0 : i32
    %broadcast_in_dim3A_69 = vector.broadcast %jit3A_68 : i32 to vector<4x224x224xi32>
    %select_n3A_70 = arith.select %ne3A_63, %concatenate3A_67, %broadcast_in_dim3A_69 : vector<4x224x224xi1>, vector<4x224x224xi32>
    %max3A_71 = arith.maxsi %max3A_60, %select_n3A_70 : vector<4x224x224xi32>
    %broadcast_in_dim3A_72 = arith.constant 0 : i32
    %broadcast_in_dim3A_73 = vector.broadcast %broadcast_in_dim3A_72 : i32 to vector<4x224x2xi32>
    %slice3A_74 = vector.extract_strided_slice %mul3A_44 {offsets = [0, 0, 0], sizes = [4, 224, 222], strides = [1, 1, 1]} : vector<4x224x224xi32> to vector<4x224x222xi32>
    %concatenate3A_75 = tpu.concatenate %broadcast_in_dim3A_73, %slice3A_74 in 2 : vector<4x224x2xi32>, vector<4x224x222xi32> -> vector<4x224x224xi32>
    %mul3A_76 = arith.muli %mul3A_44, %concatenate3A_75 : vector<4x224x224xi32>
    %broadcast_in_dim3A_77 = arith.constant 0 : i32
    %broadcast_in_dim3A_78 = vector.broadcast %broadcast_in_dim3A_77 : i32 to vector<4x224x2xi32>
    %slice3A_79 = vector.extract_strided_slice %mul3A_49 {offsets = [0, 0, 2], sizes = [4, 224, 222], strides = [1, 1, 1]} : vector<4x224x224xi32> to vector<4x224x222xi32>
    %concatenate3A_80 = tpu.concatenate %slice3A_79, %broadcast_in_dim3A_78 in 2 : vector<4x224x222xi32>, vector<4x224x2xi32> -> vector<4x224x224xi32>
    %mul3A_81 = arith.muli %mul3A_49, %concatenate3A_80 : vector<4x224x224xi32>
    %ne3A_82 = arith.constant 0 : i32
    %ne3A_83 = vector.broadcast %ne3A_82 : i32 to vector<4x224x224xi32>
    %ne3A_84 = arith.cmpi ne, %mul3A_76, %ne3A_83 : vector<4x224x224xi32>
    %broadcast_in_dim3A_85 = arith.constant 0 : i32
    %broadcast_in_dim3A_86 = vector.broadcast %broadcast_in_dim3A_85 : i32 to vector<4x224x4xi32>
    %slice3A_87 = vector.extract_strided_slice %max3A_71 {offsets = [0, 0, 0], sizes = [4, 224, 220], strides = [1, 1, 1]} : vector<4x224x224xi32> to vector<4x224x220xi32>
    %concatenate3A_88 = tpu.concatenate %broadcast_in_dim3A_86, %slice3A_87 in 2 : vector<4x224x4xi32>, vector<4x224x220xi32> -> vector<4x224x224xi32>
    %jit3A_89 = arith.constant 0 : i32
    %broadcast_in_dim3A_90 = vector.broadcast %jit3A_89 : i32 to vector<4x224x224xi32>
    %select_n3A_91 = arith.select %ne3A_84, %concatenate3A_88, %broadcast_in_dim3A_90 : vector<4x224x224xi1>, vector<4x224x224xi32>
    %max3A_92 = arith.maxsi %max3A_71, %select_n3A_91 : vector<4x224x224xi32>
    %ne3A_93 = arith.constant 0 : i32
    %ne3A_94 = vector.broadcast %ne3A_93 : i32 to vector<4x224x224xi32>
    %ne3A_95 = arith.cmpi ne, %mul3A_81, %ne3A_94 : vector<4x224x224xi32>
    %broadcast_in_dim3A_96 = arith.constant 0 : i32
    %broadcast_in_dim3A_97 = vector.broadcast %broadcast_in_dim3A_96 : i32 to vector<4x224x4xi32>
    %slice3A_98 = vector.extract_strided_slice %max3A_92 {offsets = [0, 0, 4], sizes = [4, 224, 220], strides = [1, 1, 1]} : vector<4x224x224xi32> to vector<4x224x220xi32>
    %concatenate3A_99 = tpu.concatenate %slice3A_98, %broadcast_in_dim3A_97 in 2 : vector<4x224x220xi32>, vector<4x224x4xi32> -> vector<4x224x224xi32>
    %jit3A_100 = arith.constant 0 : i32
    %broadcast_in_dim3A_101 = vector.broadcast %jit3A_100 : i32 to vector<4x224x224xi32>
    %select_n3A_102 = arith.select %ne3A_95, %concatenate3A_99, %broadcast_in_dim3A_101 : vector<4x224x224xi1>, vector<4x224x224xi32>
    %max3A_103 = arith.maxsi %max3A_92, %select_n3A_102 : vector<4x224x224xi32>
    %broadcast_in_dim3A_104 = arith.constant 0 : i32
    %broadcast_in_dim3A_105 = vector.broadcast %broadcast_in_dim3A_104 : i32 to vector<4x224x4xi32>
    %slice3A_106 = vector.extract_strided_slice %mul3A_76 {offsets = [0, 0, 0], sizes = [4, 224, 220], strides = [1, 1, 1]} : vector<4x224x224xi32> to vector<4x224x220xi32>
    %concatenate3A_107 = tpu.concatenate %broadcast_in_dim3A_105, %slice3A_106 in 2 : vector<4x224x4xi32>, vector<4x224x220xi32> -> vector<4x224x224xi32>
    %mul3A_108 = arith.muli %mul3A_76, %concatenate3A_107 : vector<4x224x224xi32>
    %broadcast_in_dim3A_109 = arith.constant 0 : i32
    %broadcast_in_dim3A_110 = vector.broadcast %broadcast_in_dim3A_109 : i32 to vector<4x224x4xi32>
    %slice3A_111 = vector.extract_strided_slice %mul3A_81 {offsets = [0, 0, 4], sizes = [4, 224, 220], strides = [1, 1, 1]} : vector<4x224x224xi32> to vector<4x224x220xi32>
    %concatenate3A_112 = tpu.concatenate %slice3A_111, %broadcast_in_dim3A_110 in 2 : vector<4x224x220xi32>, vector<4x224x4xi32> -> vector<4x224x224xi32>
    %mul3A_113 = arith.muli %mul3A_81, %concatenate3A_112 : vector<4x224x224xi32>
    %ne3A_114 = arith.constant 0 : i32
    %ne3A_115 = vector.broadcast %ne3A_114 : i32 to vector<4x224x224xi32>
    %ne3A_116 = arith.cmpi ne, %mul3A_108, %ne3A_115 : vector<4x224x224xi32>
    %broadcast_in_dim3A_117 = arith.constant 0 : i32
    %broadcast_in_dim3A_118 = vector.broadcast %broadcast_in_dim3A_117 : i32 to vector<4x224x8xi32>
    %slice3A_119 = vector.extract_strided_slice %max3A_103 {offsets = [0, 0, 0], sizes = [4, 224, 216], strides = [1, 1, 1]} : vector<4x224x224xi32> to vector<4x224x216xi32>
    %concatenate3A_120 = tpu.concatenate %broadcast_in_dim3A_118, %slice3A_119 in 2 : vector<4x224x8xi32>, vector<4x224x216xi32> -> vector<4x224x224xi32>
    %jit3A_121 = arith.constant 0 : i32
    %broadcast_in_dim3A_122 = vector.broadcast %jit3A_121 : i32 to vector<4x224x224xi32>
    %select_n3A_123 = arith.select %ne3A_116, %concatenate3A_120, %broadcast_in_dim3A_122 : vector<4x224x224xi1>, vector<4x224x224xi32>
    %max3A_124 = arith.maxsi %max3A_103, %select_n3A_123 : vector<4x224x224xi32>
    %ne3A_125 = arith.constant 0 : i32
    %ne3A_126 = vector.broadcast %ne3A_125 : i32 to vector<4x224x224xi32>
    %ne3A_127 = arith.cmpi ne, %mul3A_113, %ne3A_126 : vector<4x224x224xi32>
    %broadcast_in_dim3A_128 = arith.constant 0 : i32
    %broadcast_in_dim3A_129 = vector.broadcast %broadcast_in_dim3A_128 : i32 to vector<4x224x8xi32>
    %slice3A_130 = vector.extract_strided_slice %max3A_124 {offsets = [0, 0, 8], sizes = [4, 224, 216], strides = [1, 1, 1]} : vector<4x224x224xi32> to vector<4x224x216xi32>
    %concatenate3A_131 = tpu.concatenate %slice3A_130, %broadcast_in_dim3A_129 in 2 : vector<4x224x216xi32>, vector<4x224x8xi32> -> vector<4x224x224xi32>
    %jit3A_132 = arith.constant 0 : i32
    %broadcast_in_dim3A_133 = vector.broadcast %jit3A_132 : i32 to vector<4x224x224xi32>
    %select_n3A_134 = arith.select %ne3A_127, %concatenate3A_131, %broadcast_in_dim3A_133 : vector<4x224x224xi1>, vector<4x224x224xi32>
    %max3A_135 = arith.maxsi %max3A_124, %select_n3A_134 : vector<4x224x224xi32>
    %broadcast_in_dim3A_136 = arith.constant 0 : i32
    %broadcast_in_dim3A_137 = vector.broadcast %broadcast_in_dim3A_136 : i32 to vector<4x224x8xi32>
    %slice3A_138 = vector.extract_strided_slice %mul3A_108 {offsets = [0, 0, 0], sizes = [4, 224, 216], strides = [1, 1, 1]} : vector<4x224x224xi32> to vector<4x224x216xi32>
    %concatenate3A_139 = tpu.concatenate %broadcast_in_dim3A_137, %slice3A_138 in 2 : vector<4x224x8xi32>, vector<4x224x216xi32> -> vector<4x224x224xi32>
    %mul3A_140 = arith.muli %mul3A_108, %concatenate3A_139 : vector<4x224x224xi32>
    %broadcast_in_dim3A_141 = arith.constant 0 : i32
    %broadcast_in_dim3A_142 = vector.broadcast %broadcast_in_dim3A_141 : i32 to vector<4x224x8xi32>
    %slice3A_143 = vector.extract_strided_slice %mul3A_113 {offsets = [0, 0, 8], sizes = [4, 224, 216], strides = [1, 1, 1]} : vector<4x224x224xi32> to vector<4x224x216xi32>
    %concatenate3A_144 = tpu.concatenate %slice3A_143, %broadcast_in_dim3A_142 in 2 : vector<4x224x216xi32>, vector<4x224x8xi32> -> vector<4x224x224xi32>
    %mul3A_145 = arith.muli %mul3A_113, %concatenate3A_144 : vector<4x224x224xi32>
    %ne3A_146 = arith.constant 0 : i32
    %ne3A_147 = vector.broadcast %ne3A_146 : i32 to vector<4x224x224xi32>
    %ne3A_148 = arith.cmpi ne, %mul3A_140, %ne3A_147 : vector<4x224x224xi32>
    %broadcast_in_dim3A_149 = arith.constant 0 : i32
    %broadcast_in_dim3A_150 = vector.broadcast %broadcast_in_dim3A_149 : i32 to vector<4x224x16xi32>
    %slice3A_151 = vector.extract_strided_slice %max3A_135 {offsets = [0, 0, 0], sizes = [4, 224, 208], strides = [1, 1, 1]} : vector<4x224x224xi32> to vector<4x224x208xi32>
    %concatenate3A_152 = tpu.concatenate %broadcast_in_dim3A_150, %slice3A_151 in 2 : vector<4x224x16xi32>, vector<4x224x208xi32> -> vector<4x224x224xi32>
    %jit3A_153 = arith.constant 0 : i32
    %broadcast_in_dim3A_154 = vector.broadcast %jit3A_153 : i32 to vector<4x224x224xi32>
    %select_n3A_155 = arith.select %ne3A_148, %concatenate3A_152, %broadcast_in_dim3A_154 : vector<4x224x224xi1>, vector<4x224x224xi32>
    %max3A_156 = arith.maxsi %max3A_135, %select_n3A_155 : vector<4x224x224xi32>
    %ne3A_157 = arith.constant 0 : i32
    %ne3A_158 = vector.broadcast %ne3A_157 : i32 to vector<4x224x224xi32>
    %ne3A_159 = arith.cmpi ne, %mul3A_145, %ne3A_158 : vector<4x224x224xi32>
    %broadcast_in_dim3A_160 = arith.constant 0 : i32
    %broadcast_in_dim3A_161 = vector.broadcast %broadcast_in_dim3A_160 : i32 to vector<4x224x16xi32>
    %slice3A_162 = vector.extract_strided_slice %max3A_156 {offsets = [0, 0, 16], sizes = [4, 224, 208], strides = [1, 1, 1]} : vector<4x224x224xi32> to vector<4x224x208xi32>
    %concatenate3A_163 = tpu.concatenate %slice3A_162, %broadcast_in_dim3A_161 in 2 : vector<4x224x208xi32>, vector<4x224x16xi32> -> vector<4x224x224xi32>
    %jit3A_164 = arith.constant 0 : i32
    %broadcast_in_dim3A_165 = vector.broadcast %jit3A_164 : i32 to vector<4x224x224xi32>
    %select_n3A_166 = arith.select %ne3A_159, %concatenate3A_163, %broadcast_in_dim3A_165 : vector<4x224x224xi1>, vector<4x224x224xi32>
    %max3A_167 = arith.maxsi %max3A_156, %select_n3A_166 : vector<4x224x224xi32>
    %broadcast_in_dim3A_168 = arith.constant 0 : i32
    %broadcast_in_dim3A_169 = vector.broadcast %broadcast_in_dim3A_168 : i32 to vector<4x224x16xi32>
    %slice3A_170 = vector.extract_strided_slice %mul3A_140 {offsets = [0, 0, 0], sizes = [4, 224, 208], strides = [1, 1, 1]} : vector<4x224x224xi32> to vector<4x224x208xi32>
    %concatenate3A_171 = tpu.concatenate %broadcast_in_dim3A_169, %slice3A_170 in 2 : vector<4x224x16xi32>, vector<4x224x208xi32> -> vector<4x224x224xi32>
    %mul3A_172 = arith.muli %mul3A_140, %concatenate3A_171 : vector<4x224x224xi32>
    %broadcast_in_dim3A_173 = arith.constant 0 : i32
    %broadcast_in_dim3A_174 = vector.broadcast %broadcast_in_dim3A_173 : i32 to vector<4x224x16xi32>
    %slice3A_175 = vector.extract_strided_slice %mul3A_145 {offsets = [0, 0, 16], sizes = [4, 224, 208], strides = [1, 1, 1]} : vector<4x224x224xi32> to vector<4x224x208xi32>
    %concatenate3A_176 = tpu.concatenate %slice3A_175, %broadcast_in_dim3A_174 in 2 : vector<4x224x208xi32>, vector<4x224x16xi32> -> vector<4x224x224xi32>
    %mul3A_177 = arith.muli %mul3A_145, %concatenate3A_176 : vector<4x224x224xi32>
    %ne3A_178 = arith.constant 0 : i32
    %ne3A_179 = vector.broadcast %ne3A_178 : i32 to vector<4x224x224xi32>
    %ne3A_180 = arith.cmpi ne, %mul3A_172, %ne3A_179 : vector<4x224x224xi32>
    %broadcast_in_dim3A_181 = arith.constant 0 : i32
    %broadcast_in_dim3A_182 = vector.broadcast %broadcast_in_dim3A_181 : i32 to vector<4x224x32xi32>
    %slice3A_183 = vector.extract_strided_slice %max3A_167 {offsets = [0, 0, 0], sizes = [4, 224, 192], strides = [1, 1, 1]} : vector<4x224x224xi32> to vector<4x224x192xi32>
    %concatenate3A_184 = tpu.concatenate %broadcast_in_dim3A_182, %slice3A_183 in 2 : vector<4x224x32xi32>, vector<4x224x192xi32> -> vector<4x224x224xi32>
    %jit3A_185 = arith.constant 0 : i32
    %broadcast_in_dim3A_186 = vector.broadcast %jit3A_185 : i32 to vector<4x224x224xi32>
    %select_n3A_187 = arith.select %ne3A_180, %concatenate3A_184, %broadcast_in_dim3A_186 : vector<4x224x224xi1>, vector<4x224x224xi32>
    %max3A_188 = arith.maxsi %max3A_167, %select_n3A_187 : vector<4x224x224xi32>
    %ne3A_189 = arith.constant 0 : i32
    %ne3A_190 = vector.broadcast %ne3A_189 : i32 to vector<4x224x224xi32>
    %ne3A_191 = arith.cmpi ne, %mul3A_177, %ne3A_190 : vector<4x224x224xi32>
    %broadcast_in_dim3A_192 = arith.constant 0 : i32
    %broadcast_in_dim3A_193 = vector.broadcast %broadcast_in_dim3A_192 : i32 to vector<4x224x32xi32>
    %slice3A_194 = vector.extract_strided_slice %max3A_188 {offsets = [0, 0, 32], sizes = [4, 224, 192], strides = [1, 1, 1]} : vector<4x224x224xi32> to vector<4x224x192xi32>
    %concatenate3A_195 = tpu.concatenate %slice3A_194, %broadcast_in_dim3A_193 in 2 : vector<4x224x192xi32>, vector<4x224x32xi32> -> vector<4x224x224xi32>
    %jit3A_196 = arith.constant 0 : i32
    %broadcast_in_dim3A_197 = vector.broadcast %jit3A_196 : i32 to vector<4x224x224xi32>
    %select_n3A_198 = arith.select %ne3A_191, %concatenate3A_195, %broadcast_in_dim3A_197 : vector<4x224x224xi1>, vector<4x224x224xi32>
    %max3A_199 = arith.maxsi %max3A_188, %select_n3A_198 : vector<4x224x224xi32>
    %broadcast_in_dim3A_200 = arith.constant 0 : i32
    %broadcast_in_dim3A_201 = vector.broadcast %broadcast_in_dim3A_200 : i32 to vector<4x224x32xi32>
    %slice3A_202 = vector.extract_strided_slice %mul3A_172 {offsets = [0, 0, 0], sizes = [4, 224, 192], strides = [1, 1, 1]} : vector<4x224x224xi32> to vector<4x224x192xi32>
    %concatenate3A_203 = tpu.concatenate %broadcast_in_dim3A_201, %slice3A_202 in 2 : vector<4x224x32xi32>, vector<4x224x192xi32> -> vector<4x224x224xi32>
    %mul3A_204 = arith.muli %mul3A_172, %concatenate3A_203 : vector<4x224x224xi32>
    %broadcast_in_dim3A_205 = arith.constant 0 : i32
    %broadcast_in_dim3A_206 = vector.broadcast %broadcast_in_dim3A_205 : i32 to vector<4x224x32xi32>
    %slice3A_207 = vector.extract_strided_slice %mul3A_177 {offsets = [0, 0, 32], sizes = [4, 224, 192], strides = [1, 1, 1]} : vector<4x224x224xi32> to vector<4x224x192xi32>
    %concatenate3A_208 = tpu.concatenate %slice3A_207, %broadcast_in_dim3A_206 in 2 : vector<4x224x192xi32>, vector<4x224x32xi32> -> vector<4x224x224xi32>
    %mul3A_209 = arith.muli %mul3A_177, %concatenate3A_208 : vector<4x224x224xi32>
    %ne3A_210 = arith.constant 0 : i32
    %ne3A_211 = vector.broadcast %ne3A_210 : i32 to vector<4x224x224xi32>
    %ne3A_212 = arith.cmpi ne, %mul3A_204, %ne3A_211 : vector<4x224x224xi32>
    %broadcast_in_dim3A_213 = arith.constant 0 : i32
    %broadcast_in_dim3A_214 = vector.broadcast %broadcast_in_dim3A_213 : i32 to vector<4x224x64xi32>
    %slice3A_215 = vector.extract_strided_slice %max3A_199 {offsets = [0, 0, 0], sizes = [4, 224, 160], strides = [1, 1, 1]} : vector<4x224x224xi32> to vector<4x224x160xi32>
    %concatenate3A_216 = tpu.concatenate %broadcast_in_dim3A_214, %slice3A_215 in 2 : vector<4x224x64xi32>, vector<4x224x160xi32> -> vector<4x224x224xi32>
    %jit3A_217 = arith.constant 0 : i32
    %broadcast_in_dim3A_218 = vector.broadcast %jit3A_217 : i32 to vector<4x224x224xi32>
    %select_n3A_219 = arith.select %ne3A_212, %concatenate3A_216, %broadcast_in_dim3A_218 : vector<4x224x224xi1>, vector<4x224x224xi32>
    %max3A_220 = arith.maxsi %max3A_199, %select_n3A_219 : vector<4x224x224xi32>
    %ne3A_221 = arith.constant 0 : i32
    %ne3A_222 = vector.broadcast %ne3A_221 : i32 to vector<4x224x224xi32>
    %ne3A_223 = arith.cmpi ne, %mul3A_209, %ne3A_222 : vector<4x224x224xi32>
    %broadcast_in_dim3A_224 = arith.constant 0 : i32
    %broadcast_in_dim3A_225 = vector.broadcast %broadcast_in_dim3A_224 : i32 to vector<4x224x64xi32>
    %slice3A_226 = vector.extract_strided_slice %max3A_220 {offsets = [0, 0, 64], sizes = [4, 224, 160], strides = [1, 1, 1]} : vector<4x224x224xi32> to vector<4x224x160xi32>
    %concatenate3A_227 = tpu.concatenate %slice3A_226, %broadcast_in_dim3A_225 in 2 : vector<4x224x160xi32>, vector<4x224x64xi32> -> vector<4x224x224xi32>
    %jit3A_228 = arith.constant 0 : i32
    %broadcast_in_dim3A_229 = vector.broadcast %jit3A_228 : i32 to vector<4x224x224xi32>
    %select_n3A_230 = arith.select %ne3A_223, %concatenate3A_227, %broadcast_in_dim3A_229 : vector<4x224x224xi1>, vector<4x224x224xi32>
    %max3A_231 = arith.maxsi %max3A_220, %select_n3A_230 : vector<4x224x224xi32>
    %broadcast_in_dim3A_232 = arith.constant 0 : i32
    %broadcast_in_dim3A_233 = vector.broadcast %broadcast_in_dim3A_232 : i32 to vector<4x224x64xi32>
    %slice3A_234 = vector.extract_strided_slice %mul3A_204 {offsets = [0, 0, 0], sizes = [4, 224, 160], strides = [1, 1, 1]} : vector<4x224x224xi32> to vector<4x224x160xi32>
    %concatenate3A_235 = tpu.concatenate %broadcast_in_dim3A_233, %slice3A_234 in 2 : vector<4x224x64xi32>, vector<4x224x160xi32> -> vector<4x224x224xi32>
    %mul3A_236 = arith.muli %mul3A_204, %concatenate3A_235 : vector<4x224x224xi32>
    %broadcast_in_dim3A_237 = arith.constant 0 : i32
    %broadcast_in_dim3A_238 = vector.broadcast %broadcast_in_dim3A_237 : i32 to vector<4x224x64xi32>
    %slice3A_239 = vector.extract_strided_slice %mul3A_209 {offsets = [0, 0, 64], sizes = [4, 224, 160], strides = [1, 1, 1]} : vector<4x224x224xi32> to vector<4x224x160xi32>
    %concatenate3A_240 = tpu.concatenate %slice3A_239, %broadcast_in_dim3A_238 in 2 : vector<4x224x160xi32>, vector<4x224x64xi32> -> vector<4x224x224xi32>
    %mul3A_241 = arith.muli %mul3A_209, %concatenate3A_240 : vector<4x224x224xi32>
    %ne3A_242 = arith.constant 0 : i32
    %ne3A_243 = vector.broadcast %ne3A_242 : i32 to vector<4x224x224xi32>
    %ne3A_244 = arith.cmpi ne, %mul3A_236, %ne3A_243 : vector<4x224x224xi32>
    %broadcast_in_dim3A_245 = arith.constant 0 : i32
    %broadcast_in_dim3A_246 = vector.broadcast %broadcast_in_dim3A_245 : i32 to vector<4x224x128xi32>
    %slice3A_247 = vector.extract_strided_slice %max3A_231 {offsets = [0, 0, 0], sizes = [4, 224, 96], strides = [1, 1, 1]} : vector<4x224x224xi32> to vector<4x224x96xi32>
    %concatenate3A_248 = tpu.concatenate %broadcast_in_dim3A_246, %slice3A_247 in 2 : vector<4x224x128xi32>, vector<4x224x96xi32> -> vector<4x224x224xi32>
    %jit3A_249 = arith.constant 0 : i32
    %broadcast_in_dim3A_250 = vector.broadcast %jit3A_249 : i32 to vector<4x224x224xi32>
    %select_n3A_251 = arith.select %ne3A_244, %concatenate3A_248, %broadcast_in_dim3A_250 : vector<4x224x224xi1>, vector<4x224x224xi32>
    %max3A_252 = arith.maxsi %max3A_231, %select_n3A_251 : vector<4x224x224xi32>
    %ne3A_253 = arith.constant 0 : i32
    %ne3A_254 = vector.broadcast %ne3A_253 : i32 to vector<4x224x224xi32>
    %ne3A_255 = arith.cmpi ne, %mul3A_241, %ne3A_254 : vector<4x224x224xi32>
    %broadcast_in_dim3A_256 = arith.constant 0 : i32
    %broadcast_in_dim3A_257 = vector.broadcast %broadcast_in_dim3A_256 : i32 to vector<4x224x128xi32>
    %slice3A_258 = vector.extract_strided_slice %max3A_252 {offsets = [0, 0, 128], sizes = [4, 224, 96], strides = [1, 1, 1]} : vector<4x224x224xi32> to vector<4x224x96xi32>
    %concatenate3A_259 = tpu.concatenate %slice3A_258, %broadcast_in_dim3A_257 in 2 : vector<4x224x96xi32>, vector<4x224x128xi32> -> vector<4x224x224xi32>
    %jit3A_260 = arith.constant 0 : i32
    %broadcast_in_dim3A_261 = vector.broadcast %jit3A_260 : i32 to vector<4x224x224xi32>
    %select_n3A_262 = arith.select %ne3A_255, %concatenate3A_259, %broadcast_in_dim3A_261 : vector<4x224x224xi1>, vector<4x224x224xi32>
    %max3A_263 = arith.maxsi %max3A_252, %select_n3A_262 : vector<4x224x224xi32>
    %broadcast_in_dim3A_264 = arith.constant 0 : i32
    %broadcast_in_dim3A_265 = vector.broadcast %broadcast_in_dim3A_264 : i32 to vector<4x1x224xi32>
    %slice3A_266 = vector.extract_strided_slice %get3A_2 {offsets = [0, 0, 0], sizes = [4, 223, 224], strides = [1, 1, 1]} : vector<4x224x224xi32> to vector<4x223x224xi32>
    %concatenate3A_267 = tpu.concatenate %broadcast_in_dim3A_265, %slice3A_266 in 1 : vector<4x1x224xi32>, vector<4x223x224xi32> -> vector<4x224x224xi32>
    %mul3A_268 = arith.muli %get3A_2, %concatenate3A_267 : vector<4x224x224xi32>
    %broadcast_in_dim3A_269 = arith.constant 0 : i32
    %broadcast_in_dim3A_270 = vector.broadcast %broadcast_in_dim3A_269 : i32 to vector<4x1x224xi32>
    %slice3A_271 = vector.extract_strided_slice %get3A_2 {offsets = [0, 1, 0], sizes = [4, 223, 224], strides = [1, 1, 1]} : vector<4x224x224xi32> to vector<4x223x224xi32>
    %concatenate3A_272 = tpu.concatenate %slice3A_271, %broadcast_in_dim3A_270 in 1 : vector<4x223x224xi32>, vector<4x1x224xi32> -> vector<4x224x224xi32>
    %mul3A_273 = arith.muli %get3A_2, %concatenate3A_272 : vector<4x224x224xi32>
    %ne3A_274 = arith.constant 0 : i32
    %ne3A_275 = vector.broadcast %ne3A_274 : i32 to vector<4x224x224xi32>
    %ne3A_276 = arith.cmpi ne, %mul3A_268, %ne3A_275 : vector<4x224x224xi32>
    %broadcast_in_dim3A_277 = arith.constant 0 : i32
    %broadcast_in_dim3A_278 = vector.broadcast %broadcast_in_dim3A_277 : i32 to vector<4x1x224xi32>
    %slice3A_279 = vector.extract_strided_slice %max3A_263 {offsets = [0, 0, 0], sizes = [4, 223, 224], strides = [1, 1, 1]} : vector<4x224x224xi32> to vector<4x223x224xi32>
    %concatenate3A_280 = tpu.concatenate %broadcast_in_dim3A_278, %slice3A_279 in 1 : vector<4x1x224xi32>, vector<4x223x224xi32> -> vector<4x224x224xi32>
    %jit3A_281 = arith.constant 0 : i32
    %broadcast_in_dim3A_282 = vector.broadcast %jit3A_281 : i32 to vector<4x224x224xi32>
    %select_n3A_283 = arith.select %ne3A_276, %concatenate3A_280, %broadcast_in_dim3A_282 : vector<4x224x224xi1>, vector<4x224x224xi32>
    %max3A_284 = arith.maxsi %max3A_263, %select_n3A_283 : vector<4x224x224xi32>
    %ne3A_285 = arith.constant 0 : i32
    %ne3A_286 = vector.broadcast %ne3A_285 : i32 to vector<4x224x224xi32>
    %ne3A_287 = arith.cmpi ne, %mul3A_273, %ne3A_286 : vector<4x224x224xi32>
    %broadcast_in_dim3A_288 = arith.constant 0 : i32
    %broadcast_in_dim3A_289 = vector.broadcast %broadcast_in_dim3A_288 : i32 to vector<4x1x224xi32>
    %slice3A_290 = vector.extract_strided_slice %max3A_284 {offsets = [0, 1, 0], sizes = [4, 223, 224], strides = [1, 1, 1]} : vector<4x224x224xi32> to vector<4x223x224xi32>
    %concatenate3A_291 = tpu.concatenate %slice3A_290, %broadcast_in_dim3A_289 in 1 : vector<4x223x224xi32>, vector<4x1x224xi32> -> vector<4x224x224xi32>
    %jit3A_292 = arith.constant 0 : i32
    %broadcast_in_dim3A_293 = vector.broadcast %jit3A_292 : i32 to vector<4x224x224xi32>
    %select_n3A_294 = arith.select %ne3A_287, %concatenate3A_291, %broadcast_in_dim3A_293 : vector<4x224x224xi1>, vector<4x224x224xi32>
    %max3A_295 = arith.maxsi %max3A_284, %select_n3A_294 : vector<4x224x224xi32>
    %broadcast_in_dim3A_296 = arith.constant 0 : i32
    %broadcast_in_dim3A_297 = vector.broadcast %broadcast_in_dim3A_296 : i32 to vector<4x1x224xi32>
    %slice3A_298 = vector.extract_strided_slice %mul3A_268 {offsets = [0, 0, 0], sizes = [4, 223, 224], strides = [1, 1, 1]} : vector<4x224x224xi32> to vector<4x223x224xi32>
    %concatenate3A_299 = tpu.concatenate %broadcast_in_dim3A_297, %slice3A_298 in 1 : vector<4x1x224xi32>, vector<4x223x224xi32> -> vector<4x224x224xi32>
    %mul3A_300 = arith.muli %mul3A_268, %concatenate3A_299 : vector<4x224x224xi32>
    %broadcast_in_dim3A_301 = arith.constant 0 : i32
    %broadcast_in_dim3A_302 = vector.broadcast %broadcast_in_dim3A_301 : i32 to vector<4x1x224xi32>
    %slice3A_303 = vector.extract_strided_slice %mul3A_273 {offsets = [0, 1, 0], sizes = [4, 223, 224], strides = [1, 1, 1]} : vector<4x224x224xi32> to vector<4x223x224xi32>
    %concatenate3A_304 = tpu.concatenate %slice3A_303, %broadcast_in_dim3A_302 in 1 : vector<4x223x224xi32>, vector<4x1x224xi32> -> vector<4x224x224xi32>
    %mul3A_305 = arith.muli %mul3A_273, %concatenate3A_304 : vector<4x224x224xi32>
    %ne3A_306 = arith.constant 0 : i32
    %ne3A_307 = vector.broadcast %ne3A_306 : i32 to vector<4x224x224xi32>
    %ne3A_308 = arith.cmpi ne, %mul3A_300, %ne3A_307 : vector<4x224x224xi32>
    %broadcast_in_dim3A_309 = arith.constant 0 : i32
    %broadcast_in_dim3A_310 = vector.broadcast %broadcast_in_dim3A_309 : i32 to vector<4x2x224xi32>
    %slice3A_311 = vector.extract_strided_slice %max3A_295 {offsets = [0, 0, 0], sizes = [4, 222, 224], strides = [1, 1, 1]} : vector<4x224x224xi32> to vector<4x222x224xi32>
    %concatenate3A_312 = tpu.concatenate %broadcast_in_dim3A_310, %slice3A_311 in 1 : vector<4x2x224xi32>, vector<4x222x224xi32> -> vector<4x224x224xi32>
    %jit3A_313 = arith.constant 0 : i32
    %broadcast_in_dim3A_314 = vector.broadcast %jit3A_313 : i32 to vector<4x224x224xi32>
    %select_n3A_315 = arith.select %ne3A_308, %concatenate3A_312, %broadcast_in_dim3A_314 : vector<4x224x224xi1>, vector<4x224x224xi32>
    %max3A_316 = arith.maxsi %max3A_295, %select_n3A_315 : vector<4x224x224xi32>
    %ne3A_317 = arith.constant 0 : i32
    %ne3A_318 = vector.broadcast %ne3A_317 : i32 to vector<4x224x224xi32>
    %ne3A_319 = arith.cmpi ne, %mul3A_305, %ne3A_318 : vector<4x224x224xi32>
    %broadcast_in_dim3A_320 = arith.constant 0 : i32
    %broadcast_in_dim3A_321 = vector.broadcast %broadcast_in_dim3A_320 : i32 to vector<4x2x224xi32>
    %slice3A_322 = vector.extract_strided_slice %max3A_316 {offsets = [0, 2, 0], sizes = [4, 222, 224], strides = [1, 1, 1]} : vector<4x224x224xi32> to vector<4x222x224xi32>
    %concatenate3A_323 = tpu.concatenate %slice3A_322, %broadcast_in_dim3A_321 in 1 : vector<4x222x224xi32>, vector<4x2x224xi32> -> vector<4x224x224xi32>
    %jit3A_324 = arith.constant 0 : i32
    %broadcast_in_dim3A_325 = vector.broadcast %jit3A_324 : i32 to vector<4x224x224xi32>
    %select_n3A_326 = arith.select %ne3A_319, %concatenate3A_323, %broadcast_in_dim3A_325 : vector<4x224x224xi1>, vector<4x224x224xi32>
    %max3A_327 = arith.maxsi %max3A_316, %select_n3A_326 : vector<4x224x224xi32>
    %broadcast_in_dim3A_328 = arith.constant 0 : i32
    %broadcast_in_dim3A_329 = vector.broadcast %broadcast_in_dim3A_328 : i32 to vector<4x2x224xi32>
    %slice3A_330 = vector.extract_strided_slice %mul3A_300 {offsets = [0, 0, 0], sizes = [4, 222, 224], strides = [1, 1, 1]} : vector<4x224x224xi32> to vector<4x222x224xi32>
    %concatenate3A_331 = tpu.concatenate %broadcast_in_dim3A_329, %slice3A_330 in 1 : vector<4x2x224xi32>, vector<4x222x224xi32> -> vector<4x224x224xi32>
    %mul3A_332 = arith.muli %mul3A_300, %concatenate3A_331 : vector<4x224x224xi32>
    %broadcast_in_dim3A_333 = arith.constant 0 : i32
    %broadcast_in_dim3A_334 = vector.broadcast %broadcast_in_dim3A_333 : i32 to vector<4x2x224xi32>
    %slice3A_335 = vector.extract_strided_slice %mul3A_305 {offsets = [0, 2, 0], sizes = [4, 222, 224], strides = [1, 1, 1]} : vector<4x224x224xi32> to vector<4x222x224xi32>
    %concatenate3A_336 = tpu.concatenate %slice3A_335, %broadcast_in_dim3A_334 in 1 : vector<4x222x224xi32>, vector<4x2x224xi32> -> vector<4x224x224xi32>
    %mul3A_337 = arith.muli %mul3A_305, %concatenate3A_336 : vector<4x224x224xi32>
    %ne3A_338 = arith.constant 0 : i32
    %ne3A_339 = vector.broadcast %ne3A_338 : i32 to vector<4x224x224xi32>
    %ne3A_340 = arith.cmpi ne, %mul3A_332, %ne3A_339 : vector<4x224x224xi32>
    %broadcast_in_dim3A_341 = arith.constant 0 : i32
    %broadcast_in_dim3A_342 = vector.broadcast %broadcast_in_dim3A_341 : i32 to vector<4x4x224xi32>
    %slice3A_343 = vector.extract_strided_slice %max3A_327 {offsets = [0, 0, 0], sizes = [4, 220, 224], strides = [1, 1, 1]} : vector<4x224x224xi32> to vector<4x220x224xi32>
    %concatenate3A_344 = tpu.concatenate %broadcast_in_dim3A_342, %slice3A_343 in 1 : vector<4x4x224xi32>, vector<4x220x224xi32> -> vector<4x224x224xi32>
    %jit3A_345 = arith.constant 0 : i32
    %broadcast_in_dim3A_346 = vector.broadcast %jit3A_345 : i32 to vector<4x224x224xi32>
    %select_n3A_347 = arith.select %ne3A_340, %concatenate3A_344, %broadcast_in_dim3A_346 : vector<4x224x224xi1>, vector<4x224x224xi32>
    %max3A_348 = arith.maxsi %max3A_327, %select_n3A_347 : vector<4x224x224xi32>
    %ne3A_349 = arith.constant 0 : i32
    %ne3A_350 = vector.broadcast %ne3A_349 : i32 to vector<4x224x224xi32>
    %ne3A_351 = arith.cmpi ne, %mul3A_337, %ne3A_350 : vector<4x224x224xi32>
    %broadcast_in_dim3A_352 = arith.constant 0 : i32
    %broadcast_in_dim3A_353 = vector.broadcast %broadcast_in_dim3A_352 : i32 to vector<4x4x224xi32>
    %slice3A_354 = vector.extract_strided_slice %max3A_348 {offsets = [0, 4, 0], sizes = [4, 220, 224], strides = [1, 1, 1]} : vector<4x224x224xi32> to vector<4x220x224xi32>
    %concatenate3A_355 = tpu.concatenate %slice3A_354, %broadcast_in_dim3A_353 in 1 : vector<4x220x224xi32>, vector<4x4x224xi32> -> vector<4x224x224xi32>
    %jit3A_356 = arith.constant 0 : i32
    %broadcast_in_dim3A_357 = vector.broadcast %jit3A_356 : i32 to vector<4x224x224xi32>
    %select_n3A_358 = arith.select %ne3A_351, %concatenate3A_355, %broadcast_in_dim3A_357 : vector<4x224x224xi1>, vector<4x224x224xi32>
    %max3A_359 = arith.maxsi %max3A_348, %select_n3A_358 : vector<4x224x224xi32>
    %broadcast_in_dim3A_360 = arith.constant 0 : i32
    %broadcast_in_dim3A_361 = vector.broadcast %broadcast_in_dim3A_360 : i32 to vector<4x4x224xi32>
    %slice3A_362 = vector.extract_strided_slice %mul3A_332 {offsets = [0, 0, 0], sizes = [4, 220, 224], strides = [1, 1, 1]} : vector<4x224x224xi32> to vector<4x220x224xi32>
    %concatenate3A_363 = tpu.concatenate %broadcast_in_dim3A_361, %slice3A_362 in 1 : vector<4x4x224xi32>, vector<4x220x224xi32> -> vector<4x224x224xi32>
    %mul3A_364 = arith.muli %mul3A_332, %concatenate3A_363 : vector<4x224x224xi32>
    %broadcast_in_dim3A_365 = arith.constant 0 : i32
    %broadcast_in_dim3A_366 = vector.broadcast %broadcast_in_dim3A_365 : i32 to vector<4x4x224xi32>
    %slice3A_367 = vector.extract_strided_slice %mul3A_337 {offsets = [0, 4, 0], sizes = [4, 220, 224], strides = [1, 1, 1]} : vector<4x224x224xi32> to vector<4x220x224xi32>
    %concatenate3A_368 = tpu.concatenate %slice3A_367, %broadcast_in_dim3A_366 in 1 : vector<4x220x224xi32>, vector<4x4x224xi32> -> vector<4x224x224xi32>
    %mul3A_369 = arith.muli %mul3A_337, %concatenate3A_368 : vector<4x224x224xi32>
    %ne3A_370 = arith.constant 0 : i32
    %ne3A_371 = vector.broadcast %ne3A_370 : i32 to vector<4x224x224xi32>
    %ne3A_372 = arith.cmpi ne, %mul3A_364, %ne3A_371 : vector<4x224x224xi32>
    %broadcast_in_dim3A_373 = arith.constant 0 : i32
    %broadcast_in_dim3A_374 = vector.broadcast %broadcast_in_dim3A_373 : i32 to vector<4x8x224xi32>
    %slice3A_375 = vector.extract_strided_slice %max3A_359 {offsets = [0, 0, 0], sizes = [4, 216, 224], strides = [1, 1, 1]} : vector<4x224x224xi32> to vector<4x216x224xi32>
    %concatenate3A_376 = tpu.concatenate %broadcast_in_dim3A_374, %slice3A_375 in 1 : vector<4x8x224xi32>, vector<4x216x224xi32> -> vector<4x224x224xi32>
    %jit3A_377 = arith.constant 0 : i32
    %broadcast_in_dim3A_378 = vector.broadcast %jit3A_377 : i32 to vector<4x224x224xi32>
    %select_n3A_379 = arith.select %ne3A_372, %concatenate3A_376, %broadcast_in_dim3A_378 : vector<4x224x224xi1>, vector<4x224x224xi32>
    %max3A_380 = arith.maxsi %max3A_359, %select_n3A_379 : vector<4x224x224xi32>
    %ne3A_381 = arith.constant 0 : i32
    %ne3A_382 = vector.broadcast %ne3A_381 : i32 to vector<4x224x224xi32>
    %ne3A_383 = arith.cmpi ne, %mul3A_369, %ne3A_382 : vector<4x224x224xi32>
    %broadcast_in_dim3A_384 = arith.constant 0 : i32
    %broadcast_in_dim3A_385 = vector.broadcast %broadcast_in_dim3A_384 : i32 to vector<4x8x224xi32>
    %slice3A_386 = vector.extract_strided_slice %max3A_380 {offsets = [0, 8, 0], sizes = [4, 216, 224], strides = [1, 1, 1]} : vector<4x224x224xi32> to vector<4x216x224xi32>
    %concatenate3A_387 = tpu.concatenate %slice3A_386, %broadcast_in_dim3A_385 in 1 : vector<4x216x224xi32>, vector<4x8x224xi32> -> vector<4x224x224xi32>
    %jit3A_388 = arith.constant 0 : i32
    %broadcast_in_dim3A_389 = vector.broadcast %jit3A_388 : i32 to vector<4x224x224xi32>
    %select_n3A_390 = arith.select %ne3A_383, %concatenate3A_387, %broadcast_in_dim3A_389 : vector<4x224x224xi1>, vector<4x224x224xi32>
    %max3A_391 = arith.maxsi %max3A_380, %select_n3A_390 : vector<4x224x224xi32>
    %broadcast_in_dim3A_392 = arith.constant 0 : i32
    %broadcast_in_dim3A_393 = vector.broadcast %broadcast_in_dim3A_392 : i32 to vector<4x8x224xi32>
    %slice3A_394 = vector.extract_strided_slice %mul3A_364 {offsets = [0, 0, 0], sizes = [4, 216, 224], strides = [1, 1, 1]} : vector<4x224x224xi32> to vector<4x216x224xi32>
    %concatenate3A_395 = tpu.concatenate %broadcast_in_dim3A_393, %slice3A_394 in 1 : vector<4x8x224xi32>, vector<4x216x224xi32> -> vector<4x224x224xi32>
    %mul3A_396 = arith.muli %mul3A_364, %concatenate3A_395 : vector<4x224x224xi32>
    %broadcast_in_dim3A_397 = arith.constant 0 : i32
    %broadcast_in_dim3A_398 = vector.broadcast %broadcast_in_dim3A_397 : i32 to vector<4x8x224xi32>
    %slice3A_399 = vector.extract_strided_slice %mul3A_369 {offsets = [0, 8, 0], sizes = [4, 216, 224], strides = [1, 1, 1]} : vector<4x224x224xi32> to vector<4x216x224xi32>
    %concatenate3A_400 = tpu.concatenate %slice3A_399, %broadcast_in_dim3A_398 in 1 : vector<4x216x224xi32>, vector<4x8x224xi32> -> vector<4x224x224xi32>
    %mul3A_401 = arith.muli %mul3A_369, %concatenate3A_400 : vector<4x224x224xi32>
    %ne3A_402 = arith.constant 0 : i32
    %ne3A_403 = vector.broadcast %ne3A_402 : i32 to vector<4x224x224xi32>
    %ne3A_404 = arith.cmpi ne, %mul3A_396, %ne3A_403 : vector<4x224x224xi32>
    %broadcast_in_dim3A_405 = arith.constant 0 : i32
    %broadcast_in_dim3A_406 = vector.broadcast %broadcast_in_dim3A_405 : i32 to vector<4x16x224xi32>
    %slice3A_407 = vector.extract_strided_slice %max3A_391 {offsets = [0, 0, 0], sizes = [4, 208, 224], strides = [1, 1, 1]} : vector<4x224x224xi32> to vector<4x208x224xi32>
    %concatenate3A_408 = tpu.concatenate %broadcast_in_dim3A_406, %slice3A_407 in 1 : vector<4x16x224xi32>, vector<4x208x224xi32> -> vector<4x224x224xi32>
    %jit3A_409 = arith.constant 0 : i32
    %broadcast_in_dim3A_410 = vector.broadcast %jit3A_409 : i32 to vector<4x224x224xi32>
    %select_n3A_411 = arith.select %ne3A_404, %concatenate3A_408, %broadcast_in_dim3A_410 : vector<4x224x224xi1>, vector<4x224x224xi32>
    %max3A_412 = arith.maxsi %max3A_391, %select_n3A_411 : vector<4x224x224xi32>
    %ne3A_413 = arith.constant 0 : i32
    %ne3A_414 = vector.broadcast %ne3A_413 : i32 to vector<4x224x224xi32>
    %ne3A_415 = arith.cmpi ne, %mul3A_401, %ne3A_414 : vector<4x224x224xi32>
    %broadcast_in_dim3A_416 = arith.constant 0 : i32
    %broadcast_in_dim3A_417 = vector.broadcast %broadcast_in_dim3A_416 : i32 to vector<4x16x224xi32>
    %slice3A_418 = vector.extract_strided_slice %max3A_412 {offsets = [0, 16, 0], sizes = [4, 208, 224], strides = [1, 1, 1]} : vector<4x224x224xi32> to vector<4x208x224xi32>
    %concatenate3A_419 = tpu.concatenate %slice3A_418, %broadcast_in_dim3A_417 in 1 : vector<4x208x224xi32>, vector<4x16x224xi32> -> vector<4x224x224xi32>
    %jit3A_420 = arith.constant 0 : i32
    %broadcast_in_dim3A_421 = vector.broadcast %jit3A_420 : i32 to vector<4x224x224xi32>
    %select_n3A_422 = arith.select %ne3A_415, %concatenate3A_419, %broadcast_in_dim3A_421 : vector<4x224x224xi1>, vector<4x224x224xi32>
    %max3A_423 = arith.maxsi %max3A_412, %select_n3A_422 : vector<4x224x224xi32>
    %broadcast_in_dim3A_424 = arith.constant 0 : i32
    %broadcast_in_dim3A_425 = vector.broadcast %broadcast_in_dim3A_424 : i32 to vector<4x16x224xi32>
    %slice3A_426 = vector.extract_strided_slice %mul3A_396 {offsets = [0, 0, 0], sizes = [4, 208, 224], strides = [1, 1, 1]} : vector<4x224x224xi32> to vector<4x208x224xi32>
    %concatenate3A_427 = tpu.concatenate %broadcast_in_dim3A_425, %slice3A_426 in 1 : vector<4x16x224xi32>, vector<4x208x224xi32> -> vector<4x224x224xi32>
    %mul3A_428 = arith.muli %mul3A_396, %concatenate3A_427 : vector<4x224x224xi32>
    %broadcast_in_dim3A_429 = arith.constant 0 : i32
    %broadcast_in_dim3A_430 = vector.broadcast %broadcast_in_dim3A_429 : i32 to vector<4x16x224xi32>
    %slice3A_431 = vector.extract_strided_slice %mul3A_401 {offsets = [0, 16, 0], sizes = [4, 208, 224], strides = [1, 1, 1]} : vector<4x224x224xi32> to vector<4x208x224xi32>
    %concatenate3A_432 = tpu.concatenate %slice3A_431, %broadcast_in_dim3A_430 in 1 : vector<4x208x224xi32>, vector<4x16x224xi32> -> vector<4x224x224xi32>
    %mul3A_433 = arith.muli %mul3A_401, %concatenate3A_432 : vector<4x224x224xi32>
    %ne3A_434 = arith.constant 0 : i32
    %ne3A_435 = vector.broadcast %ne3A_434 : i32 to vector<4x224x224xi32>
    %ne3A_436 = arith.cmpi ne, %mul3A_428, %ne3A_435 : vector<4x224x224xi32>
    %broadcast_in_dim3A_437 = arith.constant 0 : i32
    %broadcast_in_dim3A_438 = vector.broadcast %broadcast_in_dim3A_437 : i32 to vector<4x32x224xi32>
    %slice3A_439 = vector.extract_strided_slice %max3A_423 {offsets = [0, 0, 0], sizes = [4, 192, 224], strides = [1, 1, 1]} : vector<4x224x224xi32> to vector<4x192x224xi32>
    %concatenate3A_440 = tpu.concatenate %broadcast_in_dim3A_438, %slice3A_439 in 1 : vector<4x32x224xi32>, vector<4x192x224xi32> -> vector<4x224x224xi32>
    %jit3A_441 = arith.constant 0 : i32
    %broadcast_in_dim3A_442 = vector.broadcast %jit3A_441 : i32 to vector<4x224x224xi32>
    %select_n3A_443 = arith.select %ne3A_436, %concatenate3A_440, %broadcast_in_dim3A_442 : vector<4x224x224xi1>, vector<4x224x224xi32>
    %max3A_444 = arith.maxsi %max3A_423, %select_n3A_443 : vector<4x224x224xi32>
    %ne3A_445 = arith.constant 0 : i32
    %ne3A_446 = vector.broadcast %ne3A_445 : i32 to vector<4x224x224xi32>
    %ne3A_447 = arith.cmpi ne, %mul3A_433, %ne3A_446 : vector<4x224x224xi32>
    %broadcast_in_dim3A_448 = arith.constant 0 : i32
    %broadcast_in_dim3A_449 = vector.broadcast %broadcast_in_dim3A_448 : i32 to vector<4x32x224xi32>
    %slice3A_450 = vector.extract_strided_slice %max3A_444 {offsets = [0, 32, 0], sizes = [4, 192, 224], strides = [1, 1, 1]} : vector<4x224x224xi32> to vector<4x192x224xi32>
    %concatenate3A_451 = tpu.concatenate %slice3A_450, %broadcast_in_dim3A_449 in 1 : vector<4x192x224xi32>, vector<4x32x224xi32> -> vector<4x224x224xi32>
    %jit3A_452 = arith.constant 0 : i32
    %broadcast_in_dim3A_453 = vector.broadcast %jit3A_452 : i32 to vector<4x224x224xi32>
    %select_n3A_454 = arith.select %ne3A_447, %concatenate3A_451, %broadcast_in_dim3A_453 : vector<4x224x224xi1>, vector<4x224x224xi32>
    %max3A_455 = arith.maxsi %max3A_444, %select_n3A_454 : vector<4x224x224xi32>
    %broadcast_in_dim3A_456 = arith.constant 0 : i32
    %broadcast_in_dim3A_457 = vector.broadcast %broadcast_in_dim3A_456 : i32 to vector<4x32x224xi32>
    %slice3A_458 = vector.extract_strided_slice %mul3A_428 {offsets = [0, 0, 0], sizes = [4, 192, 224], strides = [1, 1, 1]} : vector<4x224x224xi32> to vector<4x192x224xi32>
    %concatenate3A_459 = tpu.concatenate %broadcast_in_dim3A_457, %slice3A_458 in 1 : vector<4x32x224xi32>, vector<4x192x224xi32> -> vector<4x224x224xi32>
    %mul3A_460 = arith.muli %mul3A_428, %concatenate3A_459 : vector<4x224x224xi32>
    %broadcast_in_dim3A_461 = arith.constant 0 : i32
    %broadcast_in_dim3A_462 = vector.broadcast %broadcast_in_dim3A_461 : i32 to vector<4x32x224xi32>
    %slice3A_463 = vector.extract_strided_slice %mul3A_433 {offsets = [0, 32, 0], sizes = [4, 192, 224], strides = [1, 1, 1]} : vector<4x224x224xi32> to vector<4x192x224xi32>
    %concatenate3A_464 = tpu.concatenate %slice3A_463, %broadcast_in_dim3A_462 in 1 : vector<4x192x224xi32>, vector<4x32x224xi32> -> vector<4x224x224xi32>
    %mul3A_465 = arith.muli %mul3A_433, %concatenate3A_464 : vector<4x224x224xi32>
    %ne3A_466 = arith.constant 0 : i32
    %ne3A_467 = vector.broadcast %ne3A_466 : i32 to vector<4x224x224xi32>
    %ne3A_468 = arith.cmpi ne, %mul3A_460, %ne3A_467 : vector<4x224x224xi32>
    %broadcast_in_dim3A_469 = arith.constant 0 : i32
    %broadcast_in_dim3A_470 = vector.broadcast %broadcast_in_dim3A_469 : i32 to vector<4x64x224xi32>
    %slice3A_471 = vector.extract_strided_slice %max3A_455 {offsets = [0, 0, 0], sizes = [4, 160, 224], strides = [1, 1, 1]} : vector<4x224x224xi32> to vector<4x160x224xi32>
    %concatenate3A_472 = tpu.concatenate %broadcast_in_dim3A_470, %slice3A_471 in 1 : vector<4x64x224xi32>, vector<4x160x224xi32> -> vector<4x224x224xi32>
    %jit3A_473 = arith.constant 0 : i32
    %broadcast_in_dim3A_474 = vector.broadcast %jit3A_473 : i32 to vector<4x224x224xi32>
    %select_n3A_475 = arith.select %ne3A_468, %concatenate3A_472, %broadcast_in_dim3A_474 : vector<4x224x224xi1>, vector<4x224x224xi32>
    %max3A_476 = arith.maxsi %max3A_455, %select_n3A_475 : vector<4x224x224xi32>
    %ne3A_477 = arith.constant 0 : i32
    %ne3A_478 = vector.broadcast %ne3A_477 : i32 to vector<4x224x224xi32>
    %ne3A_479 = arith.cmpi ne, %mul3A_465, %ne3A_478 : vector<4x224x224xi32>
    %broadcast_in_dim3A_480 = arith.constant 0 : i32
    %broadcast_in_dim3A_481 = vector.broadcast %broadcast_in_dim3A_480 : i32 to vector<4x64x224xi32>
    %slice3A_482 = vector.extract_strided_slice %max3A_476 {offsets = [0, 64, 0], sizes = [4, 160, 224], strides = [1, 1, 1]} : vector<4x224x224xi32> to vector<4x160x224xi32>
    %concatenate3A_483 = tpu.concatenate %slice3A_482, %broadcast_in_dim3A_481 in 1 : vector<4x160x224xi32>, vector<4x64x224xi32> -> vector<4x224x224xi32>
    %jit3A_484 = arith.constant 0 : i32
    %broadcast_in_dim3A_485 = vector.broadcast %jit3A_484 : i32 to vector<4x224x224xi32>
    %select_n3A_486 = arith.select %ne3A_479, %concatenate3A_483, %broadcast_in_dim3A_485 : vector<4x224x224xi1>, vector<4x224x224xi32>
    %max3A_487 = arith.maxsi %max3A_476, %select_n3A_486 : vector<4x224x224xi32>
    %broadcast_in_dim3A_488 = arith.constant 0 : i32
    %broadcast_in_dim3A_489 = vector.broadcast %broadcast_in_dim3A_488 : i32 to vector<4x64x224xi32>
    %slice3A_490 = vector.extract_strided_slice %mul3A_460 {offsets = [0, 0, 0], sizes = [4, 160, 224], strides = [1, 1, 1]} : vector<4x224x224xi32> to vector<4x160x224xi32>
    %concatenate3A_491 = tpu.concatenate %broadcast_in_dim3A_489, %slice3A_490 in 1 : vector<4x64x224xi32>, vector<4x160x224xi32> -> vector<4x224x224xi32>
    %mul3A_492 = arith.muli %mul3A_460, %concatenate3A_491 : vector<4x224x224xi32>
    %broadcast_in_dim3A_493 = arith.constant 0 : i32
    %broadcast_in_dim3A_494 = vector.broadcast %broadcast_in_dim3A_493 : i32 to vector<4x64x224xi32>
    %slice3A_495 = vector.extract_strided_slice %mul3A_465 {offsets = [0, 64, 0], sizes = [4, 160, 224], strides = [1, 1, 1]} : vector<4x224x224xi32> to vector<4x160x224xi32>
    %concatenate3A_496 = tpu.concatenate %slice3A_495, %broadcast_in_dim3A_494 in 1 : vector<4x160x224xi32>, vector<4x64x224xi32> -> vector<4x224x224xi32>
    %mul3A_497 = arith.muli %mul3A_465, %concatenate3A_496 : vector<4x224x224xi32>
    %ne3A_498 = arith.constant 0 : i32
    %ne3A_499 = vector.broadcast %ne3A_498 : i32 to vector<4x224x224xi32>
    %ne3A_500 = arith.cmpi ne, %mul3A_492, %ne3A_499 : vector<4x224x224xi32>
    %broadcast_in_dim3A_501 = arith.constant 0 : i32
    %broadcast_in_dim3A_502 = vector.broadcast %broadcast_in_dim3A_501 : i32 to vector<4x128x224xi32>
    %slice3A_503 = vector.extract_strided_slice %max3A_487 {offsets = [0, 0, 0], sizes = [4, 96, 224], strides = [1, 1, 1]} : vector<4x224x224xi32> to vector<4x96x224xi32>
    %concatenate3A_504 = tpu.concatenate %broadcast_in_dim3A_502, %slice3A_503 in 1 : vector<4x128x224xi32>, vector<4x96x224xi32> -> vector<4x224x224xi32>
    %jit3A_505 = arith.constant 0 : i32
    %broadcast_in_dim3A_506 = vector.broadcast %jit3A_505 : i32 to vector<4x224x224xi32>
    %select_n3A_507 = arith.select %ne3A_500, %concatenate3A_504, %broadcast_in_dim3A_506 : vector<4x224x224xi1>, vector<4x224x224xi32>
    %max3A_508 = arith.maxsi %max3A_487, %select_n3A_507 : vector<4x224x224xi32>
    %ne3A_509 = arith.constant 0 : i32
    %ne3A_510 = vector.broadcast %ne3A_509 : i32 to vector<4x224x224xi32>
    %ne3A_511 = arith.cmpi ne, %mul3A_497, %ne3A_510 : vector<4x224x224xi32>
    %broadcast_in_dim3A_512 = arith.constant 0 : i32
    %broadcast_in_dim3A_513 = vector.broadcast %broadcast_in_dim3A_512 : i32 to vector<4x128x224xi32>
    %slice3A_514 = vector.extract_strided_slice %max3A_508 {offsets = [0, 128, 0], sizes = [4, 96, 224], strides = [1, 1, 1]} : vector<4x224x224xi32> to vector<4x96x224xi32>
    %concatenate3A_515 = tpu.concatenate %slice3A_514, %broadcast_in_dim3A_513 in 1 : vector<4x96x224xi32>, vector<4x128x224xi32> -> vector<4x224x224xi32>
    %jit3A_516 = arith.constant 0 : i32
    %broadcast_in_dim3A_517 = vector.broadcast %jit3A_516 : i32 to vector<4x224x224xi32>
    %select_n3A_518 = arith.select %ne3A_511, %concatenate3A_515, %broadcast_in_dim3A_517 : vector<4x224x224xi1>, vector<4x224x224xi32>
    %max3A_519 = arith.maxsi %max3A_508, %select_n3A_518 : vector<4x224x224xi32>
    %while3A:2 = scf.while (%while3A_1156 = %select_n3A, %while3A_1157 = %max3A_519) : (vector<4x224x224xi32>, vector<4x224x224xi32>) -> (vector<4x224x224xi32>, vector<4x224x224xi32>) {
      %ne3A_1158 = arith.cmpi ne, %while3A_1156, %while3A_1157 : vector<4x224x224xi32>
      %reduce_or3A_1159 = arith.constant 1.000000e+00 : f32
      %reduce_or3A_1160 = arith.constant 0.000000e+00 : f32
      %reduce_or3A_1161 = vector.broadcast %reduce_or3A_1159 : f32 to vector<4x224x224xf32>
      %reduce_or3A_1162 = vector.broadcast %reduce_or3A_1160 : f32 to vector<4x224x224xf32>
      %reduce_or3A_1163 = arith.select %ne3A_1158, %reduce_or3A_1161, %reduce_or3A_1162 : vector<4x224x224xi1>, vector<4x224x224xf32>
      %reduce_or3A_1164 = vector.shape_cast %reduce_or3A_1163 : vector<4x224x224xf32> to vector<1x4x224x224xf32>
      %reduce_or3A_1165 = arith.constant dense<0xFF800000> : vector<1xf32>
      %reduce_or3A_1166 = vector.multi_reduction <maximumf>, %reduce_or3A_1164, %reduce_or3A_1165 [1, 2, 3] : vector<1x4x224x224xf32> to vector<1xf32>
      %reduce_or3A_1167 = vector.shape_cast %reduce_or3A_1166 : vector<1xf32> to vector<1x1x1x1xf32>
      %reduce_or3A_1168 = vector.extract %reduce_or3A_1167[0, 0, 0, 0] : f32 from vector<1x1x1x1xf32>
      %reduce_or3A_1169 = arith.constant 0.000000e+00 : f32
      %reduce_or3A_1170 = arith.cmpf ogt, %reduce_or3A_1168, %reduce_or3A_1169 : f32
      scf.condition(%reduce_or3A_1170) %while3A_1156, %while3A_1157 : vector<4x224x224xi32>, vector<4x224x224xi32>
    } do {
    ^bb0(%while3A_1156: vector<4x224x224xi32>, %while3A_1157: vector<4x224x224xi32>):
      %broadcast_in_dim3A_1158 = arith.constant 0 : i32
      %broadcast_in_dim3A_1159 = vector.broadcast %broadcast_in_dim3A_1158 : i32 to vector<4x224x1xi32>
      %slice3A_1160 = vector.extract_strided_slice %get3A_2 {offsets = [0, 0, 0], sizes = [4, 224, 223], strides = [1, 1, 1]} : vector<4x224x224xi32> to vector<4x224x223xi32>
      %concatenate3A_1161 = tpu.concatenate %broadcast_in_dim3A_1159, %slice3A_1160 in 2 : vector<4x224x1xi32>, vector<4x224x223xi32> -> vector<4x224x224xi32>
      %mul3A_1162 = arith.muli %get3A_2, %concatenate3A_1161 : vector<4x224x224xi32>
      %broadcast_in_dim3A_1163 = arith.constant 0 : i32
      %broadcast_in_dim3A_1164 = vector.broadcast %broadcast_in_dim3A_1163 : i32 to vector<4x224x1xi32>
      %slice3A_1165 = vector.extract_strided_slice %get3A_2 {offsets = [0, 0, 1], sizes = [4, 224, 223], strides = [1, 1, 1]} : vector<4x224x224xi32> to vector<4x224x223xi32>
      %concatenate3A_1166 = tpu.concatenate %slice3A_1165, %broadcast_in_dim3A_1164 in 2 : vector<4x224x223xi32>, vector<4x224x1xi32> -> vector<4x224x224xi32>
      %mul3A_1167 = arith.muli %get3A_2, %concatenate3A_1166 : vector<4x224x224xi32>
      %ne3A_1168 = arith.constant 0 : i32
      %ne3A_1169 = vector.broadcast %ne3A_1168 : i32 to vector<4x224x224xi32>
      %ne3A_1170 = arith.cmpi ne, %mul3A_1162, %ne3A_1169 : vector<4x224x224xi32>
      %broadcast_in_dim3A_1171 = arith.constant 0 : i32
      %broadcast_in_dim3A_1172 = vector.broadcast %broadcast_in_dim3A_1171 : i32 to vector<4x224x1xi32>
      %slice3A_1173 = vector.extract_strided_slice %while3A_1157 {offsets = [0, 0, 0], sizes = [4, 224, 223], strides = [1, 1, 1]} : vector<4x224x224xi32> to vector<4x224x223xi32>
      %concatenate3A_1174 = tpu.concatenate %broadcast_in_dim3A_1172, %slice3A_1173 in 2 : vector<4x224x1xi32>, vector<4x224x223xi32> -> vector<4x224x224xi32>
      %jit3A_1175 = arith.constant 0 : i32
      %broadcast_in_dim3A_1176 = vector.broadcast %jit3A_1175 : i32 to vector<4x224x224xi32>
      %select_n3A_1177 = arith.select %ne3A_1170, %concatenate3A_1174, %broadcast_in_dim3A_1176 : vector<4x224x224xi1>, vector<4x224x224xi32>
      %max3A_1178 = arith.maxsi %while3A_1157, %select_n3A_1177 : vector<4x224x224xi32>
      %ne3A_1179 = arith.constant 0 : i32
      %ne3A_1180 = vector.broadcast %ne3A_1179 : i32 to vector<4x224x224xi32>
      %ne3A_1181 = arith.cmpi ne, %mul3A_1167, %ne3A_1180 : vector<4x224x224xi32>
      %broadcast_in_dim3A_1182 = arith.constant 0 : i32
      %broadcast_in_dim3A_1183 = vector.broadcast %broadcast_in_dim3A_1182 : i32 to vector<4x224x1xi32>
      %slice3A_1184 = vector.extract_strided_slice %max3A_1178 {offsets = [0, 0, 1], sizes = [4, 224, 223], strides = [1, 1, 1]} : vector<4x224x224xi32> to vector<4x224x223xi32>
      %concatenate3A_1185 = tpu.concatenate %slice3A_1184, %broadcast_in_dim3A_1183 in 2 : vector<4x224x223xi32>, vector<4x224x1xi32> -> vector<4x224x224xi32>
      %jit3A_1186 = arith.constant 0 : i32
      %broadcast_in_dim3A_1187 = vector.broadcast %jit3A_1186 : i32 to vector<4x224x224xi32>
      %select_n3A_1188 = arith.select %ne3A_1181, %concatenate3A_1185, %broadcast_in_dim3A_1187 : vector<4x224x224xi1>, vector<4x224x224xi32>
      %max3A_1189 = arith.maxsi %max3A_1178, %select_n3A_1188 : vector<4x224x224xi32>
      %broadcast_in_dim3A_1190 = arith.constant 0 : i32
      %broadcast_in_dim3A_1191 = vector.broadcast %broadcast_in_dim3A_1190 : i32 to vector<4x224x1xi32>
      %slice3A_1192 = vector.extract_strided_slice %mul3A_1162 {offsets = [0, 0, 0], sizes = [4, 224, 223], strides = [1, 1, 1]} : vector<4x224x224xi32> to vector<4x224x223xi32>
      %concatenate3A_1193 = tpu.concatenate %broadcast_in_dim3A_1191, %slice3A_1192 in 2 : vector<4x224x1xi32>, vector<4x224x223xi32> -> vector<4x224x224xi32>
      %mul3A_1194 = arith.muli %mul3A_1162, %concatenate3A_1193 : vector<4x224x224xi32>
      %broadcast_in_dim3A_1195 = arith.constant 0 : i32
      %broadcast_in_dim3A_1196 = vector.broadcast %broadcast_in_dim3A_1195 : i32 to vector<4x224x1xi32>
      %slice3A_1197 = vector.extract_strided_slice %mul3A_1167 {offsets = [0, 0, 1], sizes = [4, 224, 223], strides = [1, 1, 1]} : vector<4x224x224xi32> to vector<4x224x223xi32>
      %concatenate3A_1198 = tpu.concatenate %slice3A_1197, %broadcast_in_dim3A_1196 in 2 : vector<4x224x223xi32>, vector<4x224x1xi32> -> vector<4x224x224xi32>
      %mul3A_1199 = arith.muli %mul3A_1167, %concatenate3A_1198 : vector<4x224x224xi32>
      %ne3A_1200 = arith.constant 0 : i32
      %ne3A_1201 = vector.broadcast %ne3A_1200 : i32 to vector<4x224x224xi32>
      %ne3A_1202 = arith.cmpi ne, %mul3A_1194, %ne3A_1201 : vector<4x224x224xi32>
      %broadcast_in_dim3A_1203 = arith.constant 0 : i32
      %broadcast_in_dim3A_1204 = vector.broadcast %broadcast_in_dim3A_1203 : i32 to vector<4x224x2xi32>
      %slice3A_1205 = vector.extract_strided_slice %max3A_1189 {offsets = [0, 0, 0], sizes = [4, 224, 222], strides = [1, 1, 1]} : vector<4x224x224xi32> to vector<4x224x222xi32>
      %concatenate3A_1206 = tpu.concatenate %broadcast_in_dim3A_1204, %slice3A_1205 in 2 : vector<4x224x2xi32>, vector<4x224x222xi32> -> vector<4x224x224xi32>
      %jit3A_1207 = arith.constant 0 : i32
      %broadcast_in_dim3A_1208 = vector.broadcast %jit3A_1207 : i32 to vector<4x224x224xi32>
      %select_n3A_1209 = arith.select %ne3A_1202, %concatenate3A_1206, %broadcast_in_dim3A_1208 : vector<4x224x224xi1>, vector<4x224x224xi32>
      %max3A_1210 = arith.maxsi %max3A_1189, %select_n3A_1209 : vector<4x224x224xi32>
      %ne3A_1211 = arith.constant 0 : i32
      %ne3A_1212 = vector.broadcast %ne3A_1211 : i32 to vector<4x224x224xi32>
      %ne3A_1213 = arith.cmpi ne, %mul3A_1199, %ne3A_1212 : vector<4x224x224xi32>
      %broadcast_in_dim3A_1214 = arith.constant 0 : i32
      %broadcast_in_dim3A_1215 = vector.broadcast %broadcast_in_dim3A_1214 : i32 to vector<4x224x2xi32>
      %slice3A_1216 = vector.extract_strided_slice %max3A_1210 {offsets = [0, 0, 2], sizes = [4, 224, 222], strides = [1, 1, 1]} : vector<4x224x224xi32> to vector<4x224x222xi32>
      %concatenate3A_1217 = tpu.concatenate %slice3A_1216, %broadcast_in_dim3A_1215 in 2 : vector<4x224x222xi32>, vector<4x224x2xi32> -> vector<4x224x224xi32>
      %jit3A_1218 = arith.constant 0 : i32
      %broadcast_in_dim3A_1219 = vector.broadcast %jit3A_1218 : i32 to vector<4x224x224xi32>
      %select_n3A_1220 = arith.select %ne3A_1213, %concatenate3A_1217, %broadcast_in_dim3A_1219 : vector<4x224x224xi1>, vector<4x224x224xi32>
      %max3A_1221 = arith.maxsi %max3A_1210, %select_n3A_1220 : vector<4x224x224xi32>
      %broadcast_in_dim3A_1222 = arith.constant 0 : i32
      %broadcast_in_dim3A_1223 = vector.broadcast %broadcast_in_dim3A_1222 : i32 to vector<4x224x2xi32>
      %slice3A_1224 = vector.extract_strided_slice %mul3A_1194 {offsets = [0, 0, 0], sizes = [4, 224, 222], strides = [1, 1, 1]} : vector<4x224x224xi32> to vector<4x224x222xi32>
      %concatenate3A_1225 = tpu.concatenate %broadcast_in_dim3A_1223, %slice3A_1224 in 2 : vector<4x224x2xi32>, vector<4x224x222xi32> -> vector<4x224x224xi32>
      %mul3A_1226 = arith.muli %mul3A_1194, %concatenate3A_1225 : vector<4x224x224xi32>
      %broadcast_in_dim3A_1227 = arith.constant 0 : i32
      %broadcast_in_dim3A_1228 = vector.broadcast %broadcast_in_dim3A_1227 : i32 to vector<4x224x2xi32>
      %slice3A_1229 = vector.extract_strided_slice %mul3A_1199 {offsets = [0, 0, 2], sizes = [4, 224, 222], strides = [1, 1, 1]} : vector<4x224x224xi32> to vector<4x224x222xi32>
      %concatenate3A_1230 = tpu.concatenate %slice3A_1229, %broadcast_in_dim3A_1228 in 2 : vector<4x224x222xi32>, vector<4x224x2xi32> -> vector<4x224x224xi32>
      %mul3A_1231 = arith.muli %mul3A_1199, %concatenate3A_1230 : vector<4x224x224xi32>
      %ne3A_1232 = arith.constant 0 : i32
      %ne3A_1233 = vector.broadcast %ne3A_1232 : i32 to vector<4x224x224xi32>
      %ne3A_1234 = arith.cmpi ne, %mul3A_1226, %ne3A_1233 : vector<4x224x224xi32>
      %broadcast_in_dim3A_1235 = arith.constant 0 : i32
      %broadcast_in_dim3A_1236 = vector.broadcast %broadcast_in_dim3A_1235 : i32 to vector<4x224x4xi32>
      %slice3A_1237 = vector.extract_strided_slice %max3A_1221 {offsets = [0, 0, 0], sizes = [4, 224, 220], strides = [1, 1, 1]} : vector<4x224x224xi32> to vector<4x224x220xi32>
      %concatenate3A_1238 = tpu.concatenate %broadcast_in_dim3A_1236, %slice3A_1237 in 2 : vector<4x224x4xi32>, vector<4x224x220xi32> -> vector<4x224x224xi32>
      %jit3A_1239 = arith.constant 0 : i32
      %broadcast_in_dim3A_1240 = vector.broadcast %jit3A_1239 : i32 to vector<4x224x224xi32>
      %select_n3A_1241 = arith.select %ne3A_1234, %concatenate3A_1238, %broadcast_in_dim3A_1240 : vector<4x224x224xi1>, vector<4x224x224xi32>
      %max3A_1242 = arith.maxsi %max3A_1221, %select_n3A_1241 : vector<4x224x224xi32>
      %ne3A_1243 = arith.constant 0 : i32
      %ne3A_1244 = vector.broadcast %ne3A_1243 : i32 to vector<4x224x224xi32>
      %ne3A_1245 = arith.cmpi ne, %mul3A_1231, %ne3A_1244 : vector<4x224x224xi32>
      %broadcast_in_dim3A_1246 = arith.constant 0 : i32
      %broadcast_in_dim3A_1247 = vector.broadcast %broadcast_in_dim3A_1246 : i32 to vector<4x224x4xi32>
      %slice3A_1248 = vector.extract_strided_slice %max3A_1242 {offsets = [0, 0, 4], sizes = [4, 224, 220], strides = [1, 1, 1]} : vector<4x224x224xi32> to vector<4x224x220xi32>
      %concatenate3A_1249 = tpu.concatenate %slice3A_1248, %broadcast_in_dim3A_1247 in 2 : vector<4x224x220xi32>, vector<4x224x4xi32> -> vector<4x224x224xi32>
      %jit3A_1250 = arith.constant 0 : i32
      %broadcast_in_dim3A_1251 = vector.broadcast %jit3A_1250 : i32 to vector<4x224x224xi32>
      %select_n3A_1252 = arith.select %ne3A_1245, %concatenate3A_1249, %broadcast_in_dim3A_1251 : vector<4x224x224xi1>, vector<4x224x224xi32>
      %max3A_1253 = arith.maxsi %max3A_1242, %select_n3A_1252 : vector<4x224x224xi32>
      %broadcast_in_dim3A_1254 = arith.constant 0 : i32
      %broadcast_in_dim3A_1255 = vector.broadcast %broadcast_in_dim3A_1254 : i32 to vector<4x224x4xi32>
      %slice3A_1256 = vector.extract_strided_slice %mul3A_1226 {offsets = [0, 0, 0], sizes = [4, 224, 220], strides = [1, 1, 1]} : vector<4x224x224xi32> to vector<4x224x220xi32>
      %concatenate3A_1257 = tpu.concatenate %broadcast_in_dim3A_1255, %slice3A_1256 in 2 : vector<4x224x4xi32>, vector<4x224x220xi32> -> vector<4x224x224xi32>
      %mul3A_1258 = arith.muli %mul3A_1226, %concatenate3A_1257 : vector<4x224x224xi32>
      %broadcast_in_dim3A_1259 = arith.constant 0 : i32
      %broadcast_in_dim3A_1260 = vector.broadcast %broadcast_in_dim3A_1259 : i32 to vector<4x224x4xi32>
      %slice3A_1261 = vector.extract_strided_slice %mul3A_1231 {offsets = [0, 0, 4], sizes = [4, 224, 220], strides = [1, 1, 1]} : vector<4x224x224xi32> to vector<4x224x220xi32>
      %concatenate3A_1262 = tpu.concatenate %slice3A_1261, %broadcast_in_dim3A_1260 in 2 : vector<4x224x220xi32>, vector<4x224x4xi32> -> vector<4x224x224xi32>
      %mul3A_1263 = arith.muli %mul3A_1231, %concatenate3A_1262 : vector<4x224x224xi32>
      %ne3A_1264 = arith.constant 0 : i32
      %ne3A_1265 = vector.broadcast %ne3A_1264 : i32 to vector<4x224x224xi32>
      %ne3A_1266 = arith.cmpi ne, %mul3A_1258, %ne3A_1265 : vector<4x224x224xi32>
      %broadcast_in_dim3A_1267 = arith.constant 0 : i32
      %broadcast_in_dim3A_1268 = vector.broadcast %broadcast_in_dim3A_1267 : i32 to vector<4x224x8xi32>
      %slice3A_1269 = vector.extract_strided_slice %max3A_1253 {offsets = [0, 0, 0], sizes = [4, 224, 216], strides = [1, 1, 1]} : vector<4x224x224xi32> to vector<4x224x216xi32>
      %concatenate3A_1270 = tpu.concatenate %broadcast_in_dim3A_1268, %slice3A_1269 in 2 : vector<4x224x8xi32>, vector<4x224x216xi32> -> vector<4x224x224xi32>
      %jit3A_1271 = arith.constant 0 : i32
      %broadcast_in_dim3A_1272 = vector.broadcast %jit3A_1271 : i32 to vector<4x224x224xi32>
      %select_n3A_1273 = arith.select %ne3A_1266, %concatenate3A_1270, %broadcast_in_dim3A_1272 : vector<4x224x224xi1>, vector<4x224x224xi32>
      %max3A_1274 = arith.maxsi %max3A_1253, %select_n3A_1273 : vector<4x224x224xi32>
      %ne3A_1275 = arith.constant 0 : i32
      %ne3A_1276 = vector.broadcast %ne3A_1275 : i32 to vector<4x224x224xi32>
      %ne3A_1277 = arith.cmpi ne, %mul3A_1263, %ne3A_1276 : vector<4x224x224xi32>
      %broadcast_in_dim3A_1278 = arith.constant 0 : i32
      %broadcast_in_dim3A_1279 = vector.broadcast %broadcast_in_dim3A_1278 : i32 to vector<4x224x8xi32>
      %slice3A_1280 = vector.extract_strided_slice %max3A_1274 {offsets = [0, 0, 8], sizes = [4, 224, 216], strides = [1, 1, 1]} : vector<4x224x224xi32> to vector<4x224x216xi32>
      %concatenate3A_1281 = tpu.concatenate %slice3A_1280, %broadcast_in_dim3A_1279 in 2 : vector<4x224x216xi32>, vector<4x224x8xi32> -> vector<4x224x224xi32>
      %jit3A_1282 = arith.constant 0 : i32
      %broadcast_in_dim3A_1283 = vector.broadcast %jit3A_1282 : i32 to vector<4x224x224xi32>
      %select_n3A_1284 = arith.select %ne3A_1277, %concatenate3A_1281, %broadcast_in_dim3A_1283 : vector<4x224x224xi1>, vector<4x224x224xi32>
      %max3A_1285 = arith.maxsi %max3A_1274, %select_n3A_1284 : vector<4x224x224xi32>
      %broadcast_in_dim3A_1286 = arith.constant 0 : i32
      %broadcast_in_dim3A_1287 = vector.broadcast %broadcast_in_dim3A_1286 : i32 to vector<4x224x8xi32>
      %slice3A_1288 = vector.extract_strided_slice %mul3A_1258 {offsets = [0, 0, 0], sizes = [4, 224, 216], strides = [1, 1, 1]} : vector<4x224x224xi32> to vector<4x224x216xi32>
      %concatenate3A_1289 = tpu.concatenate %broadcast_in_dim3A_1287, %slice3A_1288 in 2 : vector<4x224x8xi32>, vector<4x224x216xi32> -> vector<4x224x224xi32>
      %mul3A_1290 = arith.muli %mul3A_1258, %concatenate3A_1289 : vector<4x224x224xi32>
      %broadcast_in_dim3A_1291 = arith.constant 0 : i32
      %broadcast_in_dim3A_1292 = vector.broadcast %broadcast_in_dim3A_1291 : i32 to vector<4x224x8xi32>
      %slice3A_1293 = vector.extract_strided_slice %mul3A_1263 {offsets = [0, 0, 8], sizes = [4, 224, 216], strides = [1, 1, 1]} : vector<4x224x224xi32> to vector<4x224x216xi32>
      %concatenate3A_1294 = tpu.concatenate %slice3A_1293, %broadcast_in_dim3A_1292 in 2 : vector<4x224x216xi32>, vector<4x224x8xi32> -> vector<4x224x224xi32>
      %mul3A_1295 = arith.muli %mul3A_1263, %concatenate3A_1294 : vector<4x224x224xi32>
      %ne3A_1296 = arith.constant 0 : i32
      %ne3A_1297 = vector.broadcast %ne3A_1296 : i32 to vector<4x224x224xi32>
      %ne3A_1298 = arith.cmpi ne, %mul3A_1290, %ne3A_1297 : vector<4x224x224xi32>
      %broadcast_in_dim3A_1299 = arith.constant 0 : i32
      %broadcast_in_dim3A_1300 = vector.broadcast %broadcast_in_dim3A_1299 : i32 to vector<4x224x16xi32>
      %slice3A_1301 = vector.extract_strided_slice %max3A_1285 {offsets = [0, 0, 0], sizes = [4, 224, 208], strides = [1, 1, 1]} : vector<4x224x224xi32> to vector<4x224x208xi32>
      %concatenate3A_1302 = tpu.concatenate %broadcast_in_dim3A_1300, %slice3A_1301 in 2 : vector<4x224x16xi32>, vector<4x224x208xi32> -> vector<4x224x224xi32>
      %jit3A_1303 = arith.constant 0 : i32
      %broadcast_in_dim3A_1304 = vector.broadcast %jit3A_1303 : i32 to vector<4x224x224xi32>
      %select_n3A_1305 = arith.select %ne3A_1298, %concatenate3A_1302, %broadcast_in_dim3A_1304 : vector<4x224x224xi1>, vector<4x224x224xi32>
      %max3A_1306 = arith.maxsi %max3A_1285, %select_n3A_1305 : vector<4x224x224xi32>
      %ne3A_1307 = arith.constant 0 : i32
      %ne3A_1308 = vector.broadcast %ne3A_1307 : i32 to vector<4x224x224xi32>
      %ne3A_1309 = arith.cmpi ne, %mul3A_1295, %ne3A_1308 : vector<4x224x224xi32>
      %broadcast_in_dim3A_1310 = arith.constant 0 : i32
      %broadcast_in_dim3A_1311 = vector.broadcast %broadcast_in_dim3A_1310 : i32 to vector<4x224x16xi32>
      %slice3A_1312 = vector.extract_strided_slice %max3A_1306 {offsets = [0, 0, 16], sizes = [4, 224, 208], strides = [1, 1, 1]} : vector<4x224x224xi32> to vector<4x224x208xi32>
      %concatenate3A_1313 = tpu.concatenate %slice3A_1312, %broadcast_in_dim3A_1311 in 2 : vector<4x224x208xi32>, vector<4x224x16xi32> -> vector<4x224x224xi32>
      %jit3A_1314 = arith.constant 0 : i32
      %broadcast_in_dim3A_1315 = vector.broadcast %jit3A_1314 : i32 to vector<4x224x224xi32>
      %select_n3A_1316 = arith.select %ne3A_1309, %concatenate3A_1313, %broadcast_in_dim3A_1315 : vector<4x224x224xi1>, vector<4x224x224xi32>
      %max3A_1317 = arith.maxsi %max3A_1306, %select_n3A_1316 : vector<4x224x224xi32>
      %broadcast_in_dim3A_1318 = arith.constant 0 : i32
      %broadcast_in_dim3A_1319 = vector.broadcast %broadcast_in_dim3A_1318 : i32 to vector<4x224x16xi32>
      %slice3A_1320 = vector.extract_strided_slice %mul3A_1290 {offsets = [0, 0, 0], sizes = [4, 224, 208], strides = [1, 1, 1]} : vector<4x224x224xi32> to vector<4x224x208xi32>
      %concatenate3A_1321 = tpu.concatenate %broadcast_in_dim3A_1319, %slice3A_1320 in 2 : vector<4x224x16xi32>, vector<4x224x208xi32> -> vector<4x224x224xi32>
      %mul3A_1322 = arith.muli %mul3A_1290, %concatenate3A_1321 : vector<4x224x224xi32>
      %broadcast_in_dim3A_1323 = arith.constant 0 : i32
      %broadcast_in_dim3A_1324 = vector.broadcast %broadcast_in_dim3A_1323 : i32 to vector<4x224x16xi32>
      %slice3A_1325 = vector.extract_strided_slice %mul3A_1295 {offsets = [0, 0, 16], sizes = [4, 224, 208], strides = [1, 1, 1]} : vector<4x224x224xi32> to vector<4x224x208xi32>
      %concatenate3A_1326 = tpu.concatenate %slice3A_1325, %broadcast_in_dim3A_1324 in 2 : vector<4x224x208xi32>, vector<4x224x16xi32> -> vector<4x224x224xi32>
      %mul3A_1327 = arith.muli %mul3A_1295, %concatenate3A_1326 : vector<4x224x224xi32>
      %ne3A_1328 = arith.constant 0 : i32
      %ne3A_1329 = vector.broadcast %ne3A_1328 : i32 to vector<4x224x224xi32>
      %ne3A_1330 = arith.cmpi ne, %mul3A_1322, %ne3A_1329 : vector<4x224x224xi32>
      %broadcast_in_dim3A_1331 = arith.constant 0 : i32
      %broadcast_in_dim3A_1332 = vector.broadcast %broadcast_in_dim3A_1331 : i32 to vector<4x224x32xi32>
      %slice3A_1333 = vector.extract_strided_slice %max3A_1317 {offsets = [0, 0, 0], sizes = [4, 224, 192], strides = [1, 1, 1]} : vector<4x224x224xi32> to vector<4x224x192xi32>
      %concatenate3A_1334 = tpu.concatenate %broadcast_in_dim3A_1332, %slice3A_1333 in 2 : vector<4x224x32xi32>, vector<4x224x192xi32> -> vector<4x224x224xi32>
      %jit3A_1335 = arith.constant 0 : i32
      %broadcast_in_dim3A_1336 = vector.broadcast %jit3A_1335 : i32 to vector<4x224x224xi32>
      %select_n3A_1337 = arith.select %ne3A_1330, %concatenate3A_1334, %broadcast_in_dim3A_1336 : vector<4x224x224xi1>, vector<4x224x224xi32>
      %max3A_1338 = arith.maxsi %max3A_1317, %select_n3A_1337 : vector<4x224x224xi32>
      %ne3A_1339 = arith.constant 0 : i32
      %ne3A_1340 = vector.broadcast %ne3A_1339 : i32 to vector<4x224x224xi32>
      %ne3A_1341 = arith.cmpi ne, %mul3A_1327, %ne3A_1340 : vector<4x224x224xi32>
      %broadcast_in_dim3A_1342 = arith.constant 0 : i32
      %broadcast_in_dim3A_1343 = vector.broadcast %broadcast_in_dim3A_1342 : i32 to vector<4x224x32xi32>
      %slice3A_1344 = vector.extract_strided_slice %max3A_1338 {offsets = [0, 0, 32], sizes = [4, 224, 192], strides = [1, 1, 1]} : vector<4x224x224xi32> to vector<4x224x192xi32>
      %concatenate3A_1345 = tpu.concatenate %slice3A_1344, %broadcast_in_dim3A_1343 in 2 : vector<4x224x192xi32>, vector<4x224x32xi32> -> vector<4x224x224xi32>
      %jit3A_1346 = arith.constant 0 : i32
      %broadcast_in_dim3A_1347 = vector.broadcast %jit3A_1346 : i32 to vector<4x224x224xi32>
      %select_n3A_1348 = arith.select %ne3A_1341, %concatenate3A_1345, %broadcast_in_dim3A_1347 : vector<4x224x224xi1>, vector<4x224x224xi32>
      %max3A_1349 = arith.maxsi %max3A_1338, %select_n3A_1348 : vector<4x224x224xi32>
      %broadcast_in_dim3A_1350 = arith.constant 0 : i32
      %broadcast_in_dim3A_1351 = vector.broadcast %broadcast_in_dim3A_1350 : i32 to vector<4x224x32xi32>
      %slice3A_1352 = vector.extract_strided_slice %mul3A_1322 {offsets = [0, 0, 0], sizes = [4, 224, 192], strides = [1, 1, 1]} : vector<4x224x224xi32> to vector<4x224x192xi32>
      %concatenate3A_1353 = tpu.concatenate %broadcast_in_dim3A_1351, %slice3A_1352 in 2 : vector<4x224x32xi32>, vector<4x224x192xi32> -> vector<4x224x224xi32>
      %mul3A_1354 = arith.muli %mul3A_1322, %concatenate3A_1353 : vector<4x224x224xi32>
      %broadcast_in_dim3A_1355 = arith.constant 0 : i32
      %broadcast_in_dim3A_1356 = vector.broadcast %broadcast_in_dim3A_1355 : i32 to vector<4x224x32xi32>
      %slice3A_1357 = vector.extract_strided_slice %mul3A_1327 {offsets = [0, 0, 32], sizes = [4, 224, 192], strides = [1, 1, 1]} : vector<4x224x224xi32> to vector<4x224x192xi32>
      %concatenate3A_1358 = tpu.concatenate %slice3A_1357, %broadcast_in_dim3A_1356 in 2 : vector<4x224x192xi32>, vector<4x224x32xi32> -> vector<4x224x224xi32>
      %mul3A_1359 = arith.muli %mul3A_1327, %concatenate3A_1358 : vector<4x224x224xi32>
      %ne3A_1360 = arith.constant 0 : i32
      %ne3A_1361 = vector.broadcast %ne3A_1360 : i32 to vector<4x224x224xi32>
      %ne3A_1362 = arith.cmpi ne, %mul3A_1354, %ne3A_1361 : vector<4x224x224xi32>
      %broadcast_in_dim3A_1363 = arith.constant 0 : i32
      %broadcast_in_dim3A_1364 = vector.broadcast %broadcast_in_dim3A_1363 : i32 to vector<4x224x64xi32>
      %slice3A_1365 = vector.extract_strided_slice %max3A_1349 {offsets = [0, 0, 0], sizes = [4, 224, 160], strides = [1, 1, 1]} : vector<4x224x224xi32> to vector<4x224x160xi32>
      %concatenate3A_1366 = tpu.concatenate %broadcast_in_dim3A_1364, %slice3A_1365 in 2 : vector<4x224x64xi32>, vector<4x224x160xi32> -> vector<4x224x224xi32>
      %jit3A_1367 = arith.constant 0 : i32
      %broadcast_in_dim3A_1368 = vector.broadcast %jit3A_1367 : i32 to vector<4x224x224xi32>
      %select_n3A_1369 = arith.select %ne3A_1362, %concatenate3A_1366, %broadcast_in_dim3A_1368 : vector<4x224x224xi1>, vector<4x224x224xi32>
      %max3A_1370 = arith.maxsi %max3A_1349, %select_n3A_1369 : vector<4x224x224xi32>
      %ne3A_1371 = arith.constant 0 : i32
      %ne3A_1372 = vector.broadcast %ne3A_1371 : i32 to vector<4x224x224xi32>
      %ne3A_1373 = arith.cmpi ne, %mul3A_1359, %ne3A_1372 : vector<4x224x224xi32>
      %broadcast_in_dim3A_1374 = arith.constant 0 : i32
      %broadcast_in_dim3A_1375 = vector.broadcast %broadcast_in_dim3A_1374 : i32 to vector<4x224x64xi32>
      %slice3A_1376 = vector.extract_strided_slice %max3A_1370 {offsets = [0, 0, 64], sizes = [4, 224, 160], strides = [1, 1, 1]} : vector<4x224x224xi32> to vector<4x224x160xi32>
      %concatenate3A_1377 = tpu.concatenate %slice3A_1376, %broadcast_in_dim3A_1375 in 2 : vector<4x224x160xi32>, vector<4x224x64xi32> -> vector<4x224x224xi32>
      %jit3A_1378 = arith.constant 0 : i32
      %broadcast_in_dim3A_1379 = vector.broadcast %jit3A_1378 : i32 to vector<4x224x224xi32>
      %select_n3A_1380 = arith.select %ne3A_1373, %concatenate3A_1377, %broadcast_in_dim3A_1379 : vector<4x224x224xi1>, vector<4x224x224xi32>
      %max3A_1381 = arith.maxsi %max3A_1370, %select_n3A_1380 : vector<4x224x224xi32>
      %broadcast_in_dim3A_1382 = arith.constant 0 : i32
      %broadcast_in_dim3A_1383 = vector.broadcast %broadcast_in_dim3A_1382 : i32 to vector<4x224x64xi32>
      %slice3A_1384 = vector.extract_strided_slice %mul3A_1354 {offsets = [0, 0, 0], sizes = [4, 224, 160], strides = [1, 1, 1]} : vector<4x224x224xi32> to vector<4x224x160xi32>
      %concatenate3A_1385 = tpu.concatenate %broadcast_in_dim3A_1383, %slice3A_1384 in 2 : vector<4x224x64xi32>, vector<4x224x160xi32> -> vector<4x224x224xi32>
      %mul3A_1386 = arith.muli %mul3A_1354, %concatenate3A_1385 : vector<4x224x224xi32>
      %broadcast_in_dim3A_1387 = arith.constant 0 : i32
      %broadcast_in_dim3A_1388 = vector.broadcast %broadcast_in_dim3A_1387 : i32 to vector<4x224x64xi32>
      %slice3A_1389 = vector.extract_strided_slice %mul3A_1359 {offsets = [0, 0, 64], sizes = [4, 224, 160], strides = [1, 1, 1]} : vector<4x224x224xi32> to vector<4x224x160xi32>
      %concatenate3A_1390 = tpu.concatenate %slice3A_1389, %broadcast_in_dim3A_1388 in 2 : vector<4x224x160xi32>, vector<4x224x64xi32> -> vector<4x224x224xi32>
      %mul3A_1391 = arith.muli %mul3A_1359, %concatenate3A_1390 : vector<4x224x224xi32>
      %ne3A_1392 = arith.constant 0 : i32
      %ne3A_1393 = vector.broadcast %ne3A_1392 : i32 to vector<4x224x224xi32>
      %ne3A_1394 = arith.cmpi ne, %mul3A_1386, %ne3A_1393 : vector<4x224x224xi32>
      %broadcast_in_dim3A_1395 = arith.constant 0 : i32
      %broadcast_in_dim3A_1396 = vector.broadcast %broadcast_in_dim3A_1395 : i32 to vector<4x224x128xi32>
      %slice3A_1397 = vector.extract_strided_slice %max3A_1381 {offsets = [0, 0, 0], sizes = [4, 224, 96], strides = [1, 1, 1]} : vector<4x224x224xi32> to vector<4x224x96xi32>
      %concatenate3A_1398 = tpu.concatenate %broadcast_in_dim3A_1396, %slice3A_1397 in 2 : vector<4x224x128xi32>, vector<4x224x96xi32> -> vector<4x224x224xi32>
      %jit3A_1399 = arith.constant 0 : i32
      %broadcast_in_dim3A_1400 = vector.broadcast %jit3A_1399 : i32 to vector<4x224x224xi32>
      %select_n3A_1401 = arith.select %ne3A_1394, %concatenate3A_1398, %broadcast_in_dim3A_1400 : vector<4x224x224xi1>, vector<4x224x224xi32>
      %max3A_1402 = arith.maxsi %max3A_1381, %select_n3A_1401 : vector<4x224x224xi32>
      %ne3A_1403 = arith.constant 0 : i32
      %ne3A_1404 = vector.broadcast %ne3A_1403 : i32 to vector<4x224x224xi32>
      %ne3A_1405 = arith.cmpi ne, %mul3A_1391, %ne3A_1404 : vector<4x224x224xi32>
      %broadcast_in_dim3A_1406 = arith.constant 0 : i32
      %broadcast_in_dim3A_1407 = vector.broadcast %broadcast_in_dim3A_1406 : i32 to vector<4x224x128xi32>
      %slice3A_1408 = vector.extract_strided_slice %max3A_1402 {offsets = [0, 0, 128], sizes = [4, 224, 96], strides = [1, 1, 1]} : vector<4x224x224xi32> to vector<4x224x96xi32>
      %concatenate3A_1409 = tpu.concatenate %slice3A_1408, %broadcast_in_dim3A_1407 in 2 : vector<4x224x96xi32>, vector<4x224x128xi32> -> vector<4x224x224xi32>
      %jit3A_1410 = arith.constant 0 : i32
      %broadcast_in_dim3A_1411 = vector.broadcast %jit3A_1410 : i32 to vector<4x224x224xi32>
      %select_n3A_1412 = arith.select %ne3A_1405, %concatenate3A_1409, %broadcast_in_dim3A_1411 : vector<4x224x224xi1>, vector<4x224x224xi32>
      %max3A_1413 = arith.maxsi %max3A_1402, %select_n3A_1412 : vector<4x224x224xi32>
      %broadcast_in_dim3A_1414 = arith.constant 0 : i32
      %broadcast_in_dim3A_1415 = vector.broadcast %broadcast_in_dim3A_1414 : i32 to vector<4x224x128xi32>
      %slice3A_1416 = vector.extract_strided_slice %mul3A_1386 {offsets = [0, 0, 0], sizes = [4, 224, 96], strides = [1, 1, 1]} : vector<4x224x224xi32> to vector<4x224x96xi32>
      %concatenate3A_1417 = tpu.concatenate %broadcast_in_dim3A_1415, %slice3A_1416 in 2 : vector<4x224x128xi32>, vector<4x224x96xi32> -> vector<4x224x224xi32>
      %mul3A_1418 = arith.muli %mul3A_1386, %concatenate3A_1417 : vector<4x224x224xi32>
      %broadcast_in_dim3A_1419 = arith.constant 0 : i32
      %broadcast_in_dim3A_1420 = vector.broadcast %broadcast_in_dim3A_1419 : i32 to vector<4x224x128xi32>
      %slice3A_1421 = vector.extract_strided_slice %mul3A_1391 {offsets = [0, 0, 128], sizes = [4, 224, 96], strides = [1, 1, 1]} : vector<4x224x224xi32> to vector<4x224x96xi32>
      %concatenate3A_1422 = tpu.concatenate %slice3A_1421, %broadcast_in_dim3A_1420 in 2 : vector<4x224x96xi32>, vector<4x224x128xi32> -> vector<4x224x224xi32>
      %mul3A_1423 = arith.muli %mul3A_1391, %concatenate3A_1422 : vector<4x224x224xi32>
      %broadcast_in_dim3A_1424 = arith.constant 0 : i32
      %broadcast_in_dim3A_1425 = vector.broadcast %broadcast_in_dim3A_1424 : i32 to vector<4x1x224xi32>
      %slice3A_1426 = vector.extract_strided_slice %get3A_2 {offsets = [0, 0, 0], sizes = [4, 223, 224], strides = [1, 1, 1]} : vector<4x224x224xi32> to vector<4x223x224xi32>
      %concatenate3A_1427 = tpu.concatenate %broadcast_in_dim3A_1425, %slice3A_1426 in 1 : vector<4x1x224xi32>, vector<4x223x224xi32> -> vector<4x224x224xi32>
      %mul3A_1428 = arith.muli %get3A_2, %concatenate3A_1427 : vector<4x224x224xi32>
      %broadcast_in_dim3A_1429 = arith.constant 0 : i32
      %broadcast_in_dim3A_1430 = vector.broadcast %broadcast_in_dim3A_1429 : i32 to vector<4x1x224xi32>
      %slice3A_1431 = vector.extract_strided_slice %get3A_2 {offsets = [0, 1, 0], sizes = [4, 223, 224], strides = [1, 1, 1]} : vector<4x224x224xi32> to vector<4x223x224xi32>
      %concatenate3A_1432 = tpu.concatenate %slice3A_1431, %broadcast_in_dim3A_1430 in 1 : vector<4x223x224xi32>, vector<4x1x224xi32> -> vector<4x224x224xi32>
      %mul3A_1433 = arith.muli %get3A_2, %concatenate3A_1432 : vector<4x224x224xi32>
      %ne3A_1434 = arith.constant 0 : i32
      %ne3A_1435 = vector.broadcast %ne3A_1434 : i32 to vector<4x224x224xi32>
      %ne3A_1436 = arith.cmpi ne, %mul3A_1428, %ne3A_1435 : vector<4x224x224xi32>
      %broadcast_in_dim3A_1437 = arith.constant 0 : i32
      %broadcast_in_dim3A_1438 = vector.broadcast %broadcast_in_dim3A_1437 : i32 to vector<4x1x224xi32>
      %slice3A_1439 = vector.extract_strided_slice %max3A_1413 {offsets = [0, 0, 0], sizes = [4, 223, 224], strides = [1, 1, 1]} : vector<4x224x224xi32> to vector<4x223x224xi32>
      %concatenate3A_1440 = tpu.concatenate %broadcast_in_dim3A_1438, %slice3A_1439 in 1 : vector<4x1x224xi32>, vector<4x223x224xi32> -> vector<4x224x224xi32>
      %jit3A_1441 = arith.constant 0 : i32
      %broadcast_in_dim3A_1442 = vector.broadcast %jit3A_1441 : i32 to vector<4x224x224xi32>
      %select_n3A_1443 = arith.select %ne3A_1436, %concatenate3A_1440, %broadcast_in_dim3A_1442 : vector<4x224x224xi1>, vector<4x224x224xi32>
      %max3A_1444 = arith.maxsi %max3A_1413, %select_n3A_1443 : vector<4x224x224xi32>
      %ne3A_1445 = arith.constant 0 : i32
      %ne3A_1446 = vector.broadcast %ne3A_1445 : i32 to vector<4x224x224xi32>
      %ne3A_1447 = arith.cmpi ne, %mul3A_1433, %ne3A_1446 : vector<4x224x224xi32>
      %broadcast_in_dim3A_1448 = arith.constant 0 : i32
      %broadcast_in_dim3A_1449 = vector.broadcast %broadcast_in_dim3A_1448 : i32 to vector<4x1x224xi32>
      %slice3A_1450 = vector.extract_strided_slice %max3A_1444 {offsets = [0, 1, 0], sizes = [4, 223, 224], strides = [1, 1, 1]} : vector<4x224x224xi32> to vector<4x223x224xi32>
      %concatenate3A_1451 = tpu.concatenate %slice3A_1450, %broadcast_in_dim3A_1449 in 1 : vector<4x223x224xi32>, vector<4x1x224xi32> -> vector<4x224x224xi32>
      %jit3A_1452 = arith.constant 0 : i32
      %broadcast_in_dim3A_1453 = vector.broadcast %jit3A_1452 : i32 to vector<4x224x224xi32>
      %select_n3A_1454 = arith.select %ne3A_1447, %concatenate3A_1451, %broadcast_in_dim3A_1453 : vector<4x224x224xi1>, vector<4x224x224xi32>
      %max3A_1455 = arith.maxsi %max3A_1444, %select_n3A_1454 : vector<4x224x224xi32>
      %broadcast_in_dim3A_1456 = arith.constant 0 : i32
      %broadcast_in_dim3A_1457 = vector.broadcast %broadcast_in_dim3A_1456 : i32 to vector<4x1x224xi32>
      %slice3A_1458 = vector.extract_strided_slice %mul3A_1428 {offsets = [0, 0, 0], sizes = [4, 223, 224], strides = [1, 1, 1]} : vector<4x224x224xi32> to vector<4x223x224xi32>
      %concatenate3A_1459 = tpu.concatenate %broadcast_in_dim3A_1457, %slice3A_1458 in 1 : vector<4x1x224xi32>, vector<4x223x224xi32> -> vector<4x224x224xi32>
      %mul3A_1460 = arith.muli %mul3A_1428, %concatenate3A_1459 : vector<4x224x224xi32>
      %broadcast_in_dim3A_1461 = arith.constant 0 : i32
      %broadcast_in_dim3A_1462 = vector.broadcast %broadcast_in_dim3A_1461 : i32 to vector<4x1x224xi32>
      %slice3A_1463 = vector.extract_strided_slice %mul3A_1433 {offsets = [0, 1, 0], sizes = [4, 223, 224], strides = [1, 1, 1]} : vector<4x224x224xi32> to vector<4x223x224xi32>
      %concatenate3A_1464 = tpu.concatenate %slice3A_1463, %broadcast_in_dim3A_1462 in 1 : vector<4x223x224xi32>, vector<4x1x224xi32> -> vector<4x224x224xi32>
      %mul3A_1465 = arith.muli %mul3A_1433, %concatenate3A_1464 : vector<4x224x224xi32>
      %ne3A_1466 = arith.constant 0 : i32
      %ne3A_1467 = vector.broadcast %ne3A_1466 : i32 to vector<4x224x224xi32>
      %ne3A_1468 = arith.cmpi ne, %mul3A_1460, %ne3A_1467 : vector<4x224x224xi32>
      %broadcast_in_dim3A_1469 = arith.constant 0 : i32
      %broadcast_in_dim3A_1470 = vector.broadcast %broadcast_in_dim3A_1469 : i32 to vector<4x2x224xi32>
      %slice3A_1471 = vector.extract_strided_slice %max3A_1455 {offsets = [0, 0, 0], sizes = [4, 222, 224], strides = [1, 1, 1]} : vector<4x224x224xi32> to vector<4x222x224xi32>
      %concatenate3A_1472 = tpu.concatenate %broadcast_in_dim3A_1470, %slice3A_1471 in 1 : vector<4x2x224xi32>, vector<4x222x224xi32> -> vector<4x224x224xi32>
      %jit3A_1473 = arith.constant 0 : i32
      %broadcast_in_dim3A_1474 = vector.broadcast %jit3A_1473 : i32 to vector<4x224x224xi32>
      %select_n3A_1475 = arith.select %ne3A_1468, %concatenate3A_1472, %broadcast_in_dim3A_1474 : vector<4x224x224xi1>, vector<4x224x224xi32>
      %max3A_1476 = arith.maxsi %max3A_1455, %select_n3A_1475 : vector<4x224x224xi32>
      %ne3A_1477 = arith.constant 0 : i32
      %ne3A_1478 = vector.broadcast %ne3A_1477 : i32 to vector<4x224x224xi32>
      %ne3A_1479 = arith.cmpi ne, %mul3A_1465, %ne3A_1478 : vector<4x224x224xi32>
      %broadcast_in_dim3A_1480 = arith.constant 0 : i32
      %broadcast_in_dim3A_1481 = vector.broadcast %broadcast_in_dim3A_1480 : i32 to vector<4x2x224xi32>
      %slice3A_1482 = vector.extract_strided_slice %max3A_1476 {offsets = [0, 2, 0], sizes = [4, 222, 224], strides = [1, 1, 1]} : vector<4x224x224xi32> to vector<4x222x224xi32>
      %concatenate3A_1483 = tpu.concatenate %slice3A_1482, %broadcast_in_dim3A_1481 in 1 : vector<4x222x224xi32>, vector<4x2x224xi32> -> vector<4x224x224xi32>
      %jit3A_1484 = arith.constant 0 : i32
      %broadcast_in_dim3A_1485 = vector.broadcast %jit3A_1484 : i32 to vector<4x224x224xi32>
      %select_n3A_1486 = arith.select %ne3A_1479, %concatenate3A_1483, %broadcast_in_dim3A_1485 : vector<4x224x224xi1>, vector<4x224x224xi32>
      %max3A_1487 = arith.maxsi %max3A_1476, %select_n3A_1486 : vector<4x224x224xi32>
      %broadcast_in_dim3A_1488 = arith.constant 0 : i32
      %broadcast_in_dim3A_1489 = vector.broadcast %broadcast_in_dim3A_1488 : i32 to vector<4x2x224xi32>
      %slice3A_1490 = vector.extract_strided_slice %mul3A_1460 {offsets = [0, 0, 0], sizes = [4, 222, 224], strides = [1, 1, 1]} : vector<4x224x224xi32> to vector<4x222x224xi32>
      %concatenate3A_1491 = tpu.concatenate %broadcast_in_dim3A_1489, %slice3A_1490 in 1 : vector<4x2x224xi32>, vector<4x222x224xi32> -> vector<4x224x224xi32>
      %mul3A_1492 = arith.muli %mul3A_1460, %concatenate3A_1491 : vector<4x224x224xi32>
      %broadcast_in_dim3A_1493 = arith.constant 0 : i32
      %broadcast_in_dim3A_1494 = vector.broadcast %broadcast_in_dim3A_1493 : i32 to vector<4x2x224xi32>
      %slice3A_1495 = vector.extract_strided_slice %mul3A_1465 {offsets = [0, 2, 0], sizes = [4, 222, 224], strides = [1, 1, 1]} : vector<4x224x224xi32> to vector<4x222x224xi32>
      %concatenate3A_1496 = tpu.concatenate %slice3A_1495, %broadcast_in_dim3A_1494 in 1 : vector<4x222x224xi32>, vector<4x2x224xi32> -> vector<4x224x224xi32>
      %mul3A_1497 = arith.muli %mul3A_1465, %concatenate3A_1496 : vector<4x224x224xi32>
      %ne3A_1498 = arith.constant 0 : i32
      %ne3A_1499 = vector.broadcast %ne3A_1498 : i32 to vector<4x224x224xi32>
      %ne3A_1500 = arith.cmpi ne, %mul3A_1492, %ne3A_1499 : vector<4x224x224xi32>
      %broadcast_in_dim3A_1501 = arith.constant 0 : i32
      %broadcast_in_dim3A_1502 = vector.broadcast %broadcast_in_dim3A_1501 : i32 to vector<4x4x224xi32>
      %slice3A_1503 = vector.extract_strided_slice %max3A_1487 {offsets = [0, 0, 0], sizes = [4, 220, 224], strides = [1, 1, 1]} : vector<4x224x224xi32> to vector<4x220x224xi32>
      %concatenate3A_1504 = tpu.concatenate %broadcast_in_dim3A_1502, %slice3A_1503 in 1 : vector<4x4x224xi32>, vector<4x220x224xi32> -> vector<4x224x224xi32>
      %jit3A_1505 = arith.constant 0 : i32
      %broadcast_in_dim3A_1506 = vector.broadcast %jit3A_1505 : i32 to vector<4x224x224xi32>
      %select_n3A_1507 = arith.select %ne3A_1500, %concatenate3A_1504, %broadcast_in_dim3A_1506 : vector<4x224x224xi1>, vector<4x224x224xi32>
      %max3A_1508 = arith.maxsi %max3A_1487, %select_n3A_1507 : vector<4x224x224xi32>
      %ne3A_1509 = arith.constant 0 : i32
      %ne3A_1510 = vector.broadcast %ne3A_1509 : i32 to vector<4x224x224xi32>
      %ne3A_1511 = arith.cmpi ne, %mul3A_1497, %ne3A_1510 : vector<4x224x224xi32>
      %broadcast_in_dim3A_1512 = arith.constant 0 : i32
      %broadcast_in_dim3A_1513 = vector.broadcast %broadcast_in_dim3A_1512 : i32 to vector<4x4x224xi32>
      %slice3A_1514 = vector.extract_strided_slice %max3A_1508 {offsets = [0, 4, 0], sizes = [4, 220, 224], strides = [1, 1, 1]} : vector<4x224x224xi32> to vector<4x220x224xi32>
      %concatenate3A_1515 = tpu.concatenate %slice3A_1514, %broadcast_in_dim3A_1513 in 1 : vector<4x220x224xi32>, vector<4x4x224xi32> -> vector<4x224x224xi32>
      %jit3A_1516 = arith.constant 0 : i32
      %broadcast_in_dim3A_1517 = vector.broadcast %jit3A_1516 : i32 to vector<4x224x224xi32>
      %select_n3A_1518 = arith.select %ne3A_1511, %concatenate3A_1515, %broadcast_in_dim3A_1517 : vector<4x224x224xi1>, vector<4x224x224xi32>
      %max3A_1519 = arith.maxsi %max3A_1508, %select_n3A_1518 : vector<4x224x224xi32>
      %broadcast_in_dim3A_1520 = arith.constant 0 : i32
      %broadcast_in_dim3A_1521 = vector.broadcast %broadcast_in_dim3A_1520 : i32 to vector<4x4x224xi32>
      %slice3A_1522 = vector.extract_strided_slice %mul3A_1492 {offsets = [0, 0, 0], sizes = [4, 220, 224], strides = [1, 1, 1]} : vector<4x224x224xi32> to vector<4x220x224xi32>
      %concatenate3A_1523 = tpu.concatenate %broadcast_in_dim3A_1521, %slice3A_1522 in 1 : vector<4x4x224xi32>, vector<4x220x224xi32> -> vector<4x224x224xi32>
      %mul3A_1524 = arith.muli %mul3A_1492, %concatenate3A_1523 : vector<4x224x224xi32>
      %broadcast_in_dim3A_1525 = arith.constant 0 : i32
      %broadcast_in_dim3A_1526 = vector.broadcast %broadcast_in_dim3A_1525 : i32 to vector<4x4x224xi32>
      %slice3A_1527 = vector.extract_strided_slice %mul3A_1497 {offsets = [0, 4, 0], sizes = [4, 220, 224], strides = [1, 1, 1]} : vector<4x224x224xi32> to vector<4x220x224xi32>
      %concatenate3A_1528 = tpu.concatenate %slice3A_1527, %broadcast_in_dim3A_1526 in 1 : vector<4x220x224xi32>, vector<4x4x224xi32> -> vector<4x224x224xi32>
      %mul3A_1529 = arith.muli %mul3A_1497, %concatenate3A_1528 : vector<4x224x224xi32>
      %ne3A_1530 = arith.constant 0 : i32
      %ne3A_1531 = vector.broadcast %ne3A_1530 : i32 to vector<4x224x224xi32>
      %ne3A_1532 = arith.cmpi ne, %mul3A_1524, %ne3A_1531 : vector<4x224x224xi32>
      %broadcast_in_dim3A_1533 = arith.constant 0 : i32
      %broadcast_in_dim3A_1534 = vector.broadcast %broadcast_in_dim3A_1533 : i32 to vector<4x8x224xi32>
      %slice3A_1535 = vector.extract_strided_slice %max3A_1519 {offsets = [0, 0, 0], sizes = [4, 216, 224], strides = [1, 1, 1]} : vector<4x224x224xi32> to vector<4x216x224xi32>
      %concatenate3A_1536 = tpu.concatenate %broadcast_in_dim3A_1534, %slice3A_1535 in 1 : vector<4x8x224xi32>, vector<4x216x224xi32> -> vector<4x224x224xi32>
      %jit3A_1537 = arith.constant 0 : i32
      %broadcast_in_dim3A_1538 = vector.broadcast %jit3A_1537 : i32 to vector<4x224x224xi32>
      %select_n3A_1539 = arith.select %ne3A_1532, %concatenate3A_1536, %broadcast_in_dim3A_1538 : vector<4x224x224xi1>, vector<4x224x224xi32>
      %max3A_1540 = arith.maxsi %max3A_1519, %select_n3A_1539 : vector<4x224x224xi32>
      %ne3A_1541 = arith.constant 0 : i32
      %ne3A_1542 = vector.broadcast %ne3A_1541 : i32 to vector<4x224x224xi32>
      %ne3A_1543 = arith.cmpi ne, %mul3A_1529, %ne3A_1542 : vector<4x224x224xi32>
      %broadcast_in_dim3A_1544 = arith.constant 0 : i32
      %broadcast_in_dim3A_1545 = vector.broadcast %broadcast_in_dim3A_1544 : i32 to vector<4x8x224xi32>
      %slice3A_1546 = vector.extract_strided_slice %max3A_1540 {offsets = [0, 8, 0], sizes = [4, 216, 224], strides = [1, 1, 1]} : vector<4x224x224xi32> to vector<4x216x224xi32>
      %concatenate3A_1547 = tpu.concatenate %slice3A_1546, %broadcast_in_dim3A_1545 in 1 : vector<4x216x224xi32>, vector<4x8x224xi32> -> vector<4x224x224xi32>
      %jit3A_1548 = arith.constant 0 : i32
      %broadcast_in_dim3A_1549 = vector.broadcast %jit3A_1548 : i32 to vector<4x224x224xi32>
      %select_n3A_1550 = arith.select %ne3A_1543, %concatenate3A_1547, %broadcast_in_dim3A_1549 : vector<4x224x224xi1>, vector<4x224x224xi32>
      %max3A_1551 = arith.maxsi %max3A_1540, %select_n3A_1550 : vector<4x224x224xi32>
      %broadcast_in_dim3A_1552 = arith.constant 0 : i32
      %broadcast_in_dim3A_1553 = vector.broadcast %broadcast_in_dim3A_1552 : i32 to vector<4x8x224xi32>
      %slice3A_1554 = vector.extract_strided_slice %mul3A_1524 {offsets = [0, 0, 0], sizes = [4, 216, 224], strides = [1, 1, 1]} : vector<4x224x224xi32> to vector<4x216x224xi32>
      %concatenate3A_1555 = tpu.concatenate %broadcast_in_dim3A_1553, %slice3A_1554 in 1 : vector<4x8x224xi32>, vector<4x216x224xi32> -> vector<4x224x224xi32>
      %mul3A_1556 = arith.muli %mul3A_1524, %concatenate3A_1555 : vector<4x224x224xi32>
      %broadcast_in_dim3A_1557 = arith.constant 0 : i32
      %broadcast_in_dim3A_1558 = vector.broadcast %broadcast_in_dim3A_1557 : i32 to vector<4x8x224xi32>
      %slice3A_1559 = vector.extract_strided_slice %mul3A_1529 {offsets = [0, 8, 0], sizes = [4, 216, 224], strides = [1, 1, 1]} : vector<4x224x224xi32> to vector<4x216x224xi32>
      %concatenate3A_1560 = tpu.concatenate %slice3A_1559, %broadcast_in_dim3A_1558 in 1 : vector<4x216x224xi32>, vector<4x8x224xi32> -> vector<4x224x224xi32>
      %mul3A_1561 = arith.muli %mul3A_1529, %concatenate3A_1560 : vector<4x224x224xi32>
      %ne3A_1562 = arith.constant 0 : i32
      %ne3A_1563 = vector.broadcast %ne3A_1562 : i32 to vector<4x224x224xi32>
      %ne3A_1564 = arith.cmpi ne, %mul3A_1556, %ne3A_1563 : vector<4x224x224xi32>
      %broadcast_in_dim3A_1565 = arith.constant 0 : i32
      %broadcast_in_dim3A_1566 = vector.broadcast %broadcast_in_dim3A_1565 : i32 to vector<4x16x224xi32>
      %slice3A_1567 = vector.extract_strided_slice %max3A_1551 {offsets = [0, 0, 0], sizes = [4, 208, 224], strides = [1, 1, 1]} : vector<4x224x224xi32> to vector<4x208x224xi32>
      %concatenate3A_1568 = tpu.concatenate %broadcast_in_dim3A_1566, %slice3A_1567 in 1 : vector<4x16x224xi32>, vector<4x208x224xi32> -> vector<4x224x224xi32>
      %jit3A_1569 = arith.constant 0 : i32
      %broadcast_in_dim3A_1570 = vector.broadcast %jit3A_1569 : i32 to vector<4x224x224xi32>
      %select_n3A_1571 = arith.select %ne3A_1564, %concatenate3A_1568, %broadcast_in_dim3A_1570 : vector<4x224x224xi1>, vector<4x224x224xi32>
      %max3A_1572 = arith.maxsi %max3A_1551, %select_n3A_1571 : vector<4x224x224xi32>
      %ne3A_1573 = arith.constant 0 : i32
      %ne3A_1574 = vector.broadcast %ne3A_1573 : i32 to vector<4x224x224xi32>
      %ne3A_1575 = arith.cmpi ne, %mul3A_1561, %ne3A_1574 : vector<4x224x224xi32>
      %broadcast_in_dim3A_1576 = arith.constant 0 : i32
      %broadcast_in_dim3A_1577 = vector.broadcast %broadcast_in_dim3A_1576 : i32 to vector<4x16x224xi32>
      %slice3A_1578 = vector.extract_strided_slice %max3A_1572 {offsets = [0, 16, 0], sizes = [4, 208, 224], strides = [1, 1, 1]} : vector<4x224x224xi32> to vector<4x208x224xi32>
      %concatenate3A_1579 = tpu.concatenate %slice3A_1578, %broadcast_in_dim3A_1577 in 1 : vector<4x208x224xi32>, vector<4x16x224xi32> -> vector<4x224x224xi32>
      %jit3A_1580 = arith.constant 0 : i32
      %broadcast_in_dim3A_1581 = vector.broadcast %jit3A_1580 : i32 to vector<4x224x224xi32>
      %select_n3A_1582 = arith.select %ne3A_1575, %concatenate3A_1579, %broadcast_in_dim3A_1581 : vector<4x224x224xi1>, vector<4x224x224xi32>
      %max3A_1583 = arith.maxsi %max3A_1572, %select_n3A_1582 : vector<4x224x224xi32>
      %broadcast_in_dim3A_1584 = arith.constant 0 : i32
      %broadcast_in_dim3A_1585 = vector.broadcast %broadcast_in_dim3A_1584 : i32 to vector<4x16x224xi32>
      %slice3A_1586 = vector.extract_strided_slice %mul3A_1556 {offsets = [0, 0, 0], sizes = [4, 208, 224], strides = [1, 1, 1]} : vector<4x224x224xi32> to vector<4x208x224xi32>
      %concatenate3A_1587 = tpu.concatenate %broadcast_in_dim3A_1585, %slice3A_1586 in 1 : vector<4x16x224xi32>, vector<4x208x224xi32> -> vector<4x224x224xi32>
      %mul3A_1588 = arith.muli %mul3A_1556, %concatenate3A_1587 : vector<4x224x224xi32>
      %broadcast_in_dim3A_1589 = arith.constant 0 : i32
      %broadcast_in_dim3A_1590 = vector.broadcast %broadcast_in_dim3A_1589 : i32 to vector<4x16x224xi32>
      %slice3A_1591 = vector.extract_strided_slice %mul3A_1561 {offsets = [0, 16, 0], sizes = [4, 208, 224], strides = [1, 1, 1]} : vector<4x224x224xi32> to vector<4x208x224xi32>
      %concatenate3A_1592 = tpu.concatenate %slice3A_1591, %broadcast_in_dim3A_1590 in 1 : vector<4x208x224xi32>, vector<4x16x224xi32> -> vector<4x224x224xi32>
      %mul3A_1593 = arith.muli %mul3A_1561, %concatenate3A_1592 : vector<4x224x224xi32>
      %ne3A_1594 = arith.constant 0 : i32
      %ne3A_1595 = vector.broadcast %ne3A_1594 : i32 to vector<4x224x224xi32>
      %ne3A_1596 = arith.cmpi ne, %mul3A_1588, %ne3A_1595 : vector<4x224x224xi32>
      %broadcast_in_dim3A_1597 = arith.constant 0 : i32
      %broadcast_in_dim3A_1598 = vector.broadcast %broadcast_in_dim3A_1597 : i32 to vector<4x32x224xi32>
      %slice3A_1599 = vector.extract_strided_slice %max3A_1583 {offsets = [0, 0, 0], sizes = [4, 192, 224], strides = [1, 1, 1]} : vector<4x224x224xi32> to vector<4x192x224xi32>
      %concatenate3A_1600 = tpu.concatenate %broadcast_in_dim3A_1598, %slice3A_1599 in 1 : vector<4x32x224xi32>, vector<4x192x224xi32> -> vector<4x224x224xi32>
      %jit3A_1601 = arith.constant 0 : i32
      %broadcast_in_dim3A_1602 = vector.broadcast %jit3A_1601 : i32 to vector<4x224x224xi32>
      %select_n3A_1603 = arith.select %ne3A_1596, %concatenate3A_1600, %broadcast_in_dim3A_1602 : vector<4x224x224xi1>, vector<4x224x224xi32>
      %max3A_1604 = arith.maxsi %max3A_1583, %select_n3A_1603 : vector<4x224x224xi32>
      %ne3A_1605 = arith.constant 0 : i32
      %ne3A_1606 = vector.broadcast %ne3A_1605 : i32 to vector<4x224x224xi32>
      %ne3A_1607 = arith.cmpi ne, %mul3A_1593, %ne3A_1606 : vector<4x224x224xi32>
      %broadcast_in_dim3A_1608 = arith.constant 0 : i32
      %broadcast_in_dim3A_1609 = vector.broadcast %broadcast_in_dim3A_1608 : i32 to vector<4x32x224xi32>
      %slice3A_1610 = vector.extract_strided_slice %max3A_1604 {offsets = [0, 32, 0], sizes = [4, 192, 224], strides = [1, 1, 1]} : vector<4x224x224xi32> to vector<4x192x224xi32>
      %concatenate3A_1611 = tpu.concatenate %slice3A_1610, %broadcast_in_dim3A_1609 in 1 : vector<4x192x224xi32>, vector<4x32x224xi32> -> vector<4x224x224xi32>
      %jit3A_1612 = arith.constant 0 : i32
      %broadcast_in_dim3A_1613 = vector.broadcast %jit3A_1612 : i32 to vector<4x224x224xi32>
      %select_n3A_1614 = arith.select %ne3A_1607, %concatenate3A_1611, %broadcast_in_dim3A_1613 : vector<4x224x224xi1>, vector<4x224x224xi32>
      %max3A_1615 = arith.maxsi %max3A_1604, %select_n3A_1614 : vector<4x224x224xi32>
      %broadcast_in_dim3A_1616 = arith.constant 0 : i32
      %broadcast_in_dim3A_1617 = vector.broadcast %broadcast_in_dim3A_1616 : i32 to vector<4x32x224xi32>
      %slice3A_1618 = vector.extract_strided_slice %mul3A_1588 {offsets = [0, 0, 0], sizes = [4, 192, 224], strides = [1, 1, 1]} : vector<4x224x224xi32> to vector<4x192x224xi32>
      %concatenate3A_1619 = tpu.concatenate %broadcast_in_dim3A_1617, %slice3A_1618 in 1 : vector<4x32x224xi32>, vector<4x192x224xi32> -> vector<4x224x224xi32>
      %mul3A_1620 = arith.muli %mul3A_1588, %concatenate3A_1619 : vector<4x224x224xi32>
      %broadcast_in_dim3A_1621 = arith.constant 0 : i32
      %broadcast_in_dim3A_1622 = vector.broadcast %broadcast_in_dim3A_1621 : i32 to vector<4x32x224xi32>
      %slice3A_1623 = vector.extract_strided_slice %mul3A_1593 {offsets = [0, 32, 0], sizes = [4, 192, 224], strides = [1, 1, 1]} : vector<4x224x224xi32> to vector<4x192x224xi32>
      %concatenate3A_1624 = tpu.concatenate %slice3A_1623, %broadcast_in_dim3A_1622 in 1 : vector<4x192x224xi32>, vector<4x32x224xi32> -> vector<4x224x224xi32>
      %mul3A_1625 = arith.muli %mul3A_1593, %concatenate3A_1624 : vector<4x224x224xi32>
      %ne3A_1626 = arith.constant 0 : i32
      %ne3A_1627 = vector.broadcast %ne3A_1626 : i32 to vector<4x224x224xi32>
      %ne3A_1628 = arith.cmpi ne, %mul3A_1620, %ne3A_1627 : vector<4x224x224xi32>
      %broadcast_in_dim3A_1629 = arith.constant 0 : i32
      %broadcast_in_dim3A_1630 = vector.broadcast %broadcast_in_dim3A_1629 : i32 to vector<4x64x224xi32>
      %slice3A_1631 = vector.extract_strided_slice %max3A_1615 {offsets = [0, 0, 0], sizes = [4, 160, 224], strides = [1, 1, 1]} : vector<4x224x224xi32> to vector<4x160x224xi32>
      %concatenate3A_1632 = tpu.concatenate %broadcast_in_dim3A_1630, %slice3A_1631 in 1 : vector<4x64x224xi32>, vector<4x160x224xi32> -> vector<4x224x224xi32>
      %jit3A_1633 = arith.constant 0 : i32
      %broadcast_in_dim3A_1634 = vector.broadcast %jit3A_1633 : i32 to vector<4x224x224xi32>
      %select_n3A_1635 = arith.select %ne3A_1628, %concatenate3A_1632, %broadcast_in_dim3A_1634 : vector<4x224x224xi1>, vector<4x224x224xi32>
      %max3A_1636 = arith.maxsi %max3A_1615, %select_n3A_1635 : vector<4x224x224xi32>
      %ne3A_1637 = arith.constant 0 : i32
      %ne3A_1638 = vector.broadcast %ne3A_1637 : i32 to vector<4x224x224xi32>
      %ne3A_1639 = arith.cmpi ne, %mul3A_1625, %ne3A_1638 : vector<4x224x224xi32>
      %broadcast_in_dim3A_1640 = arith.constant 0 : i32
      %broadcast_in_dim3A_1641 = vector.broadcast %broadcast_in_dim3A_1640 : i32 to vector<4x64x224xi32>
      %slice3A_1642 = vector.extract_strided_slice %max3A_1636 {offsets = [0, 64, 0], sizes = [4, 160, 224], strides = [1, 1, 1]} : vector<4x224x224xi32> to vector<4x160x224xi32>
      %concatenate3A_1643 = tpu.concatenate %slice3A_1642, %broadcast_in_dim3A_1641 in 1 : vector<4x160x224xi32>, vector<4x64x224xi32> -> vector<4x224x224xi32>
      %jit3A_1644 = arith.constant 0 : i32
      %broadcast_in_dim3A_1645 = vector.broadcast %jit3A_1644 : i32 to vector<4x224x224xi32>
      %select_n3A_1646 = arith.select %ne3A_1639, %concatenate3A_1643, %broadcast_in_dim3A_1645 : vector<4x224x224xi1>, vector<4x224x224xi32>
      %max3A_1647 = arith.maxsi %max3A_1636, %select_n3A_1646 : vector<4x224x224xi32>
      %broadcast_in_dim3A_1648 = arith.constant 0 : i32
      %broadcast_in_dim3A_1649 = vector.broadcast %broadcast_in_dim3A_1648 : i32 to vector<4x64x224xi32>
      %slice3A_1650 = vector.extract_strided_slice %mul3A_1620 {offsets = [0, 0, 0], sizes = [4, 160, 224], strides = [1, 1, 1]} : vector<4x224x224xi32> to vector<4x160x224xi32>
      %concatenate3A_1651 = tpu.concatenate %broadcast_in_dim3A_1649, %slice3A_1650 in 1 : vector<4x64x224xi32>, vector<4x160x224xi32> -> vector<4x224x224xi32>
      %mul3A_1652 = arith.muli %mul3A_1620, %concatenate3A_1651 : vector<4x224x224xi32>
      %broadcast_in_dim3A_1653 = arith.constant 0 : i32
      %broadcast_in_dim3A_1654 = vector.broadcast %broadcast_in_dim3A_1653 : i32 to vector<4x64x224xi32>
      %slice3A_1655 = vector.extract_strided_slice %mul3A_1625 {offsets = [0, 64, 0], sizes = [4, 160, 224], strides = [1, 1, 1]} : vector<4x224x224xi32> to vector<4x160x224xi32>
      %concatenate3A_1656 = tpu.concatenate %slice3A_1655, %broadcast_in_dim3A_1654 in 1 : vector<4x160x224xi32>, vector<4x64x224xi32> -> vector<4x224x224xi32>
      %mul3A_1657 = arith.muli %mul3A_1625, %concatenate3A_1656 : vector<4x224x224xi32>
      %ne3A_1658 = arith.constant 0 : i32
      %ne3A_1659 = vector.broadcast %ne3A_1658 : i32 to vector<4x224x224xi32>
      %ne3A_1660 = arith.cmpi ne, %mul3A_1652, %ne3A_1659 : vector<4x224x224xi32>
      %broadcast_in_dim3A_1661 = arith.constant 0 : i32
      %broadcast_in_dim3A_1662 = vector.broadcast %broadcast_in_dim3A_1661 : i32 to vector<4x128x224xi32>
      %slice3A_1663 = vector.extract_strided_slice %max3A_1647 {offsets = [0, 0, 0], sizes = [4, 96, 224], strides = [1, 1, 1]} : vector<4x224x224xi32> to vector<4x96x224xi32>
      %concatenate3A_1664 = tpu.concatenate %broadcast_in_dim3A_1662, %slice3A_1663 in 1 : vector<4x128x224xi32>, vector<4x96x224xi32> -> vector<4x224x224xi32>
      %jit3A_1665 = arith.constant 0 : i32
      %broadcast_in_dim3A_1666 = vector.broadcast %jit3A_1665 : i32 to vector<4x224x224xi32>
      %select_n3A_1667 = arith.select %ne3A_1660, %concatenate3A_1664, %broadcast_in_dim3A_1666 : vector<4x224x224xi1>, vector<4x224x224xi32>
      %max3A_1668 = arith.maxsi %max3A_1647, %select_n3A_1667 : vector<4x224x224xi32>
      %ne3A_1669 = arith.constant 0 : i32
      %ne3A_1670 = vector.broadcast %ne3A_1669 : i32 to vector<4x224x224xi32>
      %ne3A_1671 = arith.cmpi ne, %mul3A_1657, %ne3A_1670 : vector<4x224x224xi32>
      %broadcast_in_dim3A_1672 = arith.constant 0 : i32
      %broadcast_in_dim3A_1673 = vector.broadcast %broadcast_in_dim3A_1672 : i32 to vector<4x128x224xi32>
      %slice3A_1674 = vector.extract_strided_slice %max3A_1668 {offsets = [0, 128, 0], sizes = [4, 96, 224], strides = [1, 1, 1]} : vector<4x224x224xi32> to vector<4x96x224xi32>
      %concatenate3A_1675 = tpu.concatenate %slice3A_1674, %broadcast_in_dim3A_1673 in 1 : vector<4x96x224xi32>, vector<4x128x224xi32> -> vector<4x224x224xi32>
      %jit3A_1676 = arith.constant 0 : i32
      %broadcast_in_dim3A_1677 = vector.broadcast %jit3A_1676 : i32 to vector<4x224x224xi32>
      %select_n3A_1678 = arith.select %ne3A_1671, %concatenate3A_1675, %broadcast_in_dim3A_1677 : vector<4x224x224xi1>, vector<4x224x224xi32>
      %max3A_1679 = arith.maxsi %max3A_1668, %select_n3A_1678 : vector<4x224x224xi32>
      %broadcast_in_dim3A_1680 = arith.constant 0 : i32
      %broadcast_in_dim3A_1681 = vector.broadcast %broadcast_in_dim3A_1680 : i32 to vector<4x128x224xi32>
      %slice3A_1682 = vector.extract_strided_slice %mul3A_1652 {offsets = [0, 0, 0], sizes = [4, 96, 224], strides = [1, 1, 1]} : vector<4x224x224xi32> to vector<4x96x224xi32>
      %concatenate3A_1683 = tpu.concatenate %broadcast_in_dim3A_1681, %slice3A_1682 in 1 : vector<4x128x224xi32>, vector<4x96x224xi32> -> vector<4x224x224xi32>
      %mul3A_1684 = arith.muli %mul3A_1652, %concatenate3A_1683 : vector<4x224x224xi32>
      %broadcast_in_dim3A_1685 = arith.constant 0 : i32
      %broadcast_in_dim3A_1686 = vector.broadcast %broadcast_in_dim3A_1685 : i32 to vector<4x128x224xi32>
      %slice3A_1687 = vector.extract_strided_slice %mul3A_1657 {offsets = [0, 128, 0], sizes = [4, 96, 224], strides = [1, 1, 1]} : vector<4x224x224xi32> to vector<4x96x224xi32>
      %concatenate3A_1688 = tpu.concatenate %slice3A_1687, %broadcast_in_dim3A_1686 in 1 : vector<4x96x224xi32>, vector<4x128x224xi32> -> vector<4x224x224xi32>
      %mul3A_1689 = arith.muli %mul3A_1657, %concatenate3A_1688 : vector<4x224x224xi32>
      scf.yield %while3A_1157, %max3A_1679 : vector<4x224x224xi32>, vector<4x224x224xi32>
    }
    %eq3A = arith.cmpi eq, %while3A#1, %add3A_10 : vector<4x224x224xi32>
    %and3A = arith.andi %ne3A_4, %eq3A : vector<4x224x224xi1>
    %convert_element_type3A = arith.extui %and3A : vector<4x224x224xi1> to vector<4x224x224xi32>
    %broadcast_in_dim3A_520 = arith.constant 0 : i32
    %broadcast_in_dim3A_521 = vector.broadcast %broadcast_in_dim3A_520 : i32 to vector<4x224x1xi32>
    %slice3A_522 = vector.extract_strided_slice %convert_element_type3A {offsets = [0, 0, 0], sizes = [4, 224, 223], strides = [1, 1, 1]} : vector<4x224x224xi32> to vector<4x224x223xi32>
    %concatenate3A_523 = tpu.concatenate %broadcast_in_dim3A_521, %slice3A_522 in 2 : vector<4x224x1xi32>, vector<4x224x223xi32> -> vector<4x224x224xi32>
    %add3A_524 = arith.addi %convert_element_type3A, %concatenate3A_523 : vector<4x224x224xi32>
    %broadcast_in_dim3A_525 = arith.constant 0 : i32
    %broadcast_in_dim3A_526 = vector.broadcast %broadcast_in_dim3A_525 : i32 to vector<4x224x2xi32>
    %slice3A_527 = vector.extract_strided_slice %add3A_524 {offsets = [0, 0, 0], sizes = [4, 224, 222], strides = [1, 1, 1]} : vector<4x224x224xi32> to vector<4x224x222xi32>
    %concatenate3A_528 = tpu.concatenate %broadcast_in_dim3A_526, %slice3A_527 in 2 : vector<4x224x2xi32>, vector<4x224x222xi32> -> vector<4x224x224xi32>
    %add3A_529 = arith.addi %add3A_524, %concatenate3A_528 : vector<4x224x224xi32>
    %broadcast_in_dim3A_530 = arith.constant 0 : i32
    %broadcast_in_dim3A_531 = vector.broadcast %broadcast_in_dim3A_530 : i32 to vector<4x224x4xi32>
    %slice3A_532 = vector.extract_strided_slice %add3A_529 {offsets = [0, 0, 0], sizes = [4, 224, 220], strides = [1, 1, 1]} : vector<4x224x224xi32> to vector<4x224x220xi32>
    %concatenate3A_533 = tpu.concatenate %broadcast_in_dim3A_531, %slice3A_532 in 2 : vector<4x224x4xi32>, vector<4x224x220xi32> -> vector<4x224x224xi32>
    %add3A_534 = arith.addi %add3A_529, %concatenate3A_533 : vector<4x224x224xi32>
    %broadcast_in_dim3A_535 = arith.constant 0 : i32
    %broadcast_in_dim3A_536 = vector.broadcast %broadcast_in_dim3A_535 : i32 to vector<4x224x8xi32>
    %slice3A_537 = vector.extract_strided_slice %add3A_534 {offsets = [0, 0, 0], sizes = [4, 224, 216], strides = [1, 1, 1]} : vector<4x224x224xi32> to vector<4x224x216xi32>
    %concatenate3A_538 = tpu.concatenate %broadcast_in_dim3A_536, %slice3A_537 in 2 : vector<4x224x8xi32>, vector<4x224x216xi32> -> vector<4x224x224xi32>
    %add3A_539 = arith.addi %add3A_534, %concatenate3A_538 : vector<4x224x224xi32>
    %broadcast_in_dim3A_540 = arith.constant 0 : i32
    %broadcast_in_dim3A_541 = vector.broadcast %broadcast_in_dim3A_540 : i32 to vector<4x224x16xi32>
    %slice3A_542 = vector.extract_strided_slice %add3A_539 {offsets = [0, 0, 0], sizes = [4, 224, 208], strides = [1, 1, 1]} : vector<4x224x224xi32> to vector<4x224x208xi32>
    %concatenate3A_543 = tpu.concatenate %broadcast_in_dim3A_541, %slice3A_542 in 2 : vector<4x224x16xi32>, vector<4x224x208xi32> -> vector<4x224x224xi32>
    %add3A_544 = arith.addi %add3A_539, %concatenate3A_543 : vector<4x224x224xi32>
    %broadcast_in_dim3A_545 = arith.constant 0 : i32
    %broadcast_in_dim3A_546 = vector.broadcast %broadcast_in_dim3A_545 : i32 to vector<4x224x32xi32>
    %slice3A_547 = vector.extract_strided_slice %add3A_544 {offsets = [0, 0, 0], sizes = [4, 224, 192], strides = [1, 1, 1]} : vector<4x224x224xi32> to vector<4x224x192xi32>
    %concatenate3A_548 = tpu.concatenate %broadcast_in_dim3A_546, %slice3A_547 in 2 : vector<4x224x32xi32>, vector<4x224x192xi32> -> vector<4x224x224xi32>
    %add3A_549 = arith.addi %add3A_544, %concatenate3A_548 : vector<4x224x224xi32>
    %broadcast_in_dim3A_550 = arith.constant 0 : i32
    %broadcast_in_dim3A_551 = vector.broadcast %broadcast_in_dim3A_550 : i32 to vector<4x224x64xi32>
    %slice3A_552 = vector.extract_strided_slice %add3A_549 {offsets = [0, 0, 0], sizes = [4, 224, 160], strides = [1, 1, 1]} : vector<4x224x224xi32> to vector<4x224x160xi32>
    %concatenate3A_553 = tpu.concatenate %broadcast_in_dim3A_551, %slice3A_552 in 2 : vector<4x224x64xi32>, vector<4x224x160xi32> -> vector<4x224x224xi32>
    %add3A_554 = arith.addi %add3A_549, %concatenate3A_553 : vector<4x224x224xi32>
    %broadcast_in_dim3A_555 = arith.constant 0 : i32
    %broadcast_in_dim3A_556 = vector.broadcast %broadcast_in_dim3A_555 : i32 to vector<4x224x128xi32>
    %slice3A_557 = vector.extract_strided_slice %add3A_554 {offsets = [0, 0, 0], sizes = [4, 224, 96], strides = [1, 1, 1]} : vector<4x224x224xi32> to vector<4x224x96xi32>
    %concatenate3A_558 = tpu.concatenate %broadcast_in_dim3A_556, %slice3A_557 in 2 : vector<4x224x128xi32>, vector<4x224x96xi32> -> vector<4x224x224xi32>
    %add3A_559 = arith.addi %add3A_554, %concatenate3A_558 : vector<4x224x224xi32>
    %slice3A_560 = vector.extract_strided_slice %add3A_559 {offsets = [0, 0, 223], sizes = [4, 224, 1], strides = [1, 1, 1]} : vector<4x224x224xi32> to vector<4x224x1xi32>
    %broadcast_in_dim3A_561 = arith.constant 0 : i32
    %broadcast_in_dim3A_562 = vector.broadcast %broadcast_in_dim3A_561 : i32 to vector<4x1x1xi32>
    %slice3A_563 = vector.extract_strided_slice %slice3A_560 {offsets = [0, 0, 0], sizes = [4, 223, 1], strides = [1, 1, 1]} : vector<4x224x1xi32> to vector<4x223x1xi32>
    %concatenate3A_564 = tpu.concatenate %broadcast_in_dim3A_562, %slice3A_563 in 1 : vector<4x1x1xi32>, vector<4x223x1xi32> -> vector<4x224x1xi32>
    %add3A_565 = arith.addi %slice3A_560, %concatenate3A_564 : vector<4x224x1xi32>
    %broadcast_in_dim3A_566 = arith.constant 0 : i32
    %broadcast_in_dim3A_567 = vector.broadcast %broadcast_in_dim3A_566 : i32 to vector<4x2x1xi32>
    %slice3A_568 = vector.extract_strided_slice %add3A_565 {offsets = [0, 0, 0], sizes = [4, 222, 1], strides = [1, 1, 1]} : vector<4x224x1xi32> to vector<4x222x1xi32>
    %concatenate3A_569 = tpu.concatenate %broadcast_in_dim3A_567, %slice3A_568 in 1 : vector<4x2x1xi32>, vector<4x222x1xi32> -> vector<4x224x1xi32>
    %add3A_570 = arith.addi %add3A_565, %concatenate3A_569 : vector<4x224x1xi32>
    %broadcast_in_dim3A_571 = arith.constant 0 : i32
    %broadcast_in_dim3A_572 = vector.broadcast %broadcast_in_dim3A_571 : i32 to vector<4x4x1xi32>
    %slice3A_573 = vector.extract_strided_slice %add3A_570 {offsets = [0, 0, 0], sizes = [4, 220, 1], strides = [1, 1, 1]} : vector<4x224x1xi32> to vector<4x220x1xi32>
    %concatenate3A_574 = tpu.concatenate %broadcast_in_dim3A_572, %slice3A_573 in 1 : vector<4x4x1xi32>, vector<4x220x1xi32> -> vector<4x224x1xi32>
    %add3A_575 = arith.addi %add3A_570, %concatenate3A_574 : vector<4x224x1xi32>
    %broadcast_in_dim3A_576 = arith.constant 0 : i32
    %broadcast_in_dim3A_577 = vector.broadcast %broadcast_in_dim3A_576 : i32 to vector<4x8x1xi32>
    %slice3A_578 = vector.extract_strided_slice %add3A_575 {offsets = [0, 0, 0], sizes = [4, 216, 1], strides = [1, 1, 1]} : vector<4x224x1xi32> to vector<4x216x1xi32>
    %concatenate3A_579 = tpu.concatenate %broadcast_in_dim3A_577, %slice3A_578 in 1 : vector<4x8x1xi32>, vector<4x216x1xi32> -> vector<4x224x1xi32>
    %add3A_580 = arith.addi %add3A_575, %concatenate3A_579 : vector<4x224x1xi32>
    %broadcast_in_dim3A_581 = arith.constant 0 : i32
    %broadcast_in_dim3A_582 = vector.broadcast %broadcast_in_dim3A_581 : i32 to vector<4x16x1xi32>
    %slice3A_583 = vector.extract_strided_slice %add3A_580 {offsets = [0, 0, 0], sizes = [4, 208, 1], strides = [1, 1, 1]} : vector<4x224x1xi32> to vector<4x208x1xi32>
    %concatenate3A_584 = tpu.concatenate %broadcast_in_dim3A_582, %slice3A_583 in 1 : vector<4x16x1xi32>, vector<4x208x1xi32> -> vector<4x224x1xi32>
    %add3A_585 = arith.addi %add3A_580, %concatenate3A_584 : vector<4x224x1xi32>
    %broadcast_in_dim3A_586 = arith.constant 0 : i32
    %broadcast_in_dim3A_587 = vector.broadcast %broadcast_in_dim3A_586 : i32 to vector<4x32x1xi32>
    %slice3A_588 = vector.extract_strided_slice %add3A_585 {offsets = [0, 0, 0], sizes = [4, 192, 1], strides = [1, 1, 1]} : vector<4x224x1xi32> to vector<4x192x1xi32>
    %concatenate3A_589 = tpu.concatenate %broadcast_in_dim3A_587, %slice3A_588 in 1 : vector<4x32x1xi32>, vector<4x192x1xi32> -> vector<4x224x1xi32>
    %add3A_590 = arith.addi %add3A_585, %concatenate3A_589 : vector<4x224x1xi32>
    %broadcast_in_dim3A_591 = arith.constant 0 : i32
    %broadcast_in_dim3A_592 = vector.broadcast %broadcast_in_dim3A_591 : i32 to vector<4x64x1xi32>
    %slice3A_593 = vector.extract_strided_slice %add3A_590 {offsets = [0, 0, 0], sizes = [4, 160, 1], strides = [1, 1, 1]} : vector<4x224x1xi32> to vector<4x160x1xi32>
    %concatenate3A_594 = tpu.concatenate %broadcast_in_dim3A_592, %slice3A_593 in 1 : vector<4x64x1xi32>, vector<4x160x1xi32> -> vector<4x224x1xi32>
    %add3A_595 = arith.addi %add3A_590, %concatenate3A_594 : vector<4x224x1xi32>
    %broadcast_in_dim3A_596 = arith.constant 0 : i32
    %broadcast_in_dim3A_597 = vector.broadcast %broadcast_in_dim3A_596 : i32 to vector<4x128x1xi32>
    %slice3A_598 = vector.extract_strided_slice %add3A_595 {offsets = [0, 0, 0], sizes = [4, 96, 1], strides = [1, 1, 1]} : vector<4x224x1xi32> to vector<4x96x1xi32>
    %concatenate3A_599 = tpu.concatenate %broadcast_in_dim3A_597, %slice3A_598 in 1 : vector<4x128x1xi32>, vector<4x96x1xi32> -> vector<4x224x1xi32>
    %add3A_600 = arith.addi %add3A_595, %concatenate3A_599 : vector<4x224x1xi32>
    %sub3A = arith.subi %add3A_600, %slice3A_560 : vector<4x224x1xi32>
    %add3A_601 = vector.broadcast %sub3A : vector<4x224x1xi32> to vector<4x224x224xi32>
    %add3A_602 = arith.addi %add3A_559, %add3A_601 : vector<4x224x224xi32>
    %sub3A_603 = arith.subi %add3A_602, %convert_element_type3A : vector<4x224x224xi32>
    %not3A = arith.constant dense<true> : vector<4x224x224xi1>
    %not3A_604 = arith.xori %ne3A_4, %not3A : vector<4x224x224xi1>
    %reduce_or3A = arith.constant 1.000000e+00 : f32
    %reduce_or3A_605 = arith.constant 0.000000e+00 : f32
    %reduce_or3A_606 = vector.broadcast %reduce_or3A : f32 to vector<4x224x224xf32>
    %reduce_or3A_607 = vector.broadcast %reduce_or3A_605 : f32 to vector<4x224x224xf32>
    %reduce_or3A_608 = arith.select %not3A_604, %reduce_or3A_606, %reduce_or3A_607 : vector<4x224x224xi1>, vector<4x224x224xf32>
    %reduce_or3A_609 = arith.constant dense<0xFF800000> : vector<4x224xf32>
    %reduce_or3A_610 = vector.multi_reduction <maximumf>, %reduce_or3A_608, %reduce_or3A_609 [2] : vector<4x224x224xf32> to vector<4x224xf32>
    %reduce_or3A_611 = arith.constant 0.000000e+00 : f32
    %reduce_or3A_612 = vector.broadcast %reduce_or3A_611 : f32 to vector<4x224xf32>
    %reduce_or3A_613 = arith.cmpf ogt, %reduce_or3A_610, %reduce_or3A_612 : vector<4x224xf32>
    %reduce_or3A_614 = arith.constant 1.000000e+00 : f32
    %reduce_or3A_615 = arith.constant 0.000000e+00 : f32
    %reduce_or3A_616 = vector.broadcast %reduce_or3A_614 : f32 to vector<4x224xf32>
    %reduce_or3A_617 = vector.broadcast %reduce_or3A_615 : f32 to vector<4x224xf32>
    %reduce_or3A_618 = arith.select %reduce_or3A_613, %reduce_or3A_616, %reduce_or3A_617 : vector<4x224xi1>, vector<4x224xf32>
    %reduce_or3A_619 = arith.constant dense<0xFF800000> : vector<4xf32>
    %reduce_or3A_620 = vector.multi_reduction <maximumf>, %reduce_or3A_618, %reduce_or3A_619 [1] : vector<4x224xf32> to vector<4xf32>
    %reduce_or3A_621 = arith.constant 0.000000e+00 : f32
    %reduce_or3A_622 = vector.broadcast %reduce_or3A_621 : f32 to vector<4xf32>
    %reduce_or3A_623 = arith.cmpf ogt, %reduce_or3A_620, %reduce_or3A_622 : vector<4xf32>
    %convert_element_type3A_624 = arith.extui %reduce_or3A_623 : vector<4xi1> to vector<4xi32>
    %broadcast_in_dim3A_625 = vector.shape_cast %convert_element_type3A_624 : vector<4xi32> to vector<4x1x1xi32>
    %add3A_626 = vector.broadcast %broadcast_in_dim3A_625 : vector<4x1x1xi32> to vector<4x224x224xi32>
    %add3A_627 = arith.addi %sub3A_603, %add3A_626 : vector<4x224x224xi32>
    %jit3A_628 = arith.constant 0 : i32
    %broadcast_in_dim3A_629 = vector.broadcast %jit3A_628 : i32 to vector<4x224x224xi32>
    %select_n3A_630 = arith.select %and3A, %add3A_627, %broadcast_in_dim3A_629 : vector<4x224x224xi1>, vector<4x224x224xi32>
    %broadcast_in_dim3A_631 = arith.constant 0 : i32
    %broadcast_in_dim3A_632 = vector.broadcast %broadcast_in_dim3A_631 : i32 to vector<4x224x1xi32>
    %slice3A_633 = vector.extract_strided_slice %get3A_2 {offsets = [0, 0, 0], sizes = [4, 224, 223], strides = [1, 1, 1]} : vector<4x224x224xi32> to vector<4x224x223xi32>
    %concatenate3A_634 = tpu.concatenate %broadcast_in_dim3A_632, %slice3A_633 in 2 : vector<4x224x1xi32>, vector<4x224x223xi32> -> vector<4x224x224xi32>
    %mul3A_635 = arith.muli %get3A_2, %concatenate3A_634 : vector<4x224x224xi32>
    %broadcast_in_dim3A_636 = arith.constant 0 : i32
    %broadcast_in_dim3A_637 = vector.broadcast %broadcast_in_dim3A_636 : i32 to vector<4x224x1xi32>
    %slice3A_638 = vector.extract_strided_slice %get3A_2 {offsets = [0, 0, 1], sizes = [4, 224, 223], strides = [1, 1, 1]} : vector<4x224x224xi32> to vector<4x224x223xi32>
    %concatenate3A_639 = tpu.concatenate %slice3A_638, %broadcast_in_dim3A_637 in 2 : vector<4x224x223xi32>, vector<4x224x1xi32> -> vector<4x224x224xi32>
    %mul3A_640 = arith.muli %get3A_2, %concatenate3A_639 : vector<4x224x224xi32>
    %ne3A_641 = arith.constant 0 : i32
    %ne3A_642 = vector.broadcast %ne3A_641 : i32 to vector<4x224x224xi32>
    %ne3A_643 = arith.cmpi ne, %mul3A_635, %ne3A_642 : vector<4x224x224xi32>
    %broadcast_in_dim3A_644 = arith.constant 0 : i32
    %broadcast_in_dim3A_645 = vector.broadcast %broadcast_in_dim3A_644 : i32 to vector<4x224x1xi32>
    %slice3A_646 = vector.extract_strided_slice %select_n3A_630 {offsets = [0, 0, 0], sizes = [4, 224, 223], strides = [1, 1, 1]} : vector<4x224x224xi32> to vector<4x224x223xi32>
    %concatenate3A_647 = tpu.concatenate %broadcast_in_dim3A_645, %slice3A_646 in 2 : vector<4x224x1xi32>, vector<4x224x223xi32> -> vector<4x224x224xi32>
    %jit3A_648 = arith.constant 0 : i32
    %broadcast_in_dim3A_649 = vector.broadcast %jit3A_648 : i32 to vector<4x224x224xi32>
    %select_n3A_650 = arith.select %ne3A_643, %concatenate3A_647, %broadcast_in_dim3A_649 : vector<4x224x224xi1>, vector<4x224x224xi32>
    %max3A_651 = arith.maxsi %select_n3A_630, %select_n3A_650 : vector<4x224x224xi32>
    %ne3A_652 = arith.constant 0 : i32
    %ne3A_653 = vector.broadcast %ne3A_652 : i32 to vector<4x224x224xi32>
    %ne3A_654 = arith.cmpi ne, %mul3A_640, %ne3A_653 : vector<4x224x224xi32>
    %broadcast_in_dim3A_655 = arith.constant 0 : i32
    %broadcast_in_dim3A_656 = vector.broadcast %broadcast_in_dim3A_655 : i32 to vector<4x224x1xi32>
    %slice3A_657 = vector.extract_strided_slice %max3A_651 {offsets = [0, 0, 1], sizes = [4, 224, 223], strides = [1, 1, 1]} : vector<4x224x224xi32> to vector<4x224x223xi32>
    %concatenate3A_658 = tpu.concatenate %slice3A_657, %broadcast_in_dim3A_656 in 2 : vector<4x224x223xi32>, vector<4x224x1xi32> -> vector<4x224x224xi32>
    %jit3A_659 = arith.constant 0 : i32
    %broadcast_in_dim3A_660 = vector.broadcast %jit3A_659 : i32 to vector<4x224x224xi32>
    %select_n3A_661 = arith.select %ne3A_654, %concatenate3A_658, %broadcast_in_dim3A_660 : vector<4x224x224xi1>, vector<4x224x224xi32>
    %max3A_662 = arith.maxsi %max3A_651, %select_n3A_661 : vector<4x224x224xi32>
    %broadcast_in_dim3A_663 = arith.constant 0 : i32
    %broadcast_in_dim3A_664 = vector.broadcast %broadcast_in_dim3A_663 : i32 to vector<4x224x1xi32>
    %slice3A_665 = vector.extract_strided_slice %mul3A_635 {offsets = [0, 0, 0], sizes = [4, 224, 223], strides = [1, 1, 1]} : vector<4x224x224xi32> to vector<4x224x223xi32>
    %concatenate3A_666 = tpu.concatenate %broadcast_in_dim3A_664, %slice3A_665 in 2 : vector<4x224x1xi32>, vector<4x224x223xi32> -> vector<4x224x224xi32>
    %mul3A_667 = arith.muli %mul3A_635, %concatenate3A_666 : vector<4x224x224xi32>
    %broadcast_in_dim3A_668 = arith.constant 0 : i32
    %broadcast_in_dim3A_669 = vector.broadcast %broadcast_in_dim3A_668 : i32 to vector<4x224x1xi32>
    %slice3A_670 = vector.extract_strided_slice %mul3A_640 {offsets = [0, 0, 1], sizes = [4, 224, 223], strides = [1, 1, 1]} : vector<4x224x224xi32> to vector<4x224x223xi32>
    %concatenate3A_671 = tpu.concatenate %slice3A_670, %broadcast_in_dim3A_669 in 2 : vector<4x224x223xi32>, vector<4x224x1xi32> -> vector<4x224x224xi32>
    %mul3A_672 = arith.muli %mul3A_640, %concatenate3A_671 : vector<4x224x224xi32>
    %ne3A_673 = arith.constant 0 : i32
    %ne3A_674 = vector.broadcast %ne3A_673 : i32 to vector<4x224x224xi32>
    %ne3A_675 = arith.cmpi ne, %mul3A_667, %ne3A_674 : vector<4x224x224xi32>
    %broadcast_in_dim3A_676 = arith.constant 0 : i32
    %broadcast_in_dim3A_677 = vector.broadcast %broadcast_in_dim3A_676 : i32 to vector<4x224x2xi32>
    %slice3A_678 = vector.extract_strided_slice %max3A_662 {offsets = [0, 0, 0], sizes = [4, 224, 222], strides = [1, 1, 1]} : vector<4x224x224xi32> to vector<4x224x222xi32>
    %concatenate3A_679 = tpu.concatenate %broadcast_in_dim3A_677, %slice3A_678 in 2 : vector<4x224x2xi32>, vector<4x224x222xi32> -> vector<4x224x224xi32>
    %jit3A_680 = arith.constant 0 : i32
    %broadcast_in_dim3A_681 = vector.broadcast %jit3A_680 : i32 to vector<4x224x224xi32>
    %select_n3A_682 = arith.select %ne3A_675, %concatenate3A_679, %broadcast_in_dim3A_681 : vector<4x224x224xi1>, vector<4x224x224xi32>
    %max3A_683 = arith.maxsi %max3A_662, %select_n3A_682 : vector<4x224x224xi32>
    %ne3A_684 = arith.constant 0 : i32
    %ne3A_685 = vector.broadcast %ne3A_684 : i32 to vector<4x224x224xi32>
    %ne3A_686 = arith.cmpi ne, %mul3A_672, %ne3A_685 : vector<4x224x224xi32>
    %broadcast_in_dim3A_687 = arith.constant 0 : i32
    %broadcast_in_dim3A_688 = vector.broadcast %broadcast_in_dim3A_687 : i32 to vector<4x224x2xi32>
    %slice3A_689 = vector.extract_strided_slice %max3A_683 {offsets = [0, 0, 2], sizes = [4, 224, 222], strides = [1, 1, 1]} : vector<4x224x224xi32> to vector<4x224x222xi32>
    %concatenate3A_690 = tpu.concatenate %slice3A_689, %broadcast_in_dim3A_688 in 2 : vector<4x224x222xi32>, vector<4x224x2xi32> -> vector<4x224x224xi32>
    %jit3A_691 = arith.constant 0 : i32
    %broadcast_in_dim3A_692 = vector.broadcast %jit3A_691 : i32 to vector<4x224x224xi32>
    %select_n3A_693 = arith.select %ne3A_686, %concatenate3A_690, %broadcast_in_dim3A_692 : vector<4x224x224xi1>, vector<4x224x224xi32>
    %max3A_694 = arith.maxsi %max3A_683, %select_n3A_693 : vector<4x224x224xi32>
    %broadcast_in_dim3A_695 = arith.constant 0 : i32
    %broadcast_in_dim3A_696 = vector.broadcast %broadcast_in_dim3A_695 : i32 to vector<4x224x2xi32>
    %slice3A_697 = vector.extract_strided_slice %mul3A_667 {offsets = [0, 0, 0], sizes = [4, 224, 222], strides = [1, 1, 1]} : vector<4x224x224xi32> to vector<4x224x222xi32>
    %concatenate3A_698 = tpu.concatenate %broadcast_in_dim3A_696, %slice3A_697 in 2 : vector<4x224x2xi32>, vector<4x224x222xi32> -> vector<4x224x224xi32>
    %mul3A_699 = arith.muli %mul3A_667, %concatenate3A_698 : vector<4x224x224xi32>
    %broadcast_in_dim3A_700 = arith.constant 0 : i32
    %broadcast_in_dim3A_701 = vector.broadcast %broadcast_in_dim3A_700 : i32 to vector<4x224x2xi32>
    %slice3A_702 = vector.extract_strided_slice %mul3A_672 {offsets = [0, 0, 2], sizes = [4, 224, 222], strides = [1, 1, 1]} : vector<4x224x224xi32> to vector<4x224x222xi32>
    %concatenate3A_703 = tpu.concatenate %slice3A_702, %broadcast_in_dim3A_701 in 2 : vector<4x224x222xi32>, vector<4x224x2xi32> -> vector<4x224x224xi32>
    %mul3A_704 = arith.muli %mul3A_672, %concatenate3A_703 : vector<4x224x224xi32>
    %ne3A_705 = arith.constant 0 : i32
    %ne3A_706 = vector.broadcast %ne3A_705 : i32 to vector<4x224x224xi32>
    %ne3A_707 = arith.cmpi ne, %mul3A_699, %ne3A_706 : vector<4x224x224xi32>
    %broadcast_in_dim3A_708 = arith.constant 0 : i32
    %broadcast_in_dim3A_709 = vector.broadcast %broadcast_in_dim3A_708 : i32 to vector<4x224x4xi32>
    %slice3A_710 = vector.extract_strided_slice %max3A_694 {offsets = [0, 0, 0], sizes = [4, 224, 220], strides = [1, 1, 1]} : vector<4x224x224xi32> to vector<4x224x220xi32>
    %concatenate3A_711 = tpu.concatenate %broadcast_in_dim3A_709, %slice3A_710 in 2 : vector<4x224x4xi32>, vector<4x224x220xi32> -> vector<4x224x224xi32>
    %jit3A_712 = arith.constant 0 : i32
    %broadcast_in_dim3A_713 = vector.broadcast %jit3A_712 : i32 to vector<4x224x224xi32>
    %select_n3A_714 = arith.select %ne3A_707, %concatenate3A_711, %broadcast_in_dim3A_713 : vector<4x224x224xi1>, vector<4x224x224xi32>
    %max3A_715 = arith.maxsi %max3A_694, %select_n3A_714 : vector<4x224x224xi32>
    %ne3A_716 = arith.constant 0 : i32
    %ne3A_717 = vector.broadcast %ne3A_716 : i32 to vector<4x224x224xi32>
    %ne3A_718 = arith.cmpi ne, %mul3A_704, %ne3A_717 : vector<4x224x224xi32>
    %broadcast_in_dim3A_719 = arith.constant 0 : i32
    %broadcast_in_dim3A_720 = vector.broadcast %broadcast_in_dim3A_719 : i32 to vector<4x224x4xi32>
    %slice3A_721 = vector.extract_strided_slice %max3A_715 {offsets = [0, 0, 4], sizes = [4, 224, 220], strides = [1, 1, 1]} : vector<4x224x224xi32> to vector<4x224x220xi32>
    %concatenate3A_722 = tpu.concatenate %slice3A_721, %broadcast_in_dim3A_720 in 2 : vector<4x224x220xi32>, vector<4x224x4xi32> -> vector<4x224x224xi32>
    %jit3A_723 = arith.constant 0 : i32
    %broadcast_in_dim3A_724 = vector.broadcast %jit3A_723 : i32 to vector<4x224x224xi32>
    %select_n3A_725 = arith.select %ne3A_718, %concatenate3A_722, %broadcast_in_dim3A_724 : vector<4x224x224xi1>, vector<4x224x224xi32>
    %max3A_726 = arith.maxsi %max3A_715, %select_n3A_725 : vector<4x224x224xi32>
    %broadcast_in_dim3A_727 = arith.constant 0 : i32
    %broadcast_in_dim3A_728 = vector.broadcast %broadcast_in_dim3A_727 : i32 to vector<4x224x4xi32>
    %slice3A_729 = vector.extract_strided_slice %mul3A_699 {offsets = [0, 0, 0], sizes = [4, 224, 220], strides = [1, 1, 1]} : vector<4x224x224xi32> to vector<4x224x220xi32>
    %concatenate3A_730 = tpu.concatenate %broadcast_in_dim3A_728, %slice3A_729 in 2 : vector<4x224x4xi32>, vector<4x224x220xi32> -> vector<4x224x224xi32>
    %mul3A_731 = arith.muli %mul3A_699, %concatenate3A_730 : vector<4x224x224xi32>
    %broadcast_in_dim3A_732 = arith.constant 0 : i32
    %broadcast_in_dim3A_733 = vector.broadcast %broadcast_in_dim3A_732 : i32 to vector<4x224x4xi32>
    %slice3A_734 = vector.extract_strided_slice %mul3A_704 {offsets = [0, 0, 4], sizes = [4, 224, 220], strides = [1, 1, 1]} : vector<4x224x224xi32> to vector<4x224x220xi32>
    %concatenate3A_735 = tpu.concatenate %slice3A_734, %broadcast_in_dim3A_733 in 2 : vector<4x224x220xi32>, vector<4x224x4xi32> -> vector<4x224x224xi32>
    %mul3A_736 = arith.muli %mul3A_704, %concatenate3A_735 : vector<4x224x224xi32>
    %ne3A_737 = arith.constant 0 : i32
    %ne3A_738 = vector.broadcast %ne3A_737 : i32 to vector<4x224x224xi32>
    %ne3A_739 = arith.cmpi ne, %mul3A_731, %ne3A_738 : vector<4x224x224xi32>
    %broadcast_in_dim3A_740 = arith.constant 0 : i32
    %broadcast_in_dim3A_741 = vector.broadcast %broadcast_in_dim3A_740 : i32 to vector<4x224x8xi32>
    %slice3A_742 = vector.extract_strided_slice %max3A_726 {offsets = [0, 0, 0], sizes = [4, 224, 216], strides = [1, 1, 1]} : vector<4x224x224xi32> to vector<4x224x216xi32>
    %concatenate3A_743 = tpu.concatenate %broadcast_in_dim3A_741, %slice3A_742 in 2 : vector<4x224x8xi32>, vector<4x224x216xi32> -> vector<4x224x224xi32>
    %jit3A_744 = arith.constant 0 : i32
    %broadcast_in_dim3A_745 = vector.broadcast %jit3A_744 : i32 to vector<4x224x224xi32>
    %select_n3A_746 = arith.select %ne3A_739, %concatenate3A_743, %broadcast_in_dim3A_745 : vector<4x224x224xi1>, vector<4x224x224xi32>
    %max3A_747 = arith.maxsi %max3A_726, %select_n3A_746 : vector<4x224x224xi32>
    %ne3A_748 = arith.constant 0 : i32
    %ne3A_749 = vector.broadcast %ne3A_748 : i32 to vector<4x224x224xi32>
    %ne3A_750 = arith.cmpi ne, %mul3A_736, %ne3A_749 : vector<4x224x224xi32>
    %broadcast_in_dim3A_751 = arith.constant 0 : i32
    %broadcast_in_dim3A_752 = vector.broadcast %broadcast_in_dim3A_751 : i32 to vector<4x224x8xi32>
    %slice3A_753 = vector.extract_strided_slice %max3A_747 {offsets = [0, 0, 8], sizes = [4, 224, 216], strides = [1, 1, 1]} : vector<4x224x224xi32> to vector<4x224x216xi32>
    %concatenate3A_754 = tpu.concatenate %slice3A_753, %broadcast_in_dim3A_752 in 2 : vector<4x224x216xi32>, vector<4x224x8xi32> -> vector<4x224x224xi32>
    %jit3A_755 = arith.constant 0 : i32
    %broadcast_in_dim3A_756 = vector.broadcast %jit3A_755 : i32 to vector<4x224x224xi32>
    %select_n3A_757 = arith.select %ne3A_750, %concatenate3A_754, %broadcast_in_dim3A_756 : vector<4x224x224xi1>, vector<4x224x224xi32>
    %max3A_758 = arith.maxsi %max3A_747, %select_n3A_757 : vector<4x224x224xi32>
    %broadcast_in_dim3A_759 = arith.constant 0 : i32
    %broadcast_in_dim3A_760 = vector.broadcast %broadcast_in_dim3A_759 : i32 to vector<4x224x8xi32>
    %slice3A_761 = vector.extract_strided_slice %mul3A_731 {offsets = [0, 0, 0], sizes = [4, 224, 216], strides = [1, 1, 1]} : vector<4x224x224xi32> to vector<4x224x216xi32>
    %concatenate3A_762 = tpu.concatenate %broadcast_in_dim3A_760, %slice3A_761 in 2 : vector<4x224x8xi32>, vector<4x224x216xi32> -> vector<4x224x224xi32>
    %mul3A_763 = arith.muli %mul3A_731, %concatenate3A_762 : vector<4x224x224xi32>
    %broadcast_in_dim3A_764 = arith.constant 0 : i32
    %broadcast_in_dim3A_765 = vector.broadcast %broadcast_in_dim3A_764 : i32 to vector<4x224x8xi32>
    %slice3A_766 = vector.extract_strided_slice %mul3A_736 {offsets = [0, 0, 8], sizes = [4, 224, 216], strides = [1, 1, 1]} : vector<4x224x224xi32> to vector<4x224x216xi32>
    %concatenate3A_767 = tpu.concatenate %slice3A_766, %broadcast_in_dim3A_765 in 2 : vector<4x224x216xi32>, vector<4x224x8xi32> -> vector<4x224x224xi32>
    %mul3A_768 = arith.muli %mul3A_736, %concatenate3A_767 : vector<4x224x224xi32>
    %ne3A_769 = arith.constant 0 : i32
    %ne3A_770 = vector.broadcast %ne3A_769 : i32 to vector<4x224x224xi32>
    %ne3A_771 = arith.cmpi ne, %mul3A_763, %ne3A_770 : vector<4x224x224xi32>
    %broadcast_in_dim3A_772 = arith.constant 0 : i32
    %broadcast_in_dim3A_773 = vector.broadcast %broadcast_in_dim3A_772 : i32 to vector<4x224x16xi32>
    %slice3A_774 = vector.extract_strided_slice %max3A_758 {offsets = [0, 0, 0], sizes = [4, 224, 208], strides = [1, 1, 1]} : vector<4x224x224xi32> to vector<4x224x208xi32>
    %concatenate3A_775 = tpu.concatenate %broadcast_in_dim3A_773, %slice3A_774 in 2 : vector<4x224x16xi32>, vector<4x224x208xi32> -> vector<4x224x224xi32>
    %jit3A_776 = arith.constant 0 : i32
    %broadcast_in_dim3A_777 = vector.broadcast %jit3A_776 : i32 to vector<4x224x224xi32>
    %select_n3A_778 = arith.select %ne3A_771, %concatenate3A_775, %broadcast_in_dim3A_777 : vector<4x224x224xi1>, vector<4x224x224xi32>
    %max3A_779 = arith.maxsi %max3A_758, %select_n3A_778 : vector<4x224x224xi32>
    %ne3A_780 = arith.constant 0 : i32
    %ne3A_781 = vector.broadcast %ne3A_780 : i32 to vector<4x224x224xi32>
    %ne3A_782 = arith.cmpi ne, %mul3A_768, %ne3A_781 : vector<4x224x224xi32>
    %broadcast_in_dim3A_783 = arith.constant 0 : i32
    %broadcast_in_dim3A_784 = vector.broadcast %broadcast_in_dim3A_783 : i32 to vector<4x224x16xi32>
    %slice3A_785 = vector.extract_strided_slice %max3A_779 {offsets = [0, 0, 16], sizes = [4, 224, 208], strides = [1, 1, 1]} : vector<4x224x224xi32> to vector<4x224x208xi32>
    %concatenate3A_786 = tpu.concatenate %slice3A_785, %broadcast_in_dim3A_784 in 2 : vector<4x224x208xi32>, vector<4x224x16xi32> -> vector<4x224x224xi32>
    %jit3A_787 = arith.constant 0 : i32
    %broadcast_in_dim3A_788 = vector.broadcast %jit3A_787 : i32 to vector<4x224x224xi32>
    %select_n3A_789 = arith.select %ne3A_782, %concatenate3A_786, %broadcast_in_dim3A_788 : vector<4x224x224xi1>, vector<4x224x224xi32>
    %max3A_790 = arith.maxsi %max3A_779, %select_n3A_789 : vector<4x224x224xi32>
    %broadcast_in_dim3A_791 = arith.constant 0 : i32
    %broadcast_in_dim3A_792 = vector.broadcast %broadcast_in_dim3A_791 : i32 to vector<4x224x16xi32>
    %slice3A_793 = vector.extract_strided_slice %mul3A_763 {offsets = [0, 0, 0], sizes = [4, 224, 208], strides = [1, 1, 1]} : vector<4x224x224xi32> to vector<4x224x208xi32>
    %concatenate3A_794 = tpu.concatenate %broadcast_in_dim3A_792, %slice3A_793 in 2 : vector<4x224x16xi32>, vector<4x224x208xi32> -> vector<4x224x224xi32>
    %mul3A_795 = arith.muli %mul3A_763, %concatenate3A_794 : vector<4x224x224xi32>
    %broadcast_in_dim3A_796 = arith.constant 0 : i32
    %broadcast_in_dim3A_797 = vector.broadcast %broadcast_in_dim3A_796 : i32 to vector<4x224x16xi32>
    %slice3A_798 = vector.extract_strided_slice %mul3A_768 {offsets = [0, 0, 16], sizes = [4, 224, 208], strides = [1, 1, 1]} : vector<4x224x224xi32> to vector<4x224x208xi32>
    %concatenate3A_799 = tpu.concatenate %slice3A_798, %broadcast_in_dim3A_797 in 2 : vector<4x224x208xi32>, vector<4x224x16xi32> -> vector<4x224x224xi32>
    %mul3A_800 = arith.muli %mul3A_768, %concatenate3A_799 : vector<4x224x224xi32>
    %ne3A_801 = arith.constant 0 : i32
    %ne3A_802 = vector.broadcast %ne3A_801 : i32 to vector<4x224x224xi32>
    %ne3A_803 = arith.cmpi ne, %mul3A_795, %ne3A_802 : vector<4x224x224xi32>
    %broadcast_in_dim3A_804 = arith.constant 0 : i32
    %broadcast_in_dim3A_805 = vector.broadcast %broadcast_in_dim3A_804 : i32 to vector<4x224x32xi32>
    %slice3A_806 = vector.extract_strided_slice %max3A_790 {offsets = [0, 0, 0], sizes = [4, 224, 192], strides = [1, 1, 1]} : vector<4x224x224xi32> to vector<4x224x192xi32>
    %concatenate3A_807 = tpu.concatenate %broadcast_in_dim3A_805, %slice3A_806 in 2 : vector<4x224x32xi32>, vector<4x224x192xi32> -> vector<4x224x224xi32>
    %jit3A_808 = arith.constant 0 : i32
    %broadcast_in_dim3A_809 = vector.broadcast %jit3A_808 : i32 to vector<4x224x224xi32>
    %select_n3A_810 = arith.select %ne3A_803, %concatenate3A_807, %broadcast_in_dim3A_809 : vector<4x224x224xi1>, vector<4x224x224xi32>
    %max3A_811 = arith.maxsi %max3A_790, %select_n3A_810 : vector<4x224x224xi32>
    %ne3A_812 = arith.constant 0 : i32
    %ne3A_813 = vector.broadcast %ne3A_812 : i32 to vector<4x224x224xi32>
    %ne3A_814 = arith.cmpi ne, %mul3A_800, %ne3A_813 : vector<4x224x224xi32>
    %broadcast_in_dim3A_815 = arith.constant 0 : i32
    %broadcast_in_dim3A_816 = vector.broadcast %broadcast_in_dim3A_815 : i32 to vector<4x224x32xi32>
    %slice3A_817 = vector.extract_strided_slice %max3A_811 {offsets = [0, 0, 32], sizes = [4, 224, 192], strides = [1, 1, 1]} : vector<4x224x224xi32> to vector<4x224x192xi32>
    %concatenate3A_818 = tpu.concatenate %slice3A_817, %broadcast_in_dim3A_816 in 2 : vector<4x224x192xi32>, vector<4x224x32xi32> -> vector<4x224x224xi32>
    %jit3A_819 = arith.constant 0 : i32
    %broadcast_in_dim3A_820 = vector.broadcast %jit3A_819 : i32 to vector<4x224x224xi32>
    %select_n3A_821 = arith.select %ne3A_814, %concatenate3A_818, %broadcast_in_dim3A_820 : vector<4x224x224xi1>, vector<4x224x224xi32>
    %max3A_822 = arith.maxsi %max3A_811, %select_n3A_821 : vector<4x224x224xi32>
    %broadcast_in_dim3A_823 = arith.constant 0 : i32
    %broadcast_in_dim3A_824 = vector.broadcast %broadcast_in_dim3A_823 : i32 to vector<4x224x32xi32>
    %slice3A_825 = vector.extract_strided_slice %mul3A_795 {offsets = [0, 0, 0], sizes = [4, 224, 192], strides = [1, 1, 1]} : vector<4x224x224xi32> to vector<4x224x192xi32>
    %concatenate3A_826 = tpu.concatenate %broadcast_in_dim3A_824, %slice3A_825 in 2 : vector<4x224x32xi32>, vector<4x224x192xi32> -> vector<4x224x224xi32>
    %mul3A_827 = arith.muli %mul3A_795, %concatenate3A_826 : vector<4x224x224xi32>
    %broadcast_in_dim3A_828 = arith.constant 0 : i32
    %broadcast_in_dim3A_829 = vector.broadcast %broadcast_in_dim3A_828 : i32 to vector<4x224x32xi32>
    %slice3A_830 = vector.extract_strided_slice %mul3A_800 {offsets = [0, 0, 32], sizes = [4, 224, 192], strides = [1, 1, 1]} : vector<4x224x224xi32> to vector<4x224x192xi32>
    %concatenate3A_831 = tpu.concatenate %slice3A_830, %broadcast_in_dim3A_829 in 2 : vector<4x224x192xi32>, vector<4x224x32xi32> -> vector<4x224x224xi32>
    %mul3A_832 = arith.muli %mul3A_800, %concatenate3A_831 : vector<4x224x224xi32>
    %ne3A_833 = arith.constant 0 : i32
    %ne3A_834 = vector.broadcast %ne3A_833 : i32 to vector<4x224x224xi32>
    %ne3A_835 = arith.cmpi ne, %mul3A_827, %ne3A_834 : vector<4x224x224xi32>
    %broadcast_in_dim3A_836 = arith.constant 0 : i32
    %broadcast_in_dim3A_837 = vector.broadcast %broadcast_in_dim3A_836 : i32 to vector<4x224x64xi32>
    %slice3A_838 = vector.extract_strided_slice %max3A_822 {offsets = [0, 0, 0], sizes = [4, 224, 160], strides = [1, 1, 1]} : vector<4x224x224xi32> to vector<4x224x160xi32>
    %concatenate3A_839 = tpu.concatenate %broadcast_in_dim3A_837, %slice3A_838 in 2 : vector<4x224x64xi32>, vector<4x224x160xi32> -> vector<4x224x224xi32>
    %jit3A_840 = arith.constant 0 : i32
    %broadcast_in_dim3A_841 = vector.broadcast %jit3A_840 : i32 to vector<4x224x224xi32>
    %select_n3A_842 = arith.select %ne3A_835, %concatenate3A_839, %broadcast_in_dim3A_841 : vector<4x224x224xi1>, vector<4x224x224xi32>
    %max3A_843 = arith.maxsi %max3A_822, %select_n3A_842 : vector<4x224x224xi32>
    %ne3A_844 = arith.constant 0 : i32
    %ne3A_845 = vector.broadcast %ne3A_844 : i32 to vector<4x224x224xi32>
    %ne3A_846 = arith.cmpi ne, %mul3A_832, %ne3A_845 : vector<4x224x224xi32>
    %broadcast_in_dim3A_847 = arith.constant 0 : i32
    %broadcast_in_dim3A_848 = vector.broadcast %broadcast_in_dim3A_847 : i32 to vector<4x224x64xi32>
    %slice3A_849 = vector.extract_strided_slice %max3A_843 {offsets = [0, 0, 64], sizes = [4, 224, 160], strides = [1, 1, 1]} : vector<4x224x224xi32> to vector<4x224x160xi32>
    %concatenate3A_850 = tpu.concatenate %slice3A_849, %broadcast_in_dim3A_848 in 2 : vector<4x224x160xi32>, vector<4x224x64xi32> -> vector<4x224x224xi32>
    %jit3A_851 = arith.constant 0 : i32
    %broadcast_in_dim3A_852 = vector.broadcast %jit3A_851 : i32 to vector<4x224x224xi32>
    %select_n3A_853 = arith.select %ne3A_846, %concatenate3A_850, %broadcast_in_dim3A_852 : vector<4x224x224xi1>, vector<4x224x224xi32>
    %max3A_854 = arith.maxsi %max3A_843, %select_n3A_853 : vector<4x224x224xi32>
    %broadcast_in_dim3A_855 = arith.constant 0 : i32
    %broadcast_in_dim3A_856 = vector.broadcast %broadcast_in_dim3A_855 : i32 to vector<4x224x64xi32>
    %slice3A_857 = vector.extract_strided_slice %mul3A_827 {offsets = [0, 0, 0], sizes = [4, 224, 160], strides = [1, 1, 1]} : vector<4x224x224xi32> to vector<4x224x160xi32>
    %concatenate3A_858 = tpu.concatenate %broadcast_in_dim3A_856, %slice3A_857 in 2 : vector<4x224x64xi32>, vector<4x224x160xi32> -> vector<4x224x224xi32>
    %mul3A_859 = arith.muli %mul3A_827, %concatenate3A_858 : vector<4x224x224xi32>
    %broadcast_in_dim3A_860 = arith.constant 0 : i32
    %broadcast_in_dim3A_861 = vector.broadcast %broadcast_in_dim3A_860 : i32 to vector<4x224x64xi32>
    %slice3A_862 = vector.extract_strided_slice %mul3A_832 {offsets = [0, 0, 64], sizes = [4, 224, 160], strides = [1, 1, 1]} : vector<4x224x224xi32> to vector<4x224x160xi32>
    %concatenate3A_863 = tpu.concatenate %slice3A_862, %broadcast_in_dim3A_861 in 2 : vector<4x224x160xi32>, vector<4x224x64xi32> -> vector<4x224x224xi32>
    %mul3A_864 = arith.muli %mul3A_832, %concatenate3A_863 : vector<4x224x224xi32>
    %ne3A_865 = arith.constant 0 : i32
    %ne3A_866 = vector.broadcast %ne3A_865 : i32 to vector<4x224x224xi32>
    %ne3A_867 = arith.cmpi ne, %mul3A_859, %ne3A_866 : vector<4x224x224xi32>
    %broadcast_in_dim3A_868 = arith.constant 0 : i32
    %broadcast_in_dim3A_869 = vector.broadcast %broadcast_in_dim3A_868 : i32 to vector<4x224x128xi32>
    %slice3A_870 = vector.extract_strided_slice %max3A_854 {offsets = [0, 0, 0], sizes = [4, 224, 96], strides = [1, 1, 1]} : vector<4x224x224xi32> to vector<4x224x96xi32>
    %concatenate3A_871 = tpu.concatenate %broadcast_in_dim3A_869, %slice3A_870 in 2 : vector<4x224x128xi32>, vector<4x224x96xi32> -> vector<4x224x224xi32>
    %jit3A_872 = arith.constant 0 : i32
    %broadcast_in_dim3A_873 = vector.broadcast %jit3A_872 : i32 to vector<4x224x224xi32>
    %select_n3A_874 = arith.select %ne3A_867, %concatenate3A_871, %broadcast_in_dim3A_873 : vector<4x224x224xi1>, vector<4x224x224xi32>
    %max3A_875 = arith.maxsi %max3A_854, %select_n3A_874 : vector<4x224x224xi32>
    %ne3A_876 = arith.constant 0 : i32
    %ne3A_877 = vector.broadcast %ne3A_876 : i32 to vector<4x224x224xi32>
    %ne3A_878 = arith.cmpi ne, %mul3A_864, %ne3A_877 : vector<4x224x224xi32>
    %broadcast_in_dim3A_879 = arith.constant 0 : i32
    %broadcast_in_dim3A_880 = vector.broadcast %broadcast_in_dim3A_879 : i32 to vector<4x224x128xi32>
    %slice3A_881 = vector.extract_strided_slice %max3A_875 {offsets = [0, 0, 128], sizes = [4, 224, 96], strides = [1, 1, 1]} : vector<4x224x224xi32> to vector<4x224x96xi32>
    %concatenate3A_882 = tpu.concatenate %slice3A_881, %broadcast_in_dim3A_880 in 2 : vector<4x224x96xi32>, vector<4x224x128xi32> -> vector<4x224x224xi32>
    %jit3A_883 = arith.constant 0 : i32
    %broadcast_in_dim3A_884 = vector.broadcast %jit3A_883 : i32 to vector<4x224x224xi32>
    %select_n3A_885 = arith.select %ne3A_878, %concatenate3A_882, %broadcast_in_dim3A_884 : vector<4x224x224xi1>, vector<4x224x224xi32>
    %max3A_886 = arith.maxsi %max3A_875, %select_n3A_885 : vector<4x224x224xi32>
    %broadcast_in_dim3A_887 = arith.constant 0 : i32
    %broadcast_in_dim3A_888 = vector.broadcast %broadcast_in_dim3A_887 : i32 to vector<4x1x224xi32>
    %slice3A_889 = vector.extract_strided_slice %get3A_2 {offsets = [0, 0, 0], sizes = [4, 223, 224], strides = [1, 1, 1]} : vector<4x224x224xi32> to vector<4x223x224xi32>
    %concatenate3A_890 = tpu.concatenate %broadcast_in_dim3A_888, %slice3A_889 in 1 : vector<4x1x224xi32>, vector<4x223x224xi32> -> vector<4x224x224xi32>
    %mul3A_891 = arith.muli %get3A_2, %concatenate3A_890 : vector<4x224x224xi32>
    %broadcast_in_dim3A_892 = arith.constant 0 : i32
    %broadcast_in_dim3A_893 = vector.broadcast %broadcast_in_dim3A_892 : i32 to vector<4x1x224xi32>
    %slice3A_894 = vector.extract_strided_slice %get3A_2 {offsets = [0, 1, 0], sizes = [4, 223, 224], strides = [1, 1, 1]} : vector<4x224x224xi32> to vector<4x223x224xi32>
    %concatenate3A_895 = tpu.concatenate %slice3A_894, %broadcast_in_dim3A_893 in 1 : vector<4x223x224xi32>, vector<4x1x224xi32> -> vector<4x224x224xi32>
    %mul3A_896 = arith.muli %get3A_2, %concatenate3A_895 : vector<4x224x224xi32>
    %ne3A_897 = arith.constant 0 : i32
    %ne3A_898 = vector.broadcast %ne3A_897 : i32 to vector<4x224x224xi32>
    %ne3A_899 = arith.cmpi ne, %mul3A_891, %ne3A_898 : vector<4x224x224xi32>
    %broadcast_in_dim3A_900 = arith.constant 0 : i32
    %broadcast_in_dim3A_901 = vector.broadcast %broadcast_in_dim3A_900 : i32 to vector<4x1x224xi32>
    %slice3A_902 = vector.extract_strided_slice %max3A_886 {offsets = [0, 0, 0], sizes = [4, 223, 224], strides = [1, 1, 1]} : vector<4x224x224xi32> to vector<4x223x224xi32>
    %concatenate3A_903 = tpu.concatenate %broadcast_in_dim3A_901, %slice3A_902 in 1 : vector<4x1x224xi32>, vector<4x223x224xi32> -> vector<4x224x224xi32>
    %jit3A_904 = arith.constant 0 : i32
    %broadcast_in_dim3A_905 = vector.broadcast %jit3A_904 : i32 to vector<4x224x224xi32>
    %select_n3A_906 = arith.select %ne3A_899, %concatenate3A_903, %broadcast_in_dim3A_905 : vector<4x224x224xi1>, vector<4x224x224xi32>
    %max3A_907 = arith.maxsi %max3A_886, %select_n3A_906 : vector<4x224x224xi32>
    %ne3A_908 = arith.constant 0 : i32
    %ne3A_909 = vector.broadcast %ne3A_908 : i32 to vector<4x224x224xi32>
    %ne3A_910 = arith.cmpi ne, %mul3A_896, %ne3A_909 : vector<4x224x224xi32>
    %broadcast_in_dim3A_911 = arith.constant 0 : i32
    %broadcast_in_dim3A_912 = vector.broadcast %broadcast_in_dim3A_911 : i32 to vector<4x1x224xi32>
    %slice3A_913 = vector.extract_strided_slice %max3A_907 {offsets = [0, 1, 0], sizes = [4, 223, 224], strides = [1, 1, 1]} : vector<4x224x224xi32> to vector<4x223x224xi32>
    %concatenate3A_914 = tpu.concatenate %slice3A_913, %broadcast_in_dim3A_912 in 1 : vector<4x223x224xi32>, vector<4x1x224xi32> -> vector<4x224x224xi32>
    %jit3A_915 = arith.constant 0 : i32
    %broadcast_in_dim3A_916 = vector.broadcast %jit3A_915 : i32 to vector<4x224x224xi32>
    %select_n3A_917 = arith.select %ne3A_910, %concatenate3A_914, %broadcast_in_dim3A_916 : vector<4x224x224xi1>, vector<4x224x224xi32>
    %max3A_918 = arith.maxsi %max3A_907, %select_n3A_917 : vector<4x224x224xi32>
    %broadcast_in_dim3A_919 = arith.constant 0 : i32
    %broadcast_in_dim3A_920 = vector.broadcast %broadcast_in_dim3A_919 : i32 to vector<4x1x224xi32>
    %slice3A_921 = vector.extract_strided_slice %mul3A_891 {offsets = [0, 0, 0], sizes = [4, 223, 224], strides = [1, 1, 1]} : vector<4x224x224xi32> to vector<4x223x224xi32>
    %concatenate3A_922 = tpu.concatenate %broadcast_in_dim3A_920, %slice3A_921 in 1 : vector<4x1x224xi32>, vector<4x223x224xi32> -> vector<4x224x224xi32>
    %mul3A_923 = arith.muli %mul3A_891, %concatenate3A_922 : vector<4x224x224xi32>
    %broadcast_in_dim3A_924 = arith.constant 0 : i32
    %broadcast_in_dim3A_925 = vector.broadcast %broadcast_in_dim3A_924 : i32 to vector<4x1x224xi32>
    %slice3A_926 = vector.extract_strided_slice %mul3A_896 {offsets = [0, 1, 0], sizes = [4, 223, 224], strides = [1, 1, 1]} : vector<4x224x224xi32> to vector<4x223x224xi32>
    %concatenate3A_927 = tpu.concatenate %slice3A_926, %broadcast_in_dim3A_925 in 1 : vector<4x223x224xi32>, vector<4x1x224xi32> -> vector<4x224x224xi32>
    %mul3A_928 = arith.muli %mul3A_896, %concatenate3A_927 : vector<4x224x224xi32>
    %ne3A_929 = arith.constant 0 : i32
    %ne3A_930 = vector.broadcast %ne3A_929 : i32 to vector<4x224x224xi32>
    %ne3A_931 = arith.cmpi ne, %mul3A_923, %ne3A_930 : vector<4x224x224xi32>
    %broadcast_in_dim3A_932 = arith.constant 0 : i32
    %broadcast_in_dim3A_933 = vector.broadcast %broadcast_in_dim3A_932 : i32 to vector<4x2x224xi32>
    %slice3A_934 = vector.extract_strided_slice %max3A_918 {offsets = [0, 0, 0], sizes = [4, 222, 224], strides = [1, 1, 1]} : vector<4x224x224xi32> to vector<4x222x224xi32>
    %concatenate3A_935 = tpu.concatenate %broadcast_in_dim3A_933, %slice3A_934 in 1 : vector<4x2x224xi32>, vector<4x222x224xi32> -> vector<4x224x224xi32>
    %jit3A_936 = arith.constant 0 : i32
    %broadcast_in_dim3A_937 = vector.broadcast %jit3A_936 : i32 to vector<4x224x224xi32>
    %select_n3A_938 = arith.select %ne3A_931, %concatenate3A_935, %broadcast_in_dim3A_937 : vector<4x224x224xi1>, vector<4x224x224xi32>
    %max3A_939 = arith.maxsi %max3A_918, %select_n3A_938 : vector<4x224x224xi32>
    %ne3A_940 = arith.constant 0 : i32
    %ne3A_941 = vector.broadcast %ne3A_940 : i32 to vector<4x224x224xi32>
    %ne3A_942 = arith.cmpi ne, %mul3A_928, %ne3A_941 : vector<4x224x224xi32>
    %broadcast_in_dim3A_943 = arith.constant 0 : i32
    %broadcast_in_dim3A_944 = vector.broadcast %broadcast_in_dim3A_943 : i32 to vector<4x2x224xi32>
    %slice3A_945 = vector.extract_strided_slice %max3A_939 {offsets = [0, 2, 0], sizes = [4, 222, 224], strides = [1, 1, 1]} : vector<4x224x224xi32> to vector<4x222x224xi32>
    %concatenate3A_946 = tpu.concatenate %slice3A_945, %broadcast_in_dim3A_944 in 1 : vector<4x222x224xi32>, vector<4x2x224xi32> -> vector<4x224x224xi32>
    %jit3A_947 = arith.constant 0 : i32
    %broadcast_in_dim3A_948 = vector.broadcast %jit3A_947 : i32 to vector<4x224x224xi32>
    %select_n3A_949 = arith.select %ne3A_942, %concatenate3A_946, %broadcast_in_dim3A_948 : vector<4x224x224xi1>, vector<4x224x224xi32>
    %max3A_950 = arith.maxsi %max3A_939, %select_n3A_949 : vector<4x224x224xi32>
    %broadcast_in_dim3A_951 = arith.constant 0 : i32
    %broadcast_in_dim3A_952 = vector.broadcast %broadcast_in_dim3A_951 : i32 to vector<4x2x224xi32>
    %slice3A_953 = vector.extract_strided_slice %mul3A_923 {offsets = [0, 0, 0], sizes = [4, 222, 224], strides = [1, 1, 1]} : vector<4x224x224xi32> to vector<4x222x224xi32>
    %concatenate3A_954 = tpu.concatenate %broadcast_in_dim3A_952, %slice3A_953 in 1 : vector<4x2x224xi32>, vector<4x222x224xi32> -> vector<4x224x224xi32>
    %mul3A_955 = arith.muli %mul3A_923, %concatenate3A_954 : vector<4x224x224xi32>
    %broadcast_in_dim3A_956 = arith.constant 0 : i32
    %broadcast_in_dim3A_957 = vector.broadcast %broadcast_in_dim3A_956 : i32 to vector<4x2x224xi32>
    %slice3A_958 = vector.extract_strided_slice %mul3A_928 {offsets = [0, 2, 0], sizes = [4, 222, 224], strides = [1, 1, 1]} : vector<4x224x224xi32> to vector<4x222x224xi32>
    %concatenate3A_959 = tpu.concatenate %slice3A_958, %broadcast_in_dim3A_957 in 1 : vector<4x222x224xi32>, vector<4x2x224xi32> -> vector<4x224x224xi32>
    %mul3A_960 = arith.muli %mul3A_928, %concatenate3A_959 : vector<4x224x224xi32>
    %ne3A_961 = arith.constant 0 : i32
    %ne3A_962 = vector.broadcast %ne3A_961 : i32 to vector<4x224x224xi32>
    %ne3A_963 = arith.cmpi ne, %mul3A_955, %ne3A_962 : vector<4x224x224xi32>
    %broadcast_in_dim3A_964 = arith.constant 0 : i32
    %broadcast_in_dim3A_965 = vector.broadcast %broadcast_in_dim3A_964 : i32 to vector<4x4x224xi32>
    %slice3A_966 = vector.extract_strided_slice %max3A_950 {offsets = [0, 0, 0], sizes = [4, 220, 224], strides = [1, 1, 1]} : vector<4x224x224xi32> to vector<4x220x224xi32>
    %concatenate3A_967 = tpu.concatenate %broadcast_in_dim3A_965, %slice3A_966 in 1 : vector<4x4x224xi32>, vector<4x220x224xi32> -> vector<4x224x224xi32>
    %jit3A_968 = arith.constant 0 : i32
    %broadcast_in_dim3A_969 = vector.broadcast %jit3A_968 : i32 to vector<4x224x224xi32>
    %select_n3A_970 = arith.select %ne3A_963, %concatenate3A_967, %broadcast_in_dim3A_969 : vector<4x224x224xi1>, vector<4x224x224xi32>
    %max3A_971 = arith.maxsi %max3A_950, %select_n3A_970 : vector<4x224x224xi32>
    %ne3A_972 = arith.constant 0 : i32
    %ne3A_973 = vector.broadcast %ne3A_972 : i32 to vector<4x224x224xi32>
    %ne3A_974 = arith.cmpi ne, %mul3A_960, %ne3A_973 : vector<4x224x224xi32>
    %broadcast_in_dim3A_975 = arith.constant 0 : i32
    %broadcast_in_dim3A_976 = vector.broadcast %broadcast_in_dim3A_975 : i32 to vector<4x4x224xi32>
    %slice3A_977 = vector.extract_strided_slice %max3A_971 {offsets = [0, 4, 0], sizes = [4, 220, 224], strides = [1, 1, 1]} : vector<4x224x224xi32> to vector<4x220x224xi32>
    %concatenate3A_978 = tpu.concatenate %slice3A_977, %broadcast_in_dim3A_976 in 1 : vector<4x220x224xi32>, vector<4x4x224xi32> -> vector<4x224x224xi32>
    %jit3A_979 = arith.constant 0 : i32
    %broadcast_in_dim3A_980 = vector.broadcast %jit3A_979 : i32 to vector<4x224x224xi32>
    %select_n3A_981 = arith.select %ne3A_974, %concatenate3A_978, %broadcast_in_dim3A_980 : vector<4x224x224xi1>, vector<4x224x224xi32>
    %max3A_982 = arith.maxsi %max3A_971, %select_n3A_981 : vector<4x224x224xi32>
    %broadcast_in_dim3A_983 = arith.constant 0 : i32
    %broadcast_in_dim3A_984 = vector.broadcast %broadcast_in_dim3A_983 : i32 to vector<4x4x224xi32>
    %slice3A_985 = vector.extract_strided_slice %mul3A_955 {offsets = [0, 0, 0], sizes = [4, 220, 224], strides = [1, 1, 1]} : vector<4x224x224xi32> to vector<4x220x224xi32>
    %concatenate3A_986 = tpu.concatenate %broadcast_in_dim3A_984, %slice3A_985 in 1 : vector<4x4x224xi32>, vector<4x220x224xi32> -> vector<4x224x224xi32>
    %mul3A_987 = arith.muli %mul3A_955, %concatenate3A_986 : vector<4x224x224xi32>
    %broadcast_in_dim3A_988 = arith.constant 0 : i32
    %broadcast_in_dim3A_989 = vector.broadcast %broadcast_in_dim3A_988 : i32 to vector<4x4x224xi32>
    %slice3A_990 = vector.extract_strided_slice %mul3A_960 {offsets = [0, 4, 0], sizes = [4, 220, 224], strides = [1, 1, 1]} : vector<4x224x224xi32> to vector<4x220x224xi32>
    %concatenate3A_991 = tpu.concatenate %slice3A_990, %broadcast_in_dim3A_989 in 1 : vector<4x220x224xi32>, vector<4x4x224xi32> -> vector<4x224x224xi32>
    %mul3A_992 = arith.muli %mul3A_960, %concatenate3A_991 : vector<4x224x224xi32>
    %ne3A_993 = arith.constant 0 : i32
    %ne3A_994 = vector.broadcast %ne3A_993 : i32 to vector<4x224x224xi32>
    %ne3A_995 = arith.cmpi ne, %mul3A_987, %ne3A_994 : vector<4x224x224xi32>
    %broadcast_in_dim3A_996 = arith.constant 0 : i32
    %broadcast_in_dim3A_997 = vector.broadcast %broadcast_in_dim3A_996 : i32 to vector<4x8x224xi32>
    %slice3A_998 = vector.extract_strided_slice %max3A_982 {offsets = [0, 0, 0], sizes = [4, 216, 224], strides = [1, 1, 1]} : vector<4x224x224xi32> to vector<4x216x224xi32>
    %concatenate3A_999 = tpu.concatenate %broadcast_in_dim3A_997, %slice3A_998 in 1 : vector<4x8x224xi32>, vector<4x216x224xi32> -> vector<4x224x224xi32>
    %jit3A_1000 = arith.constant 0 : i32
    %broadcast_in_dim3A_1001 = vector.broadcast %jit3A_1000 : i32 to vector<4x224x224xi32>
    %select_n3A_1002 = arith.select %ne3A_995, %concatenate3A_999, %broadcast_in_dim3A_1001 : vector<4x224x224xi1>, vector<4x224x224xi32>
    %max3A_1003 = arith.maxsi %max3A_982, %select_n3A_1002 : vector<4x224x224xi32>
    %ne3A_1004 = arith.constant 0 : i32
    %ne3A_1005 = vector.broadcast %ne3A_1004 : i32 to vector<4x224x224xi32>
    %ne3A_1006 = arith.cmpi ne, %mul3A_992, %ne3A_1005 : vector<4x224x224xi32>
    %broadcast_in_dim3A_1007 = arith.constant 0 : i32
    %broadcast_in_dim3A_1008 = vector.broadcast %broadcast_in_dim3A_1007 : i32 to vector<4x8x224xi32>
    %slice3A_1009 = vector.extract_strided_slice %max3A_1003 {offsets = [0, 8, 0], sizes = [4, 216, 224], strides = [1, 1, 1]} : vector<4x224x224xi32> to vector<4x216x224xi32>
    %concatenate3A_1010 = tpu.concatenate %slice3A_1009, %broadcast_in_dim3A_1008 in 1 : vector<4x216x224xi32>, vector<4x8x224xi32> -> vector<4x224x224xi32>
    %jit3A_1011 = arith.constant 0 : i32
    %broadcast_in_dim3A_1012 = vector.broadcast %jit3A_1011 : i32 to vector<4x224x224xi32>
    %select_n3A_1013 = arith.select %ne3A_1006, %concatenate3A_1010, %broadcast_in_dim3A_1012 : vector<4x224x224xi1>, vector<4x224x224xi32>
    %max3A_1014 = arith.maxsi %max3A_1003, %select_n3A_1013 : vector<4x224x224xi32>
    %broadcast_in_dim3A_1015 = arith.constant 0 : i32
    %broadcast_in_dim3A_1016 = vector.broadcast %broadcast_in_dim3A_1015 : i32 to vector<4x8x224xi32>
    %slice3A_1017 = vector.extract_strided_slice %mul3A_987 {offsets = [0, 0, 0], sizes = [4, 216, 224], strides = [1, 1, 1]} : vector<4x224x224xi32> to vector<4x216x224xi32>
    %concatenate3A_1018 = tpu.concatenate %broadcast_in_dim3A_1016, %slice3A_1017 in 1 : vector<4x8x224xi32>, vector<4x216x224xi32> -> vector<4x224x224xi32>
    %mul3A_1019 = arith.muli %mul3A_987, %concatenate3A_1018 : vector<4x224x224xi32>
    %broadcast_in_dim3A_1020 = arith.constant 0 : i32
    %broadcast_in_dim3A_1021 = vector.broadcast %broadcast_in_dim3A_1020 : i32 to vector<4x8x224xi32>
    %slice3A_1022 = vector.extract_strided_slice %mul3A_992 {offsets = [0, 8, 0], sizes = [4, 216, 224], strides = [1, 1, 1]} : vector<4x224x224xi32> to vector<4x216x224xi32>
    %concatenate3A_1023 = tpu.concatenate %slice3A_1022, %broadcast_in_dim3A_1021 in 1 : vector<4x216x224xi32>, vector<4x8x224xi32> -> vector<4x224x224xi32>
    %mul3A_1024 = arith.muli %mul3A_992, %concatenate3A_1023 : vector<4x224x224xi32>
    %ne3A_1025 = arith.constant 0 : i32
    %ne3A_1026 = vector.broadcast %ne3A_1025 : i32 to vector<4x224x224xi32>
    %ne3A_1027 = arith.cmpi ne, %mul3A_1019, %ne3A_1026 : vector<4x224x224xi32>
    %broadcast_in_dim3A_1028 = arith.constant 0 : i32
    %broadcast_in_dim3A_1029 = vector.broadcast %broadcast_in_dim3A_1028 : i32 to vector<4x16x224xi32>
    %slice3A_1030 = vector.extract_strided_slice %max3A_1014 {offsets = [0, 0, 0], sizes = [4, 208, 224], strides = [1, 1, 1]} : vector<4x224x224xi32> to vector<4x208x224xi32>
    %concatenate3A_1031 = tpu.concatenate %broadcast_in_dim3A_1029, %slice3A_1030 in 1 : vector<4x16x224xi32>, vector<4x208x224xi32> -> vector<4x224x224xi32>
    %jit3A_1032 = arith.constant 0 : i32
    %broadcast_in_dim3A_1033 = vector.broadcast %jit3A_1032 : i32 to vector<4x224x224xi32>
    %select_n3A_1034 = arith.select %ne3A_1027, %concatenate3A_1031, %broadcast_in_dim3A_1033 : vector<4x224x224xi1>, vector<4x224x224xi32>
    %max3A_1035 = arith.maxsi %max3A_1014, %select_n3A_1034 : vector<4x224x224xi32>
    %ne3A_1036 = arith.constant 0 : i32
    %ne3A_1037 = vector.broadcast %ne3A_1036 : i32 to vector<4x224x224xi32>
    %ne3A_1038 = arith.cmpi ne, %mul3A_1024, %ne3A_1037 : vector<4x224x224xi32>
    %broadcast_in_dim3A_1039 = arith.constant 0 : i32
    %broadcast_in_dim3A_1040 = vector.broadcast %broadcast_in_dim3A_1039 : i32 to vector<4x16x224xi32>
    %slice3A_1041 = vector.extract_strided_slice %max3A_1035 {offsets = [0, 16, 0], sizes = [4, 208, 224], strides = [1, 1, 1]} : vector<4x224x224xi32> to vector<4x208x224xi32>
    %concatenate3A_1042 = tpu.concatenate %slice3A_1041, %broadcast_in_dim3A_1040 in 1 : vector<4x208x224xi32>, vector<4x16x224xi32> -> vector<4x224x224xi32>
    %jit3A_1043 = arith.constant 0 : i32
    %broadcast_in_dim3A_1044 = vector.broadcast %jit3A_1043 : i32 to vector<4x224x224xi32>
    %select_n3A_1045 = arith.select %ne3A_1038, %concatenate3A_1042, %broadcast_in_dim3A_1044 : vector<4x224x224xi1>, vector<4x224x224xi32>
    %max3A_1046 = arith.maxsi %max3A_1035, %select_n3A_1045 : vector<4x224x224xi32>
    %broadcast_in_dim3A_1047 = arith.constant 0 : i32
    %broadcast_in_dim3A_1048 = vector.broadcast %broadcast_in_dim3A_1047 : i32 to vector<4x16x224xi32>
    %slice3A_1049 = vector.extract_strided_slice %mul3A_1019 {offsets = [0, 0, 0], sizes = [4, 208, 224], strides = [1, 1, 1]} : vector<4x224x224xi32> to vector<4x208x224xi32>
    %concatenate3A_1050 = tpu.concatenate %broadcast_in_dim3A_1048, %slice3A_1049 in 1 : vector<4x16x224xi32>, vector<4x208x224xi32> -> vector<4x224x224xi32>
    %mul3A_1051 = arith.muli %mul3A_1019, %concatenate3A_1050 : vector<4x224x224xi32>
    %broadcast_in_dim3A_1052 = arith.constant 0 : i32
    %broadcast_in_dim3A_1053 = vector.broadcast %broadcast_in_dim3A_1052 : i32 to vector<4x16x224xi32>
    %slice3A_1054 = vector.extract_strided_slice %mul3A_1024 {offsets = [0, 16, 0], sizes = [4, 208, 224], strides = [1, 1, 1]} : vector<4x224x224xi32> to vector<4x208x224xi32>
    %concatenate3A_1055 = tpu.concatenate %slice3A_1054, %broadcast_in_dim3A_1053 in 1 : vector<4x208x224xi32>, vector<4x16x224xi32> -> vector<4x224x224xi32>
    %mul3A_1056 = arith.muli %mul3A_1024, %concatenate3A_1055 : vector<4x224x224xi32>
    %ne3A_1057 = arith.constant 0 : i32
    %ne3A_1058 = vector.broadcast %ne3A_1057 : i32 to vector<4x224x224xi32>
    %ne3A_1059 = arith.cmpi ne, %mul3A_1051, %ne3A_1058 : vector<4x224x224xi32>
    %broadcast_in_dim3A_1060 = arith.constant 0 : i32
    %broadcast_in_dim3A_1061 = vector.broadcast %broadcast_in_dim3A_1060 : i32 to vector<4x32x224xi32>
    %slice3A_1062 = vector.extract_strided_slice %max3A_1046 {offsets = [0, 0, 0], sizes = [4, 192, 224], strides = [1, 1, 1]} : vector<4x224x224xi32> to vector<4x192x224xi32>
    %concatenate3A_1063 = tpu.concatenate %broadcast_in_dim3A_1061, %slice3A_1062 in 1 : vector<4x32x224xi32>, vector<4x192x224xi32> -> vector<4x224x224xi32>
    %jit3A_1064 = arith.constant 0 : i32
    %broadcast_in_dim3A_1065 = vector.broadcast %jit3A_1064 : i32 to vector<4x224x224xi32>
    %select_n3A_1066 = arith.select %ne3A_1059, %concatenate3A_1063, %broadcast_in_dim3A_1065 : vector<4x224x224xi1>, vector<4x224x224xi32>
    %max3A_1067 = arith.maxsi %max3A_1046, %select_n3A_1066 : vector<4x224x224xi32>
    %ne3A_1068 = arith.constant 0 : i32
    %ne3A_1069 = vector.broadcast %ne3A_1068 : i32 to vector<4x224x224xi32>
    %ne3A_1070 = arith.cmpi ne, %mul3A_1056, %ne3A_1069 : vector<4x224x224xi32>
    %broadcast_in_dim3A_1071 = arith.constant 0 : i32
    %broadcast_in_dim3A_1072 = vector.broadcast %broadcast_in_dim3A_1071 : i32 to vector<4x32x224xi32>
    %slice3A_1073 = vector.extract_strided_slice %max3A_1067 {offsets = [0, 32, 0], sizes = [4, 192, 224], strides = [1, 1, 1]} : vector<4x224x224xi32> to vector<4x192x224xi32>
    %concatenate3A_1074 = tpu.concatenate %slice3A_1073, %broadcast_in_dim3A_1072 in 1 : vector<4x192x224xi32>, vector<4x32x224xi32> -> vector<4x224x224xi32>
    %jit3A_1075 = arith.constant 0 : i32
    %broadcast_in_dim3A_1076 = vector.broadcast %jit3A_1075 : i32 to vector<4x224x224xi32>
    %select_n3A_1077 = arith.select %ne3A_1070, %concatenate3A_1074, %broadcast_in_dim3A_1076 : vector<4x224x224xi1>, vector<4x224x224xi32>
    %max3A_1078 = arith.maxsi %max3A_1067, %select_n3A_1077 : vector<4x224x224xi32>
    %broadcast_in_dim3A_1079 = arith.constant 0 : i32
    %broadcast_in_dim3A_1080 = vector.broadcast %broadcast_in_dim3A_1079 : i32 to vector<4x32x224xi32>
    %slice3A_1081 = vector.extract_strided_slice %mul3A_1051 {offsets = [0, 0, 0], sizes = [4, 192, 224], strides = [1, 1, 1]} : vector<4x224x224xi32> to vector<4x192x224xi32>
    %concatenate3A_1082 = tpu.concatenate %broadcast_in_dim3A_1080, %slice3A_1081 in 1 : vector<4x32x224xi32>, vector<4x192x224xi32> -> vector<4x224x224xi32>
    %mul3A_1083 = arith.muli %mul3A_1051, %concatenate3A_1082 : vector<4x224x224xi32>
    %broadcast_in_dim3A_1084 = arith.constant 0 : i32
    %broadcast_in_dim3A_1085 = vector.broadcast %broadcast_in_dim3A_1084 : i32 to vector<4x32x224xi32>
    %slice3A_1086 = vector.extract_strided_slice %mul3A_1056 {offsets = [0, 32, 0], sizes = [4, 192, 224], strides = [1, 1, 1]} : vector<4x224x224xi32> to vector<4x192x224xi32>
    %concatenate3A_1087 = tpu.concatenate %slice3A_1086, %broadcast_in_dim3A_1085 in 1 : vector<4x192x224xi32>, vector<4x32x224xi32> -> vector<4x224x224xi32>
    %mul3A_1088 = arith.muli %mul3A_1056, %concatenate3A_1087 : vector<4x224x224xi32>
    %ne3A_1089 = arith.constant 0 : i32
    %ne3A_1090 = vector.broadcast %ne3A_1089 : i32 to vector<4x224x224xi32>
    %ne3A_1091 = arith.cmpi ne, %mul3A_1083, %ne3A_1090 : vector<4x224x224xi32>
    %broadcast_in_dim3A_1092 = arith.constant 0 : i32
    %broadcast_in_dim3A_1093 = vector.broadcast %broadcast_in_dim3A_1092 : i32 to vector<4x64x224xi32>
    %slice3A_1094 = vector.extract_strided_slice %max3A_1078 {offsets = [0, 0, 0], sizes = [4, 160, 224], strides = [1, 1, 1]} : vector<4x224x224xi32> to vector<4x160x224xi32>
    %concatenate3A_1095 = tpu.concatenate %broadcast_in_dim3A_1093, %slice3A_1094 in 1 : vector<4x64x224xi32>, vector<4x160x224xi32> -> vector<4x224x224xi32>
    %jit3A_1096 = arith.constant 0 : i32
    %broadcast_in_dim3A_1097 = vector.broadcast %jit3A_1096 : i32 to vector<4x224x224xi32>
    %select_n3A_1098 = arith.select %ne3A_1091, %concatenate3A_1095, %broadcast_in_dim3A_1097 : vector<4x224x224xi1>, vector<4x224x224xi32>
    %max3A_1099 = arith.maxsi %max3A_1078, %select_n3A_1098 : vector<4x224x224xi32>
    %ne3A_1100 = arith.constant 0 : i32
    %ne3A_1101 = vector.broadcast %ne3A_1100 : i32 to vector<4x224x224xi32>
    %ne3A_1102 = arith.cmpi ne, %mul3A_1088, %ne3A_1101 : vector<4x224x224xi32>
    %broadcast_in_dim3A_1103 = arith.constant 0 : i32
    %broadcast_in_dim3A_1104 = vector.broadcast %broadcast_in_dim3A_1103 : i32 to vector<4x64x224xi32>
    %slice3A_1105 = vector.extract_strided_slice %max3A_1099 {offsets = [0, 64, 0], sizes = [4, 160, 224], strides = [1, 1, 1]} : vector<4x224x224xi32> to vector<4x160x224xi32>
    %concatenate3A_1106 = tpu.concatenate %slice3A_1105, %broadcast_in_dim3A_1104 in 1 : vector<4x160x224xi32>, vector<4x64x224xi32> -> vector<4x224x224xi32>
    %jit3A_1107 = arith.constant 0 : i32
    %broadcast_in_dim3A_1108 = vector.broadcast %jit3A_1107 : i32 to vector<4x224x224xi32>
    %select_n3A_1109 = arith.select %ne3A_1102, %concatenate3A_1106, %broadcast_in_dim3A_1108 : vector<4x224x224xi1>, vector<4x224x224xi32>
    %max3A_1110 = arith.maxsi %max3A_1099, %select_n3A_1109 : vector<4x224x224xi32>
    %broadcast_in_dim3A_1111 = arith.constant 0 : i32
    %broadcast_in_dim3A_1112 = vector.broadcast %broadcast_in_dim3A_1111 : i32 to vector<4x64x224xi32>
    %slice3A_1113 = vector.extract_strided_slice %mul3A_1083 {offsets = [0, 0, 0], sizes = [4, 160, 224], strides = [1, 1, 1]} : vector<4x224x224xi32> to vector<4x160x224xi32>
    %concatenate3A_1114 = tpu.concatenate %broadcast_in_dim3A_1112, %slice3A_1113 in 1 : vector<4x64x224xi32>, vector<4x160x224xi32> -> vector<4x224x224xi32>
    %mul3A_1115 = arith.muli %mul3A_1083, %concatenate3A_1114 : vector<4x224x224xi32>
    %broadcast_in_dim3A_1116 = arith.constant 0 : i32
    %broadcast_in_dim3A_1117 = vector.broadcast %broadcast_in_dim3A_1116 : i32 to vector<4x64x224xi32>
    %slice3A_1118 = vector.extract_strided_slice %mul3A_1088 {offsets = [0, 64, 0], sizes = [4, 160, 224], strides = [1, 1, 1]} : vector<4x224x224xi32> to vector<4x160x224xi32>
    %concatenate3A_1119 = tpu.concatenate %slice3A_1118, %broadcast_in_dim3A_1117 in 1 : vector<4x160x224xi32>, vector<4x64x224xi32> -> vector<4x224x224xi32>
    %mul3A_1120 = arith.muli %mul3A_1088, %concatenate3A_1119 : vector<4x224x224xi32>
    %ne3A_1121 = arith.constant 0 : i32
    %ne3A_1122 = vector.broadcast %ne3A_1121 : i32 to vector<4x224x224xi32>
    %ne3A_1123 = arith.cmpi ne, %mul3A_1115, %ne3A_1122 : vector<4x224x224xi32>
    %broadcast_in_dim3A_1124 = arith.constant 0 : i32
    %broadcast_in_dim3A_1125 = vector.broadcast %broadcast_in_dim3A_1124 : i32 to vector<4x128x224xi32>
    %slice3A_1126 = vector.extract_strided_slice %max3A_1110 {offsets = [0, 0, 0], sizes = [4, 96, 224], strides = [1, 1, 1]} : vector<4x224x224xi32> to vector<4x96x224xi32>
    %concatenate3A_1127 = tpu.concatenate %broadcast_in_dim3A_1125, %slice3A_1126 in 1 : vector<4x128x224xi32>, vector<4x96x224xi32> -> vector<4x224x224xi32>
    %jit3A_1128 = arith.constant 0 : i32
    %broadcast_in_dim3A_1129 = vector.broadcast %jit3A_1128 : i32 to vector<4x224x224xi32>
    %select_n3A_1130 = arith.select %ne3A_1123, %concatenate3A_1127, %broadcast_in_dim3A_1129 : vector<4x224x224xi1>, vector<4x224x224xi32>
    %max3A_1131 = arith.maxsi %max3A_1110, %select_n3A_1130 : vector<4x224x224xi32>
    %ne3A_1132 = arith.constant 0 : i32
    %ne3A_1133 = vector.broadcast %ne3A_1132 : i32 to vector<4x224x224xi32>
    %ne3A_1134 = arith.cmpi ne, %mul3A_1120, %ne3A_1133 : vector<4x224x224xi32>
    %broadcast_in_dim3A_1135 = arith.constant 0 : i32
    %broadcast_in_dim3A_1136 = vector.broadcast %broadcast_in_dim3A_1135 : i32 to vector<4x128x224xi32>
    %slice3A_1137 = vector.extract_strided_slice %max3A_1131 {offsets = [0, 128, 0], sizes = [4, 96, 224], strides = [1, 1, 1]} : vector<4x224x224xi32> to vector<4x96x224xi32>
    %concatenate3A_1138 = tpu.concatenate %slice3A_1137, %broadcast_in_dim3A_1136 in 1 : vector<4x96x224xi32>, vector<4x128x224xi32> -> vector<4x224x224xi32>
    %jit3A_1139 = arith.constant 0 : i32
    %broadcast_in_dim3A_1140 = vector.broadcast %jit3A_1139 : i32 to vector<4x224x224xi32>
    %select_n3A_1141 = arith.select %ne3A_1134, %concatenate3A_1138, %broadcast_in_dim3A_1140 : vector<4x224x224xi1>, vector<4x224x224xi32>
    %max3A_1142 = arith.maxsi %max3A_1131, %select_n3A_1141 : vector<4x224x224xi32>
    %while3A_1143:2 = scf.while (%while3A_1156 = %select_n3A_630, %while3A_1157 = %max3A_1142) : (vector<4x224x224xi32>, vector<4x224x224xi32>) -> (vector<4x224x224xi32>, vector<4x224x224xi32>) {
      %ne3A_1158 = arith.cmpi ne, %while3A_1156, %while3A_1157 : vector<4x224x224xi32>
      %reduce_or3A_1159 = arith.constant 1.000000e+00 : f32
      %reduce_or3A_1160 = arith.constant 0.000000e+00 : f32
      %reduce_or3A_1161 = vector.broadcast %reduce_or3A_1159 : f32 to vector<4x224x224xf32>
      %reduce_or3A_1162 = vector.broadcast %reduce_or3A_1160 : f32 to vector<4x224x224xf32>
      %reduce_or3A_1163 = arith.select %ne3A_1158, %reduce_or3A_1161, %reduce_or3A_1162 : vector<4x224x224xi1>, vector<4x224x224xf32>
      %reduce_or3A_1164 = vector.shape_cast %reduce_or3A_1163 : vector<4x224x224xf32> to vector<1x4x224x224xf32>
      %reduce_or3A_1165 = arith.constant dense<0xFF800000> : vector<1xf32>
      %reduce_or3A_1166 = vector.multi_reduction <maximumf>, %reduce_or3A_1164, %reduce_or3A_1165 [1, 2, 3] : vector<1x4x224x224xf32> to vector<1xf32>
      %reduce_or3A_1167 = vector.shape_cast %reduce_or3A_1166 : vector<1xf32> to vector<1x1x1x1xf32>
      %reduce_or3A_1168 = vector.extract %reduce_or3A_1167[0, 0, 0, 0] : f32 from vector<1x1x1x1xf32>
      %reduce_or3A_1169 = arith.constant 0.000000e+00 : f32
      %reduce_or3A_1170 = arith.cmpf ogt, %reduce_or3A_1168, %reduce_or3A_1169 : f32
      scf.condition(%reduce_or3A_1170) %while3A_1156, %while3A_1157 : vector<4x224x224xi32>, vector<4x224x224xi32>
    } do {
    ^bb0(%while3A_1156: vector<4x224x224xi32>, %while3A_1157: vector<4x224x224xi32>):
      %broadcast_in_dim3A_1158 = arith.constant 0 : i32
      %broadcast_in_dim3A_1159 = vector.broadcast %broadcast_in_dim3A_1158 : i32 to vector<4x224x1xi32>
      %slice3A_1160 = vector.extract_strided_slice %get3A_2 {offsets = [0, 0, 0], sizes = [4, 224, 223], strides = [1, 1, 1]} : vector<4x224x224xi32> to vector<4x224x223xi32>
      %concatenate3A_1161 = tpu.concatenate %broadcast_in_dim3A_1159, %slice3A_1160 in 2 : vector<4x224x1xi32>, vector<4x224x223xi32> -> vector<4x224x224xi32>
      %mul3A_1162 = arith.muli %get3A_2, %concatenate3A_1161 : vector<4x224x224xi32>
      %broadcast_in_dim3A_1163 = arith.constant 0 : i32
      %broadcast_in_dim3A_1164 = vector.broadcast %broadcast_in_dim3A_1163 : i32 to vector<4x224x1xi32>
      %slice3A_1165 = vector.extract_strided_slice %get3A_2 {offsets = [0, 0, 1], sizes = [4, 224, 223], strides = [1, 1, 1]} : vector<4x224x224xi32> to vector<4x224x223xi32>
      %concatenate3A_1166 = tpu.concatenate %slice3A_1165, %broadcast_in_dim3A_1164 in 2 : vector<4x224x223xi32>, vector<4x224x1xi32> -> vector<4x224x224xi32>
      %mul3A_1167 = arith.muli %get3A_2, %concatenate3A_1166 : vector<4x224x224xi32>
      %ne3A_1168 = arith.constant 0 : i32
      %ne3A_1169 = vector.broadcast %ne3A_1168 : i32 to vector<4x224x224xi32>
      %ne3A_1170 = arith.cmpi ne, %mul3A_1162, %ne3A_1169 : vector<4x224x224xi32>
      %broadcast_in_dim3A_1171 = arith.constant 0 : i32
      %broadcast_in_dim3A_1172 = vector.broadcast %broadcast_in_dim3A_1171 : i32 to vector<4x224x1xi32>
      %slice3A_1173 = vector.extract_strided_slice %while3A_1157 {offsets = [0, 0, 0], sizes = [4, 224, 223], strides = [1, 1, 1]} : vector<4x224x224xi32> to vector<4x224x223xi32>
      %concatenate3A_1174 = tpu.concatenate %broadcast_in_dim3A_1172, %slice3A_1173 in 2 : vector<4x224x1xi32>, vector<4x224x223xi32> -> vector<4x224x224xi32>
      %jit3A_1175 = arith.constant 0 : i32
      %broadcast_in_dim3A_1176 = vector.broadcast %jit3A_1175 : i32 to vector<4x224x224xi32>
      %select_n3A_1177 = arith.select %ne3A_1170, %concatenate3A_1174, %broadcast_in_dim3A_1176 : vector<4x224x224xi1>, vector<4x224x224xi32>
      %max3A_1178 = arith.maxsi %while3A_1157, %select_n3A_1177 : vector<4x224x224xi32>
      %ne3A_1179 = arith.constant 0 : i32
      %ne3A_1180 = vector.broadcast %ne3A_1179 : i32 to vector<4x224x224xi32>
      %ne3A_1181 = arith.cmpi ne, %mul3A_1167, %ne3A_1180 : vector<4x224x224xi32>
      %broadcast_in_dim3A_1182 = arith.constant 0 : i32
      %broadcast_in_dim3A_1183 = vector.broadcast %broadcast_in_dim3A_1182 : i32 to vector<4x224x1xi32>
      %slice3A_1184 = vector.extract_strided_slice %max3A_1178 {offsets = [0, 0, 1], sizes = [4, 224, 223], strides = [1, 1, 1]} : vector<4x224x224xi32> to vector<4x224x223xi32>
      %concatenate3A_1185 = tpu.concatenate %slice3A_1184, %broadcast_in_dim3A_1183 in 2 : vector<4x224x223xi32>, vector<4x224x1xi32> -> vector<4x224x224xi32>
      %jit3A_1186 = arith.constant 0 : i32
      %broadcast_in_dim3A_1187 = vector.broadcast %jit3A_1186 : i32 to vector<4x224x224xi32>
      %select_n3A_1188 = arith.select %ne3A_1181, %concatenate3A_1185, %broadcast_in_dim3A_1187 : vector<4x224x224xi1>, vector<4x224x224xi32>
      %max3A_1189 = arith.maxsi %max3A_1178, %select_n3A_1188 : vector<4x224x224xi32>
      %broadcast_in_dim3A_1190 = arith.constant 0 : i32
      %broadcast_in_dim3A_1191 = vector.broadcast %broadcast_in_dim3A_1190 : i32 to vector<4x224x1xi32>
      %slice3A_1192 = vector.extract_strided_slice %mul3A_1162 {offsets = [0, 0, 0], sizes = [4, 224, 223], strides = [1, 1, 1]} : vector<4x224x224xi32> to vector<4x224x223xi32>
      %concatenate3A_1193 = tpu.concatenate %broadcast_in_dim3A_1191, %slice3A_1192 in 2 : vector<4x224x1xi32>, vector<4x224x223xi32> -> vector<4x224x224xi32>
      %mul3A_1194 = arith.muli %mul3A_1162, %concatenate3A_1193 : vector<4x224x224xi32>
      %broadcast_in_dim3A_1195 = arith.constant 0 : i32
      %broadcast_in_dim3A_1196 = vector.broadcast %broadcast_in_dim3A_1195 : i32 to vector<4x224x1xi32>
      %slice3A_1197 = vector.extract_strided_slice %mul3A_1167 {offsets = [0, 0, 1], sizes = [4, 224, 223], strides = [1, 1, 1]} : vector<4x224x224xi32> to vector<4x224x223xi32>
      %concatenate3A_1198 = tpu.concatenate %slice3A_1197, %broadcast_in_dim3A_1196 in 2 : vector<4x224x223xi32>, vector<4x224x1xi32> -> vector<4x224x224xi32>
      %mul3A_1199 = arith.muli %mul3A_1167, %concatenate3A_1198 : vector<4x224x224xi32>
      %ne3A_1200 = arith.constant 0 : i32
      %ne3A_1201 = vector.broadcast %ne3A_1200 : i32 to vector<4x224x224xi32>
      %ne3A_1202 = arith.cmpi ne, %mul3A_1194, %ne3A_1201 : vector<4x224x224xi32>
      %broadcast_in_dim3A_1203 = arith.constant 0 : i32
      %broadcast_in_dim3A_1204 = vector.broadcast %broadcast_in_dim3A_1203 : i32 to vector<4x224x2xi32>
      %slice3A_1205 = vector.extract_strided_slice %max3A_1189 {offsets = [0, 0, 0], sizes = [4, 224, 222], strides = [1, 1, 1]} : vector<4x224x224xi32> to vector<4x224x222xi32>
      %concatenate3A_1206 = tpu.concatenate %broadcast_in_dim3A_1204, %slice3A_1205 in 2 : vector<4x224x2xi32>, vector<4x224x222xi32> -> vector<4x224x224xi32>
      %jit3A_1207 = arith.constant 0 : i32
      %broadcast_in_dim3A_1208 = vector.broadcast %jit3A_1207 : i32 to vector<4x224x224xi32>
      %select_n3A_1209 = arith.select %ne3A_1202, %concatenate3A_1206, %broadcast_in_dim3A_1208 : vector<4x224x224xi1>, vector<4x224x224xi32>
      %max3A_1210 = arith.maxsi %max3A_1189, %select_n3A_1209 : vector<4x224x224xi32>
      %ne3A_1211 = arith.constant 0 : i32
      %ne3A_1212 = vector.broadcast %ne3A_1211 : i32 to vector<4x224x224xi32>
      %ne3A_1213 = arith.cmpi ne, %mul3A_1199, %ne3A_1212 : vector<4x224x224xi32>
      %broadcast_in_dim3A_1214 = arith.constant 0 : i32
      %broadcast_in_dim3A_1215 = vector.broadcast %broadcast_in_dim3A_1214 : i32 to vector<4x224x2xi32>
      %slice3A_1216 = vector.extract_strided_slice %max3A_1210 {offsets = [0, 0, 2], sizes = [4, 224, 222], strides = [1, 1, 1]} : vector<4x224x224xi32> to vector<4x224x222xi32>
      %concatenate3A_1217 = tpu.concatenate %slice3A_1216, %broadcast_in_dim3A_1215 in 2 : vector<4x224x222xi32>, vector<4x224x2xi32> -> vector<4x224x224xi32>
      %jit3A_1218 = arith.constant 0 : i32
      %broadcast_in_dim3A_1219 = vector.broadcast %jit3A_1218 : i32 to vector<4x224x224xi32>
      %select_n3A_1220 = arith.select %ne3A_1213, %concatenate3A_1217, %broadcast_in_dim3A_1219 : vector<4x224x224xi1>, vector<4x224x224xi32>
      %max3A_1221 = arith.maxsi %max3A_1210, %select_n3A_1220 : vector<4x224x224xi32>
      %broadcast_in_dim3A_1222 = arith.constant 0 : i32
      %broadcast_in_dim3A_1223 = vector.broadcast %broadcast_in_dim3A_1222 : i32 to vector<4x224x2xi32>
      %slice3A_1224 = vector.extract_strided_slice %mul3A_1194 {offsets = [0, 0, 0], sizes = [4, 224, 222], strides = [1, 1, 1]} : vector<4x224x224xi32> to vector<4x224x222xi32>
      %concatenate3A_1225 = tpu.concatenate %broadcast_in_dim3A_1223, %slice3A_1224 in 2 : vector<4x224x2xi32>, vector<4x224x222xi32> -> vector<4x224x224xi32>
      %mul3A_1226 = arith.muli %mul3A_1194, %concatenate3A_1225 : vector<4x224x224xi32>
      %broadcast_in_dim3A_1227 = arith.constant 0 : i32
      %broadcast_in_dim3A_1228 = vector.broadcast %broadcast_in_dim3A_1227 : i32 to vector<4x224x2xi32>
      %slice3A_1229 = vector.extract_strided_slice %mul3A_1199 {offsets = [0, 0, 2], sizes = [4, 224, 222], strides = [1, 1, 1]} : vector<4x224x224xi32> to vector<4x224x222xi32>
      %concatenate3A_1230 = tpu.concatenate %slice3A_1229, %broadcast_in_dim3A_1228 in 2 : vector<4x224x222xi32>, vector<4x224x2xi32> -> vector<4x224x224xi32>
      %mul3A_1231 = arith.muli %mul3A_1199, %concatenate3A_1230 : vector<4x224x224xi32>
      %ne3A_1232 = arith.constant 0 : i32
      %ne3A_1233 = vector.broadcast %ne3A_1232 : i32 to vector<4x224x224xi32>
      %ne3A_1234 = arith.cmpi ne, %mul3A_1226, %ne3A_1233 : vector<4x224x224xi32>
      %broadcast_in_dim3A_1235 = arith.constant 0 : i32
      %broadcast_in_dim3A_1236 = vector.broadcast %broadcast_in_dim3A_1235 : i32 to vector<4x224x4xi32>
      %slice3A_1237 = vector.extract_strided_slice %max3A_1221 {offsets = [0, 0, 0], sizes = [4, 224, 220], strides = [1, 1, 1]} : vector<4x224x224xi32> to vector<4x224x220xi32>
      %concatenate3A_1238 = tpu.concatenate %broadcast_in_dim3A_1236, %slice3A_1237 in 2 : vector<4x224x4xi32>, vector<4x224x220xi32> -> vector<4x224x224xi32>
      %jit3A_1239 = arith.constant 0 : i32
      %broadcast_in_dim3A_1240 = vector.broadcast %jit3A_1239 : i32 to vector<4x224x224xi32>
      %select_n3A_1241 = arith.select %ne3A_1234, %concatenate3A_1238, %broadcast_in_dim3A_1240 : vector<4x224x224xi1>, vector<4x224x224xi32>
      %max3A_1242 = arith.maxsi %max3A_1221, %select_n3A_1241 : vector<4x224x224xi32>
      %ne3A_1243 = arith.constant 0 : i32
      %ne3A_1244 = vector.broadcast %ne3A_1243 : i32 to vector<4x224x224xi32>
      %ne3A_1245 = arith.cmpi ne, %mul3A_1231, %ne3A_1244 : vector<4x224x224xi32>
      %broadcast_in_dim3A_1246 = arith.constant 0 : i32
      %broadcast_in_dim3A_1247 = vector.broadcast %broadcast_in_dim3A_1246 : i32 to vector<4x224x4xi32>
      %slice3A_1248 = vector.extract_strided_slice %max3A_1242 {offsets = [0, 0, 4], sizes = [4, 224, 220], strides = [1, 1, 1]} : vector<4x224x224xi32> to vector<4x224x220xi32>
      %concatenate3A_1249 = tpu.concatenate %slice3A_1248, %broadcast_in_dim3A_1247 in 2 : vector<4x224x220xi32>, vector<4x224x4xi32> -> vector<4x224x224xi32>
      %jit3A_1250 = arith.constant 0 : i32
      %broadcast_in_dim3A_1251 = vector.broadcast %jit3A_1250 : i32 to vector<4x224x224xi32>
      %select_n3A_1252 = arith.select %ne3A_1245, %concatenate3A_1249, %broadcast_in_dim3A_1251 : vector<4x224x224xi1>, vector<4x224x224xi32>
      %max3A_1253 = arith.maxsi %max3A_1242, %select_n3A_1252 : vector<4x224x224xi32>
      %broadcast_in_dim3A_1254 = arith.constant 0 : i32
      %broadcast_in_dim3A_1255 = vector.broadcast %broadcast_in_dim3A_1254 : i32 to vector<4x224x4xi32>
      %slice3A_1256 = vector.extract_strided_slice %mul3A_1226 {offsets = [0, 0, 0], sizes = [4, 224, 220], strides = [1, 1, 1]} : vector<4x224x224xi32> to vector<4x224x220xi32>
      %concatenate3A_1257 = tpu.concatenate %broadcast_in_dim3A_1255, %slice3A_1256 in 2 : vector<4x224x4xi32>, vector<4x224x220xi32> -> vector<4x224x224xi32>
      %mul3A_1258 = arith.muli %mul3A_1226, %concatenate3A_1257 : vector<4x224x224xi32>
      %broadcast_in_dim3A_1259 = arith.constant 0 : i32
      %broadcast_in_dim3A_1260 = vector.broadcast %broadcast_in_dim3A_1259 : i32 to vector<4x224x4xi32>
      %slice3A_1261 = vector.extract_strided_slice %mul3A_1231 {offsets = [0, 0, 4], sizes = [4, 224, 220], strides = [1, 1, 1]} : vector<4x224x224xi32> to vector<4x224x220xi32>
      %concatenate3A_1262 = tpu.concatenate %slice3A_1261, %broadcast_in_dim3A_1260 in 2 : vector<4x224x220xi32>, vector<4x224x4xi32> -> vector<4x224x224xi32>
      %mul3A_1263 = arith.muli %mul3A_1231, %concatenate3A_1262 : vector<4x224x224xi32>
      %ne3A_1264 = arith.constant 0 : i32
      %ne3A_1265 = vector.broadcast %ne3A_1264 : i32 to vector<4x224x224xi32>
      %ne3A_1266 = arith.cmpi ne, %mul3A_1258, %ne3A_1265 : vector<4x224x224xi32>
      %broadcast_in_dim3A_1267 = arith.constant 0 : i32
      %broadcast_in_dim3A_1268 = vector.broadcast %broadcast_in_dim3A_1267 : i32 to vector<4x224x8xi32>
      %slice3A_1269 = vector.extract_strided_slice %max3A_1253 {offsets = [0, 0, 0], sizes = [4, 224, 216], strides = [1, 1, 1]} : vector<4x224x224xi32> to vector<4x224x216xi32>
      %concatenate3A_1270 = tpu.concatenate %broadcast_in_dim3A_1268, %slice3A_1269 in 2 : vector<4x224x8xi32>, vector<4x224x216xi32> -> vector<4x224x224xi32>
      %jit3A_1271 = arith.constant 0 : i32
      %broadcast_in_dim3A_1272 = vector.broadcast %jit3A_1271 : i32 to vector<4x224x224xi32>
      %select_n3A_1273 = arith.select %ne3A_1266, %concatenate3A_1270, %broadcast_in_dim3A_1272 : vector<4x224x224xi1>, vector<4x224x224xi32>
      %max3A_1274 = arith.maxsi %max3A_1253, %select_n3A_1273 : vector<4x224x224xi32>
      %ne3A_1275 = arith.constant 0 : i32
      %ne3A_1276 = vector.broadcast %ne3A_1275 : i32 to vector<4x224x224xi32>
      %ne3A_1277 = arith.cmpi ne, %mul3A_1263, %ne3A_1276 : vector<4x224x224xi32>
      %broadcast_in_dim3A_1278 = arith.constant 0 : i32
      %broadcast_in_dim3A_1279 = vector.broadcast %broadcast_in_dim3A_1278 : i32 to vector<4x224x8xi32>
      %slice3A_1280 = vector.extract_strided_slice %max3A_1274 {offsets = [0, 0, 8], sizes = [4, 224, 216], strides = [1, 1, 1]} : vector<4x224x224xi32> to vector<4x224x216xi32>
      %concatenate3A_1281 = tpu.concatenate %slice3A_1280, %broadcast_in_dim3A_1279 in 2 : vector<4x224x216xi32>, vector<4x224x8xi32> -> vector<4x224x224xi32>
      %jit3A_1282 = arith.constant 0 : i32
      %broadcast_in_dim3A_1283 = vector.broadcast %jit3A_1282 : i32 to vector<4x224x224xi32>
      %select_n3A_1284 = arith.select %ne3A_1277, %concatenate3A_1281, %broadcast_in_dim3A_1283 : vector<4x224x224xi1>, vector<4x224x224xi32>
      %max3A_1285 = arith.maxsi %max3A_1274, %select_n3A_1284 : vector<4x224x224xi32>
      %broadcast_in_dim3A_1286 = arith.constant 0 : i32
      %broadcast_in_dim3A_1287 = vector.broadcast %broadcast_in_dim3A_1286 : i32 to vector<4x224x8xi32>
      %slice3A_1288 = vector.extract_strided_slice %mul3A_1258 {offsets = [0, 0, 0], sizes = [4, 224, 216], strides = [1, 1, 1]} : vector<4x224x224xi32> to vector<4x224x216xi32>
      %concatenate3A_1289 = tpu.concatenate %broadcast_in_dim3A_1287, %slice3A_1288 in 2 : vector<4x224x8xi32>, vector<4x224x216xi32> -> vector<4x224x224xi32>
      %mul3A_1290 = arith.muli %mul3A_1258, %concatenate3A_1289 : vector<4x224x224xi32>
      %broadcast_in_dim3A_1291 = arith.constant 0 : i32
      %broadcast_in_dim3A_1292 = vector.broadcast %broadcast_in_dim3A_1291 : i32 to vector<4x224x8xi32>
      %slice3A_1293 = vector.extract_strided_slice %mul3A_1263 {offsets = [0, 0, 8], sizes = [4, 224, 216], strides = [1, 1, 1]} : vector<4x224x224xi32> to vector<4x224x216xi32>
      %concatenate3A_1294 = tpu.concatenate %slice3A_1293, %broadcast_in_dim3A_1292 in 2 : vector<4x224x216xi32>, vector<4x224x8xi32> -> vector<4x224x224xi32>
      %mul3A_1295 = arith.muli %mul3A_1263, %concatenate3A_1294 : vector<4x224x224xi32>
      %ne3A_1296 = arith.constant 0 : i32
      %ne3A_1297 = vector.broadcast %ne3A_1296 : i32 to vector<4x224x224xi32>
      %ne3A_1298 = arith.cmpi ne, %mul3A_1290, %ne3A_1297 : vector<4x224x224xi32>
      %broadcast_in_dim3A_1299 = arith.constant 0 : i32
      %broadcast_in_dim3A_1300 = vector.broadcast %broadcast_in_dim3A_1299 : i32 to vector<4x224x16xi32>
      %slice3A_1301 = vector.extract_strided_slice %max3A_1285 {offsets = [0, 0, 0], sizes = [4, 224, 208], strides = [1, 1, 1]} : vector<4x224x224xi32> to vector<4x224x208xi32>
      %concatenate3A_1302 = tpu.concatenate %broadcast_in_dim3A_1300, %slice3A_1301 in 2 : vector<4x224x16xi32>, vector<4x224x208xi32> -> vector<4x224x224xi32>
      %jit3A_1303 = arith.constant 0 : i32
      %broadcast_in_dim3A_1304 = vector.broadcast %jit3A_1303 : i32 to vector<4x224x224xi32>
      %select_n3A_1305 = arith.select %ne3A_1298, %concatenate3A_1302, %broadcast_in_dim3A_1304 : vector<4x224x224xi1>, vector<4x224x224xi32>
      %max3A_1306 = arith.maxsi %max3A_1285, %select_n3A_1305 : vector<4x224x224xi32>
      %ne3A_1307 = arith.constant 0 : i32
      %ne3A_1308 = vector.broadcast %ne3A_1307 : i32 to vector<4x224x224xi32>
      %ne3A_1309 = arith.cmpi ne, %mul3A_1295, %ne3A_1308 : vector<4x224x224xi32>
      %broadcast_in_dim3A_1310 = arith.constant 0 : i32
      %broadcast_in_dim3A_1311 = vector.broadcast %broadcast_in_dim3A_1310 : i32 to vector<4x224x16xi32>
      %slice3A_1312 = vector.extract_strided_slice %max3A_1306 {offsets = [0, 0, 16], sizes = [4, 224, 208], strides = [1, 1, 1]} : vector<4x224x224xi32> to vector<4x224x208xi32>
      %concatenate3A_1313 = tpu.concatenate %slice3A_1312, %broadcast_in_dim3A_1311 in 2 : vector<4x224x208xi32>, vector<4x224x16xi32> -> vector<4x224x224xi32>
      %jit3A_1314 = arith.constant 0 : i32
      %broadcast_in_dim3A_1315 = vector.broadcast %jit3A_1314 : i32 to vector<4x224x224xi32>
      %select_n3A_1316 = arith.select %ne3A_1309, %concatenate3A_1313, %broadcast_in_dim3A_1315 : vector<4x224x224xi1>, vector<4x224x224xi32>
      %max3A_1317 = arith.maxsi %max3A_1306, %select_n3A_1316 : vector<4x224x224xi32>
      %broadcast_in_dim3A_1318 = arith.constant 0 : i32
      %broadcast_in_dim3A_1319 = vector.broadcast %broadcast_in_dim3A_1318 : i32 to vector<4x224x16xi32>
      %slice3A_1320 = vector.extract_strided_slice %mul3A_1290 {offsets = [0, 0, 0], sizes = [4, 224, 208], strides = [1, 1, 1]} : vector<4x224x224xi32> to vector<4x224x208xi32>
      %concatenate3A_1321 = tpu.concatenate %broadcast_in_dim3A_1319, %slice3A_1320 in 2 : vector<4x224x16xi32>, vector<4x224x208xi32> -> vector<4x224x224xi32>
      %mul3A_1322 = arith.muli %mul3A_1290, %concatenate3A_1321 : vector<4x224x224xi32>
      %broadcast_in_dim3A_1323 = arith.constant 0 : i32
      %broadcast_in_dim3A_1324 = vector.broadcast %broadcast_in_dim3A_1323 : i32 to vector<4x224x16xi32>
      %slice3A_1325 = vector.extract_strided_slice %mul3A_1295 {offsets = [0, 0, 16], sizes = [4, 224, 208], strides = [1, 1, 1]} : vector<4x224x224xi32> to vector<4x224x208xi32>
      %concatenate3A_1326 = tpu.concatenate %slice3A_1325, %broadcast_in_dim3A_1324 in 2 : vector<4x224x208xi32>, vector<4x224x16xi32> -> vector<4x224x224xi32>
      %mul3A_1327 = arith.muli %mul3A_1295, %concatenate3A_1326 : vector<4x224x224xi32>
      %ne3A_1328 = arith.constant 0 : i32
      %ne3A_1329 = vector.broadcast %ne3A_1328 : i32 to vector<4x224x224xi32>
      %ne3A_1330 = arith.cmpi ne, %mul3A_1322, %ne3A_1329 : vector<4x224x224xi32>
      %broadcast_in_dim3A_1331 = arith.constant 0 : i32
      %broadcast_in_dim3A_1332 = vector.broadcast %broadcast_in_dim3A_1331 : i32 to vector<4x224x32xi32>
      %slice3A_1333 = vector.extract_strided_slice %max3A_1317 {offsets = [0, 0, 0], sizes = [4, 224, 192], strides = [1, 1, 1]} : vector<4x224x224xi32> to vector<4x224x192xi32>
      %concatenate3A_1334 = tpu.concatenate %broadcast_in_dim3A_1332, %slice3A_1333 in 2 : vector<4x224x32xi32>, vector<4x224x192xi32> -> vector<4x224x224xi32>
      %jit3A_1335 = arith.constant 0 : i32
      %broadcast_in_dim3A_1336 = vector.broadcast %jit3A_1335 : i32 to vector<4x224x224xi32>
      %select_n3A_1337 = arith.select %ne3A_1330, %concatenate3A_1334, %broadcast_in_dim3A_1336 : vector<4x224x224xi1>, vector<4x224x224xi32>
      %max3A_1338 = arith.maxsi %max3A_1317, %select_n3A_1337 : vector<4x224x224xi32>
      %ne3A_1339 = arith.constant 0 : i32
      %ne3A_1340 = vector.broadcast %ne3A_1339 : i32 to vector<4x224x224xi32>
      %ne3A_1341 = arith.cmpi ne, %mul3A_1327, %ne3A_1340 : vector<4x224x224xi32>
      %broadcast_in_dim3A_1342 = arith.constant 0 : i32
      %broadcast_in_dim3A_1343 = vector.broadcast %broadcast_in_dim3A_1342 : i32 to vector<4x224x32xi32>
      %slice3A_1344 = vector.extract_strided_slice %max3A_1338 {offsets = [0, 0, 32], sizes = [4, 224, 192], strides = [1, 1, 1]} : vector<4x224x224xi32> to vector<4x224x192xi32>
      %concatenate3A_1345 = tpu.concatenate %slice3A_1344, %broadcast_in_dim3A_1343 in 2 : vector<4x224x192xi32>, vector<4x224x32xi32> -> vector<4x224x224xi32>
      %jit3A_1346 = arith.constant 0 : i32
      %broadcast_in_dim3A_1347 = vector.broadcast %jit3A_1346 : i32 to vector<4x224x224xi32>
      %select_n3A_1348 = arith.select %ne3A_1341, %concatenate3A_1345, %broadcast_in_dim3A_1347 : vector<4x224x224xi1>, vector<4x224x224xi32>
      %max3A_1349 = arith.maxsi %max3A_1338, %select_n3A_1348 : vector<4x224x224xi32>
      %broadcast_in_dim3A_1350 = arith.constant 0 : i32
      %broadcast_in_dim3A_1351 = vector.broadcast %broadcast_in_dim3A_1350 : i32 to vector<4x224x32xi32>
      %slice3A_1352 = vector.extract_strided_slice %mul3A_1322 {offsets = [0, 0, 0], sizes = [4, 224, 192], strides = [1, 1, 1]} : vector<4x224x224xi32> to vector<4x224x192xi32>
      %concatenate3A_1353 = tpu.concatenate %broadcast_in_dim3A_1351, %slice3A_1352 in 2 : vector<4x224x32xi32>, vector<4x224x192xi32> -> vector<4x224x224xi32>
      %mul3A_1354 = arith.muli %mul3A_1322, %concatenate3A_1353 : vector<4x224x224xi32>
      %broadcast_in_dim3A_1355 = arith.constant 0 : i32
      %broadcast_in_dim3A_1356 = vector.broadcast %broadcast_in_dim3A_1355 : i32 to vector<4x224x32xi32>
      %slice3A_1357 = vector.extract_strided_slice %mul3A_1327 {offsets = [0, 0, 32], sizes = [4, 224, 192], strides = [1, 1, 1]} : vector<4x224x224xi32> to vector<4x224x192xi32>
      %concatenate3A_1358 = tpu.concatenate %slice3A_1357, %broadcast_in_dim3A_1356 in 2 : vector<4x224x192xi32>, vector<4x224x32xi32> -> vector<4x224x224xi32>
      %mul3A_1359 = arith.muli %mul3A_1327, %concatenate3A_1358 : vector<4x224x224xi32>
      %ne3A_1360 = arith.constant 0 : i32
      %ne3A_1361 = vector.broadcast %ne3A_1360 : i32 to vector<4x224x224xi32>
      %ne3A_1362 = arith.cmpi ne, %mul3A_1354, %ne3A_1361 : vector<4x224x224xi32>
      %broadcast_in_dim3A_1363 = arith.constant 0 : i32
      %broadcast_in_dim3A_1364 = vector.broadcast %broadcast_in_dim3A_1363 : i32 to vector<4x224x64xi32>
      %slice3A_1365 = vector.extract_strided_slice %max3A_1349 {offsets = [0, 0, 0], sizes = [4, 224, 160], strides = [1, 1, 1]} : vector<4x224x224xi32> to vector<4x224x160xi32>
      %concatenate3A_1366 = tpu.concatenate %broadcast_in_dim3A_1364, %slice3A_1365 in 2 : vector<4x224x64xi32>, vector<4x224x160xi32> -> vector<4x224x224xi32>
      %jit3A_1367 = arith.constant 0 : i32
      %broadcast_in_dim3A_1368 = vector.broadcast %jit3A_1367 : i32 to vector<4x224x224xi32>
      %select_n3A_1369 = arith.select %ne3A_1362, %concatenate3A_1366, %broadcast_in_dim3A_1368 : vector<4x224x224xi1>, vector<4x224x224xi32>
      %max3A_1370 = arith.maxsi %max3A_1349, %select_n3A_1369 : vector<4x224x224xi32>
      %ne3A_1371 = arith.constant 0 : i32
      %ne3A_1372 = vector.broadcast %ne3A_1371 : i32 to vector<4x224x224xi32>
      %ne3A_1373 = arith.cmpi ne, %mul3A_1359, %ne3A_1372 : vector<4x224x224xi32>
      %broadcast_in_dim3A_1374 = arith.constant 0 : i32
      %broadcast_in_dim3A_1375 = vector.broadcast %broadcast_in_dim3A_1374 : i32 to vector<4x224x64xi32>
      %slice3A_1376 = vector.extract_strided_slice %max3A_1370 {offsets = [0, 0, 64], sizes = [4, 224, 160], strides = [1, 1, 1]} : vector<4x224x224xi32> to vector<4x224x160xi32>
      %concatenate3A_1377 = tpu.concatenate %slice3A_1376, %broadcast_in_dim3A_1375 in 2 : vector<4x224x160xi32>, vector<4x224x64xi32> -> vector<4x224x224xi32>
      %jit3A_1378 = arith.constant 0 : i32
      %broadcast_in_dim3A_1379 = vector.broadcast %jit3A_1378 : i32 to vector<4x224x224xi32>
      %select_n3A_1380 = arith.select %ne3A_1373, %concatenate3A_1377, %broadcast_in_dim3A_1379 : vector<4x224x224xi1>, vector<4x224x224xi32>
      %max3A_1381 = arith.maxsi %max3A_1370, %select_n3A_1380 : vector<4x224x224xi32>
      %broadcast_in_dim3A_1382 = arith.constant 0 : i32
      %broadcast_in_dim3A_1383 = vector.broadcast %broadcast_in_dim3A_1382 : i32 to vector<4x224x64xi32>
      %slice3A_1384 = vector.extract_strided_slice %mul3A_1354 {offsets = [0, 0, 0], sizes = [4, 224, 160], strides = [1, 1, 1]} : vector<4x224x224xi32> to vector<4x224x160xi32>
      %concatenate3A_1385 = tpu.concatenate %broadcast_in_dim3A_1383, %slice3A_1384 in 2 : vector<4x224x64xi32>, vector<4x224x160xi32> -> vector<4x224x224xi32>
      %mul3A_1386 = arith.muli %mul3A_1354, %concatenate3A_1385 : vector<4x224x224xi32>
      %broadcast_in_dim3A_1387 = arith.constant 0 : i32
      %broadcast_in_dim3A_1388 = vector.broadcast %broadcast_in_dim3A_1387 : i32 to vector<4x224x64xi32>
      %slice3A_1389 = vector.extract_strided_slice %mul3A_1359 {offsets = [0, 0, 64], sizes = [4, 224, 160], strides = [1, 1, 1]} : vector<4x224x224xi32> to vector<4x224x160xi32>
      %concatenate3A_1390 = tpu.concatenate %slice3A_1389, %broadcast_in_dim3A_1388 in 2 : vector<4x224x160xi32>, vector<4x224x64xi32> -> vector<4x224x224xi32>
      %mul3A_1391 = arith.muli %mul3A_1359, %concatenate3A_1390 : vector<4x224x224xi32>
      %ne3A_1392 = arith.constant 0 : i32
      %ne3A_1393 = vector.broadcast %ne3A_1392 : i32 to vector<4x224x224xi32>
      %ne3A_1394 = arith.cmpi ne, %mul3A_1386, %ne3A_1393 : vector<4x224x224xi32>
      %broadcast_in_dim3A_1395 = arith.constant 0 : i32
      %broadcast_in_dim3A_1396 = vector.broadcast %broadcast_in_dim3A_1395 : i32 to vector<4x224x128xi32>
      %slice3A_1397 = vector.extract_strided_slice %max3A_1381 {offsets = [0, 0, 0], sizes = [4, 224, 96], strides = [1, 1, 1]} : vector<4x224x224xi32> to vector<4x224x96xi32>
      %concatenate3A_1398 = tpu.concatenate %broadcast_in_dim3A_1396, %slice3A_1397 in 2 : vector<4x224x128xi32>, vector<4x224x96xi32> -> vector<4x224x224xi32>
      %jit3A_1399 = arith.constant 0 : i32
      %broadcast_in_dim3A_1400 = vector.broadcast %jit3A_1399 : i32 to vector<4x224x224xi32>
      %select_n3A_1401 = arith.select %ne3A_1394, %concatenate3A_1398, %broadcast_in_dim3A_1400 : vector<4x224x224xi1>, vector<4x224x224xi32>
      %max3A_1402 = arith.maxsi %max3A_1381, %select_n3A_1401 : vector<4x224x224xi32>
      %ne3A_1403 = arith.constant 0 : i32
      %ne3A_1404 = vector.broadcast %ne3A_1403 : i32 to vector<4x224x224xi32>
      %ne3A_1405 = arith.cmpi ne, %mul3A_1391, %ne3A_1404 : vector<4x224x224xi32>
      %broadcast_in_dim3A_1406 = arith.constant 0 : i32
      %broadcast_in_dim3A_1407 = vector.broadcast %broadcast_in_dim3A_1406 : i32 to vector<4x224x128xi32>
      %slice3A_1408 = vector.extract_strided_slice %max3A_1402 {offsets = [0, 0, 128], sizes = [4, 224, 96], strides = [1, 1, 1]} : vector<4x224x224xi32> to vector<4x224x96xi32>
      %concatenate3A_1409 = tpu.concatenate %slice3A_1408, %broadcast_in_dim3A_1407 in 2 : vector<4x224x96xi32>, vector<4x224x128xi32> -> vector<4x224x224xi32>
      %jit3A_1410 = arith.constant 0 : i32
      %broadcast_in_dim3A_1411 = vector.broadcast %jit3A_1410 : i32 to vector<4x224x224xi32>
      %select_n3A_1412 = arith.select %ne3A_1405, %concatenate3A_1409, %broadcast_in_dim3A_1411 : vector<4x224x224xi1>, vector<4x224x224xi32>
      %max3A_1413 = arith.maxsi %max3A_1402, %select_n3A_1412 : vector<4x224x224xi32>
      %broadcast_in_dim3A_1414 = arith.constant 0 : i32
      %broadcast_in_dim3A_1415 = vector.broadcast %broadcast_in_dim3A_1414 : i32 to vector<4x224x128xi32>
      %slice3A_1416 = vector.extract_strided_slice %mul3A_1386 {offsets = [0, 0, 0], sizes = [4, 224, 96], strides = [1, 1, 1]} : vector<4x224x224xi32> to vector<4x224x96xi32>
      %concatenate3A_1417 = tpu.concatenate %broadcast_in_dim3A_1415, %slice3A_1416 in 2 : vector<4x224x128xi32>, vector<4x224x96xi32> -> vector<4x224x224xi32>
      %mul3A_1418 = arith.muli %mul3A_1386, %concatenate3A_1417 : vector<4x224x224xi32>
      %broadcast_in_dim3A_1419 = arith.constant 0 : i32
      %broadcast_in_dim3A_1420 = vector.broadcast %broadcast_in_dim3A_1419 : i32 to vector<4x224x128xi32>
      %slice3A_1421 = vector.extract_strided_slice %mul3A_1391 {offsets = [0, 0, 128], sizes = [4, 224, 96], strides = [1, 1, 1]} : vector<4x224x224xi32> to vector<4x224x96xi32>
      %concatenate3A_1422 = tpu.concatenate %slice3A_1421, %broadcast_in_dim3A_1420 in 2 : vector<4x224x96xi32>, vector<4x224x128xi32> -> vector<4x224x224xi32>
      %mul3A_1423 = arith.muli %mul3A_1391, %concatenate3A_1422 : vector<4x224x224xi32>
      %broadcast_in_dim3A_1424 = arith.constant 0 : i32
      %broadcast_in_dim3A_1425 = vector.broadcast %broadcast_in_dim3A_1424 : i32 to vector<4x1x224xi32>
      %slice3A_1426 = vector.extract_strided_slice %get3A_2 {offsets = [0, 0, 0], sizes = [4, 223, 224], strides = [1, 1, 1]} : vector<4x224x224xi32> to vector<4x223x224xi32>
      %concatenate3A_1427 = tpu.concatenate %broadcast_in_dim3A_1425, %slice3A_1426 in 1 : vector<4x1x224xi32>, vector<4x223x224xi32> -> vector<4x224x224xi32>
      %mul3A_1428 = arith.muli %get3A_2, %concatenate3A_1427 : vector<4x224x224xi32>
      %broadcast_in_dim3A_1429 = arith.constant 0 : i32
      %broadcast_in_dim3A_1430 = vector.broadcast %broadcast_in_dim3A_1429 : i32 to vector<4x1x224xi32>
      %slice3A_1431 = vector.extract_strided_slice %get3A_2 {offsets = [0, 1, 0], sizes = [4, 223, 224], strides = [1, 1, 1]} : vector<4x224x224xi32> to vector<4x223x224xi32>
      %concatenate3A_1432 = tpu.concatenate %slice3A_1431, %broadcast_in_dim3A_1430 in 1 : vector<4x223x224xi32>, vector<4x1x224xi32> -> vector<4x224x224xi32>
      %mul3A_1433 = arith.muli %get3A_2, %concatenate3A_1432 : vector<4x224x224xi32>
      %ne3A_1434 = arith.constant 0 : i32
      %ne3A_1435 = vector.broadcast %ne3A_1434 : i32 to vector<4x224x224xi32>
      %ne3A_1436 = arith.cmpi ne, %mul3A_1428, %ne3A_1435 : vector<4x224x224xi32>
      %broadcast_in_dim3A_1437 = arith.constant 0 : i32
      %broadcast_in_dim3A_1438 = vector.broadcast %broadcast_in_dim3A_1437 : i32 to vector<4x1x224xi32>
      %slice3A_1439 = vector.extract_strided_slice %max3A_1413 {offsets = [0, 0, 0], sizes = [4, 223, 224], strides = [1, 1, 1]} : vector<4x224x224xi32> to vector<4x223x224xi32>
      %concatenate3A_1440 = tpu.concatenate %broadcast_in_dim3A_1438, %slice3A_1439 in 1 : vector<4x1x224xi32>, vector<4x223x224xi32> -> vector<4x224x224xi32>
      %jit3A_1441 = arith.constant 0 : i32
      %broadcast_in_dim3A_1442 = vector.broadcast %jit3A_1441 : i32 to vector<4x224x224xi32>
      %select_n3A_1443 = arith.select %ne3A_1436, %concatenate3A_1440, %broadcast_in_dim3A_1442 : vector<4x224x224xi1>, vector<4x224x224xi32>
      %max3A_1444 = arith.maxsi %max3A_1413, %select_n3A_1443 : vector<4x224x224xi32>
      %ne3A_1445 = arith.constant 0 : i32
      %ne3A_1446 = vector.broadcast %ne3A_1445 : i32 to vector<4x224x224xi32>
      %ne3A_1447 = arith.cmpi ne, %mul3A_1433, %ne3A_1446 : vector<4x224x224xi32>
      %broadcast_in_dim3A_1448 = arith.constant 0 : i32
      %broadcast_in_dim3A_1449 = vector.broadcast %broadcast_in_dim3A_1448 : i32 to vector<4x1x224xi32>
      %slice3A_1450 = vector.extract_strided_slice %max3A_1444 {offsets = [0, 1, 0], sizes = [4, 223, 224], strides = [1, 1, 1]} : vector<4x224x224xi32> to vector<4x223x224xi32>
      %concatenate3A_1451 = tpu.concatenate %slice3A_1450, %broadcast_in_dim3A_1449 in 1 : vector<4x223x224xi32>, vector<4x1x224xi32> -> vector<4x224x224xi32>
      %jit3A_1452 = arith.constant 0 : i32
      %broadcast_in_dim3A_1453 = vector.broadcast %jit3A_1452 : i32 to vector<4x224x224xi32>
      %select_n3A_1454 = arith.select %ne3A_1447, %concatenate3A_1451, %broadcast_in_dim3A_1453 : vector<4x224x224xi1>, vector<4x224x224xi32>
      %max3A_1455 = arith.maxsi %max3A_1444, %select_n3A_1454 : vector<4x224x224xi32>
      %broadcast_in_dim3A_1456 = arith.constant 0 : i32
      %broadcast_in_dim3A_1457 = vector.broadcast %broadcast_in_dim3A_1456 : i32 to vector<4x1x224xi32>
      %slice3A_1458 = vector.extract_strided_slice %mul3A_1428 {offsets = [0, 0, 0], sizes = [4, 223, 224], strides = [1, 1, 1]} : vector<4x224x224xi32> to vector<4x223x224xi32>
      %concatenate3A_1459 = tpu.concatenate %broadcast_in_dim3A_1457, %slice3A_1458 in 1 : vector<4x1x224xi32>, vector<4x223x224xi32> -> vector<4x224x224xi32>
      %mul3A_1460 = arith.muli %mul3A_1428, %concatenate3A_1459 : vector<4x224x224xi32>
      %broadcast_in_dim3A_1461 = arith.constant 0 : i32
      %broadcast_in_dim3A_1462 = vector.broadcast %broadcast_in_dim3A_1461 : i32 to vector<4x1x224xi32>
      %slice3A_1463 = vector.extract_strided_slice %mul3A_1433 {offsets = [0, 1, 0], sizes = [4, 223, 224], strides = [1, 1, 1]} : vector<4x224x224xi32> to vector<4x223x224xi32>
      %concatenate3A_1464 = tpu.concatenate %slice3A_1463, %broadcast_in_dim3A_1462 in 1 : vector<4x223x224xi32>, vector<4x1x224xi32> -> vector<4x224x224xi32>
      %mul3A_1465 = arith.muli %mul3A_1433, %concatenate3A_1464 : vector<4x224x224xi32>
      %ne3A_1466 = arith.constant 0 : i32
      %ne3A_1467 = vector.broadcast %ne3A_1466 : i32 to vector<4x224x224xi32>
      %ne3A_1468 = arith.cmpi ne, %mul3A_1460, %ne3A_1467 : vector<4x224x224xi32>
      %broadcast_in_dim3A_1469 = arith.constant 0 : i32
      %broadcast_in_dim3A_1470 = vector.broadcast %broadcast_in_dim3A_1469 : i32 to vector<4x2x224xi32>
      %slice3A_1471 = vector.extract_strided_slice %max3A_1455 {offsets = [0, 0, 0], sizes = [4, 222, 224], strides = [1, 1, 1]} : vector<4x224x224xi32> to vector<4x222x224xi32>
      %concatenate3A_1472 = tpu.concatenate %broadcast_in_dim3A_1470, %slice3A_1471 in 1 : vector<4x2x224xi32>, vector<4x222x224xi32> -> vector<4x224x224xi32>
      %jit3A_1473 = arith.constant 0 : i32
      %broadcast_in_dim3A_1474 = vector.broadcast %jit3A_1473 : i32 to vector<4x224x224xi32>
      %select_n3A_1475 = arith.select %ne3A_1468, %concatenate3A_1472, %broadcast_in_dim3A_1474 : vector<4x224x224xi1>, vector<4x224x224xi32>
      %max3A_1476 = arith.maxsi %max3A_1455, %select_n3A_1475 : vector<4x224x224xi32>
      %ne3A_1477 = arith.constant 0 : i32
      %ne3A_1478 = vector.broadcast %ne3A_1477 : i32 to vector<4x224x224xi32>
      %ne3A_1479 = arith.cmpi ne, %mul3A_1465, %ne3A_1478 : vector<4x224x224xi32>
      %broadcast_in_dim3A_1480 = arith.constant 0 : i32
      %broadcast_in_dim3A_1481 = vector.broadcast %broadcast_in_dim3A_1480 : i32 to vector<4x2x224xi32>
      %slice3A_1482 = vector.extract_strided_slice %max3A_1476 {offsets = [0, 2, 0], sizes = [4, 222, 224], strides = [1, 1, 1]} : vector<4x224x224xi32> to vector<4x222x224xi32>
      %concatenate3A_1483 = tpu.concatenate %slice3A_1482, %broadcast_in_dim3A_1481 in 1 : vector<4x222x224xi32>, vector<4x2x224xi32> -> vector<4x224x224xi32>
      %jit3A_1484 = arith.constant 0 : i32
      %broadcast_in_dim3A_1485 = vector.broadcast %jit3A_1484 : i32 to vector<4x224x224xi32>
      %select_n3A_1486 = arith.select %ne3A_1479, %concatenate3A_1483, %broadcast_in_dim3A_1485 : vector<4x224x224xi1>, vector<4x224x224xi32>
      %max3A_1487 = arith.maxsi %max3A_1476, %select_n3A_1486 : vector<4x224x224xi32>
      %broadcast_in_dim3A_1488 = arith.constant 0 : i32
      %broadcast_in_dim3A_1489 = vector.broadcast %broadcast_in_dim3A_1488 : i32 to vector<4x2x224xi32>
      %slice3A_1490 = vector.extract_strided_slice %mul3A_1460 {offsets = [0, 0, 0], sizes = [4, 222, 224], strides = [1, 1, 1]} : vector<4x224x224xi32> to vector<4x222x224xi32>
      %concatenate3A_1491 = tpu.concatenate %broadcast_in_dim3A_1489, %slice3A_1490 in 1 : vector<4x2x224xi32>, vector<4x222x224xi32> -> vector<4x224x224xi32>
      %mul3A_1492 = arith.muli %mul3A_1460, %concatenate3A_1491 : vector<4x224x224xi32>
      %broadcast_in_dim3A_1493 = arith.constant 0 : i32
      %broadcast_in_dim3A_1494 = vector.broadcast %broadcast_in_dim3A_1493 : i32 to vector<4x2x224xi32>
      %slice3A_1495 = vector.extract_strided_slice %mul3A_1465 {offsets = [0, 2, 0], sizes = [4, 222, 224], strides = [1, 1, 1]} : vector<4x224x224xi32> to vector<4x222x224xi32>
      %concatenate3A_1496 = tpu.concatenate %slice3A_1495, %broadcast_in_dim3A_1494 in 1 : vector<4x222x224xi32>, vector<4x2x224xi32> -> vector<4x224x224xi32>
      %mul3A_1497 = arith.muli %mul3A_1465, %concatenate3A_1496 : vector<4x224x224xi32>
      %ne3A_1498 = arith.constant 0 : i32
      %ne3A_1499 = vector.broadcast %ne3A_1498 : i32 to vector<4x224x224xi32>
      %ne3A_1500 = arith.cmpi ne, %mul3A_1492, %ne3A_1499 : vector<4x224x224xi32>
      %broadcast_in_dim3A_1501 = arith.constant 0 : i32
      %broadcast_in_dim3A_1502 = vector.broadcast %broadcast_in_dim3A_1501 : i32 to vector<4x4x224xi32>
      %slice3A_1503 = vector.extract_strided_slice %max3A_1487 {offsets = [0, 0, 0], sizes = [4, 220, 224], strides = [1, 1, 1]} : vector<4x224x224xi32> to vector<4x220x224xi32>
      %concatenate3A_1504 = tpu.concatenate %broadcast_in_dim3A_1502, %slice3A_1503 in 1 : vector<4x4x224xi32>, vector<4x220x224xi32> -> vector<4x224x224xi32>
      %jit3A_1505 = arith.constant 0 : i32
      %broadcast_in_dim3A_1506 = vector.broadcast %jit3A_1505 : i32 to vector<4x224x224xi32>
      %select_n3A_1507 = arith.select %ne3A_1500, %concatenate3A_1504, %broadcast_in_dim3A_1506 : vector<4x224x224xi1>, vector<4x224x224xi32>
      %max3A_1508 = arith.maxsi %max3A_1487, %select_n3A_1507 : vector<4x224x224xi32>
      %ne3A_1509 = arith.constant 0 : i32
      %ne3A_1510 = vector.broadcast %ne3A_1509 : i32 to vector<4x224x224xi32>
      %ne3A_1511 = arith.cmpi ne, %mul3A_1497, %ne3A_1510 : vector<4x224x224xi32>
      %broadcast_in_dim3A_1512 = arith.constant 0 : i32
      %broadcast_in_dim3A_1513 = vector.broadcast %broadcast_in_dim3A_1512 : i32 to vector<4x4x224xi32>
      %slice3A_1514 = vector.extract_strided_slice %max3A_1508 {offsets = [0, 4, 0], sizes = [4, 220, 224], strides = [1, 1, 1]} : vector<4x224x224xi32> to vector<4x220x224xi32>
      %concatenate3A_1515 = tpu.concatenate %slice3A_1514, %broadcast_in_dim3A_1513 in 1 : vector<4x220x224xi32>, vector<4x4x224xi32> -> vector<4x224x224xi32>
      %jit3A_1516 = arith.constant 0 : i32
      %broadcast_in_dim3A_1517 = vector.broadcast %jit3A_1516 : i32 to vector<4x224x224xi32>
      %select_n3A_1518 = arith.select %ne3A_1511, %concatenate3A_1515, %broadcast_in_dim3A_1517 : vector<4x224x224xi1>, vector<4x224x224xi32>
      %max3A_1519 = arith.maxsi %max3A_1508, %select_n3A_1518 : vector<4x224x224xi32>
      %broadcast_in_dim3A_1520 = arith.constant 0 : i32
      %broadcast_in_dim3A_1521 = vector.broadcast %broadcast_in_dim3A_1520 : i32 to vector<4x4x224xi32>
      %slice3A_1522 = vector.extract_strided_slice %mul3A_1492 {offsets = [0, 0, 0], sizes = [4, 220, 224], strides = [1, 1, 1]} : vector<4x224x224xi32> to vector<4x220x224xi32>
      %concatenate3A_1523 = tpu.concatenate %broadcast_in_dim3A_1521, %slice3A_1522 in 1 : vector<4x4x224xi32>, vector<4x220x224xi32> -> vector<4x224x224xi32>
      %mul3A_1524 = arith.muli %mul3A_1492, %concatenate3A_1523 : vector<4x224x224xi32>
      %broadcast_in_dim3A_1525 = arith.constant 0 : i32
      %broadcast_in_dim3A_1526 = vector.broadcast %broadcast_in_dim3A_1525 : i32 to vector<4x4x224xi32>
      %slice3A_1527 = vector.extract_strided_slice %mul3A_1497 {offsets = [0, 4, 0], sizes = [4, 220, 224], strides = [1, 1, 1]} : vector<4x224x224xi32> to vector<4x220x224xi32>
      %concatenate3A_1528 = tpu.concatenate %slice3A_1527, %broadcast_in_dim3A_1526 in 1 : vector<4x220x224xi32>, vector<4x4x224xi32> -> vector<4x224x224xi32>
      %mul3A_1529 = arith.muli %mul3A_1497, %concatenate3A_1528 : vector<4x224x224xi32>
      %ne3A_1530 = arith.constant 0 : i32
      %ne3A_1531 = vector.broadcast %ne3A_1530 : i32 to vector<4x224x224xi32>
      %ne3A_1532 = arith.cmpi ne, %mul3A_1524, %ne3A_1531 : vector<4x224x224xi32>
      %broadcast_in_dim3A_1533 = arith.constant 0 : i32
      %broadcast_in_dim3A_1534 = vector.broadcast %broadcast_in_dim3A_1533 : i32 to vector<4x8x224xi32>
      %slice3A_1535 = vector.extract_strided_slice %max3A_1519 {offsets = [0, 0, 0], sizes = [4, 216, 224], strides = [1, 1, 1]} : vector<4x224x224xi32> to vector<4x216x224xi32>
      %concatenate3A_1536 = tpu.concatenate %broadcast_in_dim3A_1534, %slice3A_1535 in 1 : vector<4x8x224xi32>, vector<4x216x224xi32> -> vector<4x224x224xi32>
      %jit3A_1537 = arith.constant 0 : i32
      %broadcast_in_dim3A_1538 = vector.broadcast %jit3A_1537 : i32 to vector<4x224x224xi32>
      %select_n3A_1539 = arith.select %ne3A_1532, %concatenate3A_1536, %broadcast_in_dim3A_1538 : vector<4x224x224xi1>, vector<4x224x224xi32>
      %max3A_1540 = arith.maxsi %max3A_1519, %select_n3A_1539 : vector<4x224x224xi32>
      %ne3A_1541 = arith.constant 0 : i32
      %ne3A_1542 = vector.broadcast %ne3A_1541 : i32 to vector<4x224x224xi32>
      %ne3A_1543 = arith.cmpi ne, %mul3A_1529, %ne3A_1542 : vector<4x224x224xi32>
      %broadcast_in_dim3A_1544 = arith.constant 0 : i32
      %broadcast_in_dim3A_1545 = vector.broadcast %broadcast_in_dim3A_1544 : i32 to vector<4x8x224xi32>
      %slice3A_1546 = vector.extract_strided_slice %max3A_1540 {offsets = [0, 8, 0], sizes = [4, 216, 224], strides = [1, 1, 1]} : vector<4x224x224xi32> to vector<4x216x224xi32>
      %concatenate3A_1547 = tpu.concatenate %slice3A_1546, %broadcast_in_dim3A_1545 in 1 : vector<4x216x224xi32>, vector<4x8x224xi32> -> vector<4x224x224xi32>
      %jit3A_1548 = arith.constant 0 : i32
      %broadcast_in_dim3A_1549 = vector.broadcast %jit3A_1548 : i32 to vector<4x224x224xi32>
      %select_n3A_1550 = arith.select %ne3A_1543, %concatenate3A_1547, %broadcast_in_dim3A_1549 : vector<4x224x224xi1>, vector<4x224x224xi32>
      %max3A_1551 = arith.maxsi %max3A_1540, %select_n3A_1550 : vector<4x224x224xi32>
      %broadcast_in_dim3A_1552 = arith.constant 0 : i32
      %broadcast_in_dim3A_1553 = vector.broadcast %broadcast_in_dim3A_1552 : i32 to vector<4x8x224xi32>
      %slice3A_1554 = vector.extract_strided_slice %mul3A_1524 {offsets = [0, 0, 0], sizes = [4, 216, 224], strides = [1, 1, 1]} : vector<4x224x224xi32> to vector<4x216x224xi32>
      %concatenate3A_1555 = tpu.concatenate %broadcast_in_dim3A_1553, %slice3A_1554 in 1 : vector<4x8x224xi32>, vector<4x216x224xi32> -> vector<4x224x224xi32>
      %mul3A_1556 = arith.muli %mul3A_1524, %concatenate3A_1555 : vector<4x224x224xi32>
      %broadcast_in_dim3A_1557 = arith.constant 0 : i32
      %broadcast_in_dim3A_1558 = vector.broadcast %broadcast_in_dim3A_1557 : i32 to vector<4x8x224xi32>
      %slice3A_1559 = vector.extract_strided_slice %mul3A_1529 {offsets = [0, 8, 0], sizes = [4, 216, 224], strides = [1, 1, 1]} : vector<4x224x224xi32> to vector<4x216x224xi32>
      %concatenate3A_1560 = tpu.concatenate %slice3A_1559, %broadcast_in_dim3A_1558 in 1 : vector<4x216x224xi32>, vector<4x8x224xi32> -> vector<4x224x224xi32>
      %mul3A_1561 = arith.muli %mul3A_1529, %concatenate3A_1560 : vector<4x224x224xi32>
      %ne3A_1562 = arith.constant 0 : i32
      %ne3A_1563 = vector.broadcast %ne3A_1562 : i32 to vector<4x224x224xi32>
      %ne3A_1564 = arith.cmpi ne, %mul3A_1556, %ne3A_1563 : vector<4x224x224xi32>
      %broadcast_in_dim3A_1565 = arith.constant 0 : i32
      %broadcast_in_dim3A_1566 = vector.broadcast %broadcast_in_dim3A_1565 : i32 to vector<4x16x224xi32>
      %slice3A_1567 = vector.extract_strided_slice %max3A_1551 {offsets = [0, 0, 0], sizes = [4, 208, 224], strides = [1, 1, 1]} : vector<4x224x224xi32> to vector<4x208x224xi32>
      %concatenate3A_1568 = tpu.concatenate %broadcast_in_dim3A_1566, %slice3A_1567 in 1 : vector<4x16x224xi32>, vector<4x208x224xi32> -> vector<4x224x224xi32>
      %jit3A_1569 = arith.constant 0 : i32
      %broadcast_in_dim3A_1570 = vector.broadcast %jit3A_1569 : i32 to vector<4x224x224xi32>
      %select_n3A_1571 = arith.select %ne3A_1564, %concatenate3A_1568, %broadcast_in_dim3A_1570 : vector<4x224x224xi1>, vector<4x224x224xi32>
      %max3A_1572 = arith.maxsi %max3A_1551, %select_n3A_1571 : vector<4x224x224xi32>
      %ne3A_1573 = arith.constant 0 : i32
      %ne3A_1574 = vector.broadcast %ne3A_1573 : i32 to vector<4x224x224xi32>
      %ne3A_1575 = arith.cmpi ne, %mul3A_1561, %ne3A_1574 : vector<4x224x224xi32>
      %broadcast_in_dim3A_1576 = arith.constant 0 : i32
      %broadcast_in_dim3A_1577 = vector.broadcast %broadcast_in_dim3A_1576 : i32 to vector<4x16x224xi32>
      %slice3A_1578 = vector.extract_strided_slice %max3A_1572 {offsets = [0, 16, 0], sizes = [4, 208, 224], strides = [1, 1, 1]} : vector<4x224x224xi32> to vector<4x208x224xi32>
      %concatenate3A_1579 = tpu.concatenate %slice3A_1578, %broadcast_in_dim3A_1577 in 1 : vector<4x208x224xi32>, vector<4x16x224xi32> -> vector<4x224x224xi32>
      %jit3A_1580 = arith.constant 0 : i32
      %broadcast_in_dim3A_1581 = vector.broadcast %jit3A_1580 : i32 to vector<4x224x224xi32>
      %select_n3A_1582 = arith.select %ne3A_1575, %concatenate3A_1579, %broadcast_in_dim3A_1581 : vector<4x224x224xi1>, vector<4x224x224xi32>
      %max3A_1583 = arith.maxsi %max3A_1572, %select_n3A_1582 : vector<4x224x224xi32>
      %broadcast_in_dim3A_1584 = arith.constant 0 : i32
      %broadcast_in_dim3A_1585 = vector.broadcast %broadcast_in_dim3A_1584 : i32 to vector<4x16x224xi32>
      %slice3A_1586 = vector.extract_strided_slice %mul3A_1556 {offsets = [0, 0, 0], sizes = [4, 208, 224], strides = [1, 1, 1]} : vector<4x224x224xi32> to vector<4x208x224xi32>
      %concatenate3A_1587 = tpu.concatenate %broadcast_in_dim3A_1585, %slice3A_1586 in 1 : vector<4x16x224xi32>, vector<4x208x224xi32> -> vector<4x224x224xi32>
      %mul3A_1588 = arith.muli %mul3A_1556, %concatenate3A_1587 : vector<4x224x224xi32>
      %broadcast_in_dim3A_1589 = arith.constant 0 : i32
      %broadcast_in_dim3A_1590 = vector.broadcast %broadcast_in_dim3A_1589 : i32 to vector<4x16x224xi32>
      %slice3A_1591 = vector.extract_strided_slice %mul3A_1561 {offsets = [0, 16, 0], sizes = [4, 208, 224], strides = [1, 1, 1]} : vector<4x224x224xi32> to vector<4x208x224xi32>
      %concatenate3A_1592 = tpu.concatenate %slice3A_1591, %broadcast_in_dim3A_1590 in 1 : vector<4x208x224xi32>, vector<4x16x224xi32> -> vector<4x224x224xi32>
      %mul3A_1593 = arith.muli %mul3A_1561, %concatenate3A_1592 : vector<4x224x224xi32>
      %ne3A_1594 = arith.constant 0 : i32
      %ne3A_1595 = vector.broadcast %ne3A_1594 : i32 to vector<4x224x224xi32>
      %ne3A_1596 = arith.cmpi ne, %mul3A_1588, %ne3A_1595 : vector<4x224x224xi32>
      %broadcast_in_dim3A_1597 = arith.constant 0 : i32
      %broadcast_in_dim3A_1598 = vector.broadcast %broadcast_in_dim3A_1597 : i32 to vector<4x32x224xi32>
      %slice3A_1599 = vector.extract_strided_slice %max3A_1583 {offsets = [0, 0, 0], sizes = [4, 192, 224], strides = [1, 1, 1]} : vector<4x224x224xi32> to vector<4x192x224xi32>
      %concatenate3A_1600 = tpu.concatenate %broadcast_in_dim3A_1598, %slice3A_1599 in 1 : vector<4x32x224xi32>, vector<4x192x224xi32> -> vector<4x224x224xi32>
      %jit3A_1601 = arith.constant 0 : i32
      %broadcast_in_dim3A_1602 = vector.broadcast %jit3A_1601 : i32 to vector<4x224x224xi32>
      %select_n3A_1603 = arith.select %ne3A_1596, %concatenate3A_1600, %broadcast_in_dim3A_1602 : vector<4x224x224xi1>, vector<4x224x224xi32>
      %max3A_1604 = arith.maxsi %max3A_1583, %select_n3A_1603 : vector<4x224x224xi32>
      %ne3A_1605 = arith.constant 0 : i32
      %ne3A_1606 = vector.broadcast %ne3A_1605 : i32 to vector<4x224x224xi32>
      %ne3A_1607 = arith.cmpi ne, %mul3A_1593, %ne3A_1606 : vector<4x224x224xi32>
      %broadcast_in_dim3A_1608 = arith.constant 0 : i32
      %broadcast_in_dim3A_1609 = vector.broadcast %broadcast_in_dim3A_1608 : i32 to vector<4x32x224xi32>
      %slice3A_1610 = vector.extract_strided_slice %max3A_1604 {offsets = [0, 32, 0], sizes = [4, 192, 224], strides = [1, 1, 1]} : vector<4x224x224xi32> to vector<4x192x224xi32>
      %concatenate3A_1611 = tpu.concatenate %slice3A_1610, %broadcast_in_dim3A_1609 in 1 : vector<4x192x224xi32>, vector<4x32x224xi32> -> vector<4x224x224xi32>
      %jit3A_1612 = arith.constant 0 : i32
      %broadcast_in_dim3A_1613 = vector.broadcast %jit3A_1612 : i32 to vector<4x224x224xi32>
      %select_n3A_1614 = arith.select %ne3A_1607, %concatenate3A_1611, %broadcast_in_dim3A_1613 : vector<4x224x224xi1>, vector<4x224x224xi32>
      %max3A_1615 = arith.maxsi %max3A_1604, %select_n3A_1614 : vector<4x224x224xi32>
      %broadcast_in_dim3A_1616 = arith.constant 0 : i32
      %broadcast_in_dim3A_1617 = vector.broadcast %broadcast_in_dim3A_1616 : i32 to vector<4x32x224xi32>
      %slice3A_1618 = vector.extract_strided_slice %mul3A_1588 {offsets = [0, 0, 0], sizes = [4, 192, 224], strides = [1, 1, 1]} : vector<4x224x224xi32> to vector<4x192x224xi32>
      %concatenate3A_1619 = tpu.concatenate %broadcast_in_dim3A_1617, %slice3A_1618 in 1 : vector<4x32x224xi32>, vector<4x192x224xi32> -> vector<4x224x224xi32>
      %mul3A_1620 = arith.muli %mul3A_1588, %concatenate3A_1619 : vector<4x224x224xi32>
      %broadcast_in_dim3A_1621 = arith.constant 0 : i32
      %broadcast_in_dim3A_1622 = vector.broadcast %broadcast_in_dim3A_1621 : i32 to vector<4x32x224xi32>
      %slice3A_1623 = vector.extract_strided_slice %mul3A_1593 {offsets = [0, 32, 0], sizes = [4, 192, 224], strides = [1, 1, 1]} : vector<4x224x224xi32> to vector<4x192x224xi32>
      %concatenate3A_1624 = tpu.concatenate %slice3A_1623, %broadcast_in_dim3A_1622 in 1 : vector<4x192x224xi32>, vector<4x32x224xi32> -> vector<4x224x224xi32>
      %mul3A_1625 = arith.muli %mul3A_1593, %concatenate3A_1624 : vector<4x224x224xi32>
      %ne3A_1626 = arith.constant 0 : i32
      %ne3A_1627 = vector.broadcast %ne3A_1626 : i32 to vector<4x224x224xi32>
      %ne3A_1628 = arith.cmpi ne, %mul3A_1620, %ne3A_1627 : vector<4x224x224xi32>
      %broadcast_in_dim3A_1629 = arith.constant 0 : i32
      %broadcast_in_dim3A_1630 = vector.broadcast %broadcast_in_dim3A_1629 : i32 to vector<4x64x224xi32>
      %slice3A_1631 = vector.extract_strided_slice %max3A_1615 {offsets = [0, 0, 0], sizes = [4, 160, 224], strides = [1, 1, 1]} : vector<4x224x224xi32> to vector<4x160x224xi32>
      %concatenate3A_1632 = tpu.concatenate %broadcast_in_dim3A_1630, %slice3A_1631 in 1 : vector<4x64x224xi32>, vector<4x160x224xi32> -> vector<4x224x224xi32>
      %jit3A_1633 = arith.constant 0 : i32
      %broadcast_in_dim3A_1634 = vector.broadcast %jit3A_1633 : i32 to vector<4x224x224xi32>
      %select_n3A_1635 = arith.select %ne3A_1628, %concatenate3A_1632, %broadcast_in_dim3A_1634 : vector<4x224x224xi1>, vector<4x224x224xi32>
      %max3A_1636 = arith.maxsi %max3A_1615, %select_n3A_1635 : vector<4x224x224xi32>
      %ne3A_1637 = arith.constant 0 : i32
      %ne3A_1638 = vector.broadcast %ne3A_1637 : i32 to vector<4x224x224xi32>
      %ne3A_1639 = arith.cmpi ne, %mul3A_1625, %ne3A_1638 : vector<4x224x224xi32>
      %broadcast_in_dim3A_1640 = arith.constant 0 : i32
      %broadcast_in_dim3A_1641 = vector.broadcast %broadcast_in_dim3A_1640 : i32 to vector<4x64x224xi32>
      %slice3A_1642 = vector.extract_strided_slice %max3A_1636 {offsets = [0, 64, 0], sizes = [4, 160, 224], strides = [1, 1, 1]} : vector<4x224x224xi32> to vector<4x160x224xi32>
      %concatenate3A_1643 = tpu.concatenate %slice3A_1642, %broadcast_in_dim3A_1641 in 1 : vector<4x160x224xi32>, vector<4x64x224xi32> -> vector<4x224x224xi32>
      %jit3A_1644 = arith.constant 0 : i32
      %broadcast_in_dim3A_1645 = vector.broadcast %jit3A_1644 : i32 to vector<4x224x224xi32>
      %select_n3A_1646 = arith.select %ne3A_1639, %concatenate3A_1643, %broadcast_in_dim3A_1645 : vector<4x224x224xi1>, vector<4x224x224xi32>
      %max3A_1647 = arith.maxsi %max3A_1636, %select_n3A_1646 : vector<4x224x224xi32>
      %broadcast_in_dim3A_1648 = arith.constant 0 : i32
      %broadcast_in_dim3A_1649 = vector.broadcast %broadcast_in_dim3A_1648 : i32 to vector<4x64x224xi32>
      %slice3A_1650 = vector.extract_strided_slice %mul3A_1620 {offsets = [0, 0, 0], sizes = [4, 160, 224], strides = [1, 1, 1]} : vector<4x224x224xi32> to vector<4x160x224xi32>
      %concatenate3A_1651 = tpu.concatenate %broadcast_in_dim3A_1649, %slice3A_1650 in 1 : vector<4x64x224xi32>, vector<4x160x224xi32> -> vector<4x224x224xi32>
      %mul3A_1652 = arith.muli %mul3A_1620, %concatenate3A_1651 : vector<4x224x224xi32>
      %broadcast_in_dim3A_1653 = arith.constant 0 : i32
      %broadcast_in_dim3A_1654 = vector.broadcast %broadcast_in_dim3A_1653 : i32 to vector<4x64x224xi32>
      %slice3A_1655 = vector.extract_strided_slice %mul3A_1625 {offsets = [0, 64, 0], sizes = [4, 160, 224], strides = [1, 1, 1]} : vector<4x224x224xi32> to vector<4x160x224xi32>
      %concatenate3A_1656 = tpu.concatenate %slice3A_1655, %broadcast_in_dim3A_1654 in 1 : vector<4x160x224xi32>, vector<4x64x224xi32> -> vector<4x224x224xi32>
      %mul3A_1657 = arith.muli %mul3A_1625, %concatenate3A_1656 : vector<4x224x224xi32>
      %ne3A_1658 = arith.constant 0 : i32
      %ne3A_1659 = vector.broadcast %ne3A_1658 : i32 to vector<4x224x224xi32>
      %ne3A_1660 = arith.cmpi ne, %mul3A_1652, %ne3A_1659 : vector<4x224x224xi32>
      %broadcast_in_dim3A_1661 = arith.constant 0 : i32
      %broadcast_in_dim3A_1662 = vector.broadcast %broadcast_in_dim3A_1661 : i32 to vector<4x128x224xi32>
      %slice3A_1663 = vector.extract_strided_slice %max3A_1647 {offsets = [0, 0, 0], sizes = [4, 96, 224], strides = [1, 1, 1]} : vector<4x224x224xi32> to vector<4x96x224xi32>
      %concatenate3A_1664 = tpu.concatenate %broadcast_in_dim3A_1662, %slice3A_1663 in 1 : vector<4x128x224xi32>, vector<4x96x224xi32> -> vector<4x224x224xi32>
      %jit3A_1665 = arith.constant 0 : i32
      %broadcast_in_dim3A_1666 = vector.broadcast %jit3A_1665 : i32 to vector<4x224x224xi32>
      %select_n3A_1667 = arith.select %ne3A_1660, %concatenate3A_1664, %broadcast_in_dim3A_1666 : vector<4x224x224xi1>, vector<4x224x224xi32>
      %max3A_1668 = arith.maxsi %max3A_1647, %select_n3A_1667 : vector<4x224x224xi32>
      %ne3A_1669 = arith.constant 0 : i32
      %ne3A_1670 = vector.broadcast %ne3A_1669 : i32 to vector<4x224x224xi32>
      %ne3A_1671 = arith.cmpi ne, %mul3A_1657, %ne3A_1670 : vector<4x224x224xi32>
      %broadcast_in_dim3A_1672 = arith.constant 0 : i32
      %broadcast_in_dim3A_1673 = vector.broadcast %broadcast_in_dim3A_1672 : i32 to vector<4x128x224xi32>
      %slice3A_1674 = vector.extract_strided_slice %max3A_1668 {offsets = [0, 128, 0], sizes = [4, 96, 224], strides = [1, 1, 1]} : vector<4x224x224xi32> to vector<4x96x224xi32>
      %concatenate3A_1675 = tpu.concatenate %slice3A_1674, %broadcast_in_dim3A_1673 in 1 : vector<4x96x224xi32>, vector<4x128x224xi32> -> vector<4x224x224xi32>
      %jit3A_1676 = arith.constant 0 : i32
      %broadcast_in_dim3A_1677 = vector.broadcast %jit3A_1676 : i32 to vector<4x224x224xi32>
      %select_n3A_1678 = arith.select %ne3A_1671, %concatenate3A_1675, %broadcast_in_dim3A_1677 : vector<4x224x224xi1>, vector<4x224x224xi32>
      %max3A_1679 = arith.maxsi %max3A_1668, %select_n3A_1678 : vector<4x224x224xi32>
      %broadcast_in_dim3A_1680 = arith.constant 0 : i32
      %broadcast_in_dim3A_1681 = vector.broadcast %broadcast_in_dim3A_1680 : i32 to vector<4x128x224xi32>
      %slice3A_1682 = vector.extract_strided_slice %mul3A_1652 {offsets = [0, 0, 0], sizes = [4, 96, 224], strides = [1, 1, 1]} : vector<4x224x224xi32> to vector<4x96x224xi32>
      %concatenate3A_1683 = tpu.concatenate %broadcast_in_dim3A_1681, %slice3A_1682 in 1 : vector<4x128x224xi32>, vector<4x96x224xi32> -> vector<4x224x224xi32>
      %mul3A_1684 = arith.muli %mul3A_1652, %concatenate3A_1683 : vector<4x224x224xi32>
      %broadcast_in_dim3A_1685 = arith.constant 0 : i32
      %broadcast_in_dim3A_1686 = vector.broadcast %broadcast_in_dim3A_1685 : i32 to vector<4x128x224xi32>
      %slice3A_1687 = vector.extract_strided_slice %mul3A_1657 {offsets = [0, 128, 0], sizes = [4, 96, 224], strides = [1, 1, 1]} : vector<4x224x224xi32> to vector<4x96x224xi32>
      %concatenate3A_1688 = tpu.concatenate %slice3A_1687, %broadcast_in_dim3A_1686 in 1 : vector<4x96x224xi32>, vector<4x128x224xi32> -> vector<4x224x224xi32>
      %mul3A_1689 = arith.muli %mul3A_1657, %concatenate3A_1688 : vector<4x224x224xi32>
      scf.yield %while3A_1157, %max3A_1679 : vector<4x224x224xi32>, vector<4x224x224xi32>
    }
    %swap3A = arith.constant 0 : index
    %swap3A_1144 = arith.constant 0 : index
    %swap3A_1145 = arith.constant 0 : index
    %swap3A_1146 = vector.load %arg1[%swap3A, %swap3A_1144, %swap3A_1145] : memref<4x224x224xi32, #tpu.memory_space<vmem>>, vector<4x224x224xi32>
    tpu.vector_store %arg1[%swap3A, %swap3A_1144, %swap3A_1145], %while3A_1143#1 {strides = array<i32>} : memref<4x224x224xi32, #tpu.memory_space<vmem>>, vector<4x224x224xi32>,
    %slice3A_1147 = vector.extract_strided_slice %add3A_602 {offsets = [0, 223, 223], sizes = [4, 1, 1], strides = [1, 1, 1]} : vector<4x224x224xi32> to vector<4x1x1xi32>
    %squeeze3A = vector.shape_cast %slice3A_1147 : vector<4x1x1xi32> to vector<4xi32>
    %add3A_1148 = arith.addi %squeeze3A, %convert_element_type3A_624 : vector<4xi32>
    %concatenate3A_1149 = tpu.concatenate %add3A_1148, %convert_element_type3A_624 in 0 : vector<4xi32>, vector<4xi32> -> vector<8xi32>
    %reshape3A = vector.shape_cast %concatenate3A_1149 : vector<8xi32> to vector<8x1xi32>
    %broadcast_in_dim3A_1150 = arith.constant 0 : i32
    %broadcast_in_dim3A_1151 = vector.broadcast %broadcast_in_dim3A_1150 : i32 to vector<8x127xi32>
    %concatenate3A_1152 = tpu.concatenate %reshape3A, %broadcast_in_dim3A_1151 in 1 : vector<8x1xi32>, vector<8x127xi32> -> vector<8x128xi32>
    %swap3A_1153 = arith.constant 0 : index
    %swap3A_1154 = arith.constant 0 : index
    %swap3A_1155 = vector.load %arg2[%swap3A_1153, %swap3A_1154] : memref<8x128xi32, #tpu.memory_space<vmem>>, vector<8x128xi32>
    tpu.vector_store %arg2[%swap3A_1153, %swap3A_1154], %concatenate3A_1152 {strides = array<i32>} : memref<8x128xi32, #tpu.memory_space<vmem>>, vector<8x128xi32>,
    return
  }
}

module attributes {stable_mosaic.version = 14 : i64} {
  func.func @_segsum_kernel(%arg0: i32, %arg1: i32, %arg2: memref<1x96x32x224xf32, #tpu.memory_space<vmem>>, %arg3: memref<1x2x32x224xi32, #tpu.memory_space<vmem>>, %arg4: memref<1x2x20x97xf32, #tpu.memory_space<vmem>>) attributes {dimension_semantics = [#tpu.dimension_semantics<arbitrary>, #tpu.dimension_semantics<arbitrary>], iteration_bounds = array<i64: 2, 7>, scalar_prefetch = 0 : i64, scratch_operands = 0 : i64, tpu.core_type = #tpu.core_type<tc>, window_params = [{transform_indices = @transform_0, window_bounds = array<i64: 1, 96, 32, 224>}, {transform_indices = @transform_1, window_bounds = array<i64: 1, 2, 32, 224>}, {transform_indices = @transform_2, window_bounds = array<i64: 1, 2, 20, 97>}]} {
    %eq3A = arith.constant 0 : i32
    %eq3A_0 = arith.cmpi eq, %arg1, %eq3A : i32
    %convert_element_type3A = arith.extui %eq3A_0 : i1 to i32
    %cond3A = arith.constant 0 : i32
    %cond3A_1 = arith.cmpi ne, %convert_element_type3A, %cond3A : i32
    scf.if %cond3A_1 {
      %broadcast_in_dim3A_63 = arith.constant 0.000000e+00 : f32
      %broadcast_in_dim3A_64 = vector.broadcast %broadcast_in_dim3A_63 : f32 to vector<1x2x20x97xf32>
      %swap3A_65 = arith.constant 0 : index
      %swap3A_66 = arith.constant 0 : index
      %swap3A_67 = arith.constant 0 : index
      %swap3A_68 = arith.constant 0 : index
      %swap3A_69 = vector.load %arg4[%swap3A_65, %swap3A_66, %swap3A_67, %swap3A_68] : memref<1x2x20x97xf32, #tpu.memory_space<vmem>>, vector<1x2x20x97xf32>
      tpu.vector_store %arg4[%swap3A_65, %swap3A_66, %swap3A_67, %swap3A_68], %broadcast_in_dim3A_64 {strides = array<i32>} : memref<1x2x20x97xf32, #tpu.memory_space<vmem>>, vector<1x2x20x97xf32>,
    } else {
    }
    %get3A = arith.constant 0 : index
    %get3A_2 = arith.constant 0 : index
    %get3A_3 = arith.constant 0 : index
    %get3A_4 = arith.constant 0 : index
    %get3A_5 = vector.load %arg2[%get3A, %get3A_2, %get3A_3, %get3A_4] : memref<1x96x32x224xf32, #tpu.memory_space<vmem>>, vector<1x96x32x224xf32>
    %get3A_6 = vector.shape_cast %get3A_5 : vector<1x96x32x224xf32> to vector<96x32x224xf32>
    %reshape3A = vector.shape_cast %get3A_6 : vector<96x32x224xf32> to vector<96x7168xf32>
    %iota3A = tpu.iota {dimensions = array<i32: 0>} : vector<20x7168xi32>
    %get3A_7 = arith.constant 0 : index
    %get3A_8 = arith.constant 0 : index
    %get3A_9 = arith.constant 0 : index
    %get3A_10 = arith.constant 0 : index
    %get3A_11 = vector.load %arg3[%get3A_7, %get3A_8, %get3A_9, %get3A_10] : memref<1x2x32x224xi32, #tpu.memory_space<vmem>>, vector<1x1x32x224xi32>
    %get3A_12 = vector.shape_cast %get3A_11 : vector<1x1x32x224xi32> to vector<32x224xi32>
    %reshape3A_13 = vector.shape_cast %get3A_12 : vector<32x224xi32> to vector<1x7168xi32>
    %eq3A_14 = vector.broadcast %reshape3A_13 : vector<1x7168xi32> to vector<20x7168xi32>
    %eq3A_15 = arith.cmpi eq, %eq3A_14, %iota3A : vector<20x7168xi32>
    %convert_element_type3A_16 = arith.extui %eq3A_15 : vector<20x7168xi1> to vector<20x7168xi32>
    %convert_element_type3A_17 = arith.sitofp %convert_element_type3A_16 : vector<20x7168xi32> to vector<20x7168xf32>
    %dot_general3A = arith.constant dense<0.000000e+00> : vector<20x96xf32>
    %dot_general3A_18 = tpu.matmul %convert_element_type3A_17, %reshape3A, %dot_general3A {dimension_numbers = #tpu.dot_dimension_numbers<[1], [1], [0], [0], [0, 0, 1, 0], [], []>, transpose_lhs_hint = false} : vector<20x7168xf32>, vector<96x7168xf32>, vector<20x96xf32> -> vector<20x96xf32>
    %reduce_sum3A = arith.constant dense<0.000000e+00> : vector<20xf32>
    %reduce_sum3A_19 = vector.multi_reduction <add>, %convert_element_type3A_17, %reduce_sum3A [1] : vector<20x7168xf32> to vector<20xf32>
    %broadcast_in_dim3A = vector.shape_cast %reduce_sum3A_19 : vector<20xf32> to vector<20x1xf32>
    %get3A_20 = arith.constant 0 : index
    %get3A_21 = arith.constant 0 : index
    %get3A_22 = arith.constant 0 : index
    %get3A_23 = arith.constant 0 : index
    %get3A_24 = vector.load %arg4[%get3A_20, %get3A_21, %get3A_22, %get3A_23] : memref<1x2x20x97xf32, #tpu.memory_space<vmem>>, vector<1x1x20x97xf32>
    %get3A_25 = vector.shape_cast %get3A_24 : vector<1x1x20x97xf32> to vector<20x97xf32>
    %concatenate3A = tpu.concatenate %dot_general3A_18, %broadcast_in_dim3A in 1 : vector<20x96xf32>, vector<20x1xf32> -> vector<20x97xf32>
    %add3A = arith.addf %get3A_25, %concatenate3A : vector<20x97xf32>
    %swap3A = arith.constant 0 : index
    %swap3A_26 = arith.constant 0 : index
    %swap3A_27 = arith.constant 0 : index
    %swap3A_28 = arith.constant 0 : index
    %swap3A_29 = vector.load %arg4[%swap3A, %swap3A_26, %swap3A_27, %swap3A_28] : memref<1x2x20x97xf32, #tpu.memory_space<vmem>>, vector<1x1x20x97xf32>
    %swap3A_30 = vector.shape_cast %swap3A_29 : vector<1x1x20x97xf32> to vector<20x97xf32>
    %swap3A_31 = vector.shape_cast %add3A : vector<20x97xf32> to vector<1x1x20x97xf32>
    tpu.vector_store %arg4[%swap3A, %swap3A_26, %swap3A_27, %swap3A_28], %swap3A_31 {strides = array<i32>} : memref<1x2x20x97xf32, #tpu.memory_space<vmem>>, vector<1x1x20x97xf32>,
    %get3A_32 = arith.constant 0 : index
    %get3A_33 = arith.constant 1 : index
    %get3A_34 = arith.constant 0 : index
    %get3A_35 = arith.constant 0 : index
    %get3A_36 = vector.load %arg3[%get3A_32, %get3A_33, %get3A_34, %get3A_35] : memref<1x2x32x224xi32, #tpu.memory_space<vmem>>, vector<1x1x32x224xi32>
    %get3A_37 = vector.shape_cast %get3A_36 : vector<1x1x32x224xi32> to vector<32x224xi32>
    %reshape3A_38 = vector.shape_cast %get3A_37 : vector<32x224xi32> to vector<1x7168xi32>
    %eq3A_39 = vector.broadcast %reshape3A_38 : vector<1x7168xi32> to vector<20x7168xi32>
    %eq3A_40 = arith.cmpi eq, %eq3A_39, %iota3A : vector<20x7168xi32>
    %convert_element_type3A_41 = arith.extui %eq3A_40 : vector<20x7168xi1> to vector<20x7168xi32>
    %convert_element_type3A_42 = arith.sitofp %convert_element_type3A_41 : vector<20x7168xi32> to vector<20x7168xf32>
    %dot_general3A_43 = arith.constant dense<0.000000e+00> : vector<20x96xf32>
    %dot_general3A_44 = tpu.matmul %convert_element_type3A_42, %reshape3A, %dot_general3A_43 {dimension_numbers = #tpu.dot_dimension_numbers<[1], [1], [0], [0], [0, 0, 1, 0], [], []>, transpose_lhs_hint = false} : vector<20x7168xf32>, vector<96x7168xf32>, vector<20x96xf32> -> vector<20x96xf32>
    %reduce_sum3A_45 = arith.constant dense<0.000000e+00> : vector<20xf32>
    %reduce_sum3A_46 = vector.multi_reduction <add>, %convert_element_type3A_42, %reduce_sum3A_45 [1] : vector<20x7168xf32> to vector<20xf32>
    %broadcast_in_dim3A_47 = vector.shape_cast %reduce_sum3A_46 : vector<20xf32> to vector<20x1xf32>
    %get3A_48 = arith.constant 0 : index
    %get3A_49 = arith.constant 1 : index
    %get3A_50 = arith.constant 0 : index
    %get3A_51 = arith.constant 0 : index
    %get3A_52 = vector.load %arg4[%get3A_48, %get3A_49, %get3A_50, %get3A_51] : memref<1x2x20x97xf32, #tpu.memory_space<vmem>>, vector<1x1x20x97xf32>
    %get3A_53 = vector.shape_cast %get3A_52 : vector<1x1x20x97xf32> to vector<20x97xf32>
    %concatenate3A_54 = tpu.concatenate %dot_general3A_44, %broadcast_in_dim3A_47 in 1 : vector<20x96xf32>, vector<20x1xf32> -> vector<20x97xf32>
    %add3A_55 = arith.addf %get3A_53, %concatenate3A_54 : vector<20x97xf32>
    %swap3A_56 = arith.constant 0 : index
    %swap3A_57 = arith.constant 1 : index
    %swap3A_58 = arith.constant 0 : index
    %swap3A_59 = arith.constant 0 : index
    %swap3A_60 = vector.load %arg4[%swap3A_56, %swap3A_57, %swap3A_58, %swap3A_59] : memref<1x2x20x97xf32, #tpu.memory_space<vmem>>, vector<1x1x20x97xf32>
    %swap3A_61 = vector.shape_cast %swap3A_60 : vector<1x1x20x97xf32> to vector<20x97xf32>
    %swap3A_62 = vector.shape_cast %add3A_55 : vector<20x97xf32> to vector<1x1x20x97xf32>
    tpu.vector_store %arg4[%swap3A_56, %swap3A_57, %swap3A_58, %swap3A_59], %swap3A_62 {strides = array<i32>} : memref<1x2x20x97xf32, #tpu.memory_space<vmem>>, vector<1x1x20x97xf32>,
    return
  }
  func.func @transform_0(%arg0: i32, %arg1: i32) -> (i32, i32, i32, i32) {
    %c0_i32 = arith.constant 0 : i32
    %c0_i32_0 = arith.constant 0 : i32
    %c0_i32_1 = arith.constant 0 : i32
    return %arg0, %c0_i32, %arg1, %c0_i32_0 : i32, i32, i32, i32
  }
  func.func @transform_1(%arg0: i32, %arg1: i32) -> (i32, i32, i32, i32) {
    %c0_i32 = arith.constant 0 : i32
    %c0_i32_0 = arith.constant 0 : i32
    %c0_i32_1 = arith.constant 0 : i32
    return %arg0, %c0_i32, %arg1, %c0_i32_0 : i32, i32, i32, i32
  }
  func.func @transform_2(%arg0: i32, %arg1: i32) -> (i32, i32, i32, i32) {
    %c0_i32 = arith.constant 0 : i32
    %c0_i32_0 = arith.constant 0 : i32
    %c0_i32_1 = arith.constant 0 : i32
    %c0_i32_2 = arith.constant 0 : i32
    return %arg0, %c0_i32, %c0_i32_0, %c0_i32_1 : i32, i32, i32, i32
  }
}

module attributes {stable_mosaic.version = 14 : i64} {
  func.func @_factors_kernel(%arg0: i32, %arg1: memref<1x2x20x97xf32, #tpu.memory_space<vmem>>, %arg2: memref<1x1x2xi32, #tpu.memory_space<vmem>>, %arg3: memref<1x1x2xi32, #tpu.memory_space<vmem>>, %arg4: memref<1x2x20xf32, #tpu.memory_space<vmem>>) attributes {dimension_semantics = [#tpu.dimension_semantics<arbitrary>], iteration_bounds = array<i64: 2>, scalar_prefetch = 0 : i64, scratch_operands = 0 : i64, tpu.core_type = #tpu.core_type<tc>, window_params = [{transform_indices = @transform_0, window_bounds = array<i64: 1, 2, 20, 97>}, {transform_indices = @transform_1, window_bounds = array<i64: 1, 1, 2>}, {transform_indices = @transform_2, window_bounds = array<i64: 1, 1, 2>}, {transform_indices = @transform_3, window_bounds = array<i64: 1, 2, 20>}]} {
    %get3A = arith.constant 0 : index
    %get3A_0 = arith.constant 0 : index
    %get3A_1 = arith.constant 0 : index
    %get3A_2 = arith.constant 0 : index
    %get3A_3 = vector.load %arg1[%get3A, %get3A_0, %get3A_1, %get3A_2] : memref<1x2x20x97xf32, #tpu.memory_space<vmem>>, vector<1x1x20x97xf32>
    %get3A_4 = vector.shape_cast %get3A_3 : vector<1x1x20x97xf32> to vector<20x97xf32>
    %get3A_5 = arith.constant 0 : index
    %get3A_6 = arith.constant 1 : index
    %get3A_7 = arith.constant 0 : index
    %get3A_8 = arith.constant 0 : index
    %get3A_9 = vector.load %arg1[%get3A_5, %get3A_6, %get3A_7, %get3A_8] : memref<1x2x20x97xf32, #tpu.memory_space<vmem>>, vector<1x1x20x97xf32>
    %get3A_10 = vector.shape_cast %get3A_9 : vector<1x1x20x97xf32> to vector<20x97xf32>
    %slice3A = vector.extract_strided_slice %get3A_4 {offsets = [0, 0], sizes = [20, 96], strides = [1, 1]} : vector<20x97xf32> to vector<20x96xf32>
    %slice3A_11 = vector.extract_strided_slice %get3A_4 {offsets = [0, 96], sizes = [20, 1], strides = [1, 1]} : vector<20x97xf32> to vector<20x1xf32>
    %max3A = arith.constant 1.000000e+00 : f32
    %max3A_12 = vector.broadcast %max3A : f32 to vector<20x1xf32>
    %max3A_13 = arith.maximumf %slice3A_11, %max3A_12 : vector<20x1xf32>
    %div3A = vector.broadcast %max3A_13 : vector<20x1xf32> to vector<20x96xf32>
    %div3A_14 = arith.divf %slice3A, %div3A : vector<20x96xf32>
    %slice3A_15 = vector.extract_strided_slice %get3A_10 {offsets = [0, 0], sizes = [20, 96], strides = [1, 1]} : vector<20x97xf32> to vector<20x96xf32>
    %slice3A_16 = vector.extract_strided_slice %get3A_10 {offsets = [0, 96], sizes = [20, 1], strides = [1, 1]} : vector<20x97xf32> to vector<20x1xf32>
    %max3A_17 = arith.constant 1.000000e+00 : f32
    %max3A_18 = vector.broadcast %max3A_17 : f32 to vector<20x1xf32>
    %max3A_19 = arith.maximumf %slice3A_16, %max3A_18 : vector<20x1xf32>
    %div3A_20 = vector.broadcast %max3A_19 : vector<20x1xf32> to vector<20x96xf32>
    %div3A_21 = arith.divf %slice3A_15, %div3A_20 : vector<20x96xf32>
    %slice3A_22 = vector.extract_strided_slice %div3A_14 {offsets = [1, 0], sizes = [19, 96], strides = [1, 1]} : vector<20x96xf32> to vector<19x96xf32>
    %slice3A_23 = vector.extract_strided_slice %div3A_21 {offsets = [1, 0], sizes = [19, 96], strides = [1, 1]} : vector<20x96xf32> to vector<19x96xf32>
    %dot_general3A = arith.constant dense<0.000000e+00> : vector<19x19xf32>
    %dot_general3A_24 = tpu.matmul %slice3A_22, %slice3A_23, %dot_general3A {dimension_numbers = #tpu.dot_dimension_numbers<[1], [1], [0], [0], [0, 0, 1, 0], [], []>, transpose_lhs_hint = false} : vector<19x96xf32>, vector<19x96xf32>, vector<19x19xf32> -> vector<19x19xf32>
    %get3A_25 = arith.constant 0 : index
    %get3A_26 = arith.constant 0 : index
    %get3A_27 = arith.constant 0 : index
    %get3A_28 = vector.load %arg2[%get3A_25, %get3A_26, %get3A_27] : memref<1x1x2xi32, #tpu.memory_space<vmem>>, vector<1x1x1xi32>
    %get3A_29 = vector.extract %get3A_28[0, 0, 0] : i32 from vector<1x1x1xi32>
    %get3A_30 = arith.constant 0 : index
    %get3A_31 = arith.constant 0 : index
    %get3A_32 = arith.constant 1 : index
    %get3A_33 = vector.load %arg2[%get3A_30, %get3A_31, %get3A_32] : memref<1x1x2xi32, #tpu.memory_space<vmem>>, vector<1x1x1xi32>
    %get3A_34 = vector.extract %get3A_33[0, 0, 0] : i32 from vector<1x1x1xi32>
    %min3A = arith.constant 20 : i32
    %min3A_35 = arith.minsi %min3A, %get3A_29 : i32
    %min3A_36 = arith.constant 20 : i32
    %min3A_37 = arith.minsi %min3A_36, %get3A_34 : i32
    %iota3A = tpu.iota {dimensions = array<i32: 0>} : vector<19x19xi32>
    %iota3A_38 = tpu.iota {dimensions = array<i32: 1>} : vector<19x19xi32>
    %sub3A = arith.constant 1 : i32
    %sub3A_39 = arith.subi %min3A_35, %sub3A : i32
    %lt3A = vector.broadcast %sub3A_39 : i32 to vector<19x19xi32>
    %lt3A_40 = arith.cmpi slt, %iota3A, %lt3A : vector<19x19xi32>
    %sub3A_41 = arith.constant 1 : i32
    %sub3A_42 = arith.subi %min3A_37, %sub3A_41 : i32
    %lt3A_43 = vector.broadcast %sub3A_42 : i32 to vector<19x19xi32>
    %lt3A_44 = arith.cmpi slt, %iota3A_38, %lt3A_43 : vector<19x19xi32>
    %and3A = arith.andi %lt3A_40, %lt3A_44 : vector<19x19xi1>
    %jit3A = arith.constant 0.000000e+00 : f32
    %broadcast_in_dim3A = vector.broadcast %jit3A : f32 to vector<19x19xf32>
    %select_n3A = arith.select %and3A, %dot_general3A_24, %broadcast_in_dim3A : vector<19x19xi1>, vector<19x19xf32>
    %add3A = arith.constant 1.000000e+00 : f32
    %add3A_45 = vector.broadcast %add3A : f32 to vector<19x19xf32>
    %add3A_46 = arith.addf %add3A_45, %select_n3A : vector<19x19xf32>
    %broadcast_in_dim3A_47 = arith.constant 1.000000e+00 : f32
    %broadcast_in_dim3A_48 = vector.broadcast %broadcast_in_dim3A_47 : f32 to vector<19x1xf32>
    %broadcast_in_dim3A_49 = arith.constant 1.000000e+00 : f32
    %broadcast_in_dim3A_50 = vector.broadcast %broadcast_in_dim3A_49 : f32 to vector<1x19xf32>
    %slice3A_51 = vector.extract_strided_slice %add3A_46 {offsets = [0, 0], sizes = [19, 1], strides = [1, 1]} : vector<19x19xf32> to vector<19x1xf32>
    %mul3A = arith.mulf %broadcast_in_dim3A_48, %slice3A_51 : vector<19x1xf32>
    %slice3A_52 = vector.extract_strided_slice %add3A_46 {offsets = [0, 0], sizes = [1, 19], strides = [1, 1]} : vector<19x19xf32> to vector<1x19xf32>
    %mul3A_53 = arith.mulf %broadcast_in_dim3A_50, %slice3A_52 : vector<1x19xf32>
    %slice3A_54 = vector.extract_strided_slice %add3A_46 {offsets = [0, 1], sizes = [19, 1], strides = [1, 1]} : vector<19x19xf32> to vector<19x1xf32>
    %mul3A_55 = arith.mulf %mul3A, %slice3A_54 : vector<19x1xf32>
    %slice3A_56 = vector.extract_strided_slice %add3A_46 {offsets = [1, 0], sizes = [1, 19], strides = [1, 1]} : vector<19x19xf32> to vector<1x19xf32>
    %mul3A_57 = arith.mulf %mul3A_53, %slice3A_56 : vector<1x19xf32>
    %slice3A_58 = vector.extract_strided_slice %add3A_46 {offsets = [0, 2], sizes = [19, 1], strides = [1, 1]} : vector<19x19xf32> to vector<19x1xf32>
    %mul3A_59 = arith.mulf %mul3A_55, %slice3A_58 : vector<19x1xf32>
    %slice3A_60 = vector.extract_strided_slice %add3A_46 {offsets = [2, 0], sizes = [1, 19], strides = [1, 1]} : vector<19x19xf32> to vector<1x19xf32>
    %mul3A_61 = arith.mulf %mul3A_57, %slice3A_60 : vector<1x19xf32>
    %slice3A_62 = vector.extract_strided_slice %add3A_46 {offsets = [0, 3], sizes = [19, 1], strides = [1, 1]} : vector<19x19xf32> to vector<19x1xf32>
    %mul3A_63 = arith.mulf %mul3A_59, %slice3A_62 : vector<19x1xf32>
    %slice3A_64 = vector.extract_strided_slice %add3A_46 {offsets = [3, 0], sizes = [1, 19], strides = [1, 1]} : vector<19x19xf32> to vector<1x19xf32>
    %mul3A_65 = arith.mulf %mul3A_61, %slice3A_64 : vector<1x19xf32>
    %slice3A_66 = vector.extract_strided_slice %add3A_46 {offsets = [0, 4], sizes = [19, 1], strides = [1, 1]} : vector<19x19xf32> to vector<19x1xf32>
    %mul3A_67 = arith.mulf %mul3A_63, %slice3A_66 : vector<19x1xf32>
    %slice3A_68 = vector.extract_strided_slice %add3A_46 {offsets = [4, 0], sizes = [1, 19], strides = [1, 1]} : vector<19x19xf32> to vector<1x19xf32>
    %mul3A_69 = arith.mulf %mul3A_65, %slice3A_68 : vector<1x19xf32>
    %slice3A_70 = vector.extract_strided_slice %add3A_46 {offsets = [0, 5], sizes = [19, 1], strides = [1, 1]} : vector<19x19xf32> to vector<19x1xf32>
    %mul3A_71 = arith.mulf %mul3A_67, %slice3A_70 : vector<19x1xf32>
    %slice3A_72 = vector.extract_strided_slice %add3A_46 {offsets = [5, 0], sizes = [1, 19], strides = [1, 1]} : vector<19x19xf32> to vector<1x19xf32>
    %mul3A_73 = arith.mulf %mul3A_69, %slice3A_72 : vector<1x19xf32>
    %slice3A_74 = vector.extract_strided_slice %add3A_46 {offsets = [0, 6], sizes = [19, 1], strides = [1, 1]} : vector<19x19xf32> to vector<19x1xf32>
    %mul3A_75 = arith.mulf %mul3A_71, %slice3A_74 : vector<19x1xf32>
    %slice3A_76 = vector.extract_strided_slice %add3A_46 {offsets = [6, 0], sizes = [1, 19], strides = [1, 1]} : vector<19x19xf32> to vector<1x19xf32>
    %mul3A_77 = arith.mulf %mul3A_73, %slice3A_76 : vector<1x19xf32>
    %slice3A_78 = vector.extract_strided_slice %add3A_46 {offsets = [0, 7], sizes = [19, 1], strides = [1, 1]} : vector<19x19xf32> to vector<19x1xf32>
    %mul3A_79 = arith.mulf %mul3A_75, %slice3A_78 : vector<19x1xf32>
    %slice3A_80 = vector.extract_strided_slice %add3A_46 {offsets = [7, 0], sizes = [1, 19], strides = [1, 1]} : vector<19x19xf32> to vector<1x19xf32>
    %mul3A_81 = arith.mulf %mul3A_77, %slice3A_80 : vector<1x19xf32>
    %slice3A_82 = vector.extract_strided_slice %add3A_46 {offsets = [0, 8], sizes = [19, 1], strides = [1, 1]} : vector<19x19xf32> to vector<19x1xf32>
    %mul3A_83 = arith.mulf %mul3A_79, %slice3A_82 : vector<19x1xf32>
    %slice3A_84 = vector.extract_strided_slice %add3A_46 {offsets = [8, 0], sizes = [1, 19], strides = [1, 1]} : vector<19x19xf32> to vector<1x19xf32>
    %mul3A_85 = arith.mulf %mul3A_81, %slice3A_84 : vector<1x19xf32>
    %slice3A_86 = vector.extract_strided_slice %add3A_46 {offsets = [0, 9], sizes = [19, 1], strides = [1, 1]} : vector<19x19xf32> to vector<19x1xf32>
    %mul3A_87 = arith.mulf %mul3A_83, %slice3A_86 : vector<19x1xf32>
    %slice3A_88 = vector.extract_strided_slice %add3A_46 {offsets = [9, 0], sizes = [1, 19], strides = [1, 1]} : vector<19x19xf32> to vector<1x19xf32>
    %mul3A_89 = arith.mulf %mul3A_85, %slice3A_88 : vector<1x19xf32>
    %slice3A_90 = vector.extract_strided_slice %add3A_46 {offsets = [0, 10], sizes = [19, 1], strides = [1, 1]} : vector<19x19xf32> to vector<19x1xf32>
    %mul3A_91 = arith.mulf %mul3A_87, %slice3A_90 : vector<19x1xf32>
    %slice3A_92 = vector.extract_strided_slice %add3A_46 {offsets = [10, 0], sizes = [1, 19], strides = [1, 1]} : vector<19x19xf32> to vector<1x19xf32>
    %mul3A_93 = arith.mulf %mul3A_89, %slice3A_92 : vector<1x19xf32>
    %slice3A_94 = vector.extract_strided_slice %add3A_46 {offsets = [0, 11], sizes = [19, 1], strides = [1, 1]} : vector<19x19xf32> to vector<19x1xf32>
    %mul3A_95 = arith.mulf %mul3A_91, %slice3A_94 : vector<19x1xf32>
    %slice3A_96 = vector.extract_strided_slice %add3A_46 {offsets = [11, 0], sizes = [1, 19], strides = [1, 1]} : vector<19x19xf32> to vector<1x19xf32>
    %mul3A_97 = arith.mulf %mul3A_93, %slice3A_96 : vector<1x19xf32>
    %slice3A_98 = vector.extract_strided_slice %add3A_46 {offsets = [0, 12], sizes = [19, 1], strides = [1, 1]} : vector<19x19xf32> to vector<19x1xf32>
    %mul3A_99 = arith.mulf %mul3A_95, %slice3A_98 : vector<19x1xf32>
    %slice3A_100 = vector.extract_strided_slice %add3A_46 {offsets = [12, 0], sizes = [1, 19], strides = [1, 1]} : vector<19x19xf32> to vector<1x19xf32>
    %mul3A_101 = arith.mulf %mul3A_97, %slice3A_100 : vector<1x19xf32>
    %slice3A_102 = vector.extract_strided_slice %add3A_46 {offsets = [0, 13], sizes = [19, 1], strides = [1, 1]} : vector<19x19xf32> to vector<19x1xf32>
    %mul3A_103 = arith.mulf %mul3A_99, %slice3A_102 : vector<19x1xf32>
    %slice3A_104 = vector.extract_strided_slice %add3A_46 {offsets = [13, 0], sizes = [1, 19], strides = [1, 1]} : vector<19x19xf32> to vector<1x19xf32>
    %mul3A_105 = arith.mulf %mul3A_101, %slice3A_104 : vector<1x19xf32>
    %slice3A_106 = vector.extract_strided_slice %add3A_46 {offsets = [0, 14], sizes = [19, 1], strides = [1, 1]} : vector<19x19xf32> to vector<19x1xf32>
    %mul3A_107 = arith.mulf %mul3A_103, %slice3A_106 : vector<19x1xf32>
    %slice3A_108 = vector.extract_strided_slice %add3A_46 {offsets = [14, 0], sizes = [1, 19], strides = [1, 1]} : vector<19x19xf32> to vector<1x19xf32>
    %mul3A_109 = arith.mulf %mul3A_105, %slice3A_108 : vector<1x19xf32>
    %slice3A_110 = vector.extract_strided_slice %add3A_46 {offsets = [0, 15], sizes = [19, 1], strides = [1, 1]} : vector<19x19xf32> to vector<19x1xf32>
    %mul3A_111 = arith.mulf %mul3A_107, %slice3A_110 : vector<19x1xf32>
    %slice3A_112 = vector.extract_strided_slice %add3A_46 {offsets = [15, 0], sizes = [1, 19], strides = [1, 1]} : vector<19x19xf32> to vector<1x19xf32>
    %mul3A_113 = arith.mulf %mul3A_109, %slice3A_112 : vector<1x19xf32>
    %slice3A_114 = vector.extract_strided_slice %add3A_46 {offsets = [0, 16], sizes = [19, 1], strides = [1, 1]} : vector<19x19xf32> to vector<19x1xf32>
    %mul3A_115 = arith.mulf %mul3A_111, %slice3A_114 : vector<19x1xf32>
    %slice3A_116 = vector.extract_strided_slice %add3A_46 {offsets = [16, 0], sizes = [1, 19], strides = [1, 1]} : vector<19x19xf32> to vector<1x19xf32>
    %mul3A_117 = arith.mulf %mul3A_113, %slice3A_116 : vector<1x19xf32>
    %slice3A_118 = vector.extract_strided_slice %add3A_46 {offsets = [0, 17], sizes = [19, 1], strides = [1, 1]} : vector<19x19xf32> to vector<19x1xf32>
    %mul3A_119 = arith.mulf %mul3A_115, %slice3A_118 : vector<19x1xf32>
    %slice3A_120 = vector.extract_strided_slice %add3A_46 {offsets = [17, 0], sizes = [1, 19], strides = [1, 1]} : vector<19x19xf32> to vector<1x19xf32>
    %mul3A_121 = arith.mulf %mul3A_117, %slice3A_120 : vector<1x19xf32>
    %slice3A_122 = vector.extract_strided_slice %add3A_46 {offsets = [0, 18], sizes = [19, 1], strides = [1, 1]} : vector<19x19xf32> to vector<19x1xf32>
    %mul3A_123 = arith.mulf %mul3A_119, %slice3A_122 : vector<19x1xf32>
    %slice3A_124 = vector.extract_strided_slice %add3A_46 {offsets = [18, 0], sizes = [1, 19], strides = [1, 1]} : vector<19x19xf32> to vector<1x19xf32>
    %mul3A_125 = arith.mulf %mul3A_121, %slice3A_124 : vector<1x19xf32>
    %iota3A_126 = tpu.iota {dimensions = array<i32: 1>} : vector<1x20xi32>
    %broadcast_in_dim3A_127 = arith.constant 1.000000e+00 : f32
    %broadcast_in_dim3A_128 = vector.broadcast %broadcast_in_dim3A_127 : f32 to vector<1x1xf32>
    %reshape3A = vector.shape_cast %mul3A_123 : vector<19x1xf32> to vector<1x19xf32>
    %concatenate3A = tpu.concatenate %broadcast_in_dim3A_128, %reshape3A in 1 : vector<1x1xf32>, vector<1x19xf32> -> vector<1x20xf32>
    %concatenate3A_129 = tpu.concatenate %broadcast_in_dim3A_128, %mul3A_125 in 1 : vector<1x1xf32>, vector<1x19xf32> -> vector<1x20xf32>
    %gt3A = arith.constant 1 : i32
    %gt3A_130 = arith.cmpi sgt, %get3A_29, %gt3A : i32
    %gt3A_131 = arith.constant 1 : i32
    %gt3A_132 = arith.cmpi sgt, %get3A_34, %gt3A_131 : i32
    %and3A_133 = arith.andi %gt3A_130, %gt3A_132 : i1
    %get3A_134 = arith.constant 0 : index
    %get3A_135 = arith.constant 0 : index
    %get3A_136 = arith.constant 0 : index
    %get3A_137 = vector.load %arg3[%get3A_134, %get3A_135, %get3A_136] : memref<1x1x2xi32, #tpu.memory_space<vmem>>, vector<1x1x1xi32>
    %get3A_138 = vector.extract %get3A_137[0, 0, 0] : i32 from vector<1x1x1xi32>
    %gt3A_139 = arith.constant 0 : i32
    %gt3A_140 = arith.cmpi sgt, %get3A_138, %gt3A_139 : i32
    %and3A_141 = arith.andi %and3A_133, %gt3A_140 : i1
    %get3A_142 = arith.constant 0 : index
    %get3A_143 = arith.constant 0 : index
    %get3A_144 = arith.constant 1 : index
    %get3A_145 = vector.load %arg3[%get3A_142, %get3A_143, %get3A_144] : memref<1x1x2xi32, #tpu.memory_space<vmem>>, vector<1x1x1xi32>
    %get3A_146 = vector.extract %get3A_145[0, 0, 0] : i32 from vector<1x1x1xi32>
    %gt3A_147 = arith.constant 0 : i32
    %gt3A_148 = arith.cmpi sgt, %get3A_146, %gt3A_147 : i32
    %and3A_149 = arith.andi %and3A_141, %gt3A_148 : i1
    %ge3A = arith.constant 1 : i32
    %ge3A_150 = vector.broadcast %ge3A : i32 to vector<1x20xi32>
    %ge3A_151 = arith.cmpi sge, %iota3A_126, %ge3A_150 : vector<1x20xi32>
    %and3A_152 = vector.broadcast %and3A_149 : i1 to vector<1x20xi1>
    %and3A_153 = arith.andi %and3A_152, %ge3A_151 : vector<1x20xi1>
    %lt3A_154 = vector.broadcast %min3A_35 : i32 to vector<1x20xi32>
    %lt3A_155 = arith.cmpi slt, %iota3A_126, %lt3A_154 : vector<1x20xi32>
    %and3A_156 = arith.andi %and3A_153, %lt3A_155 : vector<1x20xi1>
    %jit3A_157 = arith.constant 1.000000e+00 : f32
    %broadcast_in_dim3A_158 = vector.broadcast %jit3A_157 : f32 to vector<1x20xf32>
    %select_n3A_159 = arith.select %and3A_156, %concatenate3A, %broadcast_in_dim3A_158 : vector<1x20xi1>, vector<1x20xf32>
    %ge3A_160 = arith.constant 1 : i32
    %ge3A_161 = vector.broadcast %ge3A_160 : i32 to vector<1x20xi32>
    %ge3A_162 = arith.cmpi sge, %iota3A_126, %ge3A_161 : vector<1x20xi32>
    %and3A_163 = vector.broadcast %and3A_149 : i1 to vector<1x20xi1>
    %and3A_164 = arith.andi %and3A_163, %ge3A_162 : vector<1x20xi1>
    %lt3A_165 = vector.broadcast %min3A_37 : i32 to vector<1x20xi32>
    %lt3A_166 = arith.cmpi slt, %iota3A_126, %lt3A_165 : vector<1x20xi32>
    %and3A_167 = arith.andi %and3A_164, %lt3A_166 : vector<1x20xi1>
    %jit3A_168 = arith.constant 1.000000e+00 : f32
    %broadcast_in_dim3A_169 = vector.broadcast %jit3A_168 : f32 to vector<1x20xf32>
    %select_n3A_170 = arith.select %and3A_167, %concatenate3A_129, %broadcast_in_dim3A_169 : vector<1x20xi1>, vector<1x20xf32>
    %squeeze3A = vector.shape_cast %select_n3A_159 : vector<1x20xf32> to vector<20xf32>
    %swap3A = arith.constant 0 : index
    %swap3A_171 = arith.constant 0 : index
    %swap3A_172 = arith.constant 0 : index
    %swap3A_173 = vector.load %arg4[%swap3A, %swap3A_171, %swap3A_172] : memref<1x2x20xf32, #tpu.memory_space<vmem>>, vector<1x1x20xf32>
    %swap3A_174 = vector.shape_cast %swap3A_173 : vector<1x1x20xf32> to vector<20xf32>
    %swap3A_175 = vector.shape_cast %squeeze3A : vector<20xf32> to vector<1x1x20xf32>
    tpu.vector_store %arg4[%swap3A, %swap3A_171, %swap3A_172], %swap3A_175 {strides = array<i32>} : memref<1x2x20xf32, #tpu.memory_space<vmem>>, vector<1x1x20xf32>,
    %squeeze3A_176 = vector.shape_cast %select_n3A_170 : vector<1x20xf32> to vector<20xf32>
    %swap3A_177 = arith.constant 0 : index
    %swap3A_178 = arith.constant 1 : index
    %swap3A_179 = arith.constant 0 : index
    %swap3A_180 = vector.load %arg4[%swap3A_177, %swap3A_178, %swap3A_179] : memref<1x2x20xf32, #tpu.memory_space<vmem>>, vector<1x1x20xf32>
    %swap3A_181 = vector.shape_cast %swap3A_180 : vector<1x1x20xf32> to vector<20xf32>
    %swap3A_182 = vector.shape_cast %squeeze3A_176 : vector<20xf32> to vector<1x1x20xf32>
    tpu.vector_store %arg4[%swap3A_177, %swap3A_178, %swap3A_179], %swap3A_182 {strides = array<i32>} : memref<1x2x20xf32, #tpu.memory_space<vmem>>, vector<1x1x20xf32>,
    return
  }
  func.func @transform_0(%arg0: i32) -> (i32, i32, i32, i32) {
    %c0_i32 = arith.constant 0 : i32
    %c0_i32_0 = arith.constant 0 : i32
    %c0_i32_1 = arith.constant 0 : i32
    %c0_i32_2 = arith.constant 0 : i32
    return %arg0, %c0_i32, %c0_i32_0, %c0_i32_1 : i32, i32, i32, i32
  }
  func.func @transform_1(%arg0: i32) -> (i32, i32, i32) {
    %c0_i32 = arith.constant 0 : i32
    %c0_i32_0 = arith.constant 0 : i32
    %c0_i32_1 = arith.constant 0 : i32
    return %arg0, %c0_i32, %c0_i32_0 : i32, i32, i32
  }
  func.func @transform_2(%arg0: i32) -> (i32, i32, i32) {
    %c0_i32 = arith.constant 0 : i32
    %c0_i32_0 = arith.constant 0 : i32
    %c0_i32_1 = arith.constant 0 : i32
    return %arg0, %c0_i32, %c0_i32_0 : i32, i32, i32
  }
  func.func @transform_3(%arg0: i32) -> (i32, i32, i32) {
    %c0_i32 = arith.constant 0 : i32
    %c0_i32_0 = arith.constant 0 : i32
    %c0_i32_1 = arith.constant 0 : i32
    return %arg0, %c0_i32, %c0_i32_0 : i32, i32, i32
  }
}

module attributes {stable_mosaic.version = 14 : i64} {
  func.func @_mult_kernel(%arg0: i32, %arg1: i32, %arg2: memref<1x96x32x224xf32, #tpu.memory_space<vmem>>, %arg3: memref<1x2x32x224xi32, #tpu.memory_space<vmem>>, %arg4: memref<1x2x20xf32, #tpu.memory_space<vmem>>, %arg5: memref<1x32x224xf32, #tpu.memory_space<vmem>>, %arg6: memref<1x2x96xf32, #tpu.memory_space<vmem>>) attributes {dimension_semantics = [#tpu.dimension_semantics<arbitrary>, #tpu.dimension_semantics<arbitrary>], iteration_bounds = array<i64: 2, 7>, scalar_prefetch = 0 : i64, scratch_operands = 0 : i64, tpu.core_type = #tpu.core_type<tc>, window_params = [{transform_indices = @transform_0, window_bounds = array<i64: 1, 96, 32, 224>}, {transform_indices = @transform_1, window_bounds = array<i64: 1, 2, 32, 224>}, {transform_indices = @transform_2, window_bounds = array<i64: 1, 2, 20>}, {transform_indices = @transform_3, window_bounds = array<i64: 1, 32, 224>}, {transform_indices = @transform_4, window_bounds = array<i64: 1, 2, 96>}]} {
    %eq3A = arith.constant 0 : i32
    %eq3A_0 = arith.cmpi eq, %arg1, %eq3A : i32
    %convert_element_type3A = arith.extui %eq3A_0 : i1 to i32
    %cond3A = arith.constant 0 : i32
    %cond3A_1 = arith.cmpi ne, %convert_element_type3A, %cond3A : i32
    scf.if %cond3A_1 {
      %broadcast_in_dim3A_87 = arith.constant 0.000000e+00 : f32
      %broadcast_in_dim3A_88 = vector.broadcast %broadcast_in_dim3A_87 : f32 to vector<1x2x96xf32>
      %swap3A_89 = arith.constant 0 : index
      %swap3A_90 = arith.constant 0 : index
      %swap3A_91 = arith.constant 0 : index
      %swap3A_92 = vector.load %arg6[%swap3A_89, %swap3A_90, %swap3A_91] : memref<1x2x96xf32, #tpu.memory_space<vmem>>, vector<1x2x96xf32>
      tpu.vector_store %arg6[%swap3A_89, %swap3A_90, %swap3A_91], %broadcast_in_dim3A_88 {strides = array<i32>} : memref<1x2x96xf32, #tpu.memory_space<vmem>>, vector<1x2x96xf32>,
    } else {
    }
    %get3A = arith.constant 0 : index
    %get3A_2 = arith.constant 0 : index
    %get3A_3 = arith.constant 0 : index
    %get3A_4 = arith.constant 0 : index
    %get3A_5 = vector.load %arg2[%get3A, %get3A_2, %get3A_3, %get3A_4] : memref<1x96x32x224xf32, #tpu.memory_space<vmem>>, vector<1x96x32x224xf32>
    %get3A_6 = vector.shape_cast %get3A_5 : vector<1x96x32x224xf32> to vector<96x32x224xf32>
    %reshape3A = vector.shape_cast %get3A_6 : vector<96x32x224xf32> to vector<96x7168xf32>
    %iota3A = tpu.iota {dimensions = array<i32: 0>} : vector<20x7168xi32>
    %get3A_7 = arith.constant 0 : index
    %get3A_8 = arith.constant 0 : index
    %get3A_9 = arith.constant 0 : index
    %get3A_10 = arith.constant 0 : index
    %get3A_11 = vector.load %arg3[%get3A_7, %get3A_8, %get3A_9, %get3A_10] : memref<1x2x32x224xi32, #tpu.memory_space<vmem>>, vector<1x1x32x224xi32>
    %get3A_12 = vector.shape_cast %get3A_11 : vector<1x1x32x224xi32> to vector<32x224xi32>
    %reshape3A_13 = vector.shape_cast %get3A_12 : vector<32x224xi32> to vector<1x7168xi32>
    %eq3A_14 = vector.broadcast %reshape3A_13 : vector<1x7168xi32> to vector<20x7168xi32>
    %eq3A_15 = arith.cmpi eq, %eq3A_14, %iota3A : vector<20x7168xi32>
    %convert_element_type3A_16 = arith.extui %eq3A_15 : vector<20x7168xi1> to vector<20x7168xi32>
    %convert_element_type3A_17 = arith.sitofp %convert_element_type3A_16 : vector<20x7168xi32> to vector<20x7168xf32>
    %get3A_18 = arith.constant 0 : index
    %get3A_19 = arith.constant 0 : index
    %get3A_20 = arith.constant 0 : index
    %get3A_21 = vector.load %arg4[%get3A_18, %get3A_19, %get3A_20] : memref<1x2x20xf32, #tpu.memory_space<vmem>>, vector<1x1x20xf32>
    %get3A_22 = vector.shape_cast %get3A_21 : vector<1x1x20xf32> to vector<20xf32>
    %reshape3A_23 = vector.shape_cast %get3A_22 : vector<20xf32> to vector<1x20xf32>
    %dot_general3A = arith.constant dense<0.000000e+00> : vector<1x7168xf32>
    %dot_general3A_24 = tpu.matmul %reshape3A_23, %convert_element_type3A_17, %dot_general3A {dimension_numbers = #tpu.dot_dimension_numbers<[1], [0], [0], [1], [0, 0, 1, 1], [], []>, transpose_lhs_hint = false} : vector<1x20xf32>, vector<20x7168xf32>, vector<1x7168xf32> -> vector<1x7168xf32>
    %lt3A = arith.constant 20 : i32
    %lt3A_25 = vector.broadcast %lt3A : i32 to vector<1x7168xi32>
    %lt3A_26 = arith.cmpi slt, %reshape3A_13, %lt3A_25 : vector<1x7168xi32>
    %jit3A = arith.constant 1.000000e+00 : f32
    %broadcast_in_dim3A = vector.broadcast %jit3A : f32 to vector<1x7168xf32>
    %select_n3A = arith.select %lt3A_26, %dot_general3A_24, %broadcast_in_dim3A : vector<1x7168xi1>, vector<1x7168xf32>
    %get3A_27 = arith.constant 0 : index
    %get3A_28 = arith.constant 1 : index
    %get3A_29 = arith.constant 0 : index
    %get3A_30 = arith.constant 0 : index
    %get3A_31 = vector.load %arg3[%get3A_27, %get3A_28, %get3A_29, %get3A_30] : memref<1x2x32x224xi32, #tpu.memory_space<vmem>>, vector<1x1x32x224xi32>
    %get3A_32 = vector.shape_cast %get3A_31 : vector<1x1x32x224xi32> to vector<32x224xi32>
    %reshape3A_33 = vector.shape_cast %get3A_32 : vector<32x224xi32> to vector<1x7168xi32>
    %eq3A_34 = vector.broadcast %reshape3A_33 : vector<1x7168xi32> to vector<20x7168xi32>
    %eq3A_35 = arith.cmpi eq, %eq3A_34, %iota3A : vector<20x7168xi32>
    %convert_element_type3A_36 = arith.extui %eq3A_35 : vector<20x7168xi1> to vector<20x7168xi32>
    %convert_element_type3A_37 = arith.sitofp %convert_element_type3A_36 : vector<20x7168xi32> to vector<20x7168xf32>
    %get3A_38 = arith.constant 0 : index
    %get3A_39 = arith.constant 1 : index
    %get3A_40 = arith.constant 0 : index
    %get3A_41 = vector.load %arg4[%get3A_38, %get3A_39, %get3A_40] : memref<1x2x20xf32, #tpu.memory_space<vmem>>, vector<1x1x20xf32>
    %get3A_42 = vector.shape_cast %get3A_41 : vector<1x1x20xf32> to vector<20xf32>
    %reshape3A_43 = vector.shape_cast %get3A_42 : vector<20xf32> to vector<1x20xf32>
    %dot_general3A_44 = arith.constant dense<0.000000e+00> : vector<1x7168xf32>
    %dot_general3A_45 = tpu.matmul %reshape3A_43, %convert_element_type3A_37, %dot_general3A_44 {dimension_numbers = #tpu.dot_dimension_numbers<[1], [0], [0], [1], [0, 0, 1, 1], [], []>, transpose_lhs_hint = false} : vector<1x20xf32>, vector<20x7168xf32>, vector<1x7168xf32> -> vector<1x7168xf32>
    %lt3A_46 = arith.constant 20 : i32
    %lt3A_47 = vector.broadcast %lt3A_46 : i32 to vector<1x7168xi32>
    %lt3A_48 = arith.cmpi slt, %reshape3A_33, %lt3A_47 : vector<1x7168xi32>
    %jit3A_49 = arith.constant 1.000000e+00 : f32
    %broadcast_in_dim3A_50 = vector.broadcast %jit3A_49 : f32 to vector<1x7168xf32>
    %select_n3A_51 = arith.select %lt3A_48, %dot_general3A_45, %broadcast_in_dim3A_50 : vector<1x7168xi1>, vector<1x7168xf32>
    %mul3A = arith.mulf %select_n3A, %select_n3A_51 : vector<1x7168xf32>
    %reshape3A_52 = vector.shape_cast %mul3A : vector<1x7168xf32> to vector<32x224xf32>
    %swap3A = arith.constant 0 : index
    %swap3A_53 = arith.constant 0 : index
    %swap3A_54 = arith.constant 0 : index
    %swap3A_55 = vector.load %arg5[%swap3A, %swap3A_53, %swap3A_54] : memref<1x32x224xf32, #tpu.memory_space<vmem>>, vector<1x32x224xf32>
    %swap3A_56 = vector.shape_cast %swap3A_55 : vector<1x32x224xf32> to vector<32x224xf32>
    %swap3A_57 = vector.shape_cast %reshape3A_52 : vector<32x224xf32> to vector<1x32x224xf32>
    tpu.vector_store %arg5[%swap3A, %swap3A_53, %swap3A_54], %swap3A_57 {strides = array<i32>} : memref<1x32x224xf32, #tpu.memory_space<vmem>>, vector<1x32x224xf32>,
    %mul3A_58 = vector.broadcast %mul3A : vector<1x7168xf32> to vector<96x7168xf32>
    %mul3A_59 = arith.mulf %reshape3A, %mul3A_58 : vector<96x7168xf32>
    %get3A_60 = arith.constant 0 : index
    %get3A_61 = arith.constant 0 : index
    %get3A_62 = arith.constant 0 : index
    %get3A_63 = vector.load %arg6[%get3A_60, %get3A_61, %get3A_62] : memref<1x2x96xf32, #tpu.memory_space<vmem>>, vector<1x1x96xf32>
    %get3A_64 = vector.shape_cast %get3A_63 : vector<1x1x96xf32> to vector<96xf32>
    %reduce_sum3A = arith.constant dense<0.000000e+00> : vector<96xf32>
    %reduce_sum3A_65 = vector.multi_reduction <add>, %mul3A_59, %reduce_sum3A [1] : vector<96x7168xf32> to vector<96xf32>
    %add3A = arith.addf %get3A_64, %reduce_sum3A_65 : vector<96xf32>
    %swap3A_66 = arith.constant 0 : index
    %swap3A_67 = arith.constant 0 : index
    %swap3A_68 = arith.constant 0 : index
    %swap3A_69 = vector.load %arg6[%swap3A_66, %swap3A_67, %swap3A_68] : memref<1x2x96xf32, #tpu.memory_space<vmem>>, vector<1x1x96xf32>
    %swap3A_70 = vector.shape_cast %swap3A_69 : vector<1x1x96xf32> to vector<96xf32>
    %swap3A_71 = vector.shape_cast %add3A : vector<96xf32> to vector<1x1x96xf32>
    tpu.vector_store %arg6[%swap3A_66, %swap3A_67, %swap3A_68], %swap3A_71 {strides = array<i32>} : memref<1x2x96xf32, #tpu.memory_space<vmem>>, vector<1x1x96xf32>,
    %get3A_72 = arith.constant 0 : index
    %get3A_73 = arith.constant 1 : index
    %get3A_74 = arith.constant 0 : index
    %get3A_75 = vector.load %arg6[%get3A_72, %get3A_73, %get3A_74] : memref<1x2x96xf32, #tpu.memory_space<vmem>>, vector<1x1x96xf32>
    %get3A_76 = vector.shape_cast %get3A_75 : vector<1x1x96xf32> to vector<96xf32>
    %mul3A_77 = arith.mulf %mul3A_59, %mul3A_59 : vector<96x7168xf32>
    %reduce_sum3A_78 = arith.constant dense<0.000000e+00> : vector<96xf32>
    %reduce_sum3A_79 = vector.multi_reduction <add>, %mul3A_77, %reduce_sum3A_78 [1] : vector<96x7168xf32> to vector<96xf32>
    %add3A_80 = arith.addf %get3A_76, %reduce_sum3A_79 : vector<96xf32>
    %swap3A_81 = arith.constant 0 : index
    %swap3A_82 = arith.constant 1 : index
    %swap3A_83 = arith.constant 0 : index
    %swap3A_84 = vector.load %arg6[%swap3A_81, %swap3A_82, %swap3A_83] : memref<1x2x96xf32, #tpu.memory_space<vmem>>, vector<1x1x96xf32>
    %swap3A_85 = vector.shape_cast %swap3A_84 : vector<1x1x96xf32> to vector<96xf32>
    %swap3A_86 = vector.shape_cast %add3A_80 : vector<96xf32> to vector<1x1x96xf32>
    tpu.vector_store %arg6[%swap3A_81, %swap3A_82, %swap3A_83], %swap3A_86 {strides = array<i32>} : memref<1x2x96xf32, #tpu.memory_space<vmem>>, vector<1x1x96xf32>,
    return
  }
  func.func @transform_0(%arg0: i32, %arg1: i32) -> (i32, i32, i32, i32) {
    %c0_i32 = arith.constant 0 : i32
    %c0_i32_0 = arith.constant 0 : i32
    %c0_i32_1 = arith.constant 0 : i32
    return %arg0, %c0_i32, %arg1, %c0_i32_0 : i32, i32, i32, i32
  }
  func.func @transform_1(%arg0: i32, %arg1: i32) -> (i32, i32, i32, i32) {
    %c0_i32 = arith.constant 0 : i32
    %c0_i32_0 = arith.constant 0 : i32
    %c0_i32_1 = arith.constant 0 : i32
    return %arg0, %c0_i32, %arg1, %c0_i32_0 : i32, i32, i32, i32
  }
  func.func @transform_2(%arg0: i32, %arg1: i32) -> (i32, i32, i32) {
    %c0_i32 = arith.constant 0 : i32
    %c0_i32_0 = arith.constant 0 : i32
    %c0_i32_1 = arith.constant 0 : i32
    return %arg0, %c0_i32, %c0_i32_0 : i32, i32, i32
  }
  func.func @transform_3(%arg0: i32, %arg1: i32) -> (i32, i32, i32) {
    %c0_i32 = arith.constant 0 : i32
    %c0_i32_0 = arith.constant 0 : i32
    return %arg0, %arg1, %c0_i32 : i32, i32, i32
  }
  func.func @transform_4(%arg0: i32, %arg1: i32) -> (i32, i32, i32) {
    %c0_i32 = arith.constant 0 : i32
    %c0_i32_0 = arith.constant 0 : i32
    %c0_i32_1 = arith.constant 0 : i32
    return %arg0, %c0_i32, %c0_i32_0 : i32, i32, i32
  }
}

module attributes {stable_mosaic.version = 14 : i64} {
  func.func @_norm_kernel(%arg0: i32, %arg1: i32, %arg2: memref<1x96x32x224xf32, #tpu.memory_space<vmem>>, %arg3: memref<1x32x224xf32, #tpu.memory_space<vmem>>, %arg4: memref<96x1xf32, #tpu.memory_space<vmem>>, %arg5: memref<96x1xf32, #tpu.memory_space<vmem>>, %arg6: memref<1x96x32x224xf32, #tpu.memory_space<vmem>>) attributes {dimension_semantics = [#tpu.dimension_semantics<arbitrary>, #tpu.dimension_semantics<arbitrary>], iteration_bounds = array<i64: 2, 7>, scalar_prefetch = 0 : i64, scratch_operands = 0 : i64, tpu.core_type = #tpu.core_type<tc>, window_params = [{transform_indices = @transform_0, window_bounds = array<i64: 1, 96, 32, 224>}, {transform_indices = @transform_1, window_bounds = array<i64: 1, 32, 224>}, {pipeline_mode = #tpu.pipeline_mode<synchronous>, transform_indices = @transform_2, window_bounds = array<i64: 96, 1>}, {pipeline_mode = #tpu.pipeline_mode<synchronous>, transform_indices = @transform_3, window_bounds = array<i64: 96, 1>}, {transform_indices = @transform_4, window_bounds = array<i64: 1, 96, 32, 224>}]} {
    %get3A = arith.constant 0 : index
    %get3A_0 = arith.constant 0 : index
    %get3A_1 = arith.constant 0 : index
    %get3A_2 = arith.constant 0 : index
    %get3A_3 = vector.load %arg2[%get3A, %get3A_0, %get3A_1, %get3A_2] : memref<1x96x32x224xf32, #tpu.memory_space<vmem>>, vector<1x96x32x224xf32>
    %get3A_4 = vector.shape_cast %get3A_3 : vector<1x96x32x224xf32> to vector<96x32x224xf32>
    %get3A_5 = arith.constant 0 : index
    %get3A_6 = arith.constant 0 : index
    %get3A_7 = arith.constant 0 : index
    %get3A_8 = vector.load %arg3[%get3A_5, %get3A_6, %get3A_7] : memref<1x32x224xf32, #tpu.memory_space<vmem>>, vector<1x32x224xf32>
    %get3A_9 = vector.shape_cast %get3A_8 : vector<1x32x224xf32> to vector<32x224xf32>
    %broadcast_in_dim3A = vector.shape_cast %get3A_9 : vector<32x224xf32> to vector<1x32x224xf32>
    %mul3A = vector.broadcast %broadcast_in_dim3A : vector<1x32x224xf32> to vector<96x32x224xf32>
    %mul3A_10 = arith.mulf %get3A_4, %mul3A : vector<96x32x224xf32>
    %get3A_11 = arith.constant 0 : index
    %get3A_12 = arith.constant 0 : index
    %get3A_13 = vector.load %arg4[%get3A_11, %get3A_12] : memref<96x1xf32, #tpu.memory_space<vmem>>, vector<96x1xf32>
    %broadcast_in_dim3A_14 = vector.shape_cast %get3A_13 : vector<96x1xf32> to vector<96x1x1xf32>
    %mul3A_15 = vector.broadcast %broadcast_in_dim3A_14 : vector<96x1x1xf32> to vector<96x32x224xf32>
    %mul3A_16 = arith.mulf %mul3A_10, %mul3A_15 : vector<96x32x224xf32>
    %get3A_17 = arith.constant 0 : index
    %get3A_18 = arith.constant 0 : index
    %get3A_19 = vector.load %arg5[%get3A_17, %get3A_18] : memref<96x1xf32, #tpu.memory_space<vmem>>, vector<96x1xf32>
    %broadcast_in_dim3A_20 = vector.shape_cast %get3A_19 : vector<96x1xf32> to vector<96x1x1xf32>
    %add3A = vector.broadcast %broadcast_in_dim3A_20 : vector<96x1x1xf32> to vector<96x32x224xf32>
    %add3A_21 = arith.addf %mul3A_16, %add3A : vector<96x32x224xf32>
    %swap3A = arith.constant 0 : index
    %swap3A_22 = arith.constant 0 : index
    %swap3A_23 = arith.constant 0 : index
    %swap3A_24 = arith.constant 0 : index
    %swap3A_25 = vector.load %arg6[%swap3A, %swap3A_22, %swap3A_23, %swap3A_24] : memref<1x96x32x224xf32, #tpu.memory_space<vmem>>, vector<1x96x32x224xf32>
    %swap3A_26 = vector.shape_cast %swap3A_25 : vector<1x96x32x224xf32> to vector<96x32x224xf32>
    %swap3A_27 = vector.shape_cast %add3A_21 : vector<96x32x224xf32> to vector<1x96x32x224xf32>
    tpu.vector_store %arg6[%swap3A, %swap3A_22, %swap3A_23, %swap3A_24], %swap3A_27 {strides = array<i32>} : memref<1x96x32x224xf32, #tpu.memory_space<vmem>>, vector<1x96x32x224xf32>,
    return
  }
  func.func @transform_0(%arg0: i32, %arg1: i32) -> (i32, i32, i32, i32) {
    %c0_i32 = arith.constant 0 : i32
    %c0_i32_0 = arith.constant 0 : i32
    %c0_i32_1 = arith.constant 0 : i32
    return %arg0, %c0_i32, %arg1, %c0_i32_0 : i32, i32, i32, i32
  }
  func.func @transform_1(%arg0: i32, %arg1: i32) -> (i32, i32, i32) {
    %c0_i32 = arith.constant 0 : i32
    %c0_i32_0 = arith.constant 0 : i32
    return %arg0, %arg1, %c0_i32 : i32, i32, i32
  }
  func.func @transform_2(%arg0: i32, %arg1: i32) -> (i32, i32) {
    %c0_i32 = arith.constant 0 : i32
    %c0_i32_0 = arith.constant 0 : i32
    %c0_i32_1 = arith.constant 0 : i32
    return %c0_i32, %c0_i32_0 : i32, i32
  }
  func.func @transform_3(%arg0: i32, %arg1: i32) -> (i32, i32) {
    %c0_i32 = arith.constant 0 : i32
    %c0_i32_0 = arith.constant 0 : i32
    %c0_i32_1 = arith.constant 0 : i32
    return %c0_i32, %c0_i32_0 : i32, i32
  }
  func.func @transform_4(%arg0: i32, %arg1: i32) -> (i32, i32, i32, i32) {
    %c0_i32 = arith.constant 0 : i32
    %c0_i32_0 = arith.constant 0 : i32
    %c0_i32_1 = arith.constant 0 : i32
    return %arg0, %c0_i32, %arg1, %c0_i32_0 : i32, i32, i32, i32
  }
}

</mosaic_0001>

<sc_bundles>
// kernel: sparse-core-data-format-call.cloned.1.call-start
scs
called_computation_lowered:
.L_overlay_start_0:
0x0: {  	s1 =	sld [smem:$0x3FD9]  }
0x1: {  	s2 =	sld [smem:$0x3FFE];
	_ =	sdelay $0x1  }
0x2: {  	s3 =	srdreg.scid  }
0x3: {  	s0 =	sand.u32 $0x1, s3  }
0x4: {  	s17 =	sshll.u32 s0, $0xA;
	s1 =	sadd.s32 s2, s1  }
0x5: {  	s1 =	sadd.s32 s1, s17  }
0x6: {  	[smem:$0x3FC3] =	sst s1  }
0x7: {  	_ = 	snop  }
0x8: {  	(tm) =	ssettm $0x1  }
0x9: {  	s18 =	sld [smem:$0x3FFB];
	_ =	sdelay $0x3  }
0xa: {  	_ =	strace s18  }
0xb: {  	s1 =	sld [smem:$0x3FFC];
	_ =	sdelay $0x3  }
0xc: {  	_ =	strace s1  }
0xd: {  	s1 =	sld [smem:$0x3FFD];
	_ =	sdelay $0x3  }
0xe: {  	_ =	strace s1  }
0xf: {  	_ =	strace $0x8FFFFFFF  }
0x10: {  	s19 =	sld [smem:$0x3FDB];
	_ =	sdelay $0x1  }
0x11: {  	s20 =	simm.s32 $_scs_section_size  }
0x12: {  	s4 =	simm.s32 $_size__tile_overlayer_lowered;
	s5 =	simm.s32 $_tile_overlayer_lowered  }
0x13: {  	s23 =	simm.s32 $0x1BFF;
	s22 =	sshll.u32 s5, $0x1;
	s1 =	sadd.s32 s20, s19  }
0x14: {  	s6 =	simm.s32 $0x0;
	s21 =	sshll.u32 s4, $0x1;
	s4 =	sadd.s32 s22, s1  }
0x15: {  	[timem:s6], [sflag:s23] =	dma.local [hbm:s4], s21  }
0x16: {  	_ =	swait.ge [sflag:s23], s21  }
0x17: {  	s2 =	ssub.s32 $0x0, s21;
	[sflag:s23] =	ssyncset.done $0x0  }
0x18: {  	[sflag:s23] =	ssyncadd.s32 s2;
	_ =	sdelay $0x1  }
0x19: {  	s24 =	simm.s32 $0x1B8B  }
0x1a: {  	_ =	swait.ge [sflag:s24], $0x1  }
0x1b: {  	[sflag:s24] =	ssyncset.done $0x0  }
0x1c: {  	s26 =	simm.s32 $0x1B8E;
	s25 =	sld [smem:$0x3FFE];
	[sflag:s24] =	ssyncadd.s32 $0xFFFFFFFF  }
0x1d: {  	s27 =	simm.s32 $execute0_lowered;
	[smem:$0x3FD2] =	sst s26  }
0x1e: {  	s4 =	sshll.u32 s27, $0x1;
	_ =	strace $0x80000046;
	[dreg:$0x1] =	wrdreg $0xFFFFFFFF  }
0x1f: {  	s28 =	simm.s32 $_size_execute0_lowered;
	s1 =	sadd.s32 s1, s4;
	[dreg:$0x0] =	wrdreg $0x0  }
0x20: {  	s4 =	sshll.u32 s28, $0x1;
	[dreg:$0x2] =	wrdreg s1  }
0x21: {  	[dreg:$0x3] =	wrdreg s4  }
0x22: {  	[dreg:$0x4] =	wrdreg $0xC0  }
0x23: {  	_ =	task [dreg:s6], $0x5FFFF  }
0x24: {  	[dreg:$0x1] =	wrdreg $0xFFFFFFFF  }
0x25: {  	[dreg:$0x0] =	wrdreg $0x60  }
0x26: {  	[dreg:$0x2] =	wrdreg s25  }
0x27: {  	[dreg:$0x3] =	wrdreg $0x9  }
0x28: {  	_ =	task.clear_ibuf [dreg:s6], $0x4FFFF;
	_ =	strace $0x90000046  }
0x29: {  	s29 =	simm.s32 $0x9;
	_ =	strace $0x80000048  }
0x2a: {  	_ =	swait.ge [sflag:s29], $0x1  }
0x2b: {  	[sflag:s29] =	ssyncadd.s32 $0xFFFFFFFF  }
0x2c: {  	_ =	strace $0x90000048  }
0x2d: {  	_ =	sfence  }
0x2e: {  	s30 =	sld [smem:$0x0];
	_ =	sdelay $0x2  }
0x2f: {  	s31 =	sshll.u32 s3, $0xD;
	s3 =	sshrl.u32 s3, $0x2  }
0x30: {  	s2 =	sand.u32 $0x4000, s31;
	s1 =	sadd.s32 s3, s30  }
0x31: {  	s0 =	sor.u32 s2, s0;
	s1 =	sshll.u32 s1, $0x11  }
0x32: {  	s0 =	sor.u32 s1, s0  }
0x33: {  	s0 =	sadd.s32 $0x8F2B, s0  }
0x34: {  	[sflag:s0] =	ssyncadd.remote.s32 $0x1  }
0x35: {  	_ =	sfence.sel $0xFFFF  }
0x36: {  	[dreg:$0x0] =	wrdreg $0xFFFFFFFF;
	(pc) =	sbr.abs _section_cstart, $3  }
0x37: {  	[dreg:$0x1] =	wrdreg $0xFFFFFFFF  }
0x38: {  	_ =	task.clear_ibuf [dreg:s6], $0x2FFFF;
	_ =	strace $0x9FFFFFFF  }
0x39: {  	(tm) =	ssettm $0x7FFFFFFF  }
tec
execute0_lowered:
.L_overlay_start_1:
0x0: {  	(tag) =	ssettag $0x1  }
0x1: {  	s3 =	stileid.u32  }
0x2: {  	s0 =	rddreg [dreg:$0x0];
	s2 =	srdreg.scid;
	_ =	strace $0x80000047  }
0x3: {  	s30 =	simm.s32 $0x1;
	s31 =	simm.s32 $0x2;
	s16 =	simm.s32 $0x0  }
0x4: {  	s17 =	simm.s32 $0x0;
	s19 =	simm.s32 $0x0;
	s1 =	sshrl.u32 s3, $0x1  }
0x5: {  	s12 =	simm.s32 $0x0;
	s15 =	simm.s32 $0x0;
	s6 =	sand.u32 $0x1, s1  }
0x6: {  	s21 =	simm.s32 $0x0;
	s25 =	sshll.u32 s2, $0x7;
	s5 =	ssub.s32 $0x2, s6  }
0x7: {  	s26 =	sshll.u32 s3, $0x3;
	s7 =	sand.u32 $0x1, s3;
	s27 =	sshrl.u32 s5, $0x1  }
0x8: {  	s1 =	sor.u32 s26, s25;
	s28 =	ssub.s32 $0x2, s7;
	s2 =	ssub.s32 s5, s27  }
0x9: {  	[dreg:$0xd] =	wrdreg s7;
	s8 =	sand.u32 $0xE0, s1;
	s1 =	smul.u32 s2, s28  }
0xa: {  	[dreg:$0xc] =	wrdreg s6;
	p0 =	seq.s32 s8, $0xE0;
	s5 =	sshll.u32 s8, $0x5  }
0xb: {  	[dreg:$0xe] =	wrdreg s8;
	s5 =	simm.s32 @p0 $0x0;
	s9 =	smul.u32 $0x30, s1  }
.Ltmp0:
0xc: {  	s29 =	sadd.s32 s5, s0;
	s0 =	sadd.s32 $0x690800, s0;
	(pc) =	sbr.rel .LBB1_1-.Ltmp0, $4  }
0xd: {  	[sflag:s30] =	ssyncpa.u1 $0x0;
	[dreg:$0x10] =	wrdreg s0;
	s10 =	sadd.s32 $0x2A0800, s29  }
0xe: {  	s3 =	simm.s32 $0x0;
	[dreg:$0x11] =	wrdreg s10;
	s9 =	simm.s32 @p0 $0x0  }
0xf: {  	[sflag:s31] =	ssyncpa.u1 $0x0;
	s11 =	sor.u32 $0x1, s9;
	[dreg:$0xf] =	wrdreg s9  }
0x10: {  	s14 =	smov.u32 s7;
	s13 =	smov.u32 s6;
	[dreg:$0x12] =	wrdreg s11  }
.LBB1_7:
0x11: {  	s0 =	sadd.s32 $0x2, s12  }
0x12: {  	s1 =	sadd.s32 $0x2, s13;
	s2 =	smov.u32 s13;
	p1 =	sgt.s32 s0, $0x5F  }
0x13: {  	s2 =	smov.u32 @p1 s1  }
0x14: {  	s3 =	sadd.s32 $0x2, s14;
	s4 =	smov.u32 s14;
	p2 =	sgt.s32 s2, $0x1  }
0x15: {  	s4 =	smov.u32 @p2 s3  }
0x16: {  	s0 =	simm.s32 @p1 $0x0;
	p1 =	sgt.s32 s4, $0x2  }
0x17: {  	p0 =	slt.u32 s15, $0x2;
	s4 =	smov.u32 @p1 s7;
	p1 =	sne.s32 s15, s11  }
.Ltmp1:
0x18: {  	s1 =	simm.s32 @!p0 $0x2;
	(pc) =	sbr.rel @!p1 .LBB1_8-.Ltmp1, $4  }
0x19: {  	s17 =	smov.u32 s13;
	s19 =	smov.u32 s14;
	_ =	swait.ge @!p0 [sflag:s1], $0x4000  }
0x1a: {  	s16 =	smov.u32 s8;
	[sflag:s1] =	ssyncset.done @!p0 $0x0;
	s2 =	smov.u32 @p2 s6  }
0x1b: {  	s3 =	smov.u32 s12;
	s12 =	smov.u32 s0;
	[sflag:s1] =	ssyncadd.s32 @!p0 $0xFFFFC000  }
0x1c: {  	s13 =	smov.u32 s2;
	s15 =	sadd.s32 $0x1, s15;
	s14 =	smov.u32 s4  }
.LBB1_1:
0x1d: {  	p0 =	sge.u32 s15, s9  }
0x1e: {  	s0 =	smul.u32 @!p0 $0x150000, s14  }
0x1f: {  	s1 =	sxor.u32 @!p0 $0xFFFFFFFF, s15;
	s2 =	smul.u32 @!p0 $0xA8000, s13  }
0x20: {  	s5 =	smul.u32 @!p0 $0x1C00, s12;
	s1 =	sshll.u32 @!p0 s1, $0xE;
	s0 =	sadd.s32 @!p0 s0, s10  }
0x21: {  	s31 =	sadd.s32 $0xFFFFFFFF, s15;
	s1 =	sand.u32 @!p0 $0x4000, s1;
	s0 =	sadd.s32 @!p0 s2, s0  }
0x22: {  	s2 =	simm.s32 @!p0 $0x2000;
	s0 =	sadd.s32 @!p0 s5, s0;
	s5 =	simm.s32 @!p0 $0xE000  }
0x23: {  	[tilespmem:s1], [sflag:$0x1] =	stream.strided.gather @!p0 [hbm4b:s0+s2], $0x4000, s5, s2, $0x38;
	[tilespmem:$0x10000] =	vst v63  }
0x24: {  	p0 =	sge.u32 s31, s9  }
.Ltmp2:
0x25: {  	_ = 	snop;
	(pc) =	sbr.rel @p0 .LBB1_7-.Ltmp2, $1  }
0x26: {  	_ =	sdelay $0x3  }
0x27: {  	s0 =	sshll.u32 s15, $0xE  }
0x28: {  	s0 =	sand.u32 $0x4000, s0  }
0x29: {  	[dreg:$0x14] =	wrdreg s17;
	s31 =	sor.u32 $0x8000, s0  }
0x2a: {  	[dreg:$0x13] =	wrdreg s3;
	s1 =	simm.s32 $0x1;
	v0 =	vmov s0;
	v1 =	vmov s31  }
0x2b: {  	_ =	swait.ge [sflag:s1], $0x4000  }
0x2c: {  	p1 =	por $0x1, $0x1;
	[sflag:s1] =	ssyncset.done $0x0  }
0x2d: {  	s22 =	simm.s32 $0x0;
	[sflag:s1] =	ssyncadd.s32 $0xFFFFC000;
	[dreg:$0x15] =	wrdreg s31  }
.LBB1_3:
0x2e: {  	s0 =	sor.u32 $0x10, s22  }
0x2f: {  	s20 =	sor.u32 $0x20, s22;
	[dreg:$0x2] =	wrdreg s0  }
0x30: {  	s23 =	sor.u32 $0x30, s22;
	[dreg:$0x3] =	wrdreg s20  }
0x31: {  	s24 =	sor.u32 $0x40, s22;
	[dreg:$0x4] =	wrdreg s23  }
0x32: {  	s25 =	sor.u32 $0x50, s22;
	[dreg:$0x5] =	wrdreg s24  }
0x33: {  	s26 =	sor.u32 $0x60, s22;
	[dreg:$0x6] =	wrdreg s25  }
0x34: {  	s30 =	sor.u32 $0x70, s22;
	[dreg:$0x7] =	wrdreg s26  }
0x35: {  	s31 =	sor.u32 $0x410, s22;
	[dreg:$0x8] =	wrdreg s30  }
0x36: {  	s1 =	sor.u32 $0x420, s22;
	[dreg:$0x9] =	wrdreg s31  }
0x37: {  	s2 =	sor.u32 $0x430, s22;
	s3 =	sand.u32 $0x1800, s21;
	[dreg:$0xa] =	wrdreg s1  }
0x38: {  	s5 =	sand.u32 $0x80, s21;
	[dreg:$0xb] =	wrdreg s2;
	s1 =	sand.u32 $0x380, s21  }
0x39: {  	s23 =	sor.u32 $0x440, s22;
	s8 =	sor.u32 s22, s5;
	s1 =	sor.u32 s1, s3  }
0x3a: {  	s2 =	rddreg [dreg:$0x3];
	s7 =	sand.u32 $0x1B00, s1;
	s10 =	sor.u32 s23, s1  }
0x3b: {  	s24 =	sor.u32 $0x450, s22;
	s4 =	rddreg [dreg:$0xb];
	s8 =	sor.u32 s7, s8;
	v2 =	vld.idx.msk [tilespmem:v0+s10+$0x0 ss:$0x1], $0xffff  }
0x3c: {  	s25 =	sor.u32 $0x460, s22;
	s11 =	rddreg [dreg:$0x5];
	s29 =	sor.u32 s24, s1;
	v3 =	vld.idx.msk [tilespmem:v0+s8+$0x0 ss:$0x1], $0xffff  }
0x3d: {  	s26 =	sor.u32 $0x470, s22;
	s27 =	rddreg [dreg:$0x7];
	s31 =	sor.u32 s25, s1;
	v4 =	vld.idx.msk [tilespmem:v0+s29+$0x0 ss:$0x1], $0xffff  }
0x3e: {  	s28 =	rddreg [dreg:$0xa];
	s3 =	sor.u32 s26, s1;
	v5 =	vld.idx.msk [tilespmem:v0+s31+$0x0 ss:$0x1], $0xffff  }
0x3f: {  	s30 =	rddreg [dreg:$0x4];
	s4 =	sor.u32 s4, s1;
	s6 =	sor.u32 s2, s5;
	v6 =	vld.idx.msk [tilespmem:v0+s3+$0x0 ss:$0x1], $0xffff  }
0x40: {  	s9 =	rddreg [dreg:$0x8];
	v7 =	vld.idx.msk [tilespmem:v0+s4+$0x0 ss:$0x1], $0xffff;
	s6 =	sor.u32 s7, s6;
	[tilespmem:v1+s10+$0x0 ss:$0x1] =	vst.idx.msk $0xffff, v2  }
0x41: {  	s20 =	sor.u32 $0x400, s8;
	v9 =	vld.idx.msk [tilespmem:v0+s6+$0x0 ss:$0x1], $0xffff;
	[tilespmem:v1+s8+$0x0 ss:$0x1] =	vst.idx.msk $0xffff, v3  }
0x42: {  	s17 =	sor.u32 s27, s5;
	v8 =	vld.idx.msk [tilespmem:v0+s20+$0x0 ss:$0x1], $0xffff;
	s10 =	sor.u32 s28, s1;
	s8 =	rddreg [dreg:$0x9]  }
0x43: {  	s11 =	sor.u32 s11, s5;
	s0 =	sor.u32 s7, s17;
	v2 =	vld.idx.msk [tilespmem:v0+s10+$0x0 ss:$0x1], $0xffff;
	s18 =	rddreg [dreg:$0x6];
	[tilespmem:v1+s29+$0x0 ss:$0x1] =	vst.idx.msk $0xffff, v4  }
0x44: {  	s9 =	sor.u32 s9, s5;
	v3 =	vld.idx.msk [tilespmem:v0+s0+$0x0 ss:$0x1], $0xffff;
	s29 =	sor.u32 s7, s11;
	s28 =	rddreg [dreg:$0x2];
	[tilespmem:v1+s31+$0x0 ss:$0x1] =	vst.idx.msk $0xffff, v5  }
0x45: {  	p0 =	por p1, p1;
	s2 =	sor.u32 s7, s9;
	v4 =	vld.idx.msk [tilespmem:v0+s29+$0x0 ss:$0x1], $0xffff;
	[tilespmem:v1+s3+$0x0 ss:$0x1] =	vst.idx.msk $0xffff, v6  }
0x46: {  	s27 =	simm.s32 $0x100;
	s11 =	sor.u32 s8, s1;
	s18 =	sor.u32 s18, s5;
	[tilespmem:v1+s4+$0x0 ss:$0x1] =	vst.idx.msk $0xffff, v7;
	v6 =	vld.idx.msk [tilespmem:v0+s2+$0x0 ss:$0x1], $0xffff  }
0x47: {  	s30 =	sor.u32 s30, s5;
	[tilespmem:v1+s20+$0x0 ss:$0x1] =	vst.idx.msk $0xffff, v8;
	v5 =	vld.idx.msk [tilespmem:v0+s11+$0x0 ss:$0x1], $0xffff;
	s31 =	sor.u32 s28, s5;
	s8 =	sor.u32 s7, s18  }
0x48: {  	s1 =	sor.u32 s7, s30;
	[tilespmem:v1+s6+$0x0 ss:$0x1] =	vst.idx.msk $0xffff, v9;
	s28 =	simm.s32 $0x80;
	s5 =	sor.u32 s7, s31;
	v7 =	vld.idx.msk [tilespmem:v0+s8+$0x0 ss:$0x1], $0xffff  }
.LBB1_4:
0x49: {  	s3 =	sand.u32 $0x1800, s27;
	s4 =	sand.u32 $0x380, s28  }
0x4a: {  	v8 =	vld.idx.msk [tilespmem:v0+s1+$0x0 ss:$0x1], $0xffff;
	s7 =	sor.u32 s4, s3;
	[tilespmem:v1+s10+$0x0 ss:$0x1] =	vst.idx.msk $0xffff, v2  }
0x4b: {  	s6 =	rddreg [dreg:$0x3];
	s30 =	sand.u32 $0x80, s28;
	s4 =	sor.u32 s23, s7;
	v2 =	vld.idx.msk [tilespmem:v0+s5+$0x0 ss:$0x1], $0xffff;
	[tilespmem:v1+s0+$0x0 ss:$0x1] =	vst.idx.msk $0xffff, v3  }
0x4c: {  	s6 =	sor.u32 s6, s30;
	s31 =	sand.u32 $0x1B00, s7;
	s9 =	sor.u32 s26, s7;
	[tilespmem:v1+s29+$0x0 ss:$0x1] =	vst.idx.msk $0xffff, v4;
	v3 =	vld.idx.msk [tilespmem:v0+s4+$0x0 ss:$0x1], $0xffff  }
0x4d: {  	s17 =	sor.u32 s22, s30;
	s6 =	sor.u32 s31, s6;
	[tilespmem:v1+s8+$0x0 ss:$0x1] =	vst.idx.msk $0xffff, v7;
	v7 =	vld.idx.msk [tilespmem:v0+s9+$0x0 ss:$0x1], $0xffff  }
0x4e: {  	s18 =	rddreg [dreg:$0x7];
	s0 =	sor.u32 s31, s17;
	[tilespmem:v1+s11+$0x0 ss:$0x1] =	vst.idx.msk $0xffff, v5;
	v10 =	vld.idx.msk [tilespmem:v0+s6+$0x0 ss:$0x1], $0xffff  }
0x4f: {  	s10 =	rddreg [dreg:$0xb];
	s11 =	sor.u32 s24, s7;
	[tilespmem:v1+s2+$0x0 ss:$0x1] =	vst.idx.msk $0xffff, v6;
	v4 =	vld.idx.msk [tilespmem:v0+s0+$0x0 ss:$0x1], $0xffff  }
0x50: {  	s2 =	rddreg [dreg:$0x5];
	s17 =	sor.u32 s25, s7;
	v5 =	vld.idx.msk [tilespmem:v0+s11+$0x0 ss:$0x1], $0xffff;
	[tilespmem:v1+s1+$0x0 ss:$0x1] =	vst.idx.msk $0xffff, v8  }
0x51: {  	s8 =	sor.u32 s18, s30;
	s18 =	rddreg [dreg:$0x8];
	s3 =	sor.u32 s10, s7;
	v6 =	vld.idx.msk [tilespmem:v0+s17+$0x0 ss:$0x1], $0xffff;
	[tilespmem:v1+s5+$0x0 ss:$0x1] =	vst.idx.msk $0xffff, v2  }
0x52: {  	s20 =	sor.u32 $0x400, s0;
	s10 =	rddreg [dreg:$0xa];
	s2 =	sor.u32 s2, s30;
	v8 =	vld.idx.msk [tilespmem:v0+s3+$0x0 ss:$0x1], $0xffff;
	[tilespmem:v1+s4+$0x0 ss:$0x1] =	vst.idx.msk $0xffff, v3  }
0x53: {  	v9 =	vld.idx.msk [tilespmem:v0+s20+$0x0 ss:$0x1], $0xffff;
	s10 =	sor.u32 s10, s7;
	s29 =	sor.u32 s31, s2;
	s2 =	rddreg [dreg:$0x6];
	[tilespmem:v1+s9+$0x0 ss:$0x1] =	vst.idx.msk $0xffff, v7  }
0x54: {  	p1 =	sne.s32 s27, $0x1F00;
	s5 =	rddreg [dreg:$0x4];
	v2 =	vld.idx.msk [tilespmem:v0+s10+$0x0 ss:$0x1], $0xffff;
	[tilespmem:v1+s6+$0x0 ss:$0x1] =	vst.idx.msk $0xffff, v10  }
.Ltmp3:
0x55: {  	s4 =	rddreg [dreg:$0x9];
	[tilespmem:v1+s0+$0x0 ss:$0x1] =	vst.idx.msk $0xffff, v4;
	s0 =	sor.u32 s31, s8;
	v4 =	vld.idx.msk [tilespmem:v0+s29+$0x0 ss:$0x1], $0xffff;
	(pc) =	sbr.rel @p1 .LBB1_4-.Ltmp3, $4  }
0x56: {  	[tilespmem:v1+s11+$0x0 ss:$0x1] =	vst.idx.msk $0xffff, v5;
	s1 =	sor.u32 s5, s30;
	s5 =	sor.u32 s18, s30;
	s11 =	sor.u32 s4, s7;
	v3 =	vld.idx.msk [tilespmem:v0+s0+$0x0 ss:$0x1], $0xffff  }
0x57: {  	s8 =	rddreg [dreg:$0x2];
	[tilespmem:v1+s17+$0x0 ss:$0x1] =	vst.idx.msk $0xffff, v6;
	s18 =	sor.u32 s2, s30;
	s2 =	sor.u32 s31, s5;
	v5 =	vld.idx.msk [tilespmem:v0+s11+$0x0 ss:$0x1], $0xffff  }
0x58: {  	s27 =	sadd.s32 $0x100, s27;
	[tilespmem:v1+s3+$0x0 ss:$0x1] =	vst.idx.msk $0xffff, v8;
	s30 =	sor.u32 s8, s30;
	s8 =	sor.u32 s31, s18;
	v6 =	vld.idx.msk [tilespmem:v0+s2+$0x0 ss:$0x1], $0xffff  }
0x59: {  	s28 =	sadd.s32 $0x80, s28;
	s1 =	sor.u32 s31, s1;
	[tilespmem:v1+s20+$0x0 ss:$0x1] =	vst.idx.msk $0xffff, v9;
	s5 =	sor.u32 s31, s30;
	v7 =	vld.idx.msk [tilespmem:v0+s8+$0x0 ss:$0x1], $0xffff  }
0x5a: {  	_ =	sdelay $0x3  }
0x5b: {  	[tilespmem:v1+s10+$0x0 ss:$0x1] =	vst.idx.msk $0xffff, v2  }
0x5c: {  	v2 =	vld.idx.msk [tilespmem:v0+s1+$0x0 ss:$0x1], $0xffff;
	[tilespmem:v1+s29+$0x0 ss:$0x1] =	vst.idx.msk $0xffff, v4  }
0x5d: {  	[tilespmem:v1+s0+$0x0 ss:$0x1] =	vst.idx.msk $0xffff, v3;
	v3 =	vld.idx.msk [tilespmem:v0+s5+$0x0 ss:$0x1], $0xffff  }
.Ltmp4:
0x5e: {  	[tilespmem:v1+s11+$0x0 ss:$0x1] =	vst.idx.msk $0xffff, v5;
	(pc) =	sbr.rel @p0 .LBB1_3-.Ltmp4, $4  }
0x5f: {  	[tilespmem:v1+s2+$0x0 ss:$0x1] =	vst.idx.msk $0xffff, v6  }
0x60: {  	[tilespmem:v1+s8+$0x0 ss:$0x1] =	vst.idx.msk $0xffff, v7  }
0x61: {  	[tilespmem:v1+s1+$0x0 ss:$0x1] =	vst.idx.msk $0xffff, v2  }
0x62: {  	s22 =	simm.s32 $0x2000;
	p1 =	por $0x0, $0x0;
	[tilespmem:v1+s5+$0x0 ss:$0x1] =	vst.idx.msk $0xffff, v3  }
0x63: {  	s2 =	rddreg [dreg:$0x14]  }
0x64: {  	s0 =	sshrl.u32 s16, $0x5;
	s1 =	smul.u32 $0xA8000, s19;
	s3 =	rddreg [dreg:$0x13]  }
0x65: {  	s4 =	rddreg [dreg:$0x10];
	s0 =	smulhi.u32 $0x24924925, s0  }
0x66: {  	s31 =	rddreg [dreg:$0x15];
	s2 =	smul.u32 $0x1F8000, s2  }
0x67: {  	s6 =	rddreg [dreg:$0xc];
	s3 =	smul.u32 $0x1C00, s3  }
0x68: {  	s29 =	simm.s32 $0x2000;
	s7 =	rddreg [dreg:$0xd];
	s0 =	smul.u32 $0xE0, s0  }
.Ltmp5:
0x69: {  	s8 =	rddreg [dreg:$0xe];
	s1 =	sadd.s32 s4, s1;
	(pc) =	sbr.rel .LBB1_7-.Ltmp5, $4  }
0x6a: {  	s9 =	rddreg [dreg:$0xf];
	s1 =	sadd.s32 s2, s1;
	s0 =	ssub.s32 s16, s0  }
0x6b: {  	s10 =	rddreg [dreg:$0x11];
	s1 =	sadd.s32 s3, s1;
	s0 =	sshll.u32 s0, $0x5  }
0x6c: {  	s30 =	simm.s32 $0xE000;
	s11 =	rddreg [dreg:$0x12];
	s0 =	sadd.s32 s0, s1  }
0x6d: {  	[hbm4b:s0+s29] =	stream.strided.scatter [tilespmem:s31], [sflag:$0x2], $0x4000, s30, s29, $0x38;
	[tilespmem:$0x10000] =	vst v63  }
.LBB1_8:
0x6e: {  	_ =	sfence.sel $0x180000  }
0x6f: {  	s0 =	simm.s32 $0x1;
	[bflag:$0x0] =	sbarrier.arrive $0xFFFF  }
0x70: {  	s30 =	simm.s32 $0x2;
	[sflag:s0] =	ssyncpa.u1 $0x1  }
0x71: {  	[sflag:s30] =	ssyncpa.u1 $0x1  }
0x72: {  	_ =	strace $0x90000047  }
0x73: {  	s31 =	stileid.u32;
	[bflag:$0x2] =	sbarrier.arrive $0xFFFF  }
0x74: {  	p0 =	sne.s32 s31, $0x0;
	s0 =	rddreg [dreg:$0x1]  }
0x75: {  	s0 =	sadd.s32 @!p0 $0x100000, s0  }
0x76: {  	[sflag:s0] =	ssyncadd.tile.s32 @!p0 $0x1;
	_ =	shalt  }
.Lfunc_end1:
_tile_overlayer_lowered:
.L_overlay_start_2:
0x77: {  	(tag) =	ssettag $0x2  }
0x78: {  	s0 =	rddreg [dreg:$0x0];
	s2 =	stileid.u32  }
0x79: {  	s1 =	rddreg [dreg:$0x1];
	p0 =	sne.s32 s2, $0x0  }
0x7a: {  	s3 =	rddreg [dreg:$0x2];
	[bflag:$0x3] =	sbarrier.arrive $0xFFFF;
	s2 =	simm.s32 @!p0 $0x1C01  }
0x7b: {  	[timem:s3], [sflag:s2] =	dma.local @!p0 [hbm:s0], s1  }
0x7c: {  	s0 =	simm.s32 @!p0 $0x1  }
0x7d: {  	_ =	swait.ge @!p0 [sflag:s0], s1  }
0x7e: {  	s1 =	ssub.s32 @!p0 $0x0, s1;
	[sflag:s0] =	ssyncset.done @!p0 $0x0  }
0x7f: {  	[sflag:s0] =	ssyncadd.s32 @!p0 s1  }
0x80: {  	[bflag:$0x3] =	sbarrier.arrive $0xFFFF  }
0x81: {  	_ =	shalt  }

</sc_bundles>
